<compile_context>
chip_gen: v7x
topology: tpu7x:2x2x1
jax: 0.10.2.dev20260603
libtpu: 0.0.44.dev20260713+nightly
codegen_flags: <defaults>
</compile_context>

<pallas_src>
import functools

import numpy as np

import jax
import jax.numpy as jnp
from jax import lax
from jax.experimental import pallas as pl
from jax.experimental.pallas import tpu as pltpu
from jax.experimental.pallas import tpu_sc as plsc

_NC = 2
_NS = 16
_NW = _NC * _NS
_L = 16
_CH = 8
_NBUF = 4


def _make_mean_kernel(B, V, Vp, C, K):
    total = B * Vp
    per_w = total // _NW
    n_ch = per_w // _CH
    chk = _CH * K
    assert per_w * _NW == total and n_ch * _CH == per_w
    assert Vp % per_w == 0
    assert chk <= 128
    assert n_ch % _NBUF == 0 and C % 32 == 0

    mesh_axes = plsc.VectorSubcoreMesh(core_axis_name="c", subcore_axis_name="s")
    C2 = C // 2

    @functools.partial(
        pl.kernel,
        mesh=mesh_axes,
        compiler_params=pltpu.CompilerParams(use_tc_tiling_on_sc=False),
        out_type=jax.ShapeDtypeStruct((total * C,), jnp.float32),
        scratch_types=[
            pltpu.VMEM((per_w * K,), jnp.int32),
            pltpu.VMEM((_NBUF, chk, C2), jnp.int32),
            pltpu.VMEM((_NBUF * _CH * C,), jnp.float32),
            [pltpu.SemaphoreType.DMA] * _NBUF,
        ],
    )
    def mean_kernel(x_hbm, idx_hbm, out_hbm, idx_v, rows_v, out_v, sems):
        wid = lax.axis_index("s") * _NC + lax.axis_index("c")
        vbase = wid * per_w
        batch = vbase // Vp
        xb = x_hbm.at[pl.ds(batch * Vp, Vp)]

        pltpu.sync_copy(idx_hbm.at[pl.ds(vbase * K, per_w * K)], idx_v)

        def gather(ch, buf, sem):
            pltpu.async_copy(xb.at[idx_v.at[pl.ds(ch * chk, chk)]],
                             rows_v.at[buf], sem)

        def gather_wait(buf, sem):
            pltpu.make_async_copy(xb.at[idx_v.at[pl.ds(0, chk)]],
                                  rows_v.at[buf], sem).wait()

        def accum_vertex(b, v):
            for c in range(C2 // _L):
                sl = pl.ds(c * _L, _L)
                w = rows_v[b, v * K, sl]
                se = lax.bitcast_convert_type(
                    lax.shift_left(w, 16), jnp.float32)
                so = lax.bitcast_convert_type(w, jnp.float32)
                for k in range(1, K):
                    w = rows_v[b, v * K + k, sl]
                    se = se + lax.bitcast_convert_type(
                        lax.shift_left(w, 16), jnp.float32)
                    so = so + lax.bitcast_convert_type(w, jnp.float32)
                base_o = (b * _CH + v) * C
                out_v[pl.ds(base_o + c * 2 * _L, _L)] = se * (1.0 / K)
                out_v[pl.ds(base_o + c * 2 * _L + _L, _L)] = so * (1.0 / K)

        for b in range(_NBUF):
            gather(b, b, sems[b])

        def body(base, carry):
            for b in range(_NBUF):
                ch = base + b
                gather_wait(b, sems[b])
                lax.fori_loop(0, _CH,
                              lambda v, cc, _b=b: (accum_vertex(_b, v), cc)[1],
                              0)
                nxt = ch + _NBUF
                @pl.when(nxt < n_ch)
                def _():
                    gather(nxt, b, sems[b])
            pltpu.sync_copy(out_v, out_hbm.at[pl.ds((vbase + base * _CH) * C,
                                                    _NBUF * _CH * C)])
            return carry

        lax.fori_loop(0, n_ch // _NBUF, lambda i, c: body(i * _NBUF, c), 0)

    return mean_kernel


def _xterm_body(x_ref, w0t_ref, b_ref, o_ref):
    acc = lax.dot_general(
        x_ref[0], w0t_ref[...], (((1,), (0,)), ((), ())),
        preferred_element_type=jnp.float32)
    o_ref[0] = (acc + b_ref[...]).astype(jnp.bfloat16)


def _tc_xterm(x_pad, w0t, b2d, V, BV):
    B, _, C = x_pad.shape
    Cout = w0t.shape[1]
    return pl.pallas_call(
        _xterm_body,
        grid=(B, V // BV),
        in_specs=[
            pl.BlockSpec((1, BV, C), lambda i, j: (i, j, 0)),
            pl.BlockSpec((C, Cout), lambda i, j: (0, 0)),
            pl.BlockSpec((1, Cout), lambda i, j: (0, 0)),
        ],
        out_specs=pl.BlockSpec((1, BV, Cout), lambda i, j: (i, j, 0)),
        out_shape=jax.ShapeDtypeStruct((B, V, Cout), jnp.bfloat16),
    )(x_pad, w0t, b2d)


def _mterm_body(a_ref, m_ref, w1t_ref, o_ref):
    acc = lax.dot_general(
        m_ref[0], w1t_ref[...], (((1,), (0,)), ((), ())),
        preferred_element_type=jnp.float32)
    o_ref[0] = acc + a_ref[0].astype(jnp.float32)


def _tc_mterm(a_t, mean_pad, w1t, V, BV):
    B, _, Cout = a_t.shape
    C = mean_pad.shape[-1]
    return pl.pallas_call(
        _mterm_body,
        grid=(B, V // BV),
        in_specs=[
            pl.BlockSpec((1, BV, Cout), lambda i, j: (i, j, 0)),
            pl.BlockSpec((1, BV, C), lambda i, j: (i, j, 0)),
            pl.BlockSpec((C, Cout), lambda i, j: (0, 0)),
        ],
        out_specs=pl.BlockSpec((1, BV, Cout), lambda i, j: (i, j, 0)),
        out_shape=jax.ShapeDtypeStruct((B, V, Cout), jnp.float32),
    )(a_t, mean_pad, w1t)


def kernel(x, mesh, W, b):
    B, C, V = x.shape
    K = mesh.shape[-1]
    Vp = 10240 if V == 10000 else ((V + _NW * 16 - 1) // (_NW * 16)) * (_NW * 16)
    x_t = jnp.transpose(x, (0, 2, 1)).astype(jnp.bfloat16)
    x_pad = jnp.pad(x_t, ((0, 0), (0, Vp - V), (0, 0)))
    mesh_pad = jnp.pad(mesh, ((0, 0), (0, Vp - V), (0, 0)))
    x_words = lax.bitcast_convert_type(
        x_pad.reshape(B * Vp, C // 2, 2), jnp.int32)
    mean_flat = _make_mean_kernel(B, V, Vp, C, K)(
        x_words, mesh_pad.reshape(B * Vp * K))
    w0t = jnp.transpose(W[:, :, 0, 0]).astype(jnp.bfloat16)
    perm = np.arange(C).reshape(C // 32, 16, 2).transpose(0, 2, 1).reshape(C)
    w1t = jnp.transpose(W[:, :, 0, 1])[perm]
    a_t = _tc_xterm(x_pad, w0t, b.reshape(1, -1), V, BV=2000)
    out_t = _tc_mterm(a_t, mean_flat.reshape(B, Vp, C), w1t, V, BV=2000)
    out = jnp.transpose(out_t, (0, 2, 1))
    return out[..., None]

# --- scband reference (transcript-rebuilt; emitter-appended) ---
"""Pipeline reference for scband-mesh-conv-point-74208444940566 (READ-ONLY COPY).

The authoritative reference and input builder live on the scoring server;
editing this copy changes nothing except your own understanding.
"""

import jax, jax.numpy as jnp
import numpy as np


def setup_inputs(seed: int = 0) -> dict:
    key = jax.random.key(seed)
    k1, k2, k3, k4 = jax.random.split(key, 4)
    B, C_in, V, K = 4, 128, 10000, 16
    C_out = 128
    x = jax.random.normal(k1, (B, C_in, V), dtype=jnp.float32)
    # mesh: fixed-degree 1-ring neighbor indices (gemm_vs) per vertex
    mesh = jax.random.randint(k2, (B, V, K), 0, V, dtype=jnp.int32)
    # Conv2d(in_channels=C_in, out_channels=C_out, kernel_size=(1,2)) parameters
    W = jax.random.normal(k3, (C_out, C_in, 1, 2), dtype=jnp.float32) * 0.05
    b = jax.random.normal(k4, (C_out,), dtype=jnp.float32) * 0.05
    return {"x": x, "mesh": mesh, "W": W, "b": b}


def reference(x, mesh, W, b):
    # create_GeMM: column 0 = original point features, column 1 = mean of 1-ring neighbor features
    # gather neighbor features: per-batch x[:, mesh[b]] -> [C, V, K]
    neigh = jax.vmap(lambda xf, idx: xf[:, idx])(x, mesh)  # [B, C, V, K]
    mean_neigh = jnp.mean(neigh, axis=-1)                  # [B, C, V]
    G = jnp.stack([x, mean_neigh], axis=3)                 # [B, C, V, 2]
    # Conv2d with kernel (1, 2): contracts over in_channels and the k=2 axis
    out = jnp.einsum('bcvk,ock->bov', G, W[:, :, 0, :]) + b[None, :, None]
    return out[..., None]  # [B, C_out, V, 1]

if __name__ == "__main__":
    import jax
    _d = setup_inputs()
    print(jax.jit(kernel)(*tuple(_d.values())))

</pallas_src>

<mosaic_0001>
#map = affine_map<(d0, d1) -> (0, 0)>
#map1 = affine_map<(d0, d1) -> (0)>
module attributes {stable_mosaic.version = 14 : i64} {
  func.func @mean_kernel(%arg0: i32, %arg1: i32, %arg2: memref<40960x64xi32, #tpu.memory_space<hbm>>, %arg3: memref<655360xi32, #tpu.memory_space<hbm>>, %arg4: memref<5242880xf32, #tpu.memory_space<hbm>>, %arg5: memref<20480xi32, #tpu.memory_space<vmem>>, %arg6: memref<4x128x64xi32, #tpu.memory_space<vmem>>, %arg7: memref<4096xf32, #tpu.memory_space<vmem>>, %arg8: memref<!tpu.dma_semaphore, #tpu.memory_space<semaphore_mem>>, %arg9: memref<!tpu.dma_semaphore, #tpu.memory_space<semaphore_mem>>, %arg10: memref<!tpu.dma_semaphore, #tpu.memory_space<semaphore_mem>>, %arg11: memref<!tpu.dma_semaphore, #tpu.memory_space<semaphore_mem>>) attributes {dimension_semantics = [#tpu.dimension_semantics<core_parallel>, #tpu.dimension_semantics<subcore_parallel>], iteration_bounds = array<i64: 2, 16>, scalar_prefetch = 0 : i64, scratch_operands = 7 : i64, tpu.core_type = #tpu.core_type<sc_vector_subcore>, window_params = [{transform_indices = #map}, {transform_indices = #map1}, {transform_indices = #map1}]} {
    %mul3A = arith.constant 2 : i32
    %mul3A_0 = arith.muli %arg1, %mul3A : i32
    %add3A = arith.addi %mul3A_0, %arg0 : i32
    %mul3A_1 = arith.constant 1280 : i32
    %mul3A_2 = arith.muli %add3A, %mul3A_1 : i32
    %jit3A = arith.constant 10240 : i32
    %div3A = arith.divsi %mul3A_2, %jit3A : i32
    %sign3A = arith.constant 0 : i32
    %sign3A_3 = arith.cmpi sgt, %mul3A_2, %sign3A : i32
    %sign3A_4 = arith.extui %sign3A_3 : i1 to i32
    %sign3A_5 = arith.constant 0 : i32
    %sign3A_6 = arith.cmpi slt, %mul3A_2, %sign3A_5 : i32
    %sign3A_7 = arith.extui %sign3A_6 : i1 to i32
    %sign3A_8 = arith.subi %sign3A_4, %sign3A_7 : i32
    %sign3A_9 = arith.constant 0 : i32
    %sign3A_10 = arith.cmpi sgt, %jit3A, %sign3A_9 : i32
    %sign3A_11 = arith.extui %sign3A_10 : i1 to i32
    %sign3A_12 = arith.constant 0 : i32
    %sign3A_13 = arith.cmpi slt, %jit3A, %sign3A_12 : i32
    %sign3A_14 = arith.extui %sign3A_13 : i1 to i32
    %sign3A_15 = arith.subi %sign3A_11, %sign3A_14 : i32
    %ne3A = arith.cmpi ne, %sign3A_8, %sign3A_15 : i32
    %rem3A = arith.remsi %mul3A_2, %jit3A : i32
    %ne3A_16 = arith.constant 0 : i32
    %ne3A_17 = arith.cmpi ne, %rem3A, %ne3A_16 : i32
    %and3A = arith.andi %ne3A, %ne3A_17 : i1
    %sub3A = arith.constant 1 : i32
    %sub3A_18 = arith.subi %div3A, %sub3A : i32
    %select_n3A = arith.select %and3A, %sub3A_18, %div3A : i32
    %mul3A_19 = arith.constant 10240 : i32
    %mul3A_20 = arith.muli %select_n3A, %mul3A_19 : i32
    %mul3A_21 = arith.constant 16 : i32
    %mul3A_22 = arith.muli %mul3A_2, %mul3A_21 : i32
    "tpu.region"() ({
      %run_scoped3A = tpu.sem_alloc : memref<!tpu.dma_semaphore, #tpu.memory_space<semaphore_mem>>
      %dma_start3A_75 = tpu.memref_slice %arg3[%mul3A_22] : memref<655360xi32, #tpu.memory_space<hbm>> -> memref<20480xi32, #tpu.memory_space<hbm>>
      %dma_start3A_76 = tpu.memref_slice %arg3[%mul3A_22] : memref<655360xi32, #tpu.memory_space<hbm>> -> memref<20480xi32, #tpu.memory_space<hbm>>
      tpu.enqueue_dma source(%dma_start3A_76 : memref<20480xi32, #tpu.memory_space<hbm>>) target(%arg5 : memref<20480xi32, #tpu.memory_space<vmem>>) target_semaphore(%run_scoped3A : memref<!tpu.dma_semaphore, #tpu.memory_space<semaphore_mem>>)
      %dma_wait3A = tpu.memref_slice %arg3[%mul3A_22] : memref<655360xi32, #tpu.memory_space<hbm>> -> memref<20480xi32, #tpu.memory_space<hbm>>
      %dma_wait3A_77 = tpu.memref_slice %arg3[%mul3A_22] : memref<655360xi32, #tpu.memory_space<hbm>> -> memref<20480xi32, #tpu.memory_space<hbm>>
      tpu.wait_dma2 semaphore(%run_scoped3A : memref<!tpu.dma_semaphore, #tpu.memory_space<semaphore_mem>>) src(%dma_wait3A_77 : memref<20480xi32, #tpu.memory_space<hbm>>) dst(%arg5 : memref<20480xi32, #tpu.memory_space<vmem>>)
      tpu.yield
    }) : () -> ()
    %dma_start3A = arith.constant 0 : i32
    %dma_start3A_23 = arith.constant 0 : i32
    %dma_start3A_24 = arith.constant 0 : i32
    %dma_start3A_25 = tpu.memref_slice %arg6[%dma_start3A, %dma_start3A_23, %dma_start3A_24] : memref<4x128x64xi32, #tpu.memory_space<vmem>> -> memref<1x128x64xi32, #tpu.memory_space<vmem>>
    %dma_start3A_26 = tpu.memref_squeeze %dma_start3A_25 : memref<1x128x64xi32, #tpu.memory_space<vmem>> -> memref<128x64xi32, #tpu.memory_space<vmem>>
    %dma_start3A_27 = arith.constant 0 : i32
    %dma_start3A_28 = tpu.memref_slice %arg5[%dma_start3A_27] : memref<20480xi32, #tpu.memory_space<vmem>> -> memref<128xi32, #tpu.memory_space<vmem>>
    %dma_start3A_29 = arith.constant 0 : i32
    %dma_start3A_30 = tpu.memref_slice %arg2[%mul3A_20, %dma_start3A_29] : memref<40960x64xi32, #tpu.memory_space<hbm>> -> memref<10240x64xi32, #tpu.memory_space<hbm>>
    %dma_start3A_31 = arith.constant 0 : i32
    %dma_start3A_32 = arith.constant 0 : i32
    %dma_start3A_33 = tpu.memref_slice %dma_start3A_30[%dma_start3A_31, %dma_start3A_32] : memref<10240x64xi32, #tpu.memory_space<hbm>> -> memref<10240x64xi32, #tpu.memory_space<hbm>>
    tpu.enqueue_indirect_dma source(%dma_start3A_33 : memref<10240x64xi32, #tpu.memory_space<hbm>>) target(%dma_start3A_26 : memref<128x64xi32, #tpu.memory_space<vmem>>) offsets(%dma_start3A_28 : memref<128xi32, #tpu.memory_space<vmem>>) semaphore(%arg8 : memref<!tpu.dma_semaphore, #tpu.memory_space<semaphore_mem>>)
    %dma_start3A_34 = arith.constant 1 : i32
    %dma_start3A_35 = arith.constant 0 : i32
    %dma_start3A_36 = arith.constant 0 : i32
    %dma_start3A_37 = tpu.memref_slice %arg6[%dma_start3A_34, %dma_start3A_35, %dma_start3A_36] : memref<4x128x64xi32, #tpu.memory_space<vmem>> -> memref<1x128x64xi32, #tpu.memory_space<vmem>>
    %dma_start3A_38 = tpu.memref_squeeze %dma_start3A_37 : memref<1x128x64xi32, #tpu.memory_space<vmem>> -> memref<128x64xi32, #tpu.memory_space<vmem>>
    %dma_start3A_39 = arith.constant 128 : i32
    %dma_start3A_40 = tpu.memref_slice %arg5[%dma_start3A_39] : memref<20480xi32, #tpu.memory_space<vmem>> -> memref<128xi32, #tpu.memory_space<vmem>>
    %dma_start3A_41 = arith.constant 0 : i32
    %dma_start3A_42 = tpu.memref_slice %arg2[%mul3A_20, %dma_start3A_41] : memref<40960x64xi32, #tpu.memory_space<hbm>> -> memref<10240x64xi32, #tpu.memory_space<hbm>>
    %dma_start3A_43 = arith.constant 0 : i32
    %dma_start3A_44 = arith.constant 0 : i32
    %dma_start3A_45 = tpu.memref_slice %dma_start3A_42[%dma_start3A_43, %dma_start3A_44] : memref<10240x64xi32, #tpu.memory_space<hbm>> -> memref<10240x64xi32, #tpu.memory_space<hbm>>
    tpu.enqueue_indirect_dma source(%dma_start3A_45 : memref<10240x64xi32, #tpu.memory_space<hbm>>) target(%dma_start3A_38 : memref<128x64xi32, #tpu.memory_space<vmem>>) offsets(%dma_start3A_40 : memref<128xi32, #tpu.memory_space<vmem>>) semaphore(%arg9 : memref<!tpu.dma_semaphore, #tpu.memory_space<semaphore_mem>>)
    %dma_start3A_46 = arith.constant 2 : i32
    %dma_start3A_47 = arith.constant 0 : i32
    %dma_start3A_48 = arith.constant 0 : i32
    %dma_start3A_49 = tpu.memref_slice %arg6[%dma_start3A_46, %dma_start3A_47, %dma_start3A_48] : memref<4x128x64xi32, #tpu.memory_space<vmem>> -> memref<1x128x64xi32, #tpu.memory_space<vmem>>
    %dma_start3A_50 = tpu.memref_squeeze %dma_start3A_49 : memref<1x128x64xi32, #tpu.memory_space<vmem>> -> memref<128x64xi32, #tpu.memory_space<vmem>>
    %dma_start3A_51 = arith.constant 256 : i32
    %dma_start3A_52 = tpu.memref_slice %arg5[%dma_start3A_51] : memref<20480xi32, #tpu.memory_space<vmem>> -> memref<128xi32, #tpu.memory_space<vmem>>
    %dma_start3A_53 = arith.constant 0 : i32
    %dma_start3A_54 = tpu.memref_slice %arg2[%mul3A_20, %dma_start3A_53] : memref<40960x64xi32, #tpu.memory_space<hbm>> -> memref<10240x64xi32, #tpu.memory_space<hbm>>
    %dma_start3A_55 = arith.constant 0 : i32
    %dma_start3A_56 = arith.constant 0 : i32
    %dma_start3A_57 = tpu.memref_slice %dma_start3A_54[%dma_start3A_55, %dma_start3A_56] : memref<10240x64xi32, #tpu.memory_space<hbm>> -> memref<10240x64xi32, #tpu.memory_space<hbm>>
    tpu.enqueue_indirect_dma source(%dma_start3A_57 : memref<10240x64xi32, #tpu.memory_space<hbm>>) target(%dma_start3A_50 : memref<128x64xi32, #tpu.memory_space<vmem>>) offsets(%dma_start3A_52 : memref<128xi32, #tpu.memory_space<vmem>>) semaphore(%arg10 : memref<!tpu.dma_semaphore, #tpu.memory_space<semaphore_mem>>)
    %dma_start3A_58 = arith.constant 3 : i32
    %dma_start3A_59 = arith.constant 0 : i32
    %dma_start3A_60 = arith.constant 0 : i32
    %dma_start3A_61 = tpu.memref_slice %arg6[%dma_start3A_58, %dma_start3A_59, %dma_start3A_60] : memref<4x128x64xi32, #tpu.memory_space<vmem>> -> memref<1x128x64xi32, #tpu.memory_space<vmem>>
    %dma_start3A_62 = tpu.memref_squeeze %dma_start3A_61 : memref<1x128x64xi32, #tpu.memory_space<vmem>> -> memref<128x64xi32, #tpu.memory_space<vmem>>
    %dma_start3A_63 = arith.constant 384 : i32
    %dma_start3A_64 = tpu.memref_slice %arg5[%dma_start3A_63] : memref<20480xi32, #tpu.memory_space<vmem>> -> memref<128xi32, #tpu.memory_space<vmem>>
    %dma_start3A_65 = arith.constant 0 : i32
    %dma_start3A_66 = tpu.memref_slice %arg2[%mul3A_20, %dma_start3A_65] : memref<40960x64xi32, #tpu.memory_space<hbm>> -> memref<10240x64xi32, #tpu.memory_space<hbm>>
    %dma_start3A_67 = arith.constant 0 : i32
    %dma_start3A_68 = arith.constant 0 : i32
    %dma_start3A_69 = tpu.memref_slice %dma_start3A_66[%dma_start3A_67, %dma_start3A_68] : memref<10240x64xi32, #tpu.memory_space<hbm>> -> memref<10240x64xi32, #tpu.memory_space<hbm>>
    tpu.enqueue_indirect_dma source(%dma_start3A_69 : memref<10240x64xi32, #tpu.memory_space<hbm>>) target(%dma_start3A_62 : memref<128x64xi32, #tpu.memory_space<vmem>>) offsets(%dma_start3A_64 : memref<128xi32, #tpu.memory_space<vmem>>) semaphore(%arg11 : memref<!tpu.dma_semaphore, #tpu.memory_space<semaphore_mem>>)
    %scan3A = arith.constant 0 : i32
    %scan3A_70 = arith.constant 0 : i32
    %scan3A_71 = arith.constant 40 : i32
    %scan3A_72 = arith.addi %scan3A_70, %scan3A_71 : i32
    %scan3A_73 = arith.constant 1 : i32
    scf.for %scan3A_75 = %scan3A_70 to %scan3A_72 step %scan3A_73  : i32 {
      %mul3A_76 = arith.constant 4 : i32
      %mul3A_77 = arith.muli %scan3A_75, %mul3A_76 : i32
      %add3A_78 = arith.constant 0 : i32
      %add3A_79 = arith.addi %mul3A_77, %add3A_78 : i32
      %dma_wait3A = arith.constant 0 : i32
      %dma_wait3A_80 = arith.constant 0 : i32
      %dma_wait3A_81 = arith.constant 0 : i32
      %dma_wait3A_82 = tpu.memref_slice %arg6[%dma_wait3A, %dma_wait3A_80, %dma_wait3A_81] : memref<4x128x64xi32, #tpu.memory_space<vmem>> -> memref<1x128x64xi32, #tpu.memory_space<vmem>>
      %dma_wait3A_83 = tpu.memref_squeeze %dma_wait3A_82 : memref<1x128x64xi32, #tpu.memory_space<vmem>> -> memref<128x64xi32, #tpu.memory_space<vmem>>
      %dma_wait3A_84 = arith.constant 0 : i32
      %dma_wait3A_85 = tpu.memref_slice %arg5[%dma_wait3A_84] : memref<20480xi32, #tpu.memory_space<vmem>> -> memref<128xi32, #tpu.memory_space<vmem>>
      %dma_wait3A_86 = arith.constant 0 : i32
      %dma_wait3A_87 = tpu.memref_slice %arg2[%mul3A_20, %dma_wait3A_86] : memref<40960x64xi32, #tpu.memory_space<hbm>> -> memref<10240x64xi32, #tpu.memory_space<hbm>>
      %dma_wait3A_88 = arith.constant 0 : i32
      %dma_wait3A_89 = arith.constant 0 : i32
      %dma_wait3A_90 = tpu.memref_slice %dma_wait3A_87[%dma_wait3A_88, %dma_wait3A_89] : memref<10240x64xi32, #tpu.memory_space<hbm>> -> memref<10240x64xi32, #tpu.memory_space<hbm>>
      tpu.wait_indirect_dma semaphore(%arg8 : memref<!tpu.dma_semaphore, #tpu.memory_space<semaphore_mem>>) src(%dma_wait3A_90 : memref<10240x64xi32, #tpu.memory_space<hbm>>) dst(%dma_wait3A_83 : memref<128x64xi32, #tpu.memory_space<vmem>>)
      %scan3A_91 = arith.constant 0 : i32
      %scan3A_92 = arith.constant 0 : i32
      %scan3A_93 = arith.constant 8 : i32
      %scan3A_94 = arith.addi %scan3A_92, %scan3A_93 : i32
      %scan3A_95 = arith.constant 1 : i32
      scf.for %scan3A_187 = %scan3A_92 to %scan3A_94 step %scan3A_95  : i32 {
        %mul3A_188 = arith.constant 16 : i32
        %mul3A_189 = arith.muli %scan3A_187, %mul3A_188 : i32
        %get3A = arith.constant 0 : i32
        %get3A_190 = arith.index_cast %get3A : i32 to index
        %get3A_191 = arith.index_cast %mul3A_189 : i32 to index
        %get3A_192 = arith.constant 0 : index
        %get3A_193 = tpu.vector_load %arg6[%get3A_190, %get3A_191, %get3A_192] {strides = array<i32>} : memref<4x128x64xi32, #tpu.memory_space<vmem>>, vector<1x1x16xi32>,
        %get3A_194 = vector.shape_cast %get3A_193 : vector<1x1x16xi32> to vector<16xi32>
        %shift_left3A = arith.constant 16 : i32
        %shift_left3A_195 = vector.broadcast %shift_left3A : i32 to vector<16xi32>
        %shift_left3A_196 = arith.shli %get3A_194, %shift_left3A_195 : vector<16xi32>
        %bitcast_convert_type3A = tpu.bitcast %shift_left3A_196 : vector<16xi32> -> vector<16xf32>
        %bitcast_convert_type3A_197 = tpu.bitcast %get3A_194 : vector<16xi32> -> vector<16xf32>
        %mul3A_198 = arith.constant 16 : i32
        %mul3A_199 = arith.muli %scan3A_187, %mul3A_198 : i32
        %add3A_200 = arith.constant 1 : i32
        %add3A_201 = arith.addi %mul3A_199, %add3A_200 : i32
        %get3A_202 = arith.constant 0 : i32
        %get3A_203 = arith.index_cast %get3A_202 : i32 to index
        %get3A_204 = arith.index_cast %add3A_201 : i32 to index
        %get3A_205 = arith.constant 0 : index
        %get3A_206 = tpu.vector_load %arg6[%get3A_203, %get3A_204, %get3A_205] {strides = array<i32>} : memref<4x128x64xi32, #tpu.memory_space<vmem>>, vector<1x1x16xi32>,
        %get3A_207 = vector.shape_cast %get3A_206 : vector<1x1x16xi32> to vector<16xi32>
        %shift_left3A_208 = arith.constant 16 : i32
        %shift_left3A_209 = vector.broadcast %shift_left3A_208 : i32 to vector<16xi32>
        %shift_left3A_210 = arith.shli %get3A_207, %shift_left3A_209 : vector<16xi32>
        %bitcast_convert_type3A_211 = tpu.bitcast %shift_left3A_210 : vector<16xi32> -> vector<16xf32>
        %add3A_212 = arith.addf %bitcast_convert_type3A, %bitcast_convert_type3A_211 : vector<16xf32>
        %bitcast_convert_type3A_213 = tpu.bitcast %get3A_207 : vector<16xi32> -> vector<16xf32>
        %add3A_214 = arith.addf %bitcast_convert_type3A_197, %bitcast_convert_type3A_213 : vector<16xf32>
        %mul3A_215 = arith.constant 16 : i32
        %mul3A_216 = arith.muli %scan3A_187, %mul3A_215 : i32
        %add3A_217 = arith.constant 2 : i32
        %add3A_218 = arith.addi %mul3A_216, %add3A_217 : i32
        %get3A_219 = arith.constant 0 : i32
        %get3A_220 = arith.index_cast %get3A_219 : i32 to index
        %get3A_221 = arith.index_cast %add3A_218 : i32 to index
        %get3A_222 = arith.constant 0 : index
        %get3A_223 = tpu.vector_load %arg6[%get3A_220, %get3A_221, %get3A_222] {strides = array<i32>} : memref<4x128x64xi32, #tpu.memory_space<vmem>>, vector<1x1x16xi32>,
        %get3A_224 = vector.shape_cast %get3A_223 : vector<1x1x16xi32> to vector<16xi32>
        %shift_left3A_225 = arith.constant 16 : i32
        %shift_left3A_226 = vector.broadcast %shift_left3A_225 : i32 to vector<16xi32>
        %shift_left3A_227 = arith.shli %get3A_224, %shift_left3A_226 : vector<16xi32>
        %bitcast_convert_type3A_228 = tpu.bitcast %shift_left3A_227 : vector<16xi32> -> vector<16xf32>
        %add3A_229 = arith.addf %add3A_212, %bitcast_convert_type3A_228 : vector<16xf32>
        %bitcast_convert_type3A_230 = tpu.bitcast %get3A_224 : vector<16xi32> -> vector<16xf32>
        %add3A_231 = arith.addf %add3A_214, %bitcast_convert_type3A_230 : vector<16xf32>
        %mul3A_232 = arith.constant 16 : i32
        %mul3A_233 = arith.muli %scan3A_187, %mul3A_232 : i32
        %add3A_234 = arith.constant 3 : i32
        %add3A_235 = arith.addi %mul3A_233, %add3A_234 : i32
        %get3A_236 = arith.constant 0 : i32
        %get3A_237 = arith.index_cast %get3A_236 : i32 to index
        %get3A_238 = arith.index_cast %add3A_235 : i32 to index
        %get3A_239 = arith.constant 0 : index
        %get3A_240 = tpu.vector_load %arg6[%get3A_237, %get3A_238, %get3A_239] {strides = array<i32>} : memref<4x128x64xi32, #tpu.memory_space<vmem>>, vector<1x1x16xi32>,
        %get3A_241 = vector.shape_cast %get3A_240 : vector<1x1x16xi32> to vector<16xi32>
        %shift_left3A_242 = arith.constant 16 : i32
        %shift_left3A_243 = vector.broadcast %shift_left3A_242 : i32 to vector<16xi32>
        %shift_left3A_244 = arith.shli %get3A_241, %shift_left3A_243 : vector<16xi32>
        %bitcast_convert_type3A_245 = tpu.bitcast %shift_left3A_244 : vector<16xi32> -> vector<16xf32>
        %add3A_246 = arith.addf %add3A_229, %bitcast_convert_type3A_245 : vector<16xf32>
        %bitcast_convert_type3A_247 = tpu.bitcast %get3A_241 : vector<16xi32> -> vector<16xf32>
        %add3A_248 = arith.addf %add3A_231, %bitcast_convert_type3A_247 : vector<16xf32>
        %mul3A_249 = arith.constant 16 : i32
        %mul3A_250 = arith.muli %scan3A_187, %mul3A_249 : i32
        %add3A_251 = arith.constant 4 : i32
        %add3A_252 = arith.addi %mul3A_250, %add3A_251 : i32
        %get3A_253 = arith.constant 0 : i32
        %get3A_254 = arith.index_cast %get3A_253 : i32 to index
        %get3A_255 = arith.index_cast %add3A_252 : i32 to index
        %get3A_256 = arith.constant 0 : index
        %get3A_257 = tpu.vector_load %arg6[%get3A_254, %get3A_255, %get3A_256] {strides = array<i32>} : memref<4x128x64xi32, #tpu.memory_space<vmem>>, vector<1x1x16xi32>,
        %get3A_258 = vector.shape_cast %get3A_257 : vector<1x1x16xi32> to vector<16xi32>
        %shift_left3A_259 = arith.constant 16 : i32
        %shift_left3A_260 = vector.broadcast %shift_left3A_259 : i32 to vector<16xi32>
        %shift_left3A_261 = arith.shli %get3A_258, %shift_left3A_260 : vector<16xi32>
        %bitcast_convert_type3A_262 = tpu.bitcast %shift_left3A_261 : vector<16xi32> -> vector<16xf32>
        %add3A_263 = arith.addf %add3A_246, %bitcast_convert_type3A_262 : vector<16xf32>
        %bitcast_convert_type3A_264 = tpu.bitcast %get3A_258 : vector<16xi32> -> vector<16xf32>
        %add3A_265 = arith.addf %add3A_248, %bitcast_convert_type3A_264 : vector<16xf32>
        %mul3A_266 = arith.constant 16 : i32
        %mul3A_267 = arith.muli %scan3A_187, %mul3A_266 : i32
        %add3A_268 = arith.constant 5 : i32
        %add3A_269 = arith.addi %mul3A_267, %add3A_268 : i32
        %get3A_270 = arith.constant 0 : i32
        %get3A_271 = arith.index_cast %get3A_270 : i32 to index
        %get3A_272 = arith.index_cast %add3A_269 : i32 to index
        %get3A_273 = arith.constant 0 : index
        %get3A_274 = tpu.vector_load %arg6[%get3A_271, %get3A_272, %get3A_273] {strides = array<i32>} : memref<4x128x64xi32, #tpu.memory_space<vmem>>, vector<1x1x16xi32>,
        %get3A_275 = vector.shape_cast %get3A_274 : vector<1x1x16xi32> to vector<16xi32>
        %shift_left3A_276 = arith.constant 16 : i32
        %shift_left3A_277 = vector.broadcast %shift_left3A_276 : i32 to vector<16xi32>
        %shift_left3A_278 = arith.shli %get3A_275, %shift_left3A_277 : vector<16xi32>
        %bitcast_convert_type3A_279 = tpu.bitcast %shift_left3A_278 : vector<16xi32> -> vector<16xf32>
        %add3A_280 = arith.addf %add3A_263, %bitcast_convert_type3A_279 : vector<16xf32>
        %bitcast_convert_type3A_281 = tpu.bitcast %get3A_275 : vector<16xi32> -> vector<16xf32>
        %add3A_282 = arith.addf %add3A_265, %bitcast_convert_type3A_281 : vector<16xf32>
        %mul3A_283 = arith.constant 16 : i32
        %mul3A_284 = arith.muli %scan3A_187, %mul3A_283 : i32
        %add3A_285 = arith.constant 6 : i32
        %add3A_286 = arith.addi %mul3A_284, %add3A_285 : i32
        %get3A_287 = arith.constant 0 : i32
        %get3A_288 = arith.index_cast %get3A_287 : i32 to index
        %get3A_289 = arith.index_cast %add3A_286 : i32 to index
        %get3A_290 = arith.constant 0 : index
        %get3A_291 = tpu.vector_load %arg6[%get3A_288, %get3A_289, %get3A_290] {strides = array<i32>} : memref<4x128x64xi32, #tpu.memory_space<vmem>>, vector<1x1x16xi32>,
        %get3A_292 = vector.shape_cast %get3A_291 : vector<1x1x16xi32> to vector<16xi32>
        %shift_left3A_293 = arith.constant 16 : i32
        %shift_left3A_294 = vector.broadcast %shift_left3A_293 : i32 to vector<16xi32>
        %shift_left3A_295 = arith.shli %get3A_292, %shift_left3A_294 : vector<16xi32>
        %bitcast_convert_type3A_296 = tpu.bitcast %shift_left3A_295 : vector<16xi32> -> vector<16xf32>
        %add3A_297 = arith.addf %add3A_280, %bitcast_convert_type3A_296 : vector<16xf32>
        %bitcast_convert_type3A_298 = tpu.bitcast %get3A_292 : vector<16xi32> -> vector<16xf32>
        %add3A_299 = arith.addf %add3A_282, %bitcast_convert_type3A_298 : vector<16xf32>
        %mul3A_300 = arith.constant 16 : i32
        %mul3A_301 = arith.muli %scan3A_187, %mul3A_300 : i32
        %add3A_302 = arith.constant 7 : i32
        %add3A_303 = arith.addi %mul3A_301, %add3A_302 : i32
        %get3A_304 = arith.constant 0 : i32
        %get3A_305 = arith.index_cast %get3A_304 : i32 to index
        %get3A_306 = arith.index_cast %add3A_303 : i32 to index
        %get3A_307 = arith.constant 0 : index
        %get3A_308 = tpu.vector_load %arg6[%get3A_305, %get3A_306, %get3A_307] {strides = array<i32>} : memref<4x128x64xi32, #tpu.memory_space<vmem>>, vector<1x1x16xi32>,
        %get3A_309 = vector.shape_cast %get3A_308 : vector<1x1x16xi32> to vector<16xi32>
        %shift_left3A_310 = arith.constant 16 : i32
        %shift_left3A_311 = vector.broadcast %shift_left3A_310 : i32 to vector<16xi32>
        %shift_left3A_312 = arith.shli %get3A_309, %shift_left3A_311 : vector<16xi32>
        %bitcast_convert_type3A_313 = tpu.bitcast %shift_left3A_312 : vector<16xi32> -> vector<16xf32>
        %add3A_314 = arith.addf %add3A_297, %bitcast_convert_type3A_313 : vector<16xf32>
        %bitcast_convert_type3A_315 = tpu.bitcast %get3A_309 : vector<16xi32> -> vector<16xf32>
        %add3A_316 = arith.addf %add3A_299, %bitcast_convert_type3A_315 : vector<16xf32>
        %mul3A_317 = arith.constant 16 : i32
        %mul3A_318 = arith.muli %scan3A_187, %mul3A_317 : i32
        %add3A_319 = arith.constant 8 : i32
        %add3A_320 = arith.addi %mul3A_318, %add3A_319 : i32
        %get3A_321 = arith.constant 0 : i32
        %get3A_322 = arith.index_cast %get3A_321 : i32 to index
        %get3A_323 = arith.index_cast %add3A_320 : i32 to index
        %get3A_324 = arith.constant 0 : index
        %get3A_325 = tpu.vector_load %arg6[%get3A_322, %get3A_323, %get3A_324] {strides = array<i32>} : memref<4x128x64xi32, #tpu.memory_space<vmem>>, vector<1x1x16xi32>,
        %get3A_326 = vector.shape_cast %get3A_325 : vector<1x1x16xi32> to vector<16xi32>
        %shift_left3A_327 = arith.constant 16 : i32
        %shift_left3A_328 = vector.broadcast %shift_left3A_327 : i32 to vector<16xi32>
        %shift_left3A_329 = arith.shli %get3A_326, %shift_left3A_328 : vector<16xi32>
        %bitcast_convert_type3A_330 = tpu.bitcast %shift_left3A_329 : vector<16xi32> -> vector<16xf32>
        %add3A_331 = arith.addf %add3A_314, %bitcast_convert_type3A_330 : vector<16xf32>
        %bitcast_convert_type3A_332 = tpu.bitcast %get3A_326 : vector<16xi32> -> vector<16xf32>
        %add3A_333 = arith.addf %add3A_316, %bitcast_convert_type3A_332 : vector<16xf32>
        %mul3A_334 = arith.constant 16 : i32
        %mul3A_335 = arith.muli %scan3A_187, %mul3A_334 : i32
        %add3A_336 = arith.constant 9 : i32
        %add3A_337 = arith.addi %mul3A_335, %add3A_336 : i32
        %get3A_338 = arith.constant 0 : i32
        %get3A_339 = arith.index_cast %get3A_338 : i32 to index
        %get3A_340 = arith.index_cast %add3A_337 : i32 to index
        %get3A_341 = arith.constant 0 : index
        %get3A_342 = tpu.vector_load %arg6[%get3A_339, %get3A_340, %get3A_341] {strides = array<i32>} : memref<4x128x64xi32, #tpu.memory_space<vmem>>, vector<1x1x16xi32>,
        %get3A_343 = vector.shape_cast %get3A_342 : vector<1x1x16xi32> to vector<16xi32>
        %shift_left3A_344 = arith.constant 16 : i32
        %shift_left3A_345 = vector.broadcast %shift_left3A_344 : i32 to vector<16xi32>
        %shift_left3A_346 = arith.shli %get3A_343, %shift_left3A_345 : vector<16xi32>
        %bitcast_convert_type3A_347 = tpu.bitcast %shift_left3A_346 : vector<16xi32> -> vector<16xf32>
        %add3A_348 = arith.addf %add3A_331, %bitcast_convert_type3A_347 : vector<16xf32>
        %bitcast_convert_type3A_349 = tpu.bitcast %get3A_343 : vector<16xi32> -> vector<16xf32>
        %add3A_350 = arith.addf %add3A_333, %bitcast_convert_type3A_349 : vector<16xf32>
        %mul3A_351 = arith.constant 16 : i32
        %mul3A_352 = arith.muli %scan3A_187, %mul3A_351 : i32
        %add3A_353 = arith.constant 10 : i32
        %add3A_354 = arith.addi %mul3A_352, %add3A_353 : i32
        %get3A_355 = arith.constant 0 : i32
        %get3A_356 = arith.index_cast %get3A_355 : i32 to index
        %get3A_357 = arith.index_cast %add3A_354 : i32 to index
        %get3A_358 = arith.constant 0 : index
        %get3A_359 = tpu.vector_load %arg6[%get3A_356, %get3A_357, %get3A_358] {strides = array<i32>} : memref<4x128x64xi32, #tpu.memory_space<vmem>>, vector<1x1x16xi32>,
        %get3A_360 = vector.shape_cast %get3A_359 : vector<1x1x16xi32> to vector<16xi32>
        %shift_left3A_361 = arith.constant 16 : i32
        %shift_left3A_362 = vector.broadcast %shift_left3A_361 : i32 to vector<16xi32>
        %shift_left3A_363 = arith.shli %get3A_360, %shift_left3A_362 : vector<16xi32>
        %bitcast_convert_type3A_364 = tpu.bitcast %shift_left3A_363 : vector<16xi32> -> vector<16xf32>
        %add3A_365 = arith.addf %add3A_348, %bitcast_convert_type3A_364 : vector<16xf32>
        %bitcast_convert_type3A_366 = tpu.bitcast %get3A_360 : vector<16xi32> -> vector<16xf32>
        %add3A_367 = arith.addf %add3A_350, %bitcast_convert_type3A_366 : vector<16xf32>
        %mul3A_368 = arith.constant 16 : i32
        %mul3A_369 = arith.muli %scan3A_187, %mul3A_368 : i32
        %add3A_370 = arith.constant 11 : i32
        %add3A_371 = arith.addi %mul3A_369, %add3A_370 : i32
        %get3A_372 = arith.constant 0 : i32
        %get3A_373 = arith.index_cast %get3A_372 : i32 to index
        %get3A_374 = arith.index_cast %add3A_371 : i32 to index
        %get3A_375 = arith.constant 0 : index
        %get3A_376 = tpu.vector_load %arg6[%get3A_373, %get3A_374, %get3A_375] {strides = array<i32>} : memref<4x128x64xi32, #tpu.memory_space<vmem>>, vector<1x1x16xi32>,
        %get3A_377 = vector.shape_cast %get3A_376 : vector<1x1x16xi32> to vector<16xi32>
        %shift_left3A_378 = arith.constant 16 : i32
        %shift_left3A_379 = vector.broadcast %shift_left3A_378 : i32 to vector<16xi32>
        %shift_left3A_380 = arith.shli %get3A_377, %shift_left3A_379 : vector<16xi32>
        %bitcast_convert_type3A_381 = tpu.bitcast %shift_left3A_380 : vector<16xi32> -> vector<16xf32>
        %add3A_382 = arith.addf %add3A_365, %bitcast_convert_type3A_381 : vector<16xf32>
        %bitcast_convert_type3A_383 = tpu.bitcast %get3A_377 : vector<16xi32> -> vector<16xf32>
        %add3A_384 = arith.addf %add3A_367, %bitcast_convert_type3A_383 : vector<16xf32>
        %mul3A_385 = arith.constant 16 : i32
        %mul3A_386 = arith.muli %scan3A_187, %mul3A_385 : i32
        %add3A_387 = arith.constant 12 : i32
        %add3A_388 = arith.addi %mul3A_386, %add3A_387 : i32
        %get3A_389 = arith.constant 0 : i32
        %get3A_390 = arith.index_cast %get3A_389 : i32 to index
        %get3A_391 = arith.index_cast %add3A_388 : i32 to index
        %get3A_392 = arith.constant 0 : index
        %get3A_393 = tpu.vector_load %arg6[%get3A_390, %get3A_391, %get3A_392] {strides = array<i32>} : memref<4x128x64xi32, #tpu.memory_space<vmem>>, vector<1x1x16xi32>,
        %get3A_394 = vector.shape_cast %get3A_393 : vector<1x1x16xi32> to vector<16xi32>
        %shift_left3A_395 = arith.constant 16 : i32
        %shift_left3A_396 = vector.broadcast %shift_left3A_395 : i32 to vector<16xi32>
        %shift_left3A_397 = arith.shli %get3A_394, %shift_left3A_396 : vector<16xi32>
        %bitcast_convert_type3A_398 = tpu.bitcast %shift_left3A_397 : vector<16xi32> -> vector<16xf32>
        %add3A_399 = arith.addf %add3A_382, %bitcast_convert_type3A_398 : vector<16xf32>
        %bitcast_convert_type3A_400 = tpu.bitcast %get3A_394 : vector<16xi32> -> vector<16xf32>
        %add3A_401 = arith.addf %add3A_384, %bitcast_convert_type3A_400 : vector<16xf32>
        %mul3A_402 = arith.constant 16 : i32
        %mul3A_403 = arith.muli %scan3A_187, %mul3A_402 : i32
        %add3A_404 = arith.constant 13 : i32
        %add3A_405 = arith.addi %mul3A_403, %add3A_404 : i32
        %get3A_406 = arith.constant 0 : i32
        %get3A_407 = arith.index_cast %get3A_406 : i32 to index
        %get3A_408 = arith.index_cast %add3A_405 : i32 to index
        %get3A_409 = arith.constant 0 : index
        %get3A_410 = tpu.vector_load %arg6[%get3A_407, %get3A_408, %get3A_409] {strides = array<i32>} : memref<4x128x64xi32, #tpu.memory_space<vmem>>, vector<1x1x16xi32>,
        %get3A_411 = vector.shape_cast %get3A_410 : vector<1x1x16xi32> to vector<16xi32>
        %shift_left3A_412 = arith.constant 16 : i32
        %shift_left3A_413 = vector.broadcast %shift_left3A_412 : i32 to vector<16xi32>
        %shift_left3A_414 = arith.shli %get3A_411, %shift_left3A_413 : vector<16xi32>
        %bitcast_convert_type3A_415 = tpu.bitcast %shift_left3A_414 : vector<16xi32> -> vector<16xf32>
        %add3A_416 = arith.addf %add3A_399, %bitcast_convert_type3A_415 : vector<16xf32>
        %bitcast_convert_type3A_417 = tpu.bitcast %get3A_411 : vector<16xi32> -> vector<16xf32>
        %add3A_418 = arith.addf %add3A_401, %bitcast_convert_type3A_417 : vector<16xf32>
        %mul3A_419 = arith.constant 16 : i32
        %mul3A_420 = arith.muli %scan3A_187, %mul3A_419 : i32
        %add3A_421 = arith.constant 14 : i32
        %add3A_422 = arith.addi %mul3A_420, %add3A_421 : i32
        %get3A_423 = arith.constant 0 : i32
        %get3A_424 = arith.index_cast %get3A_423 : i32 to index
        %get3A_425 = arith.index_cast %add3A_422 : i32 to index
        %get3A_426 = arith.constant 0 : index
        %get3A_427 = tpu.vector_load %arg6[%get3A_424, %get3A_425, %get3A_426] {strides = array<i32>} : memref<4x128x64xi32, #tpu.memory_space<vmem>>, vector<1x1x16xi32>,
        %get3A_428 = vector.shape_cast %get3A_427 : vector<1x1x16xi32> to vector<16xi32>
        %shift_left3A_429 = arith.constant 16 : i32
        %shift_left3A_430 = vector.broadcast %shift_left3A_429 : i32 to vector<16xi32>
        %shift_left3A_431 = arith.shli %get3A_428, %shift_left3A_430 : vector<16xi32>
        %bitcast_convert_type3A_432 = tpu.bitcast %shift_left3A_431 : vector<16xi32> -> vector<16xf32>
        %add3A_433 = arith.addf %add3A_416, %bitcast_convert_type3A_432 : vector<16xf32>
        %bitcast_convert_type3A_434 = tpu.bitcast %get3A_428 : vector<16xi32> -> vector<16xf32>
        %add3A_435 = arith.addf %add3A_418, %bitcast_convert_type3A_434 : vector<16xf32>
        %mul3A_436 = arith.constant 16 : i32
        %mul3A_437 = arith.muli %scan3A_187, %mul3A_436 : i32
        %add3A_438 = arith.constant 15 : i32
        %add3A_439 = arith.addi %mul3A_437, %add3A_438 : i32
        %get3A_440 = arith.constant 0 : i32
        %get3A_441 = arith.index_cast %get3A_440 : i32 to index
        %get3A_442 = arith.index_cast %add3A_439 : i32 to index
        %get3A_443 = arith.constant 0 : index
        %get3A_444 = tpu.vector_load %arg6[%get3A_441, %get3A_442, %get3A_443] {strides = array<i32>} : memref<4x128x64xi32, #tpu.memory_space<vmem>>, vector<1x1x16xi32>,
        %get3A_445 = vector.shape_cast %get3A_444 : vector<1x1x16xi32> to vector<16xi32>
        %shift_left3A_446 = arith.constant 16 : i32
        %shift_left3A_447 = vector.broadcast %shift_left3A_446 : i32 to vector<16xi32>
        %shift_left3A_448 = arith.shli %get3A_445, %shift_left3A_447 : vector<16xi32>
        %bitcast_convert_type3A_449 = tpu.bitcast %shift_left3A_448 : vector<16xi32> -> vector<16xf32>
        %add3A_450 = arith.addf %add3A_433, %bitcast_convert_type3A_449 : vector<16xf32>
        %bitcast_convert_type3A_451 = tpu.bitcast %get3A_445 : vector<16xi32> -> vector<16xf32>
        %add3A_452 = arith.addf %add3A_435, %bitcast_convert_type3A_451 : vector<16xf32>
        %add3A_453 = arith.constant 0 : i32
        %add3A_454 = arith.addi %add3A_453, %scan3A_187 : i32
        %mul3A_455 = arith.constant 128 : i32
        %mul3A_456 = arith.muli %add3A_454, %mul3A_455 : i32
        %mul3A_457 = arith.constant 6.250000e-02 : f32
        %mul3A_458 = vector.broadcast %mul3A_457 : f32 to vector<16xf32>
        %mul3A_459 = arith.mulf %add3A_450, %mul3A_458 : vector<16xf32>
        %add3A_460 = arith.constant 0 : i32
        %add3A_461 = arith.addi %mul3A_456, %add3A_460 : i32
        %swap3A = arith.index_cast %add3A_461 : i32 to index
        %swap3A_462 = tpu.vector_load %arg7[%swap3A] {strides = array<i32>} : memref<4096xf32, #tpu.memory_space<vmem>>, vector<16xf32>,
        %swap3A_463 = vector.shape_cast %swap3A_462 : vector<16xf32> to vector<16xf32>
        %swap3A_464 = vector.shape_cast %mul3A_459 : vector<16xf32> to vector<16xf32>
        tpu.vector_store %arg7[%swap3A], %swap3A_464 {strides = array<i32>} : memref<4096xf32, #tpu.memory_space<vmem>>, vector<16xf32>,
        %mul3A_465 = arith.constant 6.250000e-02 : f32
        %mul3A_466 = vector.broadcast %mul3A_465 : f32 to vector<16xf32>
        %mul3A_467 = arith.mulf %add3A_452, %mul3A_466 : vector<16xf32>
        %add3A_468 = arith.constant 0 : i32
        %add3A_469 = arith.addi %mul3A_456, %add3A_468 : i32
        %add3A_470 = arith.constant 16 : i32
        %add3A_471 = arith.addi %add3A_469, %add3A_470 : i32
        %swap3A_472 = arith.index_cast %add3A_471 : i32 to index
        %swap3A_473 = tpu.vector_load %arg7[%swap3A_472] {strides = array<i32>} : memref<4096xf32, #tpu.memory_space<vmem>>, vector<16xf32>,
        %swap3A_474 = vector.shape_cast %swap3A_473 : vector<16xf32> to vector<16xf32>
        %swap3A_475 = vector.shape_cast %mul3A_467 : vector<16xf32> to vector<16xf32>
        tpu.vector_store %arg7[%swap3A_472], %swap3A_475 {strides = array<i32>} : memref<4096xf32, #tpu.memory_space<vmem>>, vector<16xf32>,
        %mul3A_476 = arith.constant 16 : i32
        %mul3A_477 = arith.muli %scan3A_187, %mul3A_476 : i32
        %get3A_478 = arith.constant 0 : i32
        %get3A_479 = arith.index_cast %get3A_478 : i32 to index
        %get3A_480 = arith.index_cast %mul3A_477 : i32 to index
        %get3A_481 = arith.constant 16 : index
        %get3A_482 = tpu.vector_load %arg6[%get3A_479, %get3A_480, %get3A_481] {strides = array<i32>} : memref<4x128x64xi32, #tpu.memory_space<vmem>>, vector<1x1x16xi32>,
        %get3A_483 = vector.shape_cast %get3A_482 : vector<1x1x16xi32> to vector<16xi32>
        %shift_left3A_484 = arith.constant 16 : i32
        %shift_left3A_485 = vector.broadcast %shift_left3A_484 : i32 to vector<16xi32>
        %shift_left3A_486 = arith.shli %get3A_483, %shift_left3A_485 : vector<16xi32>
        %bitcast_convert_type3A_487 = tpu.bitcast %shift_left3A_486 : vector<16xi32> -> vector<16xf32>
        %bitcast_convert_type3A_488 = tpu.bitcast %get3A_483 : vector<16xi32> -> vector<16xf32>
        %mul3A_489 = arith.constant 16 : i32
        %mul3A_490 = arith.muli %scan3A_187, %mul3A_489 : i32
        %add3A_491 = arith.constant 1 : i32
        %add3A_492 = arith.addi %mul3A_490, %add3A_491 : i32
        %get3A_493 = arith.constant 0 : i32
        %get3A_494 = arith.index_cast %get3A_493 : i32 to index
        %get3A_495 = arith.index_cast %add3A_492 : i32 to index
        %get3A_496 = arith.constant 16 : index
        %get3A_497 = tpu.vector_load %arg6[%get3A_494, %get3A_495, %get3A_496] {strides = array<i32>} : memref<4x128x64xi32, #tpu.memory_space<vmem>>, vector<1x1x16xi32>,
        %get3A_498 = vector.shape_cast %get3A_497 : vector<1x1x16xi32> to vector<16xi32>
        %shift_left3A_499 = arith.constant 16 : i32
        %shift_left3A_500 = vector.broadcast %shift_left3A_499 : i32 to vector<16xi32>
        %shift_left3A_501 = arith.shli %get3A_498, %shift_left3A_500 : vector<16xi32>
        %bitcast_convert_type3A_502 = tpu.bitcast %shift_left3A_501 : vector<16xi32> -> vector<16xf32>
        %add3A_503 = arith.addf %bitcast_convert_type3A_487, %bitcast_convert_type3A_502 : vector<16xf32>
        %bitcast_convert_type3A_504 = tpu.bitcast %get3A_498 : vector<16xi32> -> vector<16xf32>
        %add3A_505 = arith.addf %bitcast_convert_type3A_488, %bitcast_convert_type3A_504 : vector<16xf32>
        %mul3A_506 = arith.constant 16 : i32
        %mul3A_507 = arith.muli %scan3A_187, %mul3A_506 : i32
        %add3A_508 = arith.constant 2 : i32
        %add3A_509 = arith.addi %mul3A_507, %add3A_508 : i32
        %get3A_510 = arith.constant 0 : i32
        %get3A_511 = arith.index_cast %get3A_510 : i32 to index
        %get3A_512 = arith.index_cast %add3A_509 : i32 to index
        %get3A_513 = arith.constant 16 : index
        %get3A_514 = tpu.vector_load %arg6[%get3A_511, %get3A_512, %get3A_513] {strides = array<i32>} : memref<4x128x64xi32, #tpu.memory_space<vmem>>, vector<1x1x16xi32>,
        %get3A_515 = vector.shape_cast %get3A_514 : vector<1x1x16xi32> to vector<16xi32>
        %shift_left3A_516 = arith.constant 16 : i32
        %shift_left3A_517 = vector.broadcast %shift_left3A_516 : i32 to vector<16xi32>
        %shift_left3A_518 = arith.shli %get3A_515, %shift_left3A_517 : vector<16xi32>
        %bitcast_convert_type3A_519 = tpu.bitcast %shift_left3A_518 : vector<16xi32> -> vector<16xf32>
        %add3A_520 = arith.addf %add3A_503, %bitcast_convert_type3A_519 : vector<16xf32>
        %bitcast_convert_type3A_521 = tpu.bitcast %get3A_515 : vector<16xi32> -> vector<16xf32>
        %add3A_522 = arith.addf %add3A_505, %bitcast_convert_type3A_521 : vector<16xf32>
        %mul3A_523 = arith.constant 16 : i32
        %mul3A_524 = arith.muli %scan3A_187, %mul3A_523 : i32
        %add3A_525 = arith.constant 3 : i32
        %add3A_526 = arith.addi %mul3A_524, %add3A_525 : i32
        %get3A_527 = arith.constant 0 : i32
        %get3A_528 = arith.index_cast %get3A_527 : i32 to index
        %get3A_529 = arith.index_cast %add3A_526 : i32 to index
        %get3A_530 = arith.constant 16 : index
        %get3A_531 = tpu.vector_load %arg6[%get3A_528, %get3A_529, %get3A_530] {strides = array<i32>} : memref<4x128x64xi32, #tpu.memory_space<vmem>>, vector<1x1x16xi32>,
        %get3A_532 = vector.shape_cast %get3A_531 : vector<1x1x16xi32> to vector<16xi32>
        %shift_left3A_533 = arith.constant 16 : i32
        %shift_left3A_534 = vector.broadcast %shift_left3A_533 : i32 to vector<16xi32>
        %shift_left3A_535 = arith.shli %get3A_532, %shift_left3A_534 : vector<16xi32>
        %bitcast_convert_type3A_536 = tpu.bitcast %shift_left3A_535 : vector<16xi32> -> vector<16xf32>
        %add3A_537 = arith.addf %add3A_520, %bitcast_convert_type3A_536 : vector<16xf32>
        %bitcast_convert_type3A_538 = tpu.bitcast %get3A_532 : vector<16xi32> -> vector<16xf32>
        %add3A_539 = arith.addf %add3A_522, %bitcast_convert_type3A_538 : vector<16xf32>
        %mul3A_540 = arith.constant 16 : i32
        %mul3A_541 = arith.muli %scan3A_187, %mul3A_540 : i32
        %add3A_542 = arith.constant 4 : i32
        %add3A_543 = arith.addi %mul3A_541, %add3A_542 : i32
        %get3A_544 = arith.constant 0 : i32
        %get3A_545 = arith.index_cast %get3A_544 : i32 to index
        %get3A_546 = arith.index_cast %add3A_543 : i32 to index
        %get3A_547 = arith.constant 16 : index
        %get3A_548 = tpu.vector_load %arg6[%get3A_545, %get3A_546, %get3A_547] {strides = array<i32>} : memref<4x128x64xi32, #tpu.memory_space<vmem>>, vector<1x1x16xi32>,
        %get3A_549 = vector.shape_cast %get3A_548 : vector<1x1x16xi32> to vector<16xi32>
        %shift_left3A_550 = arith.constant 16 : i32
        %shift_left3A_551 = vector.broadcast %shift_left3A_550 : i32 to vector<16xi32>
        %shift_left3A_552 = arith.shli %get3A_549, %shift_left3A_551 : vector<16xi32>
        %bitcast_convert_type3A_553 = tpu.bitcast %shift_left3A_552 : vector<16xi32> -> vector<16xf32>
        %add3A_554 = arith.addf %add3A_537, %bitcast_convert_type3A_553 : vector<16xf32>
        %bitcast_convert_type3A_555 = tpu.bitcast %get3A_549 : vector<16xi32> -> vector<16xf32>
        %add3A_556 = arith.addf %add3A_539, %bitcast_convert_type3A_555 : vector<16xf32>
        %mul3A_557 = arith.constant 16 : i32
        %mul3A_558 = arith.muli %scan3A_187, %mul3A_557 : i32
        %add3A_559 = arith.constant 5 : i32
        %add3A_560 = arith.addi %mul3A_558, %add3A_559 : i32
        %get3A_561 = arith.constant 0 : i32
        %get3A_562 = arith.index_cast %get3A_561 : i32 to index
        %get3A_563 = arith.index_cast %add3A_560 : i32 to index
        %get3A_564 = arith.constant 16 : index
        %get3A_565 = tpu.vector_load %arg6[%get3A_562, %get3A_563, %get3A_564] {strides = array<i32>} : memref<4x128x64xi32, #tpu.memory_space<vmem>>, vector<1x1x16xi32>,
        %get3A_566 = vector.shape_cast %get3A_565 : vector<1x1x16xi32> to vector<16xi32>
        %shift_left3A_567 = arith.constant 16 : i32
        %shift_left3A_568 = vector.broadcast %shift_left3A_567 : i32 to vector<16xi32>
        %shift_left3A_569 = arith.shli %get3A_566, %shift_left3A_568 : vector<16xi32>
        %bitcast_convert_type3A_570 = tpu.bitcast %shift_left3A_569 : vector<16xi32> -> vector<16xf32>
        %add3A_571 = arith.addf %add3A_554, %bitcast_convert_type3A_570 : vector<16xf32>
        %bitcast_convert_type3A_572 = tpu.bitcast %get3A_566 : vector<16xi32> -> vector<16xf32>
        %add3A_573 = arith.addf %add3A_556, %bitcast_convert_type3A_572 : vector<16xf32>
        %mul3A_574 = arith.constant 16 : i32
        %mul3A_575 = arith.muli %scan3A_187, %mul3A_574 : i32
        %add3A_576 = arith.constant 6 : i32
        %add3A_577 = arith.addi %mul3A_575, %add3A_576 : i32
        %get3A_578 = arith.constant 0 : i32
        %get3A_579 = arith.index_cast %get3A_578 : i32 to index
        %get3A_580 = arith.index_cast %add3A_577 : i32 to index
        %get3A_581 = arith.constant 16 : index
        %get3A_582 = tpu.vector_load %arg6[%get3A_579, %get3A_580, %get3A_581] {strides = array<i32>} : memref<4x128x64xi32, #tpu.memory_space<vmem>>, vector<1x1x16xi32>,
        %get3A_583 = vector.shape_cast %get3A_582 : vector<1x1x16xi32> to vector<16xi32>
        %shift_left3A_584 = arith.constant 16 : i32
        %shift_left3A_585 = vector.broadcast %shift_left3A_584 : i32 to vector<16xi32>
        %shift_left3A_586 = arith.shli %get3A_583, %shift_left3A_585 : vector<16xi32>
        %bitcast_convert_type3A_587 = tpu.bitcast %shift_left3A_586 : vector<16xi32> -> vector<16xf32>
        %add3A_588 = arith.addf %add3A_571, %bitcast_convert_type3A_587 : vector<16xf32>
        %bitcast_convert_type3A_589 = tpu.bitcast %get3A_583 : vector<16xi32> -> vector<16xf32>
        %add3A_590 = arith.addf %add3A_573, %bitcast_convert_type3A_589 : vector<16xf32>
        %mul3A_591 = arith.constant 16 : i32
        %mul3A_592 = arith.muli %scan3A_187, %mul3A_591 : i32
        %add3A_593 = arith.constant 7 : i32
        %add3A_594 = arith.addi %mul3A_592, %add3A_593 : i32
        %get3A_595 = arith.constant 0 : i32
        %get3A_596 = arith.index_cast %get3A_595 : i32 to index
        %get3A_597 = arith.index_cast %add3A_594 : i32 to index
        %get3A_598 = arith.constant 16 : index
        %get3A_599 = tpu.vector_load %arg6[%get3A_596, %get3A_597, %get3A_598] {strides = array<i32>} : memref<4x128x64xi32, #tpu.memory_space<vmem>>, vector<1x1x16xi32>,
        %get3A_600 = vector.shape_cast %get3A_599 : vector<1x1x16xi32> to vector<16xi32>
        %shift_left3A_601 = arith.constant 16 : i32
        %shift_left3A_602 = vector.broadcast %shift_left3A_601 : i32 to vector<16xi32>
        %shift_left3A_603 = arith.shli %get3A_600, %shift_left3A_602 : vector<16xi32>
        %bitcast_convert_type3A_604 = tpu.bitcast %shift_left3A_603 : vector<16xi32> -> vector<16xf32>
        %add3A_605 = arith.addf %add3A_588, %bitcast_convert_type3A_604 : vector<16xf32>
        %bitcast_convert_type3A_606 = tpu.bitcast %get3A_600 : vector<16xi32> -> vector<16xf32>
        %add3A_607 = arith.addf %add3A_590, %bitcast_convert_type3A_606 : vector<16xf32>
        %mul3A_608 = arith.constant 16 : i32
        %mul3A_609 = arith.muli %scan3A_187, %mul3A_608 : i32
        %add3A_610 = arith.constant 8 : i32
        %add3A_611 = arith.addi %mul3A_609, %add3A_610 : i32
        %get3A_612 = arith.constant 0 : i32
        %get3A_613 = arith.index_cast %get3A_612 : i32 to index
        %get3A_614 = arith.index_cast %add3A_611 : i32 to index
        %get3A_615 = arith.constant 16 : index
        %get3A_616 = tpu.vector_load %arg6[%get3A_613, %get3A_614, %get3A_615] {strides = array<i32>} : memref<4x128x64xi32, #tpu.memory_space<vmem>>, vector<1x1x16xi32>,
        %get3A_617 = vector.shape_cast %get3A_616 : vector<1x1x16xi32> to vector<16xi32>
        %shift_left3A_618 = arith.constant 16 : i32
        %shift_left3A_619 = vector.broadcast %shift_left3A_618 : i32 to vector<16xi32>
        %shift_left3A_620 = arith.shli %get3A_617, %shift_left3A_619 : vector<16xi32>
        %bitcast_convert_type3A_621 = tpu.bitcast %shift_left3A_620 : vector<16xi32> -> vector<16xf32>
        %add3A_622 = arith.addf %add3A_605, %bitcast_convert_type3A_621 : vector<16xf32>
        %bitcast_convert_type3A_623 = tpu.bitcast %get3A_617 : vector<16xi32> -> vector<16xf32>
        %add3A_624 = arith.addf %add3A_607, %bitcast_convert_type3A_623 : vector<16xf32>
        %mul3A_625 = arith.constant 16 : i32
        %mul3A_626 = arith.muli %scan3A_187, %mul3A_625 : i32
        %add3A_627 = arith.constant 9 : i32
        %add3A_628 = arith.addi %mul3A_626, %add3A_627 : i32
        %get3A_629 = arith.constant 0 : i32
        %get3A_630 = arith.index_cast %get3A_629 : i32 to index
        %get3A_631 = arith.index_cast %add3A_628 : i32 to index
        %get3A_632 = arith.constant 16 : index
        %get3A_633 = tpu.vector_load %arg6[%get3A_630, %get3A_631, %get3A_632] {strides = array<i32>} : memref<4x128x64xi32, #tpu.memory_space<vmem>>, vector<1x1x16xi32>,
        %get3A_634 = vector.shape_cast %get3A_633 : vector<1x1x16xi32> to vector<16xi32>
        %shift_left3A_635 = arith.constant 16 : i32
        %shift_left3A_636 = vector.broadcast %shift_left3A_635 : i32 to vector<16xi32>
        %shift_left3A_637 = arith.shli %get3A_634, %shift_left3A_636 : vector<16xi32>
        %bitcast_convert_type3A_638 = tpu.bitcast %shift_left3A_637 : vector<16xi32> -> vector<16xf32>
        %add3A_639 = arith.addf %add3A_622, %bitcast_convert_type3A_638 : vector<16xf32>
        %bitcast_convert_type3A_640 = tpu.bitcast %get3A_634 : vector<16xi32> -> vector<16xf32>
        %add3A_641 = arith.addf %add3A_624, %bitcast_convert_type3A_640 : vector<16xf32>
        %mul3A_642 = arith.constant 16 : i32
        %mul3A_643 = arith.muli %scan3A_187, %mul3A_642 : i32
        %add3A_644 = arith.constant 10 : i32
        %add3A_645 = arith.addi %mul3A_643, %add3A_644 : i32
        %get3A_646 = arith.constant 0 : i32
        %get3A_647 = arith.index_cast %get3A_646 : i32 to index
        %get3A_648 = arith.index_cast %add3A_645 : i32 to index
        %get3A_649 = arith.constant 16 : index
        %get3A_650 = tpu.vector_load %arg6[%get3A_647, %get3A_648, %get3A_649] {strides = array<i32>} : memref<4x128x64xi32, #tpu.memory_space<vmem>>, vector<1x1x16xi32>,
        %get3A_651 = vector.shape_cast %get3A_650 : vector<1x1x16xi32> to vector<16xi32>
        %shift_left3A_652 = arith.constant 16 : i32
        %shift_left3A_653 = vector.broadcast %shift_left3A_652 : i32 to vector<16xi32>
        %shift_left3A_654 = arith.shli %get3A_651, %shift_left3A_653 : vector<16xi32>
        %bitcast_convert_type3A_655 = tpu.bitcast %shift_left3A_654 : vector<16xi32> -> vector<16xf32>
        %add3A_656 = arith.addf %add3A_639, %bitcast_convert_type3A_655 : vector<16xf32>
        %bitcast_convert_type3A_657 = tpu.bitcast %get3A_651 : vector<16xi32> -> vector<16xf32>
        %add3A_658 = arith.addf %add3A_641, %bitcast_convert_type3A_657 : vector<16xf32>
        %mul3A_659 = arith.constant 16 : i32
        %mul3A_660 = arith.muli %scan3A_187, %mul3A_659 : i32
        %add3A_661 = arith.constant 11 : i32
        %add3A_662 = arith.addi %mul3A_660, %add3A_661 : i32
        %get3A_663 = arith.constant 0 : i32
        %get3A_664 = arith.index_cast %get3A_663 : i32 to index
        %get3A_665 = arith.index_cast %add3A_662 : i32 to index
        %get3A_666 = arith.constant 16 : index
        %get3A_667 = tpu.vector_load %arg6[%get3A_664, %get3A_665, %get3A_666] {strides = array<i32>} : memref<4x128x64xi32, #tpu.memory_space<vmem>>, vector<1x1x16xi32>,
        %get3A_668 = vector.shape_cast %get3A_667 : vector<1x1x16xi32> to vector<16xi32>
        %shift_left3A_669 = arith.constant 16 : i32
        %shift_left3A_670 = vector.broadcast %shift_left3A_669 : i32 to vector<16xi32>
        %shift_left3A_671 = arith.shli %get3A_668, %shift_left3A_670 : vector<16xi32>
        %bitcast_convert_type3A_672 = tpu.bitcast %shift_left3A_671 : vector<16xi32> -> vector<16xf32>
        %add3A_673 = arith.addf %add3A_656, %bitcast_convert_type3A_672 : vector<16xf32>
        %bitcast_convert_type3A_674 = tpu.bitcast %get3A_668 : vector<16xi32> -> vector<16xf32>
        %add3A_675 = arith.addf %add3A_658, %bitcast_convert_type3A_674 : vector<16xf32>
        %mul3A_676 = arith.constant 16 : i32
        %mul3A_677 = arith.muli %scan3A_187, %mul3A_676 : i32
        %add3A_678 = arith.constant 12 : i32
        %add3A_679 = arith.addi %mul3A_677, %add3A_678 : i32
        %get3A_680 = arith.constant 0 : i32
        %get3A_681 = arith.index_cast %get3A_680 : i32 to index
        %get3A_682 = arith.index_cast %add3A_679 : i32 to index
        %get3A_683 = arith.constant 16 : index
        %get3A_684 = tpu.vector_load %arg6[%get3A_681, %get3A_682, %get3A_683] {strides = array<i32>} : memref<4x128x64xi32, #tpu.memory_space<vmem>>, vector<1x1x16xi32>,
        %get3A_685 = vector.shape_cast %get3A_684 : vector<1x1x16xi32> to vector<16xi32>
        %shift_left3A_686 = arith.constant 16 : i32
        %shift_left3A_687 = vector.broadcast %shift_left3A_686 : i32 to vector<16xi32>
        %shift_left3A_688 = arith.shli %get3A_685, %shift_left3A_687 : vector<16xi32>
        %bitcast_convert_type3A_689 = tpu.bitcast %shift_left3A_688 : vector<16xi32> -> vector<16xf32>
        %add3A_690 = arith.addf %add3A_673, %bitcast_convert_type3A_689 : vector<16xf32>
        %bitcast_convert_type3A_691 = tpu.bitcast %get3A_685 : vector<16xi32> -> vector<16xf32>
        %add3A_692 = arith.addf %add3A_675, %bitcast_convert_type3A_691 : vector<16xf32>
        %mul3A_693 = arith.constant 16 : i32
        %mul3A_694 = arith.muli %scan3A_187, %mul3A_693 : i32
        %add3A_695 = arith.constant 13 : i32
        %add3A_696 = arith.addi %mul3A_694, %add3A_695 : i32
        %get3A_697 = arith.constant 0 : i32
        %get3A_698 = arith.index_cast %get3A_697 : i32 to index
        %get3A_699 = arith.index_cast %add3A_696 : i32 to index
        %get3A_700 = arith.constant 16 : index
        %get3A_701 = tpu.vector_load %arg6[%get3A_698, %get3A_699, %get3A_700] {strides = array<i32>} : memref<4x128x64xi32, #tpu.memory_space<vmem>>, vector<1x1x16xi32>,
        %get3A_702 = vector.shape_cast %get3A_701 : vector<1x1x16xi32> to vector<16xi32>
        %shift_left3A_703 = arith.constant 16 : i32
        %shift_left3A_704 = vector.broadcast %shift_left3A_703 : i32 to vector<16xi32>
        %shift_left3A_705 = arith.shli %get3A_702, %shift_left3A_704 : vector<16xi32>
        %bitcast_convert_type3A_706 = tpu.bitcast %shift_left3A_705 : vector<16xi32> -> vector<16xf32>
        %add3A_707 = arith.addf %add3A_690, %bitcast_convert_type3A_706 : vector<16xf32>
        %bitcast_convert_type3A_708 = tpu.bitcast %get3A_702 : vector<16xi32> -> vector<16xf32>
        %add3A_709 = arith.addf %add3A_692, %bitcast_convert_type3A_708 : vector<16xf32>
        %mul3A_710 = arith.constant 16 : i32
        %mul3A_711 = arith.muli %scan3A_187, %mul3A_710 : i32
        %add3A_712 = arith.constant 14 : i32
        %add3A_713 = arith.addi %mul3A_711, %add3A_712 : i32
        %get3A_714 = arith.constant 0 : i32
        %get3A_715 = arith.index_cast %get3A_714 : i32 to index
        %get3A_716 = arith.index_cast %add3A_713 : i32 to index
        %get3A_717 = arith.constant 16 : index
        %get3A_718 = tpu.vector_load %arg6[%get3A_715, %get3A_716, %get3A_717] {strides = array<i32>} : memref<4x128x64xi32, #tpu.memory_space<vmem>>, vector<1x1x16xi32>,
        %get3A_719 = vector.shape_cast %get3A_718 : vector<1x1x16xi32> to vector<16xi32>
        %shift_left3A_720 = arith.constant 16 : i32
        %shift_left3A_721 = vector.broadcast %shift_left3A_720 : i32 to vector<16xi32>
        %shift_left3A_722 = arith.shli %get3A_719, %shift_left3A_721 : vector<16xi32>
        %bitcast_convert_type3A_723 = tpu.bitcast %shift_left3A_722 : vector<16xi32> -> vector<16xf32>
        %add3A_724 = arith.addf %add3A_707, %bitcast_convert_type3A_723 : vector<16xf32>
        %bitcast_convert_type3A_725 = tpu.bitcast %get3A_719 : vector<16xi32> -> vector<16xf32>
        %add3A_726 = arith.addf %add3A_709, %bitcast_convert_type3A_725 : vector<16xf32>
        %mul3A_727 = arith.constant 16 : i32
        %mul3A_728 = arith.muli %scan3A_187, %mul3A_727 : i32
        %add3A_729 = arith.constant 15 : i32
        %add3A_730 = arith.addi %mul3A_728, %add3A_729 : i32
        %get3A_731 = arith.constant 0 : i32
        %get3A_732 = arith.index_cast %get3A_731 : i32 to index
        %get3A_733 = arith.index_cast %add3A_730 : i32 to index
        %get3A_734 = arith.constant 16 : index
        %get3A_735 = tpu.vector_load %arg6[%get3A_732, %get3A_733, %get3A_734] {strides = array<i32>} : memref<4x128x64xi32, #tpu.memory_space<vmem>>, vector<1x1x16xi32>,
        %get3A_736 = vector.shape_cast %get3A_735 : vector<1x1x16xi32> to vector<16xi32>
        %shift_left3A_737 = arith.constant 16 : i32
        %shift_left3A_738 = vector.broadcast %shift_left3A_737 : i32 to vector<16xi32>
        %shift_left3A_739 = arith.shli %get3A_736, %shift_left3A_738 : vector<16xi32>
        %bitcast_convert_type3A_740 = tpu.bitcast %shift_left3A_739 : vector<16xi32> -> vector<16xf32>
        %add3A_741 = arith.addf %add3A_724, %bitcast_convert_type3A_740 : vector<16xf32>
        %bitcast_convert_type3A_742 = tpu.bitcast %get3A_736 : vector<16xi32> -> vector<16xf32>
        %add3A_743 = arith.addf %add3A_726, %bitcast_convert_type3A_742 : vector<16xf32>
        %add3A_744 = arith.constant 0 : i32
        %add3A_745 = arith.addi %add3A_744, %scan3A_187 : i32
        %mul3A_746 = arith.constant 128 : i32
        %mul3A_747 = arith.muli %add3A_745, %mul3A_746 : i32
        %mul3A_748 = arith.constant 6.250000e-02 : f32
        %mul3A_749 = vector.broadcast %mul3A_748 : f32 to vector<16xf32>
        %mul3A_750 = arith.mulf %add3A_741, %mul3A_749 : vector<16xf32>
        %add3A_751 = arith.constant 32 : i32
        %add3A_752 = arith.addi %mul3A_747, %add3A_751 : i32
        %swap3A_753 = arith.index_cast %add3A_752 : i32 to index
        %swap3A_754 = tpu.vector_load %arg7[%swap3A_753] {strides = array<i32>} : memref<4096xf32, #tpu.memory_space<vmem>>, vector<16xf32>,
        %swap3A_755 = vector.shape_cast %swap3A_754 : vector<16xf32> to vector<16xf32>
        %swap3A_756 = vector.shape_cast %mul3A_750 : vector<16xf32> to vector<16xf32>
        tpu.vector_store %arg7[%swap3A_753], %swap3A_756 {strides = array<i32>} : memref<4096xf32, #tpu.memory_space<vmem>>, vector<16xf32>,
        %mul3A_757 = arith.constant 6.250000e-02 : f32
        %mul3A_758 = vector.broadcast %mul3A_757 : f32 to vector<16xf32>
        %mul3A_759 = arith.mulf %add3A_743, %mul3A_758 : vector<16xf32>
        %add3A_760 = arith.constant 32 : i32
        %add3A_761 = arith.addi %mul3A_747, %add3A_760 : i32
        %add3A_762 = arith.constant 16 : i32
        %add3A_763 = arith.addi %add3A_761, %add3A_762 : i32
        %swap3A_764 = arith.index_cast %add3A_763 : i32 to index
        %swap3A_765 = tpu.vector_load %arg7[%swap3A_764] {strides = array<i32>} : memref<4096xf32, #tpu.memory_space<vmem>>, vector<16xf32>,
        %swap3A_766 = vector.shape_cast %swap3A_765 : vector<16xf32> to vector<16xf32>
        %swap3A_767 = vector.shape_cast %mul3A_759 : vector<16xf32> to vector<16xf32>
        tpu.vector_store %arg7[%swap3A_764], %swap3A_767 {strides = array<i32>} : memref<4096xf32, #tpu.memory_space<vmem>>, vector<16xf32>,
        %mul3A_768 = arith.constant 16 : i32
        %mul3A_769 = arith.muli %scan3A_187, %mul3A_768 : i32
        %get3A_770 = arith.constant 0 : i32
        %get3A_771 = arith.index_cast %get3A_770 : i32 to index
        %get3A_772 = arith.index_cast %mul3A_769 : i32 to index
        %get3A_773 = arith.constant 32 : index
        %get3A_774 = tpu.vector_load %arg6[%get3A_771, %get3A_772, %get3A_773] {strides = array<i32>} : memref<4x128x64xi32, #tpu.memory_space<vmem>>, vector<1x1x16xi32>,
        %get3A_775 = vector.shape_cast %get3A_774 : vector<1x1x16xi32> to vector<16xi32>
        %shift_left3A_776 = arith.constant 16 : i32
        %shift_left3A_777 = vector.broadcast %shift_left3A_776 : i32 to vector<16xi32>
        %shift_left3A_778 = arith.shli %get3A_775, %shift_left3A_777 : vector<16xi32>
        %bitcast_convert_type3A_779 = tpu.bitcast %shift_left3A_778 : vector<16xi32> -> vector<16xf32>
        %bitcast_convert_type3A_780 = tpu.bitcast %get3A_775 : vector<16xi32> -> vector<16xf32>
        %mul3A_781 = arith.constant 16 : i32
        %mul3A_782 = arith.muli %scan3A_187, %mul3A_781 : i32
        %add3A_783 = arith.constant 1 : i32
        %add3A_784 = arith.addi %mul3A_782, %add3A_783 : i32
        %get3A_785 = arith.constant 0 : i32
        %get3A_786 = arith.index_cast %get3A_785 : i32 to index
        %get3A_787 = arith.index_cast %add3A_784 : i32 to index
        %get3A_788 = arith.constant 32 : index
        %get3A_789 = tpu.vector_load %arg6[%get3A_786, %get3A_787, %get3A_788] {strides = array<i32>} : memref<4x128x64xi32, #tpu.memory_space<vmem>>, vector<1x1x16xi32>,
        %get3A_790 = vector.shape_cast %get3A_789 : vector<1x1x16xi32> to vector<16xi32>
        %shift_left3A_791 = arith.constant 16 : i32
        %shift_left3A_792 = vector.broadcast %shift_left3A_791 : i32 to vector<16xi32>
        %shift_left3A_793 = arith.shli %get3A_790, %shift_left3A_792 : vector<16xi32>
        %bitcast_convert_type3A_794 = tpu.bitcast %shift_left3A_793 : vector<16xi32> -> vector<16xf32>
        %add3A_795 = arith.addf %bitcast_convert_type3A_779, %bitcast_convert_type3A_794 : vector<16xf32>
        %bitcast_convert_type3A_796 = tpu.bitcast %get3A_790 : vector<16xi32> -> vector<16xf32>
        %add3A_797 = arith.addf %bitcast_convert_type3A_780, %bitcast_convert_type3A_796 : vector<16xf32>
        %mul3A_798 = arith.constant 16 : i32
        %mul3A_799 = arith.muli %scan3A_187, %mul3A_798 : i32
        %add3A_800 = arith.constant 2 : i32
        %add3A_801 = arith.addi %mul3A_799, %add3A_800 : i32
        %get3A_802 = arith.constant 0 : i32
        %get3A_803 = arith.index_cast %get3A_802 : i32 to index
        %get3A_804 = arith.index_cast %add3A_801 : i32 to index
        %get3A_805 = arith.constant 32 : index
        %get3A_806 = tpu.vector_load %arg6[%get3A_803, %get3A_804, %get3A_805] {strides = array<i32>} : memref<4x128x64xi32, #tpu.memory_space<vmem>>, vector<1x1x16xi32>,
        %get3A_807 = vector.shape_cast %get3A_806 : vector<1x1x16xi32> to vector<16xi32>
        %shift_left3A_808 = arith.constant 16 : i32
        %shift_left3A_809 = vector.broadcast %shift_left3A_808 : i32 to vector<16xi32>
        %shift_left3A_810 = arith.shli %get3A_807, %shift_left3A_809 : vector<16xi32>
        %bitcast_convert_type3A_811 = tpu.bitcast %shift_left3A_810 : vector<16xi32> -> vector<16xf32>
        %add3A_812 = arith.addf %add3A_795, %bitcast_convert_type3A_811 : vector<16xf32>
        %bitcast_convert_type3A_813 = tpu.bitcast %get3A_807 : vector<16xi32> -> vector<16xf32>
        %add3A_814 = arith.addf %add3A_797, %bitcast_convert_type3A_813 : vector<16xf32>
        %mul3A_815 = arith.constant 16 : i32
        %mul3A_816 = arith.muli %scan3A_187, %mul3A_815 : i32
        %add3A_817 = arith.constant 3 : i32
        %add3A_818 = arith.addi %mul3A_816, %add3A_817 : i32
        %get3A_819 = arith.constant 0 : i32
        %get3A_820 = arith.index_cast %get3A_819 : i32 to index
        %get3A_821 = arith.index_cast %add3A_818 : i32 to index
        %get3A_822 = arith.constant 32 : index
        %get3A_823 = tpu.vector_load %arg6[%get3A_820, %get3A_821, %get3A_822] {strides = array<i32>} : memref<4x128x64xi32, #tpu.memory_space<vmem>>, vector<1x1x16xi32>,
        %get3A_824 = vector.shape_cast %get3A_823 : vector<1x1x16xi32> to vector<16xi32>
        %shift_left3A_825 = arith.constant 16 : i32
        %shift_left3A_826 = vector.broadcast %shift_left3A_825 : i32 to vector<16xi32>
        %shift_left3A_827 = arith.shli %get3A_824, %shift_left3A_826 : vector<16xi32>
        %bitcast_convert_type3A_828 = tpu.bitcast %shift_left3A_827 : vector<16xi32> -> vector<16xf32>
        %add3A_829 = arith.addf %add3A_812, %bitcast_convert_type3A_828 : vector<16xf32>
        %bitcast_convert_type3A_830 = tpu.bitcast %get3A_824 : vector<16xi32> -> vector<16xf32>
        %add3A_831 = arith.addf %add3A_814, %bitcast_convert_type3A_830 : vector<16xf32>
        %mul3A_832 = arith.constant 16 : i32
        %mul3A_833 = arith.muli %scan3A_187, %mul3A_832 : i32
        %add3A_834 = arith.constant 4 : i32
        %add3A_835 = arith.addi %mul3A_833, %add3A_834 : i32
        %get3A_836 = arith.constant 0 : i32
        %get3A_837 = arith.index_cast %get3A_836 : i32 to index
        %get3A_838 = arith.index_cast %add3A_835 : i32 to index
        %get3A_839 = arith.constant 32 : index
        %get3A_840 = tpu.vector_load %arg6[%get3A_837, %get3A_838, %get3A_839] {strides = array<i32>} : memref<4x128x64xi32, #tpu.memory_space<vmem>>, vector<1x1x16xi32>,
        %get3A_841 = vector.shape_cast %get3A_840 : vector<1x1x16xi32> to vector<16xi32>
        %shift_left3A_842 = arith.constant 16 : i32
        %shift_left3A_843 = vector.broadcast %shift_left3A_842 : i32 to vector<16xi32>
        %shift_left3A_844 = arith.shli %get3A_841, %shift_left3A_843 : vector<16xi32>
        %bitcast_convert_type3A_845 = tpu.bitcast %shift_left3A_844 : vector<16xi32> -> vector<16xf32>
        %add3A_846 = arith.addf %add3A_829, %bitcast_convert_type3A_845 : vector<16xf32>
        %bitcast_convert_type3A_847 = tpu.bitcast %get3A_841 : vector<16xi32> -> vector<16xf32>
        %add3A_848 = arith.addf %add3A_831, %bitcast_convert_type3A_847 : vector<16xf32>
        %mul3A_849 = arith.constant 16 : i32
        %mul3A_850 = arith.muli %scan3A_187, %mul3A_849 : i32
        %add3A_851 = arith.constant 5 : i32
        %add3A_852 = arith.addi %mul3A_850, %add3A_851 : i32
        %get3A_853 = arith.constant 0 : i32
        %get3A_854 = arith.index_cast %get3A_853 : i32 to index
        %get3A_855 = arith.index_cast %add3A_852 : i32 to index
        %get3A_856 = arith.constant 32 : index
        %get3A_857 = tpu.vector_load %arg6[%get3A_854, %get3A_855, %get3A_856] {strides = array<i32>} : memref<4x128x64xi32, #tpu.memory_space<vmem>>, vector<1x1x16xi32>,
        %get3A_858 = vector.shape_cast %get3A_857 : vector<1x1x16xi32> to vector<16xi32>
        %shift_left3A_859 = arith.constant 16 : i32
        %shift_left3A_860 = vector.broadcast %shift_left3A_859 : i32 to vector<16xi32>
        %shift_left3A_861 = arith.shli %get3A_858, %shift_left3A_860 : vector<16xi32>
        %bitcast_convert_type3A_862 = tpu.bitcast %shift_left3A_861 : vector<16xi32> -> vector<16xf32>
        %add3A_863 = arith.addf %add3A_846, %bitcast_convert_type3A_862 : vector<16xf32>
        %bitcast_convert_type3A_864 = tpu.bitcast %get3A_858 : vector<16xi32> -> vector<16xf32>
        %add3A_865 = arith.addf %add3A_848, %bitcast_convert_type3A_864 : vector<16xf32>
        %mul3A_866 = arith.constant 16 : i32
        %mul3A_867 = arith.muli %scan3A_187, %mul3A_866 : i32
        %add3A_868 = arith.constant 6 : i32
        %add3A_869 = arith.addi %mul3A_867, %add3A_868 : i32
        %get3A_870 = arith.constant 0 : i32
        %get3A_871 = arith.index_cast %get3A_870 : i32 to index
        %get3A_872 = arith.index_cast %add3A_869 : i32 to index
        %get3A_873 = arith.constant 32 : index
        %get3A_874 = tpu.vector_load %arg6[%get3A_871, %get3A_872, %get3A_873] {strides = array<i32>} : memref<4x128x64xi32, #tpu.memory_space<vmem>>, vector<1x1x16xi32>,
        %get3A_875 = vector.shape_cast %get3A_874 : vector<1x1x16xi32> to vector<16xi32>
        %shift_left3A_876 = arith.constant 16 : i32
        %shift_left3A_877 = vector.broadcast %shift_left3A_876 : i32 to vector<16xi32>
        %shift_left3A_878 = arith.shli %get3A_875, %shift_left3A_877 : vector<16xi32>
        %bitcast_convert_type3A_879 = tpu.bitcast %shift_left3A_878 : vector<16xi32> -> vector<16xf32>
        %add3A_880 = arith.addf %add3A_863, %bitcast_convert_type3A_879 : vector<16xf32>
        %bitcast_convert_type3A_881 = tpu.bitcast %get3A_875 : vector<16xi32> -> vector<16xf32>
        %add3A_882 = arith.addf %add3A_865, %bitcast_convert_type3A_881 : vector<16xf32>
        %mul3A_883 = arith.constant 16 : i32
        %mul3A_884 = arith.muli %scan3A_187, %mul3A_883 : i32
        %add3A_885 = arith.constant 7 : i32
        %add3A_886 = arith.addi %mul3A_884, %add3A_885 : i32
        %get3A_887 = arith.constant 0 : i32
        %get3A_888 = arith.index_cast %get3A_887 : i32 to index
        %get3A_889 = arith.index_cast %add3A_886 : i32 to index
        %get3A_890 = arith.constant 32 : index
        %get3A_891 = tpu.vector_load %arg6[%get3A_888, %get3A_889, %get3A_890] {strides = array<i32>} : memref<4x128x64xi32, #tpu.memory_space<vmem>>, vector<1x1x16xi32>,
        %get3A_892 = vector.shape_cast %get3A_891 : vector<1x1x16xi32> to vector<16xi32>
        %shift_left3A_893 = arith.constant 16 : i32
        %shift_left3A_894 = vector.broadcast %shift_left3A_893 : i32 to vector<16xi32>
        %shift_left3A_895 = arith.shli %get3A_892, %shift_left3A_894 : vector<16xi32>
        %bitcast_convert_type3A_896 = tpu.bitcast %shift_left3A_895 : vector<16xi32> -> vector<16xf32>
        %add3A_897 = arith.addf %add3A_880, %bitcast_convert_type3A_896 : vector<16xf32>
        %bitcast_convert_type3A_898 = tpu.bitcast %get3A_892 : vector<16xi32> -> vector<16xf32>
        %add3A_899 = arith.addf %add3A_882, %bitcast_convert_type3A_898 : vector<16xf32>
        %mul3A_900 = arith.constant 16 : i32
        %mul3A_901 = arith.muli %scan3A_187, %mul3A_900 : i32
        %add3A_902 = arith.constant 8 : i32
        %add3A_903 = arith.addi %mul3A_901, %add3A_902 : i32
        %get3A_904 = arith.constant 0 : i32
        %get3A_905 = arith.index_cast %get3A_904 : i32 to index
        %get3A_906 = arith.index_cast %add3A_903 : i32 to index
        %get3A_907 = arith.constant 32 : index
        %get3A_908 = tpu.vector_load %arg6[%get3A_905, %get3A_906, %get3A_907] {strides = array<i32>} : memref<4x128x64xi32, #tpu.memory_space<vmem>>, vector<1x1x16xi32>,
        %get3A_909 = vector.shape_cast %get3A_908 : vector<1x1x16xi32> to vector<16xi32>
        %shift_left3A_910 = arith.constant 16 : i32
        %shift_left3A_911 = vector.broadcast %shift_left3A_910 : i32 to vector<16xi32>
        %shift_left3A_912 = arith.shli %get3A_909, %shift_left3A_911 : vector<16xi32>
        %bitcast_convert_type3A_913 = tpu.bitcast %shift_left3A_912 : vector<16xi32> -> vector<16xf32>
        %add3A_914 = arith.addf %add3A_897, %bitcast_convert_type3A_913 : vector<16xf32>
        %bitcast_convert_type3A_915 = tpu.bitcast %get3A_909 : vector<16xi32> -> vector<16xf32>
        %add3A_916 = arith.addf %add3A_899, %bitcast_convert_type3A_915 : vector<16xf32>
        %mul3A_917 = arith.constant 16 : i32
        %mul3A_918 = arith.muli %scan3A_187, %mul3A_917 : i32
        %add3A_919 = arith.constant 9 : i32
        %add3A_920 = arith.addi %mul3A_918, %add3A_919 : i32
        %get3A_921 = arith.constant 0 : i32
        %get3A_922 = arith.index_cast %get3A_921 : i32 to index
        %get3A_923 = arith.index_cast %add3A_920 : i32 to index
        %get3A_924 = arith.constant 32 : index
        %get3A_925 = tpu.vector_load %arg6[%get3A_922, %get3A_923, %get3A_924] {strides = array<i32>} : memref<4x128x64xi32, #tpu.memory_space<vmem>>, vector<1x1x16xi32>,
        %get3A_926 = vector.shape_cast %get3A_925 : vector<1x1x16xi32> to vector<16xi32>
        %shift_left3A_927 = arith.constant 16 : i32
        %shift_left3A_928 = vector.broadcast %shift_left3A_927 : i32 to vector<16xi32>
        %shift_left3A_929 = arith.shli %get3A_926, %shift_left3A_928 : vector<16xi32>
        %bitcast_convert_type3A_930 = tpu.bitcast %shift_left3A_929 : vector<16xi32> -> vector<16xf32>
        %add3A_931 = arith.addf %add3A_914, %bitcast_convert_type3A_930 : vector<16xf32>
        %bitcast_convert_type3A_932 = tpu.bitcast %get3A_926 : vector<16xi32> -> vector<16xf32>
        %add3A_933 = arith.addf %add3A_916, %bitcast_convert_type3A_932 : vector<16xf32>
        %mul3A_934 = arith.constant 16 : i32
        %mul3A_935 = arith.muli %scan3A_187, %mul3A_934 : i32
        %add3A_936 = arith.constant 10 : i32
        %add3A_937 = arith.addi %mul3A_935, %add3A_936 : i32
        %get3A_938 = arith.constant 0 : i32
        %get3A_939 = arith.index_cast %get3A_938 : i32 to index
        %get3A_940 = arith.index_cast %add3A_937 : i32 to index
        %get3A_941 = arith.constant 32 : index
        %get3A_942 = tpu.vector_load %arg6[%get3A_939, %get3A_940, %get3A_941] {strides = array<i32>} : memref<4x128x64xi32, #tpu.memory_space<vmem>>, vector<1x1x16xi32>,
        %get3A_943 = vector.shape_cast %get3A_942 : vector<1x1x16xi32> to vector<16xi32>
        %shift_left3A_944 = arith.constant 16 : i32
        %shift_left3A_945 = vector.broadcast %shift_left3A_944 : i32 to vector<16xi32>
        %shift_left3A_946 = arith.shli %get3A_943, %shift_left3A_945 : vector<16xi32>
        %bitcast_convert_type3A_947 = tpu.bitcast %shift_left3A_946 : vector<16xi32> -> vector<16xf32>
        %add3A_948 = arith.addf %add3A_931, %bitcast_convert_type3A_947 : vector<16xf32>
        %bitcast_convert_type3A_949 = tpu.bitcast %get3A_943 : vector<16xi32> -> vector<16xf32>
        %add3A_950 = arith.addf %add3A_933, %bitcast_convert_type3A_949 : vector<16xf32>
        %mul3A_951 = arith.constant 16 : i32
        %mul3A_952 = arith.muli %scan3A_187, %mul3A_951 : i32
        %add3A_953 = arith.constant 11 : i32
        %add3A_954 = arith.addi %mul3A_952, %add3A_953 : i32
        %get3A_955 = arith.constant 0 : i32
        %get3A_956 = arith.index_cast %get3A_955 : i32 to index
        %get3A_957 = arith.index_cast %add3A_954 : i32 to index
        %get3A_958 = arith.constant 32 : index
        %get3A_959 = tpu.vector_load %arg6[%get3A_956, %get3A_957, %get3A_958] {strides = array<i32>} : memref<4x128x64xi32, #tpu.memory_space<vmem>>, vector<1x1x16xi32>,
        %get3A_960 = vector.shape_cast %get3A_959 : vector<1x1x16xi32> to vector<16xi32>
        %shift_left3A_961 = arith.constant 16 : i32
        %shift_left3A_962 = vector.broadcast %shift_left3A_961 : i32 to vector<16xi32>
        %shift_left3A_963 = arith.shli %get3A_960, %shift_left3A_962 : vector<16xi32>
        %bitcast_convert_type3A_964 = tpu.bitcast %shift_left3A_963 : vector<16xi32> -> vector<16xf32>
        %add3A_965 = arith.addf %add3A_948, %bitcast_convert_type3A_964 : vector<16xf32>
        %bitcast_convert_type3A_966 = tpu.bitcast %get3A_960 : vector<16xi32> -> vector<16xf32>
        %add3A_967 = arith.addf %add3A_950, %bitcast_convert_type3A_966 : vector<16xf32>
        %mul3A_968 = arith.constant 16 : i32
        %mul3A_969 = arith.muli %scan3A_187, %mul3A_968 : i32
        %add3A_970 = arith.constant 12 : i32
        %add3A_971 = arith.addi %mul3A_969, %add3A_970 : i32
        %get3A_972 = arith.constant 0 : i32
        %get3A_973 = arith.index_cast %get3A_972 : i32 to index
        %get3A_974 = arith.index_cast %add3A_971 : i32 to index
        %get3A_975 = arith.constant 32 : index
        %get3A_976 = tpu.vector_load %arg6[%get3A_973, %get3A_974, %get3A_975] {strides = array<i32>} : memref<4x128x64xi32, #tpu.memory_space<vmem>>, vector<1x1x16xi32>,
        %get3A_977 = vector.shape_cast %get3A_976 : vector<1x1x16xi32> to vector<16xi32>
        %shift_left3A_978 = arith.constant 16 : i32
        %shift_left3A_979 = vector.broadcast %shift_left3A_978 : i32 to vector<16xi32>
        %shift_left3A_980 = arith.shli %get3A_977, %shift_left3A_979 : vector<16xi32>
        %bitcast_convert_type3A_981 = tpu.bitcast %shift_left3A_980 : vector<16xi32> -> vector<16xf32>
        %add3A_982 = arith.addf %add3A_965, %bitcast_convert_type3A_981 : vector<16xf32>
        %bitcast_convert_type3A_983 = tpu.bitcast %get3A_977 : vector<16xi32> -> vector<16xf32>
        %add3A_984 = arith.addf %add3A_967, %bitcast_convert_type3A_983 : vector<16xf32>
        %mul3A_985 = arith.constant 16 : i32
        %mul3A_986 = arith.muli %scan3A_187, %mul3A_985 : i32
        %add3A_987 = arith.constant 13 : i32
        %add3A_988 = arith.addi %mul3A_986, %add3A_987 : i32
        %get3A_989 = arith.constant 0 : i32
        %get3A_990 = arith.index_cast %get3A_989 : i32 to index
        %get3A_991 = arith.index_cast %add3A_988 : i32 to index
        %get3A_992 = arith.constant 32 : index
        %get3A_993 = tpu.vector_load %arg6[%get3A_990, %get3A_991, %get3A_992] {strides = array<i32>} : memref<4x128x64xi32, #tpu.memory_space<vmem>>, vector<1x1x16xi32>,
        %get3A_994 = vector.shape_cast %get3A_993 : vector<1x1x16xi32> to vector<16xi32>
        %shift_left3A_995 = arith.constant 16 : i32
        %shift_left3A_996 = vector.broadcast %shift_left3A_995 : i32 to vector<16xi32>
        %shift_left3A_997 = arith.shli %get3A_994, %shift_left3A_996 : vector<16xi32>
        %bitcast_convert_type3A_998 = tpu.bitcast %shift_left3A_997 : vector<16xi32> -> vector<16xf32>
        %add3A_999 = arith.addf %add3A_982, %bitcast_convert_type3A_998 : vector<16xf32>
        %bitcast_convert_type3A_1000 = tpu.bitcast %get3A_994 : vector<16xi32> -> vector<16xf32>
        %add3A_1001 = arith.addf %add3A_984, %bitcast_convert_type3A_1000 : vector<16xf32>
        %mul3A_1002 = arith.constant 16 : i32
        %mul3A_1003 = arith.muli %scan3A_187, %mul3A_1002 : i32
        %add3A_1004 = arith.constant 14 : i32
        %add3A_1005 = arith.addi %mul3A_1003, %add3A_1004 : i32
        %get3A_1006 = arith.constant 0 : i32
        %get3A_1007 = arith.index_cast %get3A_1006 : i32 to index
        %get3A_1008 = arith.index_cast %add3A_1005 : i32 to index
        %get3A_1009 = arith.constant 32 : index
        %get3A_1010 = tpu.vector_load %arg6[%get3A_1007, %get3A_1008, %get3A_1009] {strides = array<i32>} : memref<4x128x64xi32, #tpu.memory_space<vmem>>, vector<1x1x16xi32>,
        %get3A_1011 = vector.shape_cast %get3A_1010 : vector<1x1x16xi32> to vector<16xi32>
        %shift_left3A_1012 = arith.constant 16 : i32
        %shift_left3A_1013 = vector.broadcast %shift_left3A_1012 : i32 to vector<16xi32>
        %shift_left3A_1014 = arith.shli %get3A_1011, %shift_left3A_1013 : vector<16xi32>
        %bitcast_convert_type3A_1015 = tpu.bitcast %shift_left3A_1014 : vector<16xi32> -> vector<16xf32>
        %add3A_1016 = arith.addf %add3A_999, %bitcast_convert_type3A_1015 : vector<16xf32>
        %bitcast_convert_type3A_1017 = tpu.bitcast %get3A_1011 : vector<16xi32> -> vector<16xf32>
        %add3A_1018 = arith.addf %add3A_1001, %bitcast_convert_type3A_1017 : vector<16xf32>
        %mul3A_1019 = arith.constant 16 : i32
        %mul3A_1020 = arith.muli %scan3A_187, %mul3A_1019 : i32
        %add3A_1021 = arith.constant 15 : i32
        %add3A_1022 = arith.addi %mul3A_1020, %add3A_1021 : i32
        %get3A_1023 = arith.constant 0 : i32
        %get3A_1024 = arith.index_cast %get3A_1023 : i32 to index
        %get3A_1025 = arith.index_cast %add3A_1022 : i32 to index
        %get3A_1026 = arith.constant 32 : index
        %get3A_1027 = tpu.vector_load %arg6[%get3A_1024, %get3A_1025, %get3A_1026] {strides = array<i32>} : memref<4x128x64xi32, #tpu.memory_space<vmem>>, vector<1x1x16xi32>,
        %get3A_1028 = vector.shape_cast %get3A_1027 : vector<1x1x16xi32> to vector<16xi32>
        %shift_left3A_1029 = arith.constant 16 : i32
        %shift_left3A_1030 = vector.broadcast %shift_left3A_1029 : i32 to vector<16xi32>
        %shift_left3A_1031 = arith.shli %get3A_1028, %shift_left3A_1030 : vector<16xi32>
        %bitcast_convert_type3A_1032 = tpu.bitcast %shift_left3A_1031 : vector<16xi32> -> vector<16xf32>
        %add3A_1033 = arith.addf %add3A_1016, %bitcast_convert_type3A_1032 : vector<16xf32>
        %bitcast_convert_type3A_1034 = tpu.bitcast %get3A_1028 : vector<16xi32> -> vector<16xf32>
        %add3A_1035 = arith.addf %add3A_1018, %bitcast_convert_type3A_1034 : vector<16xf32>
        %add3A_1036 = arith.constant 0 : i32
        %add3A_1037 = arith.addi %add3A_1036, %scan3A_187 : i32
        %mul3A_1038 = arith.constant 128 : i32
        %mul3A_1039 = arith.muli %add3A_1037, %mul3A_1038 : i32
        %mul3A_1040 = arith.constant 6.250000e-02 : f32
        %mul3A_1041 = vector.broadcast %mul3A_1040 : f32 to vector<16xf32>
        %mul3A_1042 = arith.mulf %add3A_1033, %mul3A_1041 : vector<16xf32>
        %add3A_1043 = arith.constant 64 : i32
        %add3A_1044 = arith.addi %mul3A_1039, %add3A_1043 : i32
        %swap3A_1045 = arith.index_cast %add3A_1044 : i32 to index
        %swap3A_1046 = tpu.vector_load %arg7[%swap3A_1045] {strides = array<i32>} : memref<4096xf32, #tpu.memory_space<vmem>>, vector<16xf32>,
        %swap3A_1047 = vector.shape_cast %swap3A_1046 : vector<16xf32> to vector<16xf32>
        %swap3A_1048 = vector.shape_cast %mul3A_1042 : vector<16xf32> to vector<16xf32>
        tpu.vector_store %arg7[%swap3A_1045], %swap3A_1048 {strides = array<i32>} : memref<4096xf32, #tpu.memory_space<vmem>>, vector<16xf32>,
        %mul3A_1049 = arith.constant 6.250000e-02 : f32
        %mul3A_1050 = vector.broadcast %mul3A_1049 : f32 to vector<16xf32>
        %mul3A_1051 = arith.mulf %add3A_1035, %mul3A_1050 : vector<16xf32>
        %add3A_1052 = arith.constant 64 : i32
        %add3A_1053 = arith.addi %mul3A_1039, %add3A_1052 : i32
        %add3A_1054 = arith.constant 16 : i32
        %add3A_1055 = arith.addi %add3A_1053, %add3A_1054 : i32
        %swap3A_1056 = arith.index_cast %add3A_1055 : i32 to index
        %swap3A_1057 = tpu.vector_load %arg7[%swap3A_1056] {strides = array<i32>} : memref<4096xf32, #tpu.memory_space<vmem>>, vector<16xf32>,
        %swap3A_1058 = vector.shape_cast %swap3A_1057 : vector<16xf32> to vector<16xf32>
        %swap3A_1059 = vector.shape_cast %mul3A_1051 : vector<16xf32> to vector<16xf32>
        tpu.vector_store %arg7[%swap3A_1056], %swap3A_1059 {strides = array<i32>} : memref<4096xf32, #tpu.memory_space<vmem>>, vector<16xf32>,
        %mul3A_1060 = arith.constant 16 : i32
        %mul3A_1061 = arith.muli %scan3A_187, %mul3A_1060 : i32
        %get3A_1062 = arith.constant 0 : i32
        %get3A_1063 = arith.index_cast %get3A_1062 : i32 to index
        %get3A_1064 = arith.index_cast %mul3A_1061 : i32 to index
        %get3A_1065 = arith.constant 48 : index
        %get3A_1066 = tpu.vector_load %arg6[%get3A_1063, %get3A_1064, %get3A_1065] {strides = array<i32>} : memref<4x128x64xi32, #tpu.memory_space<vmem>>, vector<1x1x16xi32>,
        %get3A_1067 = vector.shape_cast %get3A_1066 : vector<1x1x16xi32> to vector<16xi32>
        %shift_left3A_1068 = arith.constant 16 : i32
        %shift_left3A_1069 = vector.broadcast %shift_left3A_1068 : i32 to vector<16xi32>
        %shift_left3A_1070 = arith.shli %get3A_1067, %shift_left3A_1069 : vector<16xi32>
        %bitcast_convert_type3A_1071 = tpu.bitcast %shift_left3A_1070 : vector<16xi32> -> vector<16xf32>
        %bitcast_convert_type3A_1072 = tpu.bitcast %get3A_1067 : vector<16xi32> -> vector<16xf32>
        %mul3A_1073 = arith.constant 16 : i32
        %mul3A_1074 = arith.muli %scan3A_187, %mul3A_1073 : i32
        %add3A_1075 = arith.constant 1 : i32
        %add3A_1076 = arith.addi %mul3A_1074, %add3A_1075 : i32
        %get3A_1077 = arith.constant 0 : i32
        %get3A_1078 = arith.index_cast %get3A_1077 : i32 to index
        %get3A_1079 = arith.index_cast %add3A_1076 : i32 to index
        %get3A_1080 = arith.constant 48 : index
        %get3A_1081 = tpu.vector_load %arg6[%get3A_1078, %get3A_1079, %get3A_1080] {strides = array<i32>} : memref<4x128x64xi32, #tpu.memory_space<vmem>>, vector<1x1x16xi32>,
        %get3A_1082 = vector.shape_cast %get3A_1081 : vector<1x1x16xi32> to vector<16xi32>
        %shift_left3A_1083 = arith.constant 16 : i32
        %shift_left3A_1084 = vector.broadcast %shift_left3A_1083 : i32 to vector<16xi32>
        %shift_left3A_1085 = arith.shli %get3A_1082, %shift_left3A_1084 : vector<16xi32>
        %bitcast_convert_type3A_1086 = tpu.bitcast %shift_left3A_1085 : vector<16xi32> -> vector<16xf32>
        %add3A_1087 = arith.addf %bitcast_convert_type3A_1071, %bitcast_convert_type3A_1086 : vector<16xf32>
        %bitcast_convert_type3A_1088 = tpu.bitcast %get3A_1082 : vector<16xi32> -> vector<16xf32>
        %add3A_1089 = arith.addf %bitcast_convert_type3A_1072, %bitcast_convert_type3A_1088 : vector<16xf32>
        %mul3A_1090 = arith.constant 16 : i32
        %mul3A_1091 = arith.muli %scan3A_187, %mul3A_1090 : i32
        %add3A_1092 = arith.constant 2 : i32
        %add3A_1093 = arith.addi %mul3A_1091, %add3A_1092 : i32
        %get3A_1094 = arith.constant 0 : i32
        %get3A_1095 = arith.index_cast %get3A_1094 : i32 to index
        %get3A_1096 = arith.index_cast %add3A_1093 : i32 to index
        %get3A_1097 = arith.constant 48 : index
        %get3A_1098 = tpu.vector_load %arg6[%get3A_1095, %get3A_1096, %get3A_1097] {strides = array<i32>} : memref<4x128x64xi32, #tpu.memory_space<vmem>>, vector<1x1x16xi32>,
        %get3A_1099 = vector.shape_cast %get3A_1098 : vector<1x1x16xi32> to vector<16xi32>
        %shift_left3A_1100 = arith.constant 16 : i32
        %shift_left3A_1101 = vector.broadcast %shift_left3A_1100 : i32 to vector<16xi32>
        %shift_left3A_1102 = arith.shli %get3A_1099, %shift_left3A_1101 : vector<16xi32>
        %bitcast_convert_type3A_1103 = tpu.bitcast %shift_left3A_1102 : vector<16xi32> -> vector<16xf32>
        %add3A_1104 = arith.addf %add3A_1087, %bitcast_convert_type3A_1103 : vector<16xf32>
        %bitcast_convert_type3A_1105 = tpu.bitcast %get3A_1099 : vector<16xi32> -> vector<16xf32>
        %add3A_1106 = arith.addf %add3A_1089, %bitcast_convert_type3A_1105 : vector<16xf32>
        %mul3A_1107 = arith.constant 16 : i32
        %mul3A_1108 = arith.muli %scan3A_187, %mul3A_1107 : i32
        %add3A_1109 = arith.constant 3 : i32
        %add3A_1110 = arith.addi %mul3A_1108, %add3A_1109 : i32
        %get3A_1111 = arith.constant 0 : i32
        %get3A_1112 = arith.index_cast %get3A_1111 : i32 to index
        %get3A_1113 = arith.index_cast %add3A_1110 : i32 to index
        %get3A_1114 = arith.constant 48 : index
        %get3A_1115 = tpu.vector_load %arg6[%get3A_1112, %get3A_1113, %get3A_1114] {strides = array<i32>} : memref<4x128x64xi32, #tpu.memory_space<vmem>>, vector<1x1x16xi32>,
        %get3A_1116 = vector.shape_cast %get3A_1115 : vector<1x1x16xi32> to vector<16xi32>
        %shift_left3A_1117 = arith.constant 16 : i32
        %shift_left3A_1118 = vector.broadcast %shift_left3A_1117 : i32 to vector<16xi32>
        %shift_left3A_1119 = arith.shli %get3A_1116, %shift_left3A_1118 : vector<16xi32>
        %bitcast_convert_type3A_1120 = tpu.bitcast %shift_left3A_1119 : vector<16xi32> -> vector<16xf32>
        %add3A_1121 = arith.addf %add3A_1104, %bitcast_convert_type3A_1120 : vector<16xf32>
        %bitcast_convert_type3A_1122 = tpu.bitcast %get3A_1116 : vector<16xi32> -> vector<16xf32>
        %add3A_1123 = arith.addf %add3A_1106, %bitcast_convert_type3A_1122 : vector<16xf32>
        %mul3A_1124 = arith.constant 16 : i32
        %mul3A_1125 = arith.muli %scan3A_187, %mul3A_1124 : i32
        %add3A_1126 = arith.constant 4 : i32
        %add3A_1127 = arith.addi %mul3A_1125, %add3A_1126 : i32
        %get3A_1128 = arith.constant 0 : i32
        %get3A_1129 = arith.index_cast %get3A_1128 : i32 to index
        %get3A_1130 = arith.index_cast %add3A_1127 : i32 to index
        %get3A_1131 = arith.constant 48 : index
        %get3A_1132 = tpu.vector_load %arg6[%get3A_1129, %get3A_1130, %get3A_1131] {strides = array<i32>} : memref<4x128x64xi32, #tpu.memory_space<vmem>>, vector<1x1x16xi32>,
        %get3A_1133 = vector.shape_cast %get3A_1132 : vector<1x1x16xi32> to vector<16xi32>
        %shift_left3A_1134 = arith.constant 16 : i32
        %shift_left3A_1135 = vector.broadcast %shift_left3A_1134 : i32 to vector<16xi32>
        %shift_left3A_1136 = arith.shli %get3A_1133, %shift_left3A_1135 : vector<16xi32>
        %bitcast_convert_type3A_1137 = tpu.bitcast %shift_left3A_1136 : vector<16xi32> -> vector<16xf32>
        %add3A_1138 = arith.addf %add3A_1121, %bitcast_convert_type3A_1137 : vector<16xf32>
        %bitcast_convert_type3A_1139 = tpu.bitcast %get3A_1133 : vector<16xi32> -> vector<16xf32>
        %add3A_1140 = arith.addf %add3A_1123, %bitcast_convert_type3A_1139 : vector<16xf32>
        %mul3A_1141 = arith.constant 16 : i32
        %mul3A_1142 = arith.muli %scan3A_187, %mul3A_1141 : i32
        %add3A_1143 = arith.constant 5 : i32
        %add3A_1144 = arith.addi %mul3A_1142, %add3A_1143 : i32
        %get3A_1145 = arith.constant 0 : i32
        %get3A_1146 = arith.index_cast %get3A_1145 : i32 to index
        %get3A_1147 = arith.index_cast %add3A_1144 : i32 to index
        %get3A_1148 = arith.constant 48 : index
        %get3A_1149 = tpu.vector_load %arg6[%get3A_1146, %get3A_1147, %get3A_1148] {strides = array<i32>} : memref<4x128x64xi32, #tpu.memory_space<vmem>>, vector<1x1x16xi32>,
        %get3A_1150 = vector.shape_cast %get3A_1149 : vector<1x1x16xi32> to vector<16xi32>
        %shift_left3A_1151 = arith.constant 16 : i32
        %shift_left3A_1152 = vector.broadcast %shift_left3A_1151 : i32 to vector<16xi32>
        %shift_left3A_1153 = arith.shli %get3A_1150, %shift_left3A_1152 : vector<16xi32>
        %bitcast_convert_type3A_1154 = tpu.bitcast %shift_left3A_1153 : vector<16xi32> -> vector<16xf32>
        %add3A_1155 = arith.addf %add3A_1138, %bitcast_convert_type3A_1154 : vector<16xf32>
        %bitcast_convert_type3A_1156 = tpu.bitcast %get3A_1150 : vector<16xi32> -> vector<16xf32>
        %add3A_1157 = arith.addf %add3A_1140, %bitcast_convert_type3A_1156 : vector<16xf32>
        %mul3A_1158 = arith.constant 16 : i32
        %mul3A_1159 = arith.muli %scan3A_187, %mul3A_1158 : i32
        %add3A_1160 = arith.constant 6 : i32
        %add3A_1161 = arith.addi %mul3A_1159, %add3A_1160 : i32
        %get3A_1162 = arith.constant 0 : i32
        %get3A_1163 = arith.index_cast %get3A_1162 : i32 to index
        %get3A_1164 = arith.index_cast %add3A_1161 : i32 to index
        %get3A_1165 = arith.constant 48 : index
        %get3A_1166 = tpu.vector_load %arg6[%get3A_1163, %get3A_1164, %get3A_1165] {strides = array<i32>} : memref<4x128x64xi32, #tpu.memory_space<vmem>>, vector<1x1x16xi32>,
        %get3A_1167 = vector.shape_cast %get3A_1166 : vector<1x1x16xi32> to vector<16xi32>
        %shift_left3A_1168 = arith.constant 16 : i32
        %shift_left3A_1169 = vector.broadcast %shift_left3A_1168 : i32 to vector<16xi32>
        %shift_left3A_1170 = arith.shli %get3A_1167, %shift_left3A_1169 : vector<16xi32>
        %bitcast_convert_type3A_1171 = tpu.bitcast %shift_left3A_1170 : vector<16xi32> -> vector<16xf32>
        %add3A_1172 = arith.addf %add3A_1155, %bitcast_convert_type3A_1171 : vector<16xf32>
        %bitcast_convert_type3A_1173 = tpu.bitcast %get3A_1167 : vector<16xi32> -> vector<16xf32>
        %add3A_1174 = arith.addf %add3A_1157, %bitcast_convert_type3A_1173 : vector<16xf32>
        %mul3A_1175 = arith.constant 16 : i32
        %mul3A_1176 = arith.muli %scan3A_187, %mul3A_1175 : i32
        %add3A_1177 = arith.constant 7 : i32
        %add3A_1178 = arith.addi %mul3A_1176, %add3A_1177 : i32
        %get3A_1179 = arith.constant 0 : i32
        %get3A_1180 = arith.index_cast %get3A_1179 : i32 to index
        %get3A_1181 = arith.index_cast %add3A_1178 : i32 to index
        %get3A_1182 = arith.constant 48 : index
        %get3A_1183 = tpu.vector_load %arg6[%get3A_1180, %get3A_1181, %get3A_1182] {strides = array<i32>} : memref<4x128x64xi32, #tpu.memory_space<vmem>>, vector<1x1x16xi32>,
        %get3A_1184 = vector.shape_cast %get3A_1183 : vector<1x1x16xi32> to vector<16xi32>
        %shift_left3A_1185 = arith.constant 16 : i32
        %shift_left3A_1186 = vector.broadcast %shift_left3A_1185 : i32 to vector<16xi32>
        %shift_left3A_1187 = arith.shli %get3A_1184, %shift_left3A_1186 : vector<16xi32>
        %bitcast_convert_type3A_1188 = tpu.bitcast %shift_left3A_1187 : vector<16xi32> -> vector<16xf32>
        %add3A_1189 = arith.addf %add3A_1172, %bitcast_convert_type3A_1188 : vector<16xf32>
        %bitcast_convert_type3A_1190 = tpu.bitcast %get3A_1184 : vector<16xi32> -> vector<16xf32>
        %add3A_1191 = arith.addf %add3A_1174, %bitcast_convert_type3A_1190 : vector<16xf32>
        %mul3A_1192 = arith.constant 16 : i32
        %mul3A_1193 = arith.muli %scan3A_187, %mul3A_1192 : i32
        %add3A_1194 = arith.constant 8 : i32
        %add3A_1195 = arith.addi %mul3A_1193, %add3A_1194 : i32
        %get3A_1196 = arith.constant 0 : i32
        %get3A_1197 = arith.index_cast %get3A_1196 : i32 to index
        %get3A_1198 = arith.index_cast %add3A_1195 : i32 to index
        %get3A_1199 = arith.constant 48 : index
        %get3A_1200 = tpu.vector_load %arg6[%get3A_1197, %get3A_1198, %get3A_1199] {strides = array<i32>} : memref<4x128x64xi32, #tpu.memory_space<vmem>>, vector<1x1x16xi32>,
        %get3A_1201 = vector.shape_cast %get3A_1200 : vector<1x1x16xi32> to vector<16xi32>
        %shift_left3A_1202 = arith.constant 16 : i32
        %shift_left3A_1203 = vector.broadcast %shift_left3A_1202 : i32 to vector<16xi32>
        %shift_left3A_1204 = arith.shli %get3A_1201, %shift_left3A_1203 : vector<16xi32>
        %bitcast_convert_type3A_1205 = tpu.bitcast %shift_left3A_1204 : vector<16xi32> -> vector<16xf32>
        %add3A_1206 = arith.addf %add3A_1189, %bitcast_convert_type3A_1205 : vector<16xf32>
        %bitcast_convert_type3A_1207 = tpu.bitcast %get3A_1201 : vector<16xi32> -> vector<16xf32>
        %add3A_1208 = arith.addf %add3A_1191, %bitcast_convert_type3A_1207 : vector<16xf32>
        %mul3A_1209 = arith.constant 16 : i32
        %mul3A_1210 = arith.muli %scan3A_187, %mul3A_1209 : i32
        %add3A_1211 = arith.constant 9 : i32
        %add3A_1212 = arith.addi %mul3A_1210, %add3A_1211 : i32
        %get3A_1213 = arith.constant 0 : i32
        %get3A_1214 = arith.index_cast %get3A_1213 : i32 to index
        %get3A_1215 = arith.index_cast %add3A_1212 : i32 to index
        %get3A_1216 = arith.constant 48 : index
        %get3A_1217 = tpu.vector_load %arg6[%get3A_1214, %get3A_1215, %get3A_1216] {strides = array<i32>} : memref<4x128x64xi32, #tpu.memory_space<vmem>>, vector<1x1x16xi32>,
        %get3A_1218 = vector.shape_cast %get3A_1217 : vector<1x1x16xi32> to vector<16xi32>
        %shift_left3A_1219 = arith.constant 16 : i32
        %shift_left3A_1220 = vector.broadcast %shift_left3A_1219 : i32 to vector<16xi32>
        %shift_left3A_1221 = arith.shli %get3A_1218, %shift_left3A_1220 : vector<16xi32>
        %bitcast_convert_type3A_1222 = tpu.bitcast %shift_left3A_1221 : vector<16xi32> -> vector<16xf32>
        %add3A_1223 = arith.addf %add3A_1206, %bitcast_convert_type3A_1222 : vector<16xf32>
        %bitcast_convert_type3A_1224 = tpu.bitcast %get3A_1218 : vector<16xi32> -> vector<16xf32>
        %add3A_1225 = arith.addf %add3A_1208, %bitcast_convert_type3A_1224 : vector<16xf32>
        %mul3A_1226 = arith.constant 16 : i32
        %mul3A_1227 = arith.muli %scan3A_187, %mul3A_1226 : i32
        %add3A_1228 = arith.constant 10 : i32
        %add3A_1229 = arith.addi %mul3A_1227, %add3A_1228 : i32
        %get3A_1230 = arith.constant 0 : i32
        %get3A_1231 = arith.index_cast %get3A_1230 : i32 to index
        %get3A_1232 = arith.index_cast %add3A_1229 : i32 to index
        %get3A_1233 = arith.constant 48 : index
        %get3A_1234 = tpu.vector_load %arg6[%get3A_1231, %get3A_1232, %get3A_1233] {strides = array<i32>} : memref<4x128x64xi32, #tpu.memory_space<vmem>>, vector<1x1x16xi32>,
        %get3A_1235 = vector.shape_cast %get3A_1234 : vector<1x1x16xi32> to vector<16xi32>
        %shift_left3A_1236 = arith.constant 16 : i32
        %shift_left3A_1237 = vector.broadcast %shift_left3A_1236 : i32 to vector<16xi32>
        %shift_left3A_1238 = arith.shli %get3A_1235, %shift_left3A_1237 : vector<16xi32>
        %bitcast_convert_type3A_1239 = tpu.bitcast %shift_left3A_1238 : vector<16xi32> -> vector<16xf32>
        %add3A_1240 = arith.addf %add3A_1223, %bitcast_convert_type3A_1239 : vector<16xf32>
        %bitcast_convert_type3A_1241 = tpu.bitcast %get3A_1235 : vector<16xi32> -> vector<16xf32>
        %add3A_1242 = arith.addf %add3A_1225, %bitcast_convert_type3A_1241 : vector<16xf32>
        %mul3A_1243 = arith.constant 16 : i32
        %mul3A_1244 = arith.muli %scan3A_187, %mul3A_1243 : i32
        %add3A_1245 = arith.constant 11 : i32
        %add3A_1246 = arith.addi %mul3A_1244, %add3A_1245 : i32
        %get3A_1247 = arith.constant 0 : i32
        %get3A_1248 = arith.index_cast %get3A_1247 : i32 to index
        %get3A_1249 = arith.index_cast %add3A_1246 : i32 to index
        %get3A_1250 = arith.constant 48 : index
        %get3A_1251 = tpu.vector_load %arg6[%get3A_1248, %get3A_1249, %get3A_1250] {strides = array<i32>} : memref<4x128x64xi32, #tpu.memory_space<vmem>>, vector<1x1x16xi32>,
        %get3A_1252 = vector.shape_cast %get3A_1251 : vector<1x1x16xi32> to vector<16xi32>
        %shift_left3A_1253 = arith.constant 16 : i32
        %shift_left3A_1254 = vector.broadcast %shift_left3A_1253 : i32 to vector<16xi32>
        %shift_left3A_1255 = arith.shli %get3A_1252, %shift_left3A_1254 : vector<16xi32>
        %bitcast_convert_type3A_1256 = tpu.bitcast %shift_left3A_1255 : vector<16xi32> -> vector<16xf32>
        %add3A_1257 = arith.addf %add3A_1240, %bitcast_convert_type3A_1256 : vector<16xf32>
        %bitcast_convert_type3A_1258 = tpu.bitcast %get3A_1252 : vector<16xi32> -> vector<16xf32>
        %add3A_1259 = arith.addf %add3A_1242, %bitcast_convert_type3A_1258 : vector<16xf32>
        %mul3A_1260 = arith.constant 16 : i32
        %mul3A_1261 = arith.muli %scan3A_187, %mul3A_1260 : i32
        %add3A_1262 = arith.constant 12 : i32
        %add3A_1263 = arith.addi %mul3A_1261, %add3A_1262 : i32
        %get3A_1264 = arith.constant 0 : i32
        %get3A_1265 = arith.index_cast %get3A_1264 : i32 to index
        %get3A_1266 = arith.index_cast %add3A_1263 : i32 to index
        %get3A_1267 = arith.constant 48 : index
        %get3A_1268 = tpu.vector_load %arg6[%get3A_1265, %get3A_1266, %get3A_1267] {strides = array<i32>} : memref<4x128x64xi32, #tpu.memory_space<vmem>>, vector<1x1x16xi32>,
        %get3A_1269 = vector.shape_cast %get3A_1268 : vector<1x1x16xi32> to vector<16xi32>
        %shift_left3A_1270 = arith.constant 16 : i32
        %shift_left3A_1271 = vector.broadcast %shift_left3A_1270 : i32 to vector<16xi32>
        %shift_left3A_1272 = arith.shli %get3A_1269, %shift_left3A_1271 : vector<16xi32>
        %bitcast_convert_type3A_1273 = tpu.bitcast %shift_left3A_1272 : vector<16xi32> -> vector<16xf32>
        %add3A_1274 = arith.addf %add3A_1257, %bitcast_convert_type3A_1273 : vector<16xf32>
        %bitcast_convert_type3A_1275 = tpu.bitcast %get3A_1269 : vector<16xi32> -> vector<16xf32>
        %add3A_1276 = arith.addf %add3A_1259, %bitcast_convert_type3A_1275 : vector<16xf32>
        %mul3A_1277 = arith.constant 16 : i32
        %mul3A_1278 = arith.muli %scan3A_187, %mul3A_1277 : i32
        %add3A_1279 = arith.constant 13 : i32
        %add3A_1280 = arith.addi %mul3A_1278, %add3A_1279 : i32
        %get3A_1281 = arith.constant 0 : i32
        %get3A_1282 = arith.index_cast %get3A_1281 : i32 to index
        %get3A_1283 = arith.index_cast %add3A_1280 : i32 to index
        %get3A_1284 = arith.constant 48 : index
        %get3A_1285 = tpu.vector_load %arg6[%get3A_1282, %get3A_1283, %get3A_1284] {strides = array<i32>} : memref<4x128x64xi32, #tpu.memory_space<vmem>>, vector<1x1x16xi32>,
        %get3A_1286 = vector.shape_cast %get3A_1285 : vector<1x1x16xi32> to vector<16xi32>
        %shift_left3A_1287 = arith.constant 16 : i32
        %shift_left3A_1288 = vector.broadcast %shift_left3A_1287 : i32 to vector<16xi32>
        %shift_left3A_1289 = arith.shli %get3A_1286, %shift_left3A_1288 : vector<16xi32>
        %bitcast_convert_type3A_1290 = tpu.bitcast %shift_left3A_1289 : vector<16xi32> -> vector<16xf32>
        %add3A_1291 = arith.addf %add3A_1274, %bitcast_convert_type3A_1290 : vector<16xf32>
        %bitcast_convert_type3A_1292 = tpu.bitcast %get3A_1286 : vector<16xi32> -> vector<16xf32>
        %add3A_1293 = arith.addf %add3A_1276, %bitcast_convert_type3A_1292 : vector<16xf32>
        %mul3A_1294 = arith.constant 16 : i32
        %mul3A_1295 = arith.muli %scan3A_187, %mul3A_1294 : i32
        %add3A_1296 = arith.constant 14 : i32
        %add3A_1297 = arith.addi %mul3A_1295, %add3A_1296 : i32
        %get3A_1298 = arith.constant 0 : i32
        %get3A_1299 = arith.index_cast %get3A_1298 : i32 to index
        %get3A_1300 = arith.index_cast %add3A_1297 : i32 to index
        %get3A_1301 = arith.constant 48 : index
        %get3A_1302 = tpu.vector_load %arg6[%get3A_1299, %get3A_1300, %get3A_1301] {strides = array<i32>} : memref<4x128x64xi32, #tpu.memory_space<vmem>>, vector<1x1x16xi32>,
        %get3A_1303 = vector.shape_cast %get3A_1302 : vector<1x1x16xi32> to vector<16xi32>
        %shift_left3A_1304 = arith.constant 16 : i32
        %shift_left3A_1305 = vector.broadcast %shift_left3A_1304 : i32 to vector<16xi32>
        %shift_left3A_1306 = arith.shli %get3A_1303, %shift_left3A_1305 : vector<16xi32>
        %bitcast_convert_type3A_1307 = tpu.bitcast %shift_left3A_1306 : vector<16xi32> -> vector<16xf32>
        %add3A_1308 = arith.addf %add3A_1291, %bitcast_convert_type3A_1307 : vector<16xf32>
        %bitcast_convert_type3A_1309 = tpu.bitcast %get3A_1303 : vector<16xi32> -> vector<16xf32>
        %add3A_1310 = arith.addf %add3A_1293, %bitcast_convert_type3A_1309 : vector<16xf32>
        %mul3A_1311 = arith.constant 16 : i32
        %mul3A_1312 = arith.muli %scan3A_187, %mul3A_1311 : i32
        %add3A_1313 = arith.constant 15 : i32
        %add3A_1314 = arith.addi %mul3A_1312, %add3A_1313 : i32
        %get3A_1315 = arith.constant 0 : i32
        %get3A_1316 = arith.index_cast %get3A_1315 : i32 to index
        %get3A_1317 = arith.index_cast %add3A_1314 : i32 to index
        %get3A_1318 = arith.constant 48 : index
        %get3A_1319 = tpu.vector_load %arg6[%get3A_1316, %get3A_1317, %get3A_1318] {strides = array<i32>} : memref<4x128x64xi32, #tpu.memory_space<vmem>>, vector<1x1x16xi32>,
        %get3A_1320 = vector.shape_cast %get3A_1319 : vector<1x1x16xi32> to vector<16xi32>
        %shift_left3A_1321 = arith.constant 16 : i32
        %shift_left3A_1322 = vector.broadcast %shift_left3A_1321 : i32 to vector<16xi32>
        %shift_left3A_1323 = arith.shli %get3A_1320, %shift_left3A_1322 : vector<16xi32>
        %bitcast_convert_type3A_1324 = tpu.bitcast %shift_left3A_1323 : vector<16xi32> -> vector<16xf32>
        %add3A_1325 = arith.addf %add3A_1308, %bitcast_convert_type3A_1324 : vector<16xf32>
        %bitcast_convert_type3A_1326 = tpu.bitcast %get3A_1320 : vector<16xi32> -> vector<16xf32>
        %add3A_1327 = arith.addf %add3A_1310, %bitcast_convert_type3A_1326 : vector<16xf32>
        %add3A_1328 = arith.constant 0 : i32
        %add3A_1329 = arith.addi %add3A_1328, %scan3A_187 : i32
        %mul3A_1330 = arith.constant 128 : i32
        %mul3A_1331 = arith.muli %add3A_1329, %mul3A_1330 : i32
        %mul3A_1332 = arith.constant 6.250000e-02 : f32
        %mul3A_1333 = vector.broadcast %mul3A_1332 : f32 to vector<16xf32>
        %mul3A_1334 = arith.mulf %add3A_1325, %mul3A_1333 : vector<16xf32>
        %add3A_1335 = arith.constant 96 : i32
        %add3A_1336 = arith.addi %mul3A_1331, %add3A_1335 : i32
        %swap3A_1337 = arith.index_cast %add3A_1336 : i32 to index
        %swap3A_1338 = tpu.vector_load %arg7[%swap3A_1337] {strides = array<i32>} : memref<4096xf32, #tpu.memory_space<vmem>>, vector<16xf32>,
        %swap3A_1339 = vector.shape_cast %swap3A_1338 : vector<16xf32> to vector<16xf32>
        %swap3A_1340 = vector.shape_cast %mul3A_1334 : vector<16xf32> to vector<16xf32>
        tpu.vector_store %arg7[%swap3A_1337], %swap3A_1340 {strides = array<i32>} : memref<4096xf32, #tpu.memory_space<vmem>>, vector<16xf32>,
        %mul3A_1341 = arith.constant 6.250000e-02 : f32
        %mul3A_1342 = vector.broadcast %mul3A_1341 : f32 to vector<16xf32>
        %mul3A_1343 = arith.mulf %add3A_1327, %mul3A_1342 : vector<16xf32>
        %add3A_1344 = arith.constant 96 : i32
        %add3A_1345 = arith.addi %mul3A_1331, %add3A_1344 : i32
        %add3A_1346 = arith.constant 16 : i32
        %add3A_1347 = arith.addi %add3A_1345, %add3A_1346 : i32
        %swap3A_1348 = arith.index_cast %add3A_1347 : i32 to index
        %swap3A_1349 = tpu.vector_load %arg7[%swap3A_1348] {strides = array<i32>} : memref<4096xf32, #tpu.memory_space<vmem>>, vector<16xf32>,
        %swap3A_1350 = vector.shape_cast %swap3A_1349 : vector<16xf32> to vector<16xf32>
        %swap3A_1351 = vector.shape_cast %mul3A_1343 : vector<16xf32> to vector<16xf32>
        tpu.vector_store %arg7[%swap3A_1348], %swap3A_1351 {strides = array<i32>} : memref<4096xf32, #tpu.memory_space<vmem>>, vector<16xf32>,
      }
      %scan3A_96 = arith.constant 8 : i32
      %add3A_97 = arith.constant 4 : i32
      %add3A_98 = arith.addi %add3A_79, %add3A_97 : i32
      %lt3A = arith.constant 160 : i32
      %lt3A_99 = arith.cmpi slt, %add3A_98, %lt3A : i32
      %convert_element_type3A = arith.extui %lt3A_99 : i1 to i32
      %cond3A = arith.constant 0 : i32
      %cond3A_100 = arith.cmpi ne, %convert_element_type3A, %cond3A : i32
      scf.if %cond3A_100 {
        %mul3A_187 = arith.constant 128 : i32
        %mul3A_188 = arith.muli %add3A_98, %mul3A_187 : i32
        %dma_start3A_189 = arith.constant 0 : i32
        %dma_start3A_190 = arith.constant 0 : i32
        %dma_start3A_191 = arith.constant 0 : i32
        %dma_start3A_192 = tpu.memref_slice %arg6[%dma_start3A_189, %dma_start3A_190, %dma_start3A_191] : memref<4x128x64xi32, #tpu.memory_space<vmem>> -> memref<1x128x64xi32, #tpu.memory_space<vmem>>
        %dma_start3A_193 = tpu.memref_squeeze %dma_start3A_192 : memref<1x128x64xi32, #tpu.memory_space<vmem>> -> memref<128x64xi32, #tpu.memory_space<vmem>>
        %dma_start3A_194 = tpu.memref_slice %arg5[%mul3A_188] : memref<20480xi32, #tpu.memory_space<vmem>> -> memref<128xi32, #tpu.memory_space<vmem>>
        %dma_start3A_195 = arith.constant 0 : i32
        %dma_start3A_196 = tpu.memref_slice %arg2[%mul3A_20, %dma_start3A_195] : memref<40960x64xi32, #tpu.memory_space<hbm>> -> memref<10240x64xi32, #tpu.memory_space<hbm>>
        %dma_start3A_197 = arith.constant 0 : i32
        %dma_start3A_198 = arith.constant 0 : i32
        %dma_start3A_199 = tpu.memref_slice %dma_start3A_196[%dma_start3A_197, %dma_start3A_198] : memref<10240x64xi32, #tpu.memory_space<hbm>> -> memref<10240x64xi32, #tpu.memory_space<hbm>>
        tpu.enqueue_indirect_dma source(%dma_start3A_199 : memref<10240x64xi32, #tpu.memory_space<hbm>>) target(%dma_start3A_193 : memref<128x64xi32, #tpu.memory_space<vmem>>) offsets(%dma_start3A_194 : memref<128xi32, #tpu.memory_space<vmem>>) semaphore(%arg8 : memref<!tpu.dma_semaphore, #tpu.memory_space<semaphore_mem>>)
      } else {
      }
      %add3A_101 = arith.constant 1 : i32
      %add3A_102 = arith.addi %mul3A_77, %add3A_101 : i32
      %dma_wait3A_103 = arith.constant 1 : i32
      %dma_wait3A_104 = arith.constant 0 : i32
      %dma_wait3A_105 = arith.constant 0 : i32
      %dma_wait3A_106 = tpu.memref_slice %arg6[%dma_wait3A_103, %dma_wait3A_104, %dma_wait3A_105] : memref<4x128x64xi32, #tpu.memory_space<vmem>> -> memref<1x128x64xi32, #tpu.memory_space<vmem>>
      %dma_wait3A_107 = tpu.memref_squeeze %dma_wait3A_106 : memref<1x128x64xi32, #tpu.memory_space<vmem>> -> memref<128x64xi32, #tpu.memory_space<vmem>>
      %dma_wait3A_108 = arith.constant 0 : i32
      %dma_wait3A_109 = tpu.memref_slice %arg5[%dma_wait3A_108] : memref<20480xi32, #tpu.memory_space<vmem>> -> memref<128xi32, #tpu.memory_space<vmem>>
      %dma_wait3A_110 = arith.constant 0 : i32
      %dma_wait3A_111 = tpu.memref_slice %arg2[%mul3A_20, %dma_wait3A_110] : memref<40960x64xi32, #tpu.memory_space<hbm>> -> memref<10240x64xi32, #tpu.memory_space<hbm>>
      %dma_wait3A_112 = arith.constant 0 : i32
      %dma_wait3A_113 = arith.constant 0 : i32
      %dma_wait3A_114 = tpu.memref_slice %dma_wait3A_111[%dma_wait3A_112, %dma_wait3A_113] : memref<10240x64xi32, #tpu.memory_space<hbm>> -> memref<10240x64xi32, #tpu.memory_space<hbm>>
      tpu.wait_indirect_dma semaphore(%arg9 : memref<!tpu.dma_semaphore, #tpu.memory_space<semaphore_mem>>) src(%dma_wait3A_114 : memref<10240x64xi32, #tpu.memory_space<hbm>>) dst(%dma_wait3A_107 : memref<128x64xi32, #tpu.memory_space<vmem>>)
      %scan3A_115 = arith.constant 0 : i32
      %scan3A_116 = arith.constant 0 : i32
      %scan3A_117 = arith.constant 8 : i32
      %scan3A_118 = arith.addi %scan3A_116, %scan3A_117 : i32
      %scan3A_119 = arith.constant 1 : i32
      scf.for %scan3A_187 = %scan3A_116 to %scan3A_118 step %scan3A_119  : i32 {
        %mul3A_188 = arith.constant 16 : i32
        %mul3A_189 = arith.muli %scan3A_187, %mul3A_188 : i32
        %get3A = arith.constant 1 : i32
        %get3A_190 = arith.index_cast %get3A : i32 to index
        %get3A_191 = arith.index_cast %mul3A_189 : i32 to index
        %get3A_192 = arith.constant 0 : index
        %get3A_193 = tpu.vector_load %arg6[%get3A_190, %get3A_191, %get3A_192] {strides = array<i32>} : memref<4x128x64xi32, #tpu.memory_space<vmem>>, vector<1x1x16xi32>,
        %get3A_194 = vector.shape_cast %get3A_193 : vector<1x1x16xi32> to vector<16xi32>
        %shift_left3A = arith.constant 16 : i32
        %shift_left3A_195 = vector.broadcast %shift_left3A : i32 to vector<16xi32>
        %shift_left3A_196 = arith.shli %get3A_194, %shift_left3A_195 : vector<16xi32>
        %bitcast_convert_type3A = tpu.bitcast %shift_left3A_196 : vector<16xi32> -> vector<16xf32>
        %bitcast_convert_type3A_197 = tpu.bitcast %get3A_194 : vector<16xi32> -> vector<16xf32>
        %mul3A_198 = arith.constant 16 : i32
        %mul3A_199 = arith.muli %scan3A_187, %mul3A_198 : i32
        %add3A_200 = arith.constant 1 : i32
        %add3A_201 = arith.addi %mul3A_199, %add3A_200 : i32
        %get3A_202 = arith.constant 1 : i32
        %get3A_203 = arith.index_cast %get3A_202 : i32 to index
        %get3A_204 = arith.index_cast %add3A_201 : i32 to index
        %get3A_205 = arith.constant 0 : index
        %get3A_206 = tpu.vector_load %arg6[%get3A_203, %get3A_204, %get3A_205] {strides = array<i32>} : memref<4x128x64xi32, #tpu.memory_space<vmem>>, vector<1x1x16xi32>,
        %get3A_207 = vector.shape_cast %get3A_206 : vector<1x1x16xi32> to vector<16xi32>
        %shift_left3A_208 = arith.constant 16 : i32
        %shift_left3A_209 = vector.broadcast %shift_left3A_208 : i32 to vector<16xi32>
        %shift_left3A_210 = arith.shli %get3A_207, %shift_left3A_209 : vector<16xi32>
        %bitcast_convert_type3A_211 = tpu.bitcast %shift_left3A_210 : vector<16xi32> -> vector<16xf32>
        %add3A_212 = arith.addf %bitcast_convert_type3A, %bitcast_convert_type3A_211 : vector<16xf32>
        %bitcast_convert_type3A_213 = tpu.bitcast %get3A_207 : vector<16xi32> -> vector<16xf32>
        %add3A_214 = arith.addf %bitcast_convert_type3A_197, %bitcast_convert_type3A_213 : vector<16xf32>
        %mul3A_215 = arith.constant 16 : i32
        %mul3A_216 = arith.muli %scan3A_187, %mul3A_215 : i32
        %add3A_217 = arith.constant 2 : i32
        %add3A_218 = arith.addi %mul3A_216, %add3A_217 : i32
        %get3A_219 = arith.constant 1 : i32
        %get3A_220 = arith.index_cast %get3A_219 : i32 to index
        %get3A_221 = arith.index_cast %add3A_218 : i32 to index
        %get3A_222 = arith.constant 0 : index
        %get3A_223 = tpu.vector_load %arg6[%get3A_220, %get3A_221, %get3A_222] {strides = array<i32>} : memref<4x128x64xi32, #tpu.memory_space<vmem>>, vector<1x1x16xi32>,
        %get3A_224 = vector.shape_cast %get3A_223 : vector<1x1x16xi32> to vector<16xi32>
        %shift_left3A_225 = arith.constant 16 : i32
        %shift_left3A_226 = vector.broadcast %shift_left3A_225 : i32 to vector<16xi32>
        %shift_left3A_227 = arith.shli %get3A_224, %shift_left3A_226 : vector<16xi32>
        %bitcast_convert_type3A_228 = tpu.bitcast %shift_left3A_227 : vector<16xi32> -> vector<16xf32>
        %add3A_229 = arith.addf %add3A_212, %bitcast_convert_type3A_228 : vector<16xf32>
        %bitcast_convert_type3A_230 = tpu.bitcast %get3A_224 : vector<16xi32> -> vector<16xf32>
        %add3A_231 = arith.addf %add3A_214, %bitcast_convert_type3A_230 : vector<16xf32>
        %mul3A_232 = arith.constant 16 : i32
        %mul3A_233 = arith.muli %scan3A_187, %mul3A_232 : i32
        %add3A_234 = arith.constant 3 : i32
        %add3A_235 = arith.addi %mul3A_233, %add3A_234 : i32
        %get3A_236 = arith.constant 1 : i32
        %get3A_237 = arith.index_cast %get3A_236 : i32 to index
        %get3A_238 = arith.index_cast %add3A_235 : i32 to index
        %get3A_239 = arith.constant 0 : index
        %get3A_240 = tpu.vector_load %arg6[%get3A_237, %get3A_238, %get3A_239] {strides = array<i32>} : memref<4x128x64xi32, #tpu.memory_space<vmem>>, vector<1x1x16xi32>,
        %get3A_241 = vector.shape_cast %get3A_240 : vector<1x1x16xi32> to vector<16xi32>
        %shift_left3A_242 = arith.constant 16 : i32
        %shift_left3A_243 = vector.broadcast %shift_left3A_242 : i32 to vector<16xi32>
        %shift_left3A_244 = arith.shli %get3A_241, %shift_left3A_243 : vector<16xi32>
        %bitcast_convert_type3A_245 = tpu.bitcast %shift_left3A_244 : vector<16xi32> -> vector<16xf32>
        %add3A_246 = arith.addf %add3A_229, %bitcast_convert_type3A_245 : vector<16xf32>
        %bitcast_convert_type3A_247 = tpu.bitcast %get3A_241 : vector<16xi32> -> vector<16xf32>
        %add3A_248 = arith.addf %add3A_231, %bitcast_convert_type3A_247 : vector<16xf32>
        %mul3A_249 = arith.constant 16 : i32
        %mul3A_250 = arith.muli %scan3A_187, %mul3A_249 : i32
        %add3A_251 = arith.constant 4 : i32
        %add3A_252 = arith.addi %mul3A_250, %add3A_251 : i32
        %get3A_253 = arith.constant 1 : i32
        %get3A_254 = arith.index_cast %get3A_253 : i32 to index
        %get3A_255 = arith.index_cast %add3A_252 : i32 to index
        %get3A_256 = arith.constant 0 : index
        %get3A_257 = tpu.vector_load %arg6[%get3A_254, %get3A_255, %get3A_256] {strides = array<i32>} : memref<4x128x64xi32, #tpu.memory_space<vmem>>, vector<1x1x16xi32>,
        %get3A_258 = vector.shape_cast %get3A_257 : vector<1x1x16xi32> to vector<16xi32>
        %shift_left3A_259 = arith.constant 16 : i32
        %shift_left3A_260 = vector.broadcast %shift_left3A_259 : i32 to vector<16xi32>
        %shift_left3A_261 = arith.shli %get3A_258, %shift_left3A_260 : vector<16xi32>
        %bitcast_convert_type3A_262 = tpu.bitcast %shift_left3A_261 : vector<16xi32> -> vector<16xf32>
        %add3A_263 = arith.addf %add3A_246, %bitcast_convert_type3A_262 : vector<16xf32>
        %bitcast_convert_type3A_264 = tpu.bitcast %get3A_258 : vector<16xi32> -> vector<16xf32>
        %add3A_265 = arith.addf %add3A_248, %bitcast_convert_type3A_264 : vector<16xf32>
        %mul3A_266 = arith.constant 16 : i32
        %mul3A_267 = arith.muli %scan3A_187, %mul3A_266 : i32
        %add3A_268 = arith.constant 5 : i32
        %add3A_269 = arith.addi %mul3A_267, %add3A_268 : i32
        %get3A_270 = arith.constant 1 : i32
        %get3A_271 = arith.index_cast %get3A_270 : i32 to index
        %get3A_272 = arith.index_cast %add3A_269 : i32 to index
        %get3A_273 = arith.constant 0 : index
        %get3A_274 = tpu.vector_load %arg6[%get3A_271, %get3A_272, %get3A_273] {strides = array<i32>} : memref<4x128x64xi32, #tpu.memory_space<vmem>>, vector<1x1x16xi32>,
        %get3A_275 = vector.shape_cast %get3A_274 : vector<1x1x16xi32> to vector<16xi32>
        %shift_left3A_276 = arith.constant 16 : i32
        %shift_left3A_277 = vector.broadcast %shift_left3A_276 : i32 to vector<16xi32>
        %shift_left3A_278 = arith.shli %get3A_275, %shift_left3A_277 : vector<16xi32>
        %bitcast_convert_type3A_279 = tpu.bitcast %shift_left3A_278 : vector<16xi32> -> vector<16xf32>
        %add3A_280 = arith.addf %add3A_263, %bitcast_convert_type3A_279 : vector<16xf32>
        %bitcast_convert_type3A_281 = tpu.bitcast %get3A_275 : vector<16xi32> -> vector<16xf32>
        %add3A_282 = arith.addf %add3A_265, %bitcast_convert_type3A_281 : vector<16xf32>
        %mul3A_283 = arith.constant 16 : i32
        %mul3A_284 = arith.muli %scan3A_187, %mul3A_283 : i32
        %add3A_285 = arith.constant 6 : i32
        %add3A_286 = arith.addi %mul3A_284, %add3A_285 : i32
        %get3A_287 = arith.constant 1 : i32
        %get3A_288 = arith.index_cast %get3A_287 : i32 to index
        %get3A_289 = arith.index_cast %add3A_286 : i32 to index
        %get3A_290 = arith.constant 0 : index
        %get3A_291 = tpu.vector_load %arg6[%get3A_288, %get3A_289, %get3A_290] {strides = array<i32>} : memref<4x128x64xi32, #tpu.memory_space<vmem>>, vector<1x1x16xi32>,
        %get3A_292 = vector.shape_cast %get3A_291 : vector<1x1x16xi32> to vector<16xi32>
        %shift_left3A_293 = arith.constant 16 : i32
        %shift_left3A_294 = vector.broadcast %shift_left3A_293 : i32 to vector<16xi32>
        %shift_left3A_295 = arith.shli %get3A_292, %shift_left3A_294 : vector<16xi32>
        %bitcast_convert_type3A_296 = tpu.bitcast %shift_left3A_295 : vector<16xi32> -> vector<16xf32>
        %add3A_297 = arith.addf %add3A_280, %bitcast_convert_type3A_296 : vector<16xf32>
        %bitcast_convert_type3A_298 = tpu.bitcast %get3A_292 : vector<16xi32> -> vector<16xf32>
        %add3A_299 = arith.addf %add3A_282, %bitcast_convert_type3A_298 : vector<16xf32>
        %mul3A_300 = arith.constant 16 : i32
        %mul3A_301 = arith.muli %scan3A_187, %mul3A_300 : i32
        %add3A_302 = arith.constant 7 : i32
        %add3A_303 = arith.addi %mul3A_301, %add3A_302 : i32
        %get3A_304 = arith.constant 1 : i32
        %get3A_305 = arith.index_cast %get3A_304 : i32 to index
        %get3A_306 = arith.index_cast %add3A_303 : i32 to index
        %get3A_307 = arith.constant 0 : index
        %get3A_308 = tpu.vector_load %arg6[%get3A_305, %get3A_306, %get3A_307] {strides = array<i32>} : memref<4x128x64xi32, #tpu.memory_space<vmem>>, vector<1x1x16xi32>,
        %get3A_309 = vector.shape_cast %get3A_308 : vector<1x1x16xi32> to vector<16xi32>
        %shift_left3A_310 = arith.constant 16 : i32
        %shift_left3A_311 = vector.broadcast %shift_left3A_310 : i32 to vector<16xi32>
        %shift_left3A_312 = arith.shli %get3A_309, %shift_left3A_311 : vector<16xi32>
        %bitcast_convert_type3A_313 = tpu.bitcast %shift_left3A_312 : vector<16xi32> -> vector<16xf32>
        %add3A_314 = arith.addf %add3A_297, %bitcast_convert_type3A_313 : vector<16xf32>
        %bitcast_convert_type3A_315 = tpu.bitcast %get3A_309 : vector<16xi32> -> vector<16xf32>
        %add3A_316 = arith.addf %add3A_299, %bitcast_convert_type3A_315 : vector<16xf32>
        %mul3A_317 = arith.constant 16 : i32
        %mul3A_318 = arith.muli %scan3A_187, %mul3A_317 : i32
        %add3A_319 = arith.constant 8 : i32
        %add3A_320 = arith.addi %mul3A_318, %add3A_319 : i32
        %get3A_321 = arith.constant 1 : i32
        %get3A_322 = arith.index_cast %get3A_321 : i32 to index
        %get3A_323 = arith.index_cast %add3A_320 : i32 to index
        %get3A_324 = arith.constant 0 : index
        %get3A_325 = tpu.vector_load %arg6[%get3A_322, %get3A_323, %get3A_324] {strides = array<i32>} : memref<4x128x64xi32, #tpu.memory_space<vmem>>, vector<1x1x16xi32>,
        %get3A_326 = vector.shape_cast %get3A_325 : vector<1x1x16xi32> to vector<16xi32>
        %shift_left3A_327 = arith.constant 16 : i32
        %shift_left3A_328 = vector.broadcast %shift_left3A_327 : i32 to vector<16xi32>
        %shift_left3A_329 = arith.shli %get3A_326, %shift_left3A_328 : vector<16xi32>
        %bitcast_convert_type3A_330 = tpu.bitcast %shift_left3A_329 : vector<16xi32> -> vector<16xf32>
        %add3A_331 = arith.addf %add3A_314, %bitcast_convert_type3A_330 : vector<16xf32>
        %bitcast_convert_type3A_332 = tpu.bitcast %get3A_326 : vector<16xi32> -> vector<16xf32>
        %add3A_333 = arith.addf %add3A_316, %bitcast_convert_type3A_332 : vector<16xf32>
        %mul3A_334 = arith.constant 16 : i32
        %mul3A_335 = arith.muli %scan3A_187, %mul3A_334 : i32
        %add3A_336 = arith.constant 9 : i32
        %add3A_337 = arith.addi %mul3A_335, %add3A_336 : i32
        %get3A_338 = arith.constant 1 : i32
        %get3A_339 = arith.index_cast %get3A_338 : i32 to index
        %get3A_340 = arith.index_cast %add3A_337 : i32 to index
        %get3A_341 = arith.constant 0 : index
        %get3A_342 = tpu.vector_load %arg6[%get3A_339, %get3A_340, %get3A_341] {strides = array<i32>} : memref<4x128x64xi32, #tpu.memory_space<vmem>>, vector<1x1x16xi32>,
        %get3A_343 = vector.shape_cast %get3A_342 : vector<1x1x16xi32> to vector<16xi32>
        %shift_left3A_344 = arith.constant 16 : i32
        %shift_left3A_345 = vector.broadcast %shift_left3A_344 : i32 to vector<16xi32>
        %shift_left3A_346 = arith.shli %get3A_343, %shift_left3A_345 : vector<16xi32>
        %bitcast_convert_type3A_347 = tpu.bitcast %shift_left3A_346 : vector<16xi32> -> vector<16xf32>
        %add3A_348 = arith.addf %add3A_331, %bitcast_convert_type3A_347 : vector<16xf32>
        %bitcast_convert_type3A_349 = tpu.bitcast %get3A_343 : vector<16xi32> -> vector<16xf32>
        %add3A_350 = arith.addf %add3A_333, %bitcast_convert_type3A_349 : vector<16xf32>
        %mul3A_351 = arith.constant 16 : i32
        %mul3A_352 = arith.muli %scan3A_187, %mul3A_351 : i32
        %add3A_353 = arith.constant 10 : i32
        %add3A_354 = arith.addi %mul3A_352, %add3A_353 : i32
        %get3A_355 = arith.constant 1 : i32
        %get3A_356 = arith.index_cast %get3A_355 : i32 to index
        %get3A_357 = arith.index_cast %add3A_354 : i32 to index
        %get3A_358 = arith.constant 0 : index
        %get3A_359 = tpu.vector_load %arg6[%get3A_356, %get3A_357, %get3A_358] {strides = array<i32>} : memref<4x128x64xi32, #tpu.memory_space<vmem>>, vector<1x1x16xi32>,
        %get3A_360 = vector.shape_cast %get3A_359 : vector<1x1x16xi32> to vector<16xi32>
        %shift_left3A_361 = arith.constant 16 : i32
        %shift_left3A_362 = vector.broadcast %shift_left3A_361 : i32 to vector<16xi32>
        %shift_left3A_363 = arith.shli %get3A_360, %shift_left3A_362 : vector<16xi32>
        %bitcast_convert_type3A_364 = tpu.bitcast %shift_left3A_363 : vector<16xi32> -> vector<16xf32>
        %add3A_365 = arith.addf %add3A_348, %bitcast_convert_type3A_364 : vector<16xf32>
        %bitcast_convert_type3A_366 = tpu.bitcast %get3A_360 : vector<16xi32> -> vector<16xf32>
        %add3A_367 = arith.addf %add3A_350, %bitcast_convert_type3A_366 : vector<16xf32>
        %mul3A_368 = arith.constant 16 : i32
        %mul3A_369 = arith.muli %scan3A_187, %mul3A_368 : i32
        %add3A_370 = arith.constant 11 : i32
        %add3A_371 = arith.addi %mul3A_369, %add3A_370 : i32
        %get3A_372 = arith.constant 1 : i32
        %get3A_373 = arith.index_cast %get3A_372 : i32 to index
        %get3A_374 = arith.index_cast %add3A_371 : i32 to index
        %get3A_375 = arith.constant 0 : index
        %get3A_376 = tpu.vector_load %arg6[%get3A_373, %get3A_374, %get3A_375] {strides = array<i32>} : memref<4x128x64xi32, #tpu.memory_space<vmem>>, vector<1x1x16xi32>,
        %get3A_377 = vector.shape_cast %get3A_376 : vector<1x1x16xi32> to vector<16xi32>
        %shift_left3A_378 = arith.constant 16 : i32
        %shift_left3A_379 = vector.broadcast %shift_left3A_378 : i32 to vector<16xi32>
        %shift_left3A_380 = arith.shli %get3A_377, %shift_left3A_379 : vector<16xi32>
        %bitcast_convert_type3A_381 = tpu.bitcast %shift_left3A_380 : vector<16xi32> -> vector<16xf32>
        %add3A_382 = arith.addf %add3A_365, %bitcast_convert_type3A_381 : vector<16xf32>
        %bitcast_convert_type3A_383 = tpu.bitcast %get3A_377 : vector<16xi32> -> vector<16xf32>
        %add3A_384 = arith.addf %add3A_367, %bitcast_convert_type3A_383 : vector<16xf32>
        %mul3A_385 = arith.constant 16 : i32
        %mul3A_386 = arith.muli %scan3A_187, %mul3A_385 : i32
        %add3A_387 = arith.constant 12 : i32
        %add3A_388 = arith.addi %mul3A_386, %add3A_387 : i32
        %get3A_389 = arith.constant 1 : i32
        %get3A_390 = arith.index_cast %get3A_389 : i32 to index
        %get3A_391 = arith.index_cast %add3A_388 : i32 to index
        %get3A_392 = arith.constant 0 : index
        %get3A_393 = tpu.vector_load %arg6[%get3A_390, %get3A_391, %get3A_392] {strides = array<i32>} : memref<4x128x64xi32, #tpu.memory_space<vmem>>, vector<1x1x16xi32>,
        %get3A_394 = vector.shape_cast %get3A_393 : vector<1x1x16xi32> to vector<16xi32>
        %shift_left3A_395 = arith.constant 16 : i32
        %shift_left3A_396 = vector.broadcast %shift_left3A_395 : i32 to vector<16xi32>
        %shift_left3A_397 = arith.shli %get3A_394, %shift_left3A_396 : vector<16xi32>
        %bitcast_convert_type3A_398 = tpu.bitcast %shift_left3A_397 : vector<16xi32> -> vector<16xf32>
        %add3A_399 = arith.addf %add3A_382, %bitcast_convert_type3A_398 : vector<16xf32>
        %bitcast_convert_type3A_400 = tpu.bitcast %get3A_394 : vector<16xi32> -> vector<16xf32>
        %add3A_401 = arith.addf %add3A_384, %bitcast_convert_type3A_400 : vector<16xf32>
        %mul3A_402 = arith.constant 16 : i32
        %mul3A_403 = arith.muli %scan3A_187, %mul3A_402 : i32
        %add3A_404 = arith.constant 13 : i32
        %add3A_405 = arith.addi %mul3A_403, %add3A_404 : i32
        %get3A_406 = arith.constant 1 : i32
        %get3A_407 = arith.index_cast %get3A_406 : i32 to index
        %get3A_408 = arith.index_cast %add3A_405 : i32 to index
        %get3A_409 = arith.constant 0 : index
        %get3A_410 = tpu.vector_load %arg6[%get3A_407, %get3A_408, %get3A_409] {strides = array<i32>} : memref<4x128x64xi32, #tpu.memory_space<vmem>>, vector<1x1x16xi32>,
        %get3A_411 = vector.shape_cast %get3A_410 : vector<1x1x16xi32> to vector<16xi32>
        %shift_left3A_412 = arith.constant 16 : i32
        %shift_left3A_413 = vector.broadcast %shift_left3A_412 : i32 to vector<16xi32>
        %shift_left3A_414 = arith.shli %get3A_411, %shift_left3A_413 : vector<16xi32>
        %bitcast_convert_type3A_415 = tpu.bitcast %shift_left3A_414 : vector<16xi32> -> vector<16xf32>
        %add3A_416 = arith.addf %add3A_399, %bitcast_convert_type3A_415 : vector<16xf32>
        %bitcast_convert_type3A_417 = tpu.bitcast %get3A_411 : vector<16xi32> -> vector<16xf32>
        %add3A_418 = arith.addf %add3A_401, %bitcast_convert_type3A_417 : vector<16xf32>
        %mul3A_419 = arith.constant 16 : i32
        %mul3A_420 = arith.muli %scan3A_187, %mul3A_419 : i32
        %add3A_421 = arith.constant 14 : i32
        %add3A_422 = arith.addi %mul3A_420, %add3A_421 : i32
        %get3A_423 = arith.constant 1 : i32
        %get3A_424 = arith.index_cast %get3A_423 : i32 to index
        %get3A_425 = arith.index_cast %add3A_422 : i32 to index
        %get3A_426 = arith.constant 0 : index
        %get3A_427 = tpu.vector_load %arg6[%get3A_424, %get3A_425, %get3A_426] {strides = array<i32>} : memref<4x128x64xi32, #tpu.memory_space<vmem>>, vector<1x1x16xi32>,
        %get3A_428 = vector.shape_cast %get3A_427 : vector<1x1x16xi32> to vector<16xi32>
        %shift_left3A_429 = arith.constant 16 : i32
        %shift_left3A_430 = vector.broadcast %shift_left3A_429 : i32 to vector<16xi32>
        %shift_left3A_431 = arith.shli %get3A_428, %shift_left3A_430 : vector<16xi32>
        %bitcast_convert_type3A_432 = tpu.bitcast %shift_left3A_431 : vector<16xi32> -> vector<16xf32>
        %add3A_433 = arith.addf %add3A_416, %bitcast_convert_type3A_432 : vector<16xf32>
        %bitcast_convert_type3A_434 = tpu.bitcast %get3A_428 : vector<16xi32> -> vector<16xf32>
        %add3A_435 = arith.addf %add3A_418, %bitcast_convert_type3A_434 : vector<16xf32>
        %mul3A_436 = arith.constant 16 : i32
        %mul3A_437 = arith.muli %scan3A_187, %mul3A_436 : i32
        %add3A_438 = arith.constant 15 : i32
        %add3A_439 = arith.addi %mul3A_437, %add3A_438 : i32
        %get3A_440 = arith.constant 1 : i32
        %get3A_441 = arith.index_cast %get3A_440 : i32 to index
        %get3A_442 = arith.index_cast %add3A_439 : i32 to index
        %get3A_443 = arith.constant 0 : index
        %get3A_444 = tpu.vector_load %arg6[%get3A_441, %get3A_442, %get3A_443] {strides = array<i32>} : memref<4x128x64xi32, #tpu.memory_space<vmem>>, vector<1x1x16xi32>,
        %get3A_445 = vector.shape_cast %get3A_444 : vector<1x1x16xi32> to vector<16xi32>
        %shift_left3A_446 = arith.constant 16 : i32
        %shift_left3A_447 = vector.broadcast %shift_left3A_446 : i32 to vector<16xi32>
        %shift_left3A_448 = arith.shli %get3A_445, %shift_left3A_447 : vector<16xi32>
        %bitcast_convert_type3A_449 = tpu.bitcast %shift_left3A_448 : vector<16xi32> -> vector<16xf32>
        %add3A_450 = arith.addf %add3A_433, %bitcast_convert_type3A_449 : vector<16xf32>
        %bitcast_convert_type3A_451 = tpu.bitcast %get3A_445 : vector<16xi32> -> vector<16xf32>
        %add3A_452 = arith.addf %add3A_435, %bitcast_convert_type3A_451 : vector<16xf32>
        %add3A_453 = arith.constant 8 : i32
        %add3A_454 = arith.addi %add3A_453, %scan3A_187 : i32
        %mul3A_455 = arith.constant 128 : i32
        %mul3A_456 = arith.muli %add3A_454, %mul3A_455 : i32
        %mul3A_457 = arith.constant 6.250000e-02 : f32
        %mul3A_458 = vector.broadcast %mul3A_457 : f32 to vector<16xf32>
        %mul3A_459 = arith.mulf %add3A_450, %mul3A_458 : vector<16xf32>
        %add3A_460 = arith.constant 0 : i32
        %add3A_461 = arith.addi %mul3A_456, %add3A_460 : i32
        %swap3A = arith.index_cast %add3A_461 : i32 to index
        %swap3A_462 = tpu.vector_load %arg7[%swap3A] {strides = array<i32>} : memref<4096xf32, #tpu.memory_space<vmem>>, vector<16xf32>,
        %swap3A_463 = vector.shape_cast %swap3A_462 : vector<16xf32> to vector<16xf32>
        %swap3A_464 = vector.shape_cast %mul3A_459 : vector<16xf32> to vector<16xf32>
        tpu.vector_store %arg7[%swap3A], %swap3A_464 {strides = array<i32>} : memref<4096xf32, #tpu.memory_space<vmem>>, vector<16xf32>,
        %mul3A_465 = arith.constant 6.250000e-02 : f32
        %mul3A_466 = vector.broadcast %mul3A_465 : f32 to vector<16xf32>
        %mul3A_467 = arith.mulf %add3A_452, %mul3A_466 : vector<16xf32>
        %add3A_468 = arith.constant 0 : i32
        %add3A_469 = arith.addi %mul3A_456, %add3A_468 : i32
        %add3A_470 = arith.constant 16 : i32
        %add3A_471 = arith.addi %add3A_469, %add3A_470 : i32
        %swap3A_472 = arith.index_cast %add3A_471 : i32 to index
        %swap3A_473 = tpu.vector_load %arg7[%swap3A_472] {strides = array<i32>} : memref<4096xf32, #tpu.memory_space<vmem>>, vector<16xf32>,
        %swap3A_474 = vector.shape_cast %swap3A_473 : vector<16xf32> to vector<16xf32>
        %swap3A_475 = vector.shape_cast %mul3A_467 : vector<16xf32> to vector<16xf32>
        tpu.vector_store %arg7[%swap3A_472], %swap3A_475 {strides = array<i32>} : memref<4096xf32, #tpu.memory_space<vmem>>, vector<16xf32>,
        %mul3A_476 = arith.constant 16 : i32
        %mul3A_477 = arith.muli %scan3A_187, %mul3A_476 : i32
        %get3A_478 = arith.constant 1 : i32
        %get3A_479 = arith.index_cast %get3A_478 : i32 to index
        %get3A_480 = arith.index_cast %mul3A_477 : i32 to index
        %get3A_481 = arith.constant 16 : index
        %get3A_482 = tpu.vector_load %arg6[%get3A_479, %get3A_480, %get3A_481] {strides = array<i32>} : memref<4x128x64xi32, #tpu.memory_space<vmem>>, vector<1x1x16xi32>,
        %get3A_483 = vector.shape_cast %get3A_482 : vector<1x1x16xi32> to vector<16xi32>
        %shift_left3A_484 = arith.constant 16 : i32
        %shift_left3A_485 = vector.broadcast %shift_left3A_484 : i32 to vector<16xi32>
        %shift_left3A_486 = arith.shli %get3A_483, %shift_left3A_485 : vector<16xi32>
        %bitcast_convert_type3A_487 = tpu.bitcast %shift_left3A_486 : vector<16xi32> -> vector<16xf32>
        %bitcast_convert_type3A_488 = tpu.bitcast %get3A_483 : vector<16xi32> -> vector<16xf32>
        %mul3A_489 = arith.constant 16 : i32
        %mul3A_490 = arith.muli %scan3A_187, %mul3A_489 : i32
        %add3A_491 = arith.constant 1 : i32
        %add3A_492 = arith.addi %mul3A_490, %add3A_491 : i32
        %get3A_493 = arith.constant 1 : i32
        %get3A_494 = arith.index_cast %get3A_493 : i32 to index
        %get3A_495 = arith.index_cast %add3A_492 : i32 to index
        %get3A_496 = arith.constant 16 : index
        %get3A_497 = tpu.vector_load %arg6[%get3A_494, %get3A_495, %get3A_496] {strides = array<i32>} : memref<4x128x64xi32, #tpu.memory_space<vmem>>, vector<1x1x16xi32>,
        %get3A_498 = vector.shape_cast %get3A_497 : vector<1x1x16xi32> to vector<16xi32>
        %shift_left3A_499 = arith.constant 16 : i32
        %shift_left3A_500 = vector.broadcast %shift_left3A_499 : i32 to vector<16xi32>
        %shift_left3A_501 = arith.shli %get3A_498, %shift_left3A_500 : vector<16xi32>
        %bitcast_convert_type3A_502 = tpu.bitcast %shift_left3A_501 : vector<16xi32> -> vector<16xf32>
        %add3A_503 = arith.addf %bitcast_convert_type3A_487, %bitcast_convert_type3A_502 : vector<16xf32>
        %bitcast_convert_type3A_504 = tpu.bitcast %get3A_498 : vector<16xi32> -> vector<16xf32>
        %add3A_505 = arith.addf %bitcast_convert_type3A_488, %bitcast_convert_type3A_504 : vector<16xf32>
        %mul3A_506 = arith.constant 16 : i32
        %mul3A_507 = arith.muli %scan3A_187, %mul3A_506 : i32
        %add3A_508 = arith.constant 2 : i32
        %add3A_509 = arith.addi %mul3A_507, %add3A_508 : i32
        %get3A_510 = arith.constant 1 : i32
        %get3A_511 = arith.index_cast %get3A_510 : i32 to index
        %get3A_512 = arith.index_cast %add3A_509 : i32 to index
        %get3A_513 = arith.constant 16 : index
        %get3A_514 = tpu.vector_load %arg6[%get3A_511, %get3A_512, %get3A_513] {strides = array<i32>} : memref<4x128x64xi32, #tpu.memory_space<vmem>>, vector<1x1x16xi32>,
        %get3A_515 = vector.shape_cast %get3A_514 : vector<1x1x16xi32> to vector<16xi32>
        %shift_left3A_516 = arith.constant 16 : i32
        %shift_left3A_517 = vector.broadcast %shift_left3A_516 : i32 to vector<16xi32>
        %shift_left3A_518 = arith.shli %get3A_515, %shift_left3A_517 : vector<16xi32>
        %bitcast_convert_type3A_519 = tpu.bitcast %shift_left3A_518 : vector<16xi32> -> vector<16xf32>
        %add3A_520 = arith.addf %add3A_503, %bitcast_convert_type3A_519 : vector<16xf32>
        %bitcast_convert_type3A_521 = tpu.bitcast %get3A_515 : vector<16xi32> -> vector<16xf32>
        %add3A_522 = arith.addf %add3A_505, %bitcast_convert_type3A_521 : vector<16xf32>
        %mul3A_523 = arith.constant 16 : i32
        %mul3A_524 = arith.muli %scan3A_187, %mul3A_523 : i32
        %add3A_525 = arith.constant 3 : i32
        %add3A_526 = arith.addi %mul3A_524, %add3A_525 : i32
        %get3A_527 = arith.constant 1 : i32
        %get3A_528 = arith.index_cast %get3A_527 : i32 to index
        %get3A_529 = arith.index_cast %add3A_526 : i32 to index
        %get3A_530 = arith.constant 16 : index
        %get3A_531 = tpu.vector_load %arg6[%get3A_528, %get3A_529, %get3A_530] {strides = array<i32>} : memref<4x128x64xi32, #tpu.memory_space<vmem>>, vector<1x1x16xi32>,
        %get3A_532 = vector.shape_cast %get3A_531 : vector<1x1x16xi32> to vector<16xi32>
        %shift_left3A_533 = arith.constant 16 : i32
        %shift_left3A_534 = vector.broadcast %shift_left3A_533 : i32 to vector<16xi32>
        %shift_left3A_535 = arith.shli %get3A_532, %shift_left3A_534 : vector<16xi32>
        %bitcast_convert_type3A_536 = tpu.bitcast %shift_left3A_535 : vector<16xi32> -> vector<16xf32>
        %add3A_537 = arith.addf %add3A_520, %bitcast_convert_type3A_536 : vector<16xf32>
        %bitcast_convert_type3A_538 = tpu.bitcast %get3A_532 : vector<16xi32> -> vector<16xf32>
        %add3A_539 = arith.addf %add3A_522, %bitcast_convert_type3A_538 : vector<16xf32>
        %mul3A_540 = arith.constant 16 : i32
        %mul3A_541 = arith.muli %scan3A_187, %mul3A_540 : i32
        %add3A_542 = arith.constant 4 : i32
        %add3A_543 = arith.addi %mul3A_541, %add3A_542 : i32
        %get3A_544 = arith.constant 1 : i32
        %get3A_545 = arith.index_cast %get3A_544 : i32 to index
        %get3A_546 = arith.index_cast %add3A_543 : i32 to index
        %get3A_547 = arith.constant 16 : index
        %get3A_548 = tpu.vector_load %arg6[%get3A_545, %get3A_546, %get3A_547] {strides = array<i32>} : memref<4x128x64xi32, #tpu.memory_space<vmem>>, vector<1x1x16xi32>,
        %get3A_549 = vector.shape_cast %get3A_548 : vector<1x1x16xi32> to vector<16xi32>
        %shift_left3A_550 = arith.constant 16 : i32
        %shift_left3A_551 = vector.broadcast %shift_left3A_550 : i32 to vector<16xi32>
        %shift_left3A_552 = arith.shli %get3A_549, %shift_left3A_551 : vector<16xi32>
        %bitcast_convert_type3A_553 = tpu.bitcast %shift_left3A_552 : vector<16xi32> -> vector<16xf32>
        %add3A_554 = arith.addf %add3A_537, %bitcast_convert_type3A_553 : vector<16xf32>
        %bitcast_convert_type3A_555 = tpu.bitcast %get3A_549 : vector<16xi32> -> vector<16xf32>
        %add3A_556 = arith.addf %add3A_539, %bitcast_convert_type3A_555 : vector<16xf32>
        %mul3A_557 = arith.constant 16 : i32
        %mul3A_558 = arith.muli %scan3A_187, %mul3A_557 : i32
        %add3A_559 = arith.constant 5 : i32
        %add3A_560 = arith.addi %mul3A_558, %add3A_559 : i32
        %get3A_561 = arith.constant 1 : i32
        %get3A_562 = arith.index_cast %get3A_561 : i32 to index
        %get3A_563 = arith.index_cast %add3A_560 : i32 to index
        %get3A_564 = arith.constant 16 : index
        %get3A_565 = tpu.vector_load %arg6[%get3A_562, %get3A_563, %get3A_564] {strides = array<i32>} : memref<4x128x64xi32, #tpu.memory_space<vmem>>, vector<1x1x16xi32>,
        %get3A_566 = vector.shape_cast %get3A_565 : vector<1x1x16xi32> to vector<16xi32>
        %shift_left3A_567 = arith.constant 16 : i32
        %shift_left3A_568 = vector.broadcast %shift_left3A_567 : i32 to vector<16xi32>
        %shift_left3A_569 = arith.shli %get3A_566, %shift_left3A_568 : vector<16xi32>
        %bitcast_convert_type3A_570 = tpu.bitcast %shift_left3A_569 : vector<16xi32> -> vector<16xf32>
        %add3A_571 = arith.addf %add3A_554, %bitcast_convert_type3A_570 : vector<16xf32>
        %bitcast_convert_type3A_572 = tpu.bitcast %get3A_566 : vector<16xi32> -> vector<16xf32>
        %add3A_573 = arith.addf %add3A_556, %bitcast_convert_type3A_572 : vector<16xf32>
        %mul3A_574 = arith.constant 16 : i32
        %mul3A_575 = arith.muli %scan3A_187, %mul3A_574 : i32
        %add3A_576 = arith.constant 6 : i32
        %add3A_577 = arith.addi %mul3A_575, %add3A_576 : i32
        %get3A_578 = arith.constant 1 : i32
        %get3A_579 = arith.index_cast %get3A_578 : i32 to index
        %get3A_580 = arith.index_cast %add3A_577 : i32 to index
        %get3A_581 = arith.constant 16 : index
        %get3A_582 = tpu.vector_load %arg6[%get3A_579, %get3A_580, %get3A_581] {strides = array<i32>} : memref<4x128x64xi32, #tpu.memory_space<vmem>>, vector<1x1x16xi32>,
        %get3A_583 = vector.shape_cast %get3A_582 : vector<1x1x16xi32> to vector<16xi32>
        %shift_left3A_584 = arith.constant 16 : i32
        %shift_left3A_585 = vector.broadcast %shift_left3A_584 : i32 to vector<16xi32>
        %shift_left3A_586 = arith.shli %get3A_583, %shift_left3A_585 : vector<16xi32>
        %bitcast_convert_type3A_587 = tpu.bitcast %shift_left3A_586 : vector<16xi32> -> vector<16xf32>
        %add3A_588 = arith.addf %add3A_571, %bitcast_convert_type3A_587 : vector<16xf32>
        %bitcast_convert_type3A_589 = tpu.bitcast %get3A_583 : vector<16xi32> -> vector<16xf32>
        %add3A_590 = arith.addf %add3A_573, %bitcast_convert_type3A_589 : vector<16xf32>
        %mul3A_591 = arith.constant 16 : i32
        %mul3A_592 = arith.muli %scan3A_187, %mul3A_591 : i32
        %add3A_593 = arith.constant 7 : i32
        %add3A_594 = arith.addi %mul3A_592, %add3A_593 : i32
        %get3A_595 = arith.constant 1 : i32
        %get3A_596 = arith.index_cast %get3A_595 : i32 to index
        %get3A_597 = arith.index_cast %add3A_594 : i32 to index
        %get3A_598 = arith.constant 16 : index
        %get3A_599 = tpu.vector_load %arg6[%get3A_596, %get3A_597, %get3A_598] {strides = array<i32>} : memref<4x128x64xi32, #tpu.memory_space<vmem>>, vector<1x1x16xi32>,
        %get3A_600 = vector.shape_cast %get3A_599 : vector<1x1x16xi32> to vector<16xi32>
        %shift_left3A_601 = arith.constant 16 : i32
        %shift_left3A_602 = vector.broadcast %shift_left3A_601 : i32 to vector<16xi32>
        %shift_left3A_603 = arith.shli %get3A_600, %shift_left3A_602 : vector<16xi32>
        %bitcast_convert_type3A_604 = tpu.bitcast %shift_left3A_603 : vector<16xi32> -> vector<16xf32>
        %add3A_605 = arith.addf %add3A_588, %bitcast_convert_type3A_604 : vector<16xf32>
        %bitcast_convert_type3A_606 = tpu.bitcast %get3A_600 : vector<16xi32> -> vector<16xf32>
        %add3A_607 = arith.addf %add3A_590, %bitcast_convert_type3A_606 : vector<16xf32>
        %mul3A_608 = arith.constant 16 : i32
        %mul3A_609 = arith.muli %scan3A_187, %mul3A_608 : i32
        %add3A_610 = arith.constant 8 : i32
        %add3A_611 = arith.addi %mul3A_609, %add3A_610 : i32
        %get3A_612 = arith.constant 1 : i32
        %get3A_613 = arith.index_cast %get3A_612 : i32 to index
        %get3A_614 = arith.index_cast %add3A_611 : i32 to index
        %get3A_615 = arith.constant 16 : index
        %get3A_616 = tpu.vector_load %arg6[%get3A_613, %get3A_614, %get3A_615] {strides = array<i32>} : memref<4x128x64xi32, #tpu.memory_space<vmem>>, vector<1x1x16xi32>,
        %get3A_617 = vector.shape_cast %get3A_616 : vector<1x1x16xi32> to vector<16xi32>
        %shift_left3A_618 = arith.constant 16 : i32
        %shift_left3A_619 = vector.broadcast %shift_left3A_618 : i32 to vector<16xi32>
        %shift_left3A_620 = arith.shli %get3A_617, %shift_left3A_619 : vector<16xi32>
        %bitcast_convert_type3A_621 = tpu.bitcast %shift_left3A_620 : vector<16xi32> -> vector<16xf32>
        %add3A_622 = arith.addf %add3A_605, %bitcast_convert_type3A_621 : vector<16xf32>
        %bitcast_convert_type3A_623 = tpu.bitcast %get3A_617 : vector<16xi32> -> vector<16xf32>
        %add3A_624 = arith.addf %add3A_607, %bitcast_convert_type3A_623 : vector<16xf32>
        %mul3A_625 = arith.constant 16 : i32
        %mul3A_626 = arith.muli %scan3A_187, %mul3A_625 : i32
        %add3A_627 = arith.constant 9 : i32
        %add3A_628 = arith.addi %mul3A_626, %add3A_627 : i32
        %get3A_629 = arith.constant 1 : i32
        %get3A_630 = arith.index_cast %get3A_629 : i32 to index
        %get3A_631 = arith.index_cast %add3A_628 : i32 to index
        %get3A_632 = arith.constant 16 : index
        %get3A_633 = tpu.vector_load %arg6[%get3A_630, %get3A_631, %get3A_632] {strides = array<i32>} : memref<4x128x64xi32, #tpu.memory_space<vmem>>, vector<1x1x16xi32>,
        %get3A_634 = vector.shape_cast %get3A_633 : vector<1x1x16xi32> to vector<16xi32>
        %shift_left3A_635 = arith.constant 16 : i32
        %shift_left3A_636 = vector.broadcast %shift_left3A_635 : i32 to vector<16xi32>
        %shift_left3A_637 = arith.shli %get3A_634, %shift_left3A_636 : vector<16xi32>
        %bitcast_convert_type3A_638 = tpu.bitcast %shift_left3A_637 : vector<16xi32> -> vector<16xf32>
        %add3A_639 = arith.addf %add3A_622, %bitcast_convert_type3A_638 : vector<16xf32>
        %bitcast_convert_type3A_640 = tpu.bitcast %get3A_634 : vector<16xi32> -> vector<16xf32>
        %add3A_641 = arith.addf %add3A_624, %bitcast_convert_type3A_640 : vector<16xf32>
        %mul3A_642 = arith.constant 16 : i32
        %mul3A_643 = arith.muli %scan3A_187, %mul3A_642 : i32
        %add3A_644 = arith.constant 10 : i32
        %add3A_645 = arith.addi %mul3A_643, %add3A_644 : i32
        %get3A_646 = arith.constant 1 : i32
        %get3A_647 = arith.index_cast %get3A_646 : i32 to index
        %get3A_648 = arith.index_cast %add3A_645 : i32 to index
        %get3A_649 = arith.constant 16 : index
        %get3A_650 = tpu.vector_load %arg6[%get3A_647, %get3A_648, %get3A_649] {strides = array<i32>} : memref<4x128x64xi32, #tpu.memory_space<vmem>>, vector<1x1x16xi32>,
        %get3A_651 = vector.shape_cast %get3A_650 : vector<1x1x16xi32> to vector<16xi32>
        %shift_left3A_652 = arith.constant 16 : i32
        %shift_left3A_653 = vector.broadcast %shift_left3A_652 : i32 to vector<16xi32>
        %shift_left3A_654 = arith.shli %get3A_651, %shift_left3A_653 : vector<16xi32>
        %bitcast_convert_type3A_655 = tpu.bitcast %shift_left3A_654 : vector<16xi32> -> vector<16xf32>
        %add3A_656 = arith.addf %add3A_639, %bitcast_convert_type3A_655 : vector<16xf32>
        %bitcast_convert_type3A_657 = tpu.bitcast %get3A_651 : vector<16xi32> -> vector<16xf32>
        %add3A_658 = arith.addf %add3A_641, %bitcast_convert_type3A_657 : vector<16xf32>
        %mul3A_659 = arith.constant 16 : i32
        %mul3A_660 = arith.muli %scan3A_187, %mul3A_659 : i32
        %add3A_661 = arith.constant 11 : i32
        %add3A_662 = arith.addi %mul3A_660, %add3A_661 : i32
        %get3A_663 = arith.constant 1 : i32
        %get3A_664 = arith.index_cast %get3A_663 : i32 to index
        %get3A_665 = arith.index_cast %add3A_662 : i32 to index
        %get3A_666 = arith.constant 16 : index
        %get3A_667 = tpu.vector_load %arg6[%get3A_664, %get3A_665, %get3A_666] {strides = array<i32>} : memref<4x128x64xi32, #tpu.memory_space<vmem>>, vector<1x1x16xi32>,
        %get3A_668 = vector.shape_cast %get3A_667 : vector<1x1x16xi32> to vector<16xi32>
        %shift_left3A_669 = arith.constant 16 : i32
        %shift_left3A_670 = vector.broadcast %shift_left3A_669 : i32 to vector<16xi32>
        %shift_left3A_671 = arith.shli %get3A_668, %shift_left3A_670 : vector<16xi32>
        %bitcast_convert_type3A_672 = tpu.bitcast %shift_left3A_671 : vector<16xi32> -> vector<16xf32>
        %add3A_673 = arith.addf %add3A_656, %bitcast_convert_type3A_672 : vector<16xf32>
        %bitcast_convert_type3A_674 = tpu.bitcast %get3A_668 : vector<16xi32> -> vector<16xf32>
        %add3A_675 = arith.addf %add3A_658, %bitcast_convert_type3A_674 : vector<16xf32>
        %mul3A_676 = arith.constant 16 : i32
        %mul3A_677 = arith.muli %scan3A_187, %mul3A_676 : i32
        %add3A_678 = arith.constant 12 : i32
        %add3A_679 = arith.addi %mul3A_677, %add3A_678 : i32
        %get3A_680 = arith.constant 1 : i32
        %get3A_681 = arith.index_cast %get3A_680 : i32 to index
        %get3A_682 = arith.index_cast %add3A_679 : i32 to index
        %get3A_683 = arith.constant 16 : index
        %get3A_684 = tpu.vector_load %arg6[%get3A_681, %get3A_682, %get3A_683] {strides = array<i32>} : memref<4x128x64xi32, #tpu.memory_space<vmem>>, vector<1x1x16xi32>,
        %get3A_685 = vector.shape_cast %get3A_684 : vector<1x1x16xi32> to vector<16xi32>
        %shift_left3A_686 = arith.constant 16 : i32
        %shift_left3A_687 = vector.broadcast %shift_left3A_686 : i32 to vector<16xi32>
        %shift_left3A_688 = arith.shli %get3A_685, %shift_left3A_687 : vector<16xi32>
        %bitcast_convert_type3A_689 = tpu.bitcast %shift_left3A_688 : vector<16xi32> -> vector<16xf32>
        %add3A_690 = arith.addf %add3A_673, %bitcast_convert_type3A_689 : vector<16xf32>
        %bitcast_convert_type3A_691 = tpu.bitcast %get3A_685 : vector<16xi32> -> vector<16xf32>
        %add3A_692 = arith.addf %add3A_675, %bitcast_convert_type3A_691 : vector<16xf32>
        %mul3A_693 = arith.constant 16 : i32
        %mul3A_694 = arith.muli %scan3A_187, %mul3A_693 : i32
        %add3A_695 = arith.constant 13 : i32
        %add3A_696 = arith.addi %mul3A_694, %add3A_695 : i32
        %get3A_697 = arith.constant 1 : i32
        %get3A_698 = arith.index_cast %get3A_697 : i32 to index
        %get3A_699 = arith.index_cast %add3A_696 : i32 to index
        %get3A_700 = arith.constant 16 : index
        %get3A_701 = tpu.vector_load %arg6[%get3A_698, %get3A_699, %get3A_700] {strides = array<i32>} : memref<4x128x64xi32, #tpu.memory_space<vmem>>, vector<1x1x16xi32>,
        %get3A_702 = vector.shape_cast %get3A_701 : vector<1x1x16xi32> to vector<16xi32>
        %shift_left3A_703 = arith.constant 16 : i32
        %shift_left3A_704 = vector.broadcast %shift_left3A_703 : i32 to vector<16xi32>
        %shift_left3A_705 = arith.shli %get3A_702, %shift_left3A_704 : vector<16xi32>
        %bitcast_convert_type3A_706 = tpu.bitcast %shift_left3A_705 : vector<16xi32> -> vector<16xf32>
        %add3A_707 = arith.addf %add3A_690, %bitcast_convert_type3A_706 : vector<16xf32>
        %bitcast_convert_type3A_708 = tpu.bitcast %get3A_702 : vector<16xi32> -> vector<16xf32>
        %add3A_709 = arith.addf %add3A_692, %bitcast_convert_type3A_708 : vector<16xf32>
        %mul3A_710 = arith.constant 16 : i32
        %mul3A_711 = arith.muli %scan3A_187, %mul3A_710 : i32
        %add3A_712 = arith.constant 14 : i32
        %add3A_713 = arith.addi %mul3A_711, %add3A_712 : i32
        %get3A_714 = arith.constant 1 : i32
        %get3A_715 = arith.index_cast %get3A_714 : i32 to index
        %get3A_716 = arith.index_cast %add3A_713 : i32 to index
        %get3A_717 = arith.constant 16 : index
        %get3A_718 = tpu.vector_load %arg6[%get3A_715, %get3A_716, %get3A_717] {strides = array<i32>} : memref<4x128x64xi32, #tpu.memory_space<vmem>>, vector<1x1x16xi32>,
        %get3A_719 = vector.shape_cast %get3A_718 : vector<1x1x16xi32> to vector<16xi32>
        %shift_left3A_720 = arith.constant 16 : i32
        %shift_left3A_721 = vector.broadcast %shift_left3A_720 : i32 to vector<16xi32>
        %shift_left3A_722 = arith.shli %get3A_719, %shift_left3A_721 : vector<16xi32>
        %bitcast_convert_type3A_723 = tpu.bitcast %shift_left3A_722 : vector<16xi32> -> vector<16xf32>
        %add3A_724 = arith.addf %add3A_707, %bitcast_convert_type3A_723 : vector<16xf32>
        %bitcast_convert_type3A_725 = tpu.bitcast %get3A_719 : vector<16xi32> -> vector<16xf32>
        %add3A_726 = arith.addf %add3A_709, %bitcast_convert_type3A_725 : vector<16xf32>
        %mul3A_727 = arith.constant 16 : i32
        %mul3A_728 = arith.muli %scan3A_187, %mul3A_727 : i32
        %add3A_729 = arith.constant 15 : i32
        %add3A_730 = arith.addi %mul3A_728, %add3A_729 : i32
        %get3A_731 = arith.constant 1 : i32
        %get3A_732 = arith.index_cast %get3A_731 : i32 to index
        %get3A_733 = arith.index_cast %add3A_730 : i32 to index
        %get3A_734 = arith.constant 16 : index
        %get3A_735 = tpu.vector_load %arg6[%get3A_732, %get3A_733, %get3A_734] {strides = array<i32>} : memref<4x128x64xi32, #tpu.memory_space<vmem>>, vector<1x1x16xi32>,
        %get3A_736 = vector.shape_cast %get3A_735 : vector<1x1x16xi32> to vector<16xi32>
        %shift_left3A_737 = arith.constant 16 : i32
        %shift_left3A_738 = vector.broadcast %shift_left3A_737 : i32 to vector<16xi32>
        %shift_left3A_739 = arith.shli %get3A_736, %shift_left3A_738 : vector<16xi32>
        %bitcast_convert_type3A_740 = tpu.bitcast %shift_left3A_739 : vector<16xi32> -> vector<16xf32>
        %add3A_741 = arith.addf %add3A_724, %bitcast_convert_type3A_740 : vector<16xf32>
        %bitcast_convert_type3A_742 = tpu.bitcast %get3A_736 : vector<16xi32> -> vector<16xf32>
        %add3A_743 = arith.addf %add3A_726, %bitcast_convert_type3A_742 : vector<16xf32>
        %add3A_744 = arith.constant 8 : i32
        %add3A_745 = arith.addi %add3A_744, %scan3A_187 : i32
        %mul3A_746 = arith.constant 128 : i32
        %mul3A_747 = arith.muli %add3A_745, %mul3A_746 : i32
        %mul3A_748 = arith.constant 6.250000e-02 : f32
        %mul3A_749 = vector.broadcast %mul3A_748 : f32 to vector<16xf32>
        %mul3A_750 = arith.mulf %add3A_741, %mul3A_749 : vector<16xf32>
        %add3A_751 = arith.constant 32 : i32
        %add3A_752 = arith.addi %mul3A_747, %add3A_751 : i32
        %swap3A_753 = arith.index_cast %add3A_752 : i32 to index
        %swap3A_754 = tpu.vector_load %arg7[%swap3A_753] {strides = array<i32>} : memref<4096xf32, #tpu.memory_space<vmem>>, vector<16xf32>,
        %swap3A_755 = vector.shape_cast %swap3A_754 : vector<16xf32> to vector<16xf32>
        %swap3A_756 = vector.shape_cast %mul3A_750 : vector<16xf32> to vector<16xf32>
        tpu.vector_store %arg7[%swap3A_753], %swap3A_756 {strides = array<i32>} : memref<4096xf32, #tpu.memory_space<vmem>>, vector<16xf32>,
        %mul3A_757 = arith.constant 6.250000e-02 : f32
        %mul3A_758 = vector.broadcast %mul3A_757 : f32 to vector<16xf32>
        %mul3A_759 = arith.mulf %add3A_743, %mul3A_758 : vector<16xf32>
        %add3A_760 = arith.constant 32 : i32
        %add3A_761 = arith.addi %mul3A_747, %add3A_760 : i32
        %add3A_762 = arith.constant 16 : i32
        %add3A_763 = arith.addi %add3A_761, %add3A_762 : i32
        %swap3A_764 = arith.index_cast %add3A_763 : i32 to index
        %swap3A_765 = tpu.vector_load %arg7[%swap3A_764] {strides = array<i32>} : memref<4096xf32, #tpu.memory_space<vmem>>, vector<16xf32>,
        %swap3A_766 = vector.shape_cast %swap3A_765 : vector<16xf32> to vector<16xf32>
        %swap3A_767 = vector.shape_cast %mul3A_759 : vector<16xf32> to vector<16xf32>
        tpu.vector_store %arg7[%swap3A_764], %swap3A_767 {strides = array<i32>} : memref<4096xf32, #tpu.memory_space<vmem>>, vector<16xf32>,
        %mul3A_768 = arith.constant 16 : i32
        %mul3A_769 = arith.muli %scan3A_187, %mul3A_768 : i32
        %get3A_770 = arith.constant 1 : i32
        %get3A_771 = arith.index_cast %get3A_770 : i32 to index
        %get3A_772 = arith.index_cast %mul3A_769 : i32 to index
        %get3A_773 = arith.constant 32 : index
        %get3A_774 = tpu.vector_load %arg6[%get3A_771, %get3A_772, %get3A_773] {strides = array<i32>} : memref<4x128x64xi32, #tpu.memory_space<vmem>>, vector<1x1x16xi32>,
        %get3A_775 = vector.shape_cast %get3A_774 : vector<1x1x16xi32> to vector<16xi32>
        %shift_left3A_776 = arith.constant 16 : i32
        %shift_left3A_777 = vector.broadcast %shift_left3A_776 : i32 to vector<16xi32>
        %shift_left3A_778 = arith.shli %get3A_775, %shift_left3A_777 : vector<16xi32>
        %bitcast_convert_type3A_779 = tpu.bitcast %shift_left3A_778 : vector<16xi32> -> vector<16xf32>
        %bitcast_convert_type3A_780 = tpu.bitcast %get3A_775 : vector<16xi32> -> vector<16xf32>
        %mul3A_781 = arith.constant 16 : i32
        %mul3A_782 = arith.muli %scan3A_187, %mul3A_781 : i32
        %add3A_783 = arith.constant 1 : i32
        %add3A_784 = arith.addi %mul3A_782, %add3A_783 : i32
        %get3A_785 = arith.constant 1 : i32
        %get3A_786 = arith.index_cast %get3A_785 : i32 to index
        %get3A_787 = arith.index_cast %add3A_784 : i32 to index
        %get3A_788 = arith.constant 32 : index
        %get3A_789 = tpu.vector_load %arg6[%get3A_786, %get3A_787, %get3A_788] {strides = array<i32>} : memref<4x128x64xi32, #tpu.memory_space<vmem>>, vector<1x1x16xi32>,
        %get3A_790 = vector.shape_cast %get3A_789 : vector<1x1x16xi32> to vector<16xi32>
        %shift_left3A_791 = arith.constant 16 : i32
        %shift_left3A_792 = vector.broadcast %shift_left3A_791 : i32 to vector<16xi32>
        %shift_left3A_793 = arith.shli %get3A_790, %shift_left3A_792 : vector<16xi32>
        %bitcast_convert_type3A_794 = tpu.bitcast %shift_left3A_793 : vector<16xi32> -> vector<16xf32>
        %add3A_795 = arith.addf %bitcast_convert_type3A_779, %bitcast_convert_type3A_794 : vector<16xf32>
        %bitcast_convert_type3A_796 = tpu.bitcast %get3A_790 : vector<16xi32> -> vector<16xf32>
        %add3A_797 = arith.addf %bitcast_convert_type3A_780, %bitcast_convert_type3A_796 : vector<16xf32>
        %mul3A_798 = arith.constant 16 : i32
        %mul3A_799 = arith.muli %scan3A_187, %mul3A_798 : i32
        %add3A_800 = arith.constant 2 : i32
        %add3A_801 = arith.addi %mul3A_799, %add3A_800 : i32
        %get3A_802 = arith.constant 1 : i32
        %get3A_803 = arith.index_cast %get3A_802 : i32 to index
        %get3A_804 = arith.index_cast %add3A_801 : i32 to index
        %get3A_805 = arith.constant 32 : index
        %get3A_806 = tpu.vector_load %arg6[%get3A_803, %get3A_804, %get3A_805] {strides = array<i32>} : memref<4x128x64xi32, #tpu.memory_space<vmem>>, vector<1x1x16xi32>,
        %get3A_807 = vector.shape_cast %get3A_806 : vector<1x1x16xi32> to vector<16xi32>
        %shift_left3A_808 = arith.constant 16 : i32
        %shift_left3A_809 = vector.broadcast %shift_left3A_808 : i32 to vector<16xi32>
        %shift_left3A_810 = arith.shli %get3A_807, %shift_left3A_809 : vector<16xi32>
        %bitcast_convert_type3A_811 = tpu.bitcast %shift_left3A_810 : vector<16xi32> -> vector<16xf32>
        %add3A_812 = arith.addf %add3A_795, %bitcast_convert_type3A_811 : vector<16xf32>
        %bitcast_convert_type3A_813 = tpu.bitcast %get3A_807 : vector<16xi32> -> vector<16xf32>
        %add3A_814 = arith.addf %add3A_797, %bitcast_convert_type3A_813 : vector<16xf32>
        %mul3A_815 = arith.constant 16 : i32
        %mul3A_816 = arith.muli %scan3A_187, %mul3A_815 : i32
        %add3A_817 = arith.constant 3 : i32
        %add3A_818 = arith.addi %mul3A_816, %add3A_817 : i32
        %get3A_819 = arith.constant 1 : i32
        %get3A_820 = arith.index_cast %get3A_819 : i32 to index
        %get3A_821 = arith.index_cast %add3A_818 : i32 to index
        %get3A_822 = arith.constant 32 : index
        %get3A_823 = tpu.vector_load %arg6[%get3A_820, %get3A_821, %get3A_822] {strides = array<i32>} : memref<4x128x64xi32, #tpu.memory_space<vmem>>, vector<1x1x16xi32>,
        %get3A_824 = vector.shape_cast %get3A_823 : vector<1x1x16xi32> to vector<16xi32>
        %shift_left3A_825 = arith.constant 16 : i32
        %shift_left3A_826 = vector.broadcast %shift_left3A_825 : i32 to vector<16xi32>
        %shift_left3A_827 = arith.shli %get3A_824, %shift_left3A_826 : vector<16xi32>
        %bitcast_convert_type3A_828 = tpu.bitcast %shift_left3A_827 : vector<16xi32> -> vector<16xf32>
        %add3A_829 = arith.addf %add3A_812, %bitcast_convert_type3A_828 : vector<16xf32>
        %bitcast_convert_type3A_830 = tpu.bitcast %get3A_824 : vector<16xi32> -> vector<16xf32>
        %add3A_831 = arith.addf %add3A_814, %bitcast_convert_type3A_830 : vector<16xf32>
        %mul3A_832 = arith.constant 16 : i32
        %mul3A_833 = arith.muli %scan3A_187, %mul3A_832 : i32
        %add3A_834 = arith.constant 4 : i32
        %add3A_835 = arith.addi %mul3A_833, %add3A_834 : i32
        %get3A_836 = arith.constant 1 : i32
        %get3A_837 = arith.index_cast %get3A_836 : i32 to index
        %get3A_838 = arith.index_cast %add3A_835 : i32 to index
        %get3A_839 = arith.constant 32 : index
        %get3A_840 = tpu.vector_load %arg6[%get3A_837, %get3A_838, %get3A_839] {strides = array<i32>} : memref<4x128x64xi32, #tpu.memory_space<vmem>>, vector<1x1x16xi32>,
        %get3A_841 = vector.shape_cast %get3A_840 : vector<1x1x16xi32> to vector<16xi32>
        %shift_left3A_842 = arith.constant 16 : i32
        %shift_left3A_843 = vector.broadcast %shift_left3A_842 : i32 to vector<16xi32>
        %shift_left3A_844 = arith.shli %get3A_841, %shift_left3A_843 : vector<16xi32>
        %bitcast_convert_type3A_845 = tpu.bitcast %shift_left3A_844 : vector<16xi32> -> vector<16xf32>
        %add3A_846 = arith.addf %add3A_829, %bitcast_convert_type3A_845 : vector<16xf32>
        %bitcast_convert_type3A_847 = tpu.bitcast %get3A_841 : vector<16xi32> -> vector<16xf32>
        %add3A_848 = arith.addf %add3A_831, %bitcast_convert_type3A_847 : vector<16xf32>
        %mul3A_849 = arith.constant 16 : i32
        %mul3A_850 = arith.muli %scan3A_187, %mul3A_849 : i32
        %add3A_851 = arith.constant 5 : i32
        %add3A_852 = arith.addi %mul3A_850, %add3A_851 : i32
        %get3A_853 = arith.constant 1 : i32
        %get3A_854 = arith.index_cast %get3A_853 : i32 to index
        %get3A_855 = arith.index_cast %add3A_852 : i32 to index
        %get3A_856 = arith.constant 32 : index
        %get3A_857 = tpu.vector_load %arg6[%get3A_854, %get3A_855, %get3A_856] {strides = array<i32>} : memref<4x128x64xi32, #tpu.memory_space<vmem>>, vector<1x1x16xi32>,
        %get3A_858 = vector.shape_cast %get3A_857 : vector<1x1x16xi32> to vector<16xi32>
        %shift_left3A_859 = arith.constant 16 : i32
        %shift_left3A_860 = vector.broadcast %shift_left3A_859 : i32 to vector<16xi32>
        %shift_left3A_861 = arith.shli %get3A_858, %shift_left3A_860 : vector<16xi32>
        %bitcast_convert_type3A_862 = tpu.bitcast %shift_left3A_861 : vector<16xi32> -> vector<16xf32>
        %add3A_863 = arith.addf %add3A_846, %bitcast_convert_type3A_862 : vector<16xf32>
        %bitcast_convert_type3A_864 = tpu.bitcast %get3A_858 : vector<16xi32> -> vector<16xf32>
        %add3A_865 = arith.addf %add3A_848, %bitcast_convert_type3A_864 : vector<16xf32>
        %mul3A_866 = arith.constant 16 : i32
        %mul3A_867 = arith.muli %scan3A_187, %mul3A_866 : i32
        %add3A_868 = arith.constant 6 : i32
        %add3A_869 = arith.addi %mul3A_867, %add3A_868 : i32
        %get3A_870 = arith.constant 1 : i32
        %get3A_871 = arith.index_cast %get3A_870 : i32 to index
        %get3A_872 = arith.index_cast %add3A_869 : i32 to index
        %get3A_873 = arith.constant 32 : index
        %get3A_874 = tpu.vector_load %arg6[%get3A_871, %get3A_872, %get3A_873] {strides = array<i32>} : memref<4x128x64xi32, #tpu.memory_space<vmem>>, vector<1x1x16xi32>,
        %get3A_875 = vector.shape_cast %get3A_874 : vector<1x1x16xi32> to vector<16xi32>
        %shift_left3A_876 = arith.constant 16 : i32
        %shift_left3A_877 = vector.broadcast %shift_left3A_876 : i32 to vector<16xi32>
        %shift_left3A_878 = arith.shli %get3A_875, %shift_left3A_877 : vector<16xi32>
        %bitcast_convert_type3A_879 = tpu.bitcast %shift_left3A_878 : vector<16xi32> -> vector<16xf32>
        %add3A_880 = arith.addf %add3A_863, %bitcast_convert_type3A_879 : vector<16xf32>
        %bitcast_convert_type3A_881 = tpu.bitcast %get3A_875 : vector<16xi32> -> vector<16xf32>
        %add3A_882 = arith.addf %add3A_865, %bitcast_convert_type3A_881 : vector<16xf32>
        %mul3A_883 = arith.constant 16 : i32
        %mul3A_884 = arith.muli %scan3A_187, %mul3A_883 : i32
        %add3A_885 = arith.constant 7 : i32
        %add3A_886 = arith.addi %mul3A_884, %add3A_885 : i32
        %get3A_887 = arith.constant 1 : i32
        %get3A_888 = arith.index_cast %get3A_887 : i32 to index
        %get3A_889 = arith.index_cast %add3A_886 : i32 to index
        %get3A_890 = arith.constant 32 : index
        %get3A_891 = tpu.vector_load %arg6[%get3A_888, %get3A_889, %get3A_890] {strides = array<i32>} : memref<4x128x64xi32, #tpu.memory_space<vmem>>, vector<1x1x16xi32>,
        %get3A_892 = vector.shape_cast %get3A_891 : vector<1x1x16xi32> to vector<16xi32>
        %shift_left3A_893 = arith.constant 16 : i32
        %shift_left3A_894 = vector.broadcast %shift_left3A_893 : i32 to vector<16xi32>
        %shift_left3A_895 = arith.shli %get3A_892, %shift_left3A_894 : vector<16xi32>
        %bitcast_convert_type3A_896 = tpu.bitcast %shift_left3A_895 : vector<16xi32> -> vector<16xf32>
        %add3A_897 = arith.addf %add3A_880, %bitcast_convert_type3A_896 : vector<16xf32>
        %bitcast_convert_type3A_898 = tpu.bitcast %get3A_892 : vector<16xi32> -> vector<16xf32>
        %add3A_899 = arith.addf %add3A_882, %bitcast_convert_type3A_898 : vector<16xf32>
        %mul3A_900 = arith.constant 16 : i32
        %mul3A_901 = arith.muli %scan3A_187, %mul3A_900 : i32
        %add3A_902 = arith.constant 8 : i32
        %add3A_903 = arith.addi %mul3A_901, %add3A_902 : i32
        %get3A_904 = arith.constant 1 : i32
        %get3A_905 = arith.index_cast %get3A_904 : i32 to index
        %get3A_906 = arith.index_cast %add3A_903 : i32 to index
        %get3A_907 = arith.constant 32 : index
        %get3A_908 = tpu.vector_load %arg6[%get3A_905, %get3A_906, %get3A_907] {strides = array<i32>} : memref<4x128x64xi32, #tpu.memory_space<vmem>>, vector<1x1x16xi32>,
        %get3A_909 = vector.shape_cast %get3A_908 : vector<1x1x16xi32> to vector<16xi32>
        %shift_left3A_910 = arith.constant 16 : i32
        %shift_left3A_911 = vector.broadcast %shift_left3A_910 : i32 to vector<16xi32>
        %shift_left3A_912 = arith.shli %get3A_909, %shift_left3A_911 : vector<16xi32>
        %bitcast_convert_type3A_913 = tpu.bitcast %shift_left3A_912 : vector<16xi32> -> vector<16xf32>
        %add3A_914 = arith.addf %add3A_897, %bitcast_convert_type3A_913 : vector<16xf32>
        %bitcast_convert_type3A_915 = tpu.bitcast %get3A_909 : vector<16xi32> -> vector<16xf32>
        %add3A_916 = arith.addf %add3A_899, %bitcast_convert_type3A_915 : vector<16xf32>
        %mul3A_917 = arith.constant 16 : i32
        %mul3A_918 = arith.muli %scan3A_187, %mul3A_917 : i32
        %add3A_919 = arith.constant 9 : i32
        %add3A_920 = arith.addi %mul3A_918, %add3A_919 : i32
        %get3A_921 = arith.constant 1 : i32
        %get3A_922 = arith.index_cast %get3A_921 : i32 to index
        %get3A_923 = arith.index_cast %add3A_920 : i32 to index
        %get3A_924 = arith.constant 32 : index
        %get3A_925 = tpu.vector_load %arg6[%get3A_922, %get3A_923, %get3A_924] {strides = array<i32>} : memref<4x128x64xi32, #tpu.memory_space<vmem>>, vector<1x1x16xi32>,
        %get3A_926 = vector.shape_cast %get3A_925 : vector<1x1x16xi32> to vector<16xi32>
        %shift_left3A_927 = arith.constant 16 : i32
        %shift_left3A_928 = vector.broadcast %shift_left3A_927 : i32 to vector<16xi32>
        %shift_left3A_929 = arith.shli %get3A_926, %shift_left3A_928 : vector<16xi32>
        %bitcast_convert_type3A_930 = tpu.bitcast %shift_left3A_929 : vector<16xi32> -> vector<16xf32>
        %add3A_931 = arith.addf %add3A_914, %bitcast_convert_type3A_930 : vector<16xf32>
        %bitcast_convert_type3A_932 = tpu.bitcast %get3A_926 : vector<16xi32> -> vector<16xf32>
        %add3A_933 = arith.addf %add3A_916, %bitcast_convert_type3A_932 : vector<16xf32>
        %mul3A_934 = arith.constant 16 : i32
        %mul3A_935 = arith.muli %scan3A_187, %mul3A_934 : i32
        %add3A_936 = arith.constant 10 : i32
        %add3A_937 = arith.addi %mul3A_935, %add3A_936 : i32
        %get3A_938 = arith.constant 1 : i32
        %get3A_939 = arith.index_cast %get3A_938 : i32 to index
        %get3A_940 = arith.index_cast %add3A_937 : i32 to index
        %get3A_941 = arith.constant 32 : index
        %get3A_942 = tpu.vector_load %arg6[%get3A_939, %get3A_940, %get3A_941] {strides = array<i32>} : memref<4x128x64xi32, #tpu.memory_space<vmem>>, vector<1x1x16xi32>,
        %get3A_943 = vector.shape_cast %get3A_942 : vector<1x1x16xi32> to vector<16xi32>
        %shift_left3A_944 = arith.constant 16 : i32
        %shift_left3A_945 = vector.broadcast %shift_left3A_944 : i32 to vector<16xi32>
        %shift_left3A_946 = arith.shli %get3A_943, %shift_left3A_945 : vector<16xi32>
        %bitcast_convert_type3A_947 = tpu.bitcast %shift_left3A_946 : vector<16xi32> -> vector<16xf32>
        %add3A_948 = arith.addf %add3A_931, %bitcast_convert_type3A_947 : vector<16xf32>
        %bitcast_convert_type3A_949 = tpu.bitcast %get3A_943 : vector<16xi32> -> vector<16xf32>
        %add3A_950 = arith.addf %add3A_933, %bitcast_convert_type3A_949 : vector<16xf32>
        %mul3A_951 = arith.constant 16 : i32
        %mul3A_952 = arith.muli %scan3A_187, %mul3A_951 : i32
        %add3A_953 = arith.constant 11 : i32
        %add3A_954 = arith.addi %mul3A_952, %add3A_953 : i32
        %get3A_955 = arith.constant 1 : i32
        %get3A_956 = arith.index_cast %get3A_955 : i32 to index
        %get3A_957 = arith.index_cast %add3A_954 : i32 to index
        %get3A_958 = arith.constant 32 : index
        %get3A_959 = tpu.vector_load %arg6[%get3A_956, %get3A_957, %get3A_958] {strides = array<i32>} : memref<4x128x64xi32, #tpu.memory_space<vmem>>, vector<1x1x16xi32>,
        %get3A_960 = vector.shape_cast %get3A_959 : vector<1x1x16xi32> to vector<16xi32>
        %shift_left3A_961 = arith.constant 16 : i32
        %shift_left3A_962 = vector.broadcast %shift_left3A_961 : i32 to vector<16xi32>
        %shift_left3A_963 = arith.shli %get3A_960, %shift_left3A_962 : vector<16xi32>
        %bitcast_convert_type3A_964 = tpu.bitcast %shift_left3A_963 : vector<16xi32> -> vector<16xf32>
        %add3A_965 = arith.addf %add3A_948, %bitcast_convert_type3A_964 : vector<16xf32>
        %bitcast_convert_type3A_966 = tpu.bitcast %get3A_960 : vector<16xi32> -> vector<16xf32>
        %add3A_967 = arith.addf %add3A_950, %bitcast_convert_type3A_966 : vector<16xf32>
        %mul3A_968 = arith.constant 16 : i32
        %mul3A_969 = arith.muli %scan3A_187, %mul3A_968 : i32
        %add3A_970 = arith.constant 12 : i32
        %add3A_971 = arith.addi %mul3A_969, %add3A_970 : i32
        %get3A_972 = arith.constant 1 : i32
        %get3A_973 = arith.index_cast %get3A_972 : i32 to index
        %get3A_974 = arith.index_cast %add3A_971 : i32 to index
        %get3A_975 = arith.constant 32 : index
        %get3A_976 = tpu.vector_load %arg6[%get3A_973, %get3A_974, %get3A_975] {strides = array<i32>} : memref<4x128x64xi32, #tpu.memory_space<vmem>>, vector<1x1x16xi32>,
        %get3A_977 = vector.shape_cast %get3A_976 : vector<1x1x16xi32> to vector<16xi32>
        %shift_left3A_978 = arith.constant 16 : i32
        %shift_left3A_979 = vector.broadcast %shift_left3A_978 : i32 to vector<16xi32>
        %shift_left3A_980 = arith.shli %get3A_977, %shift_left3A_979 : vector<16xi32>
        %bitcast_convert_type3A_981 = tpu.bitcast %shift_left3A_980 : vector<16xi32> -> vector<16xf32>
        %add3A_982 = arith.addf %add3A_965, %bitcast_convert_type3A_981 : vector<16xf32>
        %bitcast_convert_type3A_983 = tpu.bitcast %get3A_977 : vector<16xi32> -> vector<16xf32>
        %add3A_984 = arith.addf %add3A_967, %bitcast_convert_type3A_983 : vector<16xf32>
        %mul3A_985 = arith.constant 16 : i32
        %mul3A_986 = arith.muli %scan3A_187, %mul3A_985 : i32
        %add3A_987 = arith.constant 13 : i32
        %add3A_988 = arith.addi %mul3A_986, %add3A_987 : i32
        %get3A_989 = arith.constant 1 : i32
        %get3A_990 = arith.index_cast %get3A_989 : i32 to index
        %get3A_991 = arith.index_cast %add3A_988 : i32 to index
        %get3A_992 = arith.constant 32 : index
        %get3A_993 = tpu.vector_load %arg6[%get3A_990, %get3A_991, %get3A_992] {strides = array<i32>} : memref<4x128x64xi32, #tpu.memory_space<vmem>>, vector<1x1x16xi32>,
        %get3A_994 = vector.shape_cast %get3A_993 : vector<1x1x16xi32> to vector<16xi32>
        %shift_left3A_995 = arith.constant 16 : i32
        %shift_left3A_996 = vector.broadcast %shift_left3A_995 : i32 to vector<16xi32>
        %shift_left3A_997 = arith.shli %get3A_994, %shift_left3A_996 : vector<16xi32>
        %bitcast_convert_type3A_998 = tpu.bitcast %shift_left3A_997 : vector<16xi32> -> vector<16xf32>
        %add3A_999 = arith.addf %add3A_982, %bitcast_convert_type3A_998 : vector<16xf32>
        %bitcast_convert_type3A_1000 = tpu.bitcast %get3A_994 : vector<16xi32> -> vector<16xf32>
        %add3A_1001 = arith.addf %add3A_984, %bitcast_convert_type3A_1000 : vector<16xf32>
        %mul3A_1002 = arith.constant 16 : i32
        %mul3A_1003 = arith.muli %scan3A_187, %mul3A_1002 : i32
        %add3A_1004 = arith.constant 14 : i32
        %add3A_1005 = arith.addi %mul3A_1003, %add3A_1004 : i32
        %get3A_1006 = arith.constant 1 : i32
        %get3A_1007 = arith.index_cast %get3A_1006 : i32 to index
        %get3A_1008 = arith.index_cast %add3A_1005 : i32 to index
        %get3A_1009 = arith.constant 32 : index
        %get3A_1010 = tpu.vector_load %arg6[%get3A_1007, %get3A_1008, %get3A_1009] {strides = array<i32>} : memref<4x128x64xi32, #tpu.memory_space<vmem>>, vector<1x1x16xi32>,
        %get3A_1011 = vector.shape_cast %get3A_1010 : vector<1x1x16xi32> to vector<16xi32>
        %shift_left3A_1012 = arith.constant 16 : i32
        %shift_left3A_1013 = vector.broadcast %shift_left3A_1012 : i32 to vector<16xi32>
        %shift_left3A_1014 = arith.shli %get3A_1011, %shift_left3A_1013 : vector<16xi32>
        %bitcast_convert_type3A_1015 = tpu.bitcast %shift_left3A_1014 : vector<16xi32> -> vector<16xf32>
        %add3A_1016 = arith.addf %add3A_999, %bitcast_convert_type3A_1015 : vector<16xf32>
        %bitcast_convert_type3A_1017 = tpu.bitcast %get3A_1011 : vector<16xi32> -> vector<16xf32>
        %add3A_1018 = arith.addf %add3A_1001, %bitcast_convert_type3A_1017 : vector<16xf32>
        %mul3A_1019 = arith.constant 16 : i32
        %mul3A_1020 = arith.muli %scan3A_187, %mul3A_1019 : i32
        %add3A_1021 = arith.constant 15 : i32
        %add3A_1022 = arith.addi %mul3A_1020, %add3A_1021 : i32
        %get3A_1023 = arith.constant 1 : i32
        %get3A_1024 = arith.index_cast %get3A_1023 : i32 to index
        %get3A_1025 = arith.index_cast %add3A_1022 : i32 to index
        %get3A_1026 = arith.constant 32 : index
        %get3A_1027 = tpu.vector_load %arg6[%get3A_1024, %get3A_1025, %get3A_1026] {strides = array<i32>} : memref<4x128x64xi32, #tpu.memory_space<vmem>>, vector<1x1x16xi32>,
        %get3A_1028 = vector.shape_cast %get3A_1027 : vector<1x1x16xi32> to vector<16xi32>
        %shift_left3A_1029 = arith.constant 16 : i32
        %shift_left3A_1030 = vector.broadcast %shift_left3A_1029 : i32 to vector<16xi32>
        %shift_left3A_1031 = arith.shli %get3A_1028, %shift_left3A_1030 : vector<16xi32>
        %bitcast_convert_type3A_1032 = tpu.bitcast %shift_left3A_1031 : vector<16xi32> -> vector<16xf32>
        %add3A_1033 = arith.addf %add3A_1016, %bitcast_convert_type3A_1032 : vector<16xf32>
        %bitcast_convert_type3A_1034 = tpu.bitcast %get3A_1028 : vector<16xi32> -> vector<16xf32>
        %add3A_1035 = arith.addf %add3A_1018, %bitcast_convert_type3A_1034 : vector<16xf32>
        %add3A_1036 = arith.constant 8 : i32
        %add3A_1037 = arith.addi %add3A_1036, %scan3A_187 : i32
        %mul3A_1038 = arith.constant 128 : i32
        %mul3A_1039 = arith.muli %add3A_1037, %mul3A_1038 : i32
        %mul3A_1040 = arith.constant 6.250000e-02 : f32
        %mul3A_1041 = vector.broadcast %mul3A_1040 : f32 to vector<16xf32>
        %mul3A_1042 = arith.mulf %add3A_1033, %mul3A_1041 : vector<16xf32>
        %add3A_1043 = arith.constant 64 : i32
        %add3A_1044 = arith.addi %mul3A_1039, %add3A_1043 : i32
        %swap3A_1045 = arith.index_cast %add3A_1044 : i32 to index
        %swap3A_1046 = tpu.vector_load %arg7[%swap3A_1045] {strides = array<i32>} : memref<4096xf32, #tpu.memory_space<vmem>>, vector<16xf32>,
        %swap3A_1047 = vector.shape_cast %swap3A_1046 : vector<16xf32> to vector<16xf32>
        %swap3A_1048 = vector.shape_cast %mul3A_1042 : vector<16xf32> to vector<16xf32>
        tpu.vector_store %arg7[%swap3A_1045], %swap3A_1048 {strides = array<i32>} : memref<4096xf32, #tpu.memory_space<vmem>>, vector<16xf32>,
        %mul3A_1049 = arith.constant 6.250000e-02 : f32
        %mul3A_1050 = vector.broadcast %mul3A_1049 : f32 to vector<16xf32>
        %mul3A_1051 = arith.mulf %add3A_1035, %mul3A_1050 : vector<16xf32>
        %add3A_1052 = arith.constant 64 : i32
        %add3A_1053 = arith.addi %mul3A_1039, %add3A_1052 : i32
        %add3A_1054 = arith.constant 16 : i32
        %add3A_1055 = arith.addi %add3A_1053, %add3A_1054 : i32
        %swap3A_1056 = arith.index_cast %add3A_1055 : i32 to index
        %swap3A_1057 = tpu.vector_load %arg7[%swap3A_1056] {strides = array<i32>} : memref<4096xf32, #tpu.memory_space<vmem>>, vector<16xf32>,
        %swap3A_1058 = vector.shape_cast %swap3A_1057 : vector<16xf32> to vector<16xf32>
        %swap3A_1059 = vector.shape_cast %mul3A_1051 : vector<16xf32> to vector<16xf32>
        tpu.vector_store %arg7[%swap3A_1056], %swap3A_1059 {strides = array<i32>} : memref<4096xf32, #tpu.memory_space<vmem>>, vector<16xf32>,
        %mul3A_1060 = arith.constant 16 : i32
        %mul3A_1061 = arith.muli %scan3A_187, %mul3A_1060 : i32
        %get3A_1062 = arith.constant 1 : i32
        %get3A_1063 = arith.index_cast %get3A_1062 : i32 to index
        %get3A_1064 = arith.index_cast %mul3A_1061 : i32 to index
        %get3A_1065 = arith.constant 48 : index
        %get3A_1066 = tpu.vector_load %arg6[%get3A_1063, %get3A_1064, %get3A_1065] {strides = array<i32>} : memref<4x128x64xi32, #tpu.memory_space<vmem>>, vector<1x1x16xi32>,
        %get3A_1067 = vector.shape_cast %get3A_1066 : vector<1x1x16xi32> to vector<16xi32>
        %shift_left3A_1068 = arith.constant 16 : i32
        %shift_left3A_1069 = vector.broadcast %shift_left3A_1068 : i32 to vector<16xi32>
        %shift_left3A_1070 = arith.shli %get3A_1067, %shift_left3A_1069 : vector<16xi32>
        %bitcast_convert_type3A_1071 = tpu.bitcast %shift_left3A_1070 : vector<16xi32> -> vector<16xf32>
        %bitcast_convert_type3A_1072 = tpu.bitcast %get3A_1067 : vector<16xi32> -> vector<16xf32>
        %mul3A_1073 = arith.constant 16 : i32
        %mul3A_1074 = arith.muli %scan3A_187, %mul3A_1073 : i32
        %add3A_1075 = arith.constant 1 : i32
        %add3A_1076 = arith.addi %mul3A_1074, %add3A_1075 : i32
        %get3A_1077 = arith.constant 1 : i32
        %get3A_1078 = arith.index_cast %get3A_1077 : i32 to index
        %get3A_1079 = arith.index_cast %add3A_1076 : i32 to index
        %get3A_1080 = arith.constant 48 : index
        %get3A_1081 = tpu.vector_load %arg6[%get3A_1078, %get3A_1079, %get3A_1080] {strides = array<i32>} : memref<4x128x64xi32, #tpu.memory_space<vmem>>, vector<1x1x16xi32>,
        %get3A_1082 = vector.shape_cast %get3A_1081 : vector<1x1x16xi32> to vector<16xi32>
        %shift_left3A_1083 = arith.constant 16 : i32
        %shift_left3A_1084 = vector.broadcast %shift_left3A_1083 : i32 to vector<16xi32>
        %shift_left3A_1085 = arith.shli %get3A_1082, %shift_left3A_1084 : vector<16xi32>
        %bitcast_convert_type3A_1086 = tpu.bitcast %shift_left3A_1085 : vector<16xi32> -> vector<16xf32>
        %add3A_1087 = arith.addf %bitcast_convert_type3A_1071, %bitcast_convert_type3A_1086 : vector<16xf32>
        %bitcast_convert_type3A_1088 = tpu.bitcast %get3A_1082 : vector<16xi32> -> vector<16xf32>
        %add3A_1089 = arith.addf %bitcast_convert_type3A_1072, %bitcast_convert_type3A_1088 : vector<16xf32>
        %mul3A_1090 = arith.constant 16 : i32
        %mul3A_1091 = arith.muli %scan3A_187, %mul3A_1090 : i32
        %add3A_1092 = arith.constant 2 : i32
        %add3A_1093 = arith.addi %mul3A_1091, %add3A_1092 : i32
        %get3A_1094 = arith.constant 1 : i32
        %get3A_1095 = arith.index_cast %get3A_1094 : i32 to index
        %get3A_1096 = arith.index_cast %add3A_1093 : i32 to index
        %get3A_1097 = arith.constant 48 : index
        %get3A_1098 = tpu.vector_load %arg6[%get3A_1095, %get3A_1096, %get3A_1097] {strides = array<i32>} : memref<4x128x64xi32, #tpu.memory_space<vmem>>, vector<1x1x16xi32>,
        %get3A_1099 = vector.shape_cast %get3A_1098 : vector<1x1x16xi32> to vector<16xi32>
        %shift_left3A_1100 = arith.constant 16 : i32
        %shift_left3A_1101 = vector.broadcast %shift_left3A_1100 : i32 to vector<16xi32>
        %shift_left3A_1102 = arith.shli %get3A_1099, %shift_left3A_1101 : vector<16xi32>
        %bitcast_convert_type3A_1103 = tpu.bitcast %shift_left3A_1102 : vector<16xi32> -> vector<16xf32>
        %add3A_1104 = arith.addf %add3A_1087, %bitcast_convert_type3A_1103 : vector<16xf32>
        %bitcast_convert_type3A_1105 = tpu.bitcast %get3A_1099 : vector<16xi32> -> vector<16xf32>
        %add3A_1106 = arith.addf %add3A_1089, %bitcast_convert_type3A_1105 : vector<16xf32>
        %mul3A_1107 = arith.constant 16 : i32
        %mul3A_1108 = arith.muli %scan3A_187, %mul3A_1107 : i32
        %add3A_1109 = arith.constant 3 : i32
        %add3A_1110 = arith.addi %mul3A_1108, %add3A_1109 : i32
        %get3A_1111 = arith.constant 1 : i32
        %get3A_1112 = arith.index_cast %get3A_1111 : i32 to index
        %get3A_1113 = arith.index_cast %add3A_1110 : i32 to index
        %get3A_1114 = arith.constant 48 : index
        %get3A_1115 = tpu.vector_load %arg6[%get3A_1112, %get3A_1113, %get3A_1114] {strides = array<i32>} : memref<4x128x64xi32, #tpu.memory_space<vmem>>, vector<1x1x16xi32>,
        %get3A_1116 = vector.shape_cast %get3A_1115 : vector<1x1x16xi32> to vector<16xi32>
        %shift_left3A_1117 = arith.constant 16 : i32
        %shift_left3A_1118 = vector.broadcast %shift_left3A_1117 : i32 to vector<16xi32>
        %shift_left3A_1119 = arith.shli %get3A_1116, %shift_left3A_1118 : vector<16xi32>
        %bitcast_convert_type3A_1120 = tpu.bitcast %shift_left3A_1119 : vector<16xi32> -> vector<16xf32>
        %add3A_1121 = arith.addf %add3A_1104, %bitcast_convert_type3A_1120 : vector<16xf32>
        %bitcast_convert_type3A_1122 = tpu.bitcast %get3A_1116 : vector<16xi32> -> vector<16xf32>
        %add3A_1123 = arith.addf %add3A_1106, %bitcast_convert_type3A_1122 : vector<16xf32>
        %mul3A_1124 = arith.constant 16 : i32
        %mul3A_1125 = arith.muli %scan3A_187, %mul3A_1124 : i32
        %add3A_1126 = arith.constant 4 : i32
        %add3A_1127 = arith.addi %mul3A_1125, %add3A_1126 : i32
        %get3A_1128 = arith.constant 1 : i32
        %get3A_1129 = arith.index_cast %get3A_1128 : i32 to index
        %get3A_1130 = arith.index_cast %add3A_1127 : i32 to index
        %get3A_1131 = arith.constant 48 : index
        %get3A_1132 = tpu.vector_load %arg6[%get3A_1129, %get3A_1130, %get3A_1131] {strides = array<i32>} : memref<4x128x64xi32, #tpu.memory_space<vmem>>, vector<1x1x16xi32>,
        %get3A_1133 = vector.shape_cast %get3A_1132 : vector<1x1x16xi32> to vector<16xi32>
        %shift_left3A_1134 = arith.constant 16 : i32
        %shift_left3A_1135 = vector.broadcast %shift_left3A_1134 : i32 to vector<16xi32>
        %shift_left3A_1136 = arith.shli %get3A_1133, %shift_left3A_1135 : vector<16xi32>
        %bitcast_convert_type3A_1137 = tpu.bitcast %shift_left3A_1136 : vector<16xi32> -> vector<16xf32>
        %add3A_1138 = arith.addf %add3A_1121, %bitcast_convert_type3A_1137 : vector<16xf32>
        %bitcast_convert_type3A_1139 = tpu.bitcast %get3A_1133 : vector<16xi32> -> vector<16xf32>
        %add3A_1140 = arith.addf %add3A_1123, %bitcast_convert_type3A_1139 : vector<16xf32>
        %mul3A_1141 = arith.constant 16 : i32
        %mul3A_1142 = arith.muli %scan3A_187, %mul3A_1141 : i32
        %add3A_1143 = arith.constant 5 : i32
        %add3A_1144 = arith.addi %mul3A_1142, %add3A_1143 : i32
        %get3A_1145 = arith.constant 1 : i32
        %get3A_1146 = arith.index_cast %get3A_1145 : i32 to index
        %get3A_1147 = arith.index_cast %add3A_1144 : i32 to index
        %get3A_1148 = arith.constant 48 : index
        %get3A_1149 = tpu.vector_load %arg6[%get3A_1146, %get3A_1147, %get3A_1148] {strides = array<i32>} : memref<4x128x64xi32, #tpu.memory_space<vmem>>, vector<1x1x16xi32>,
        %get3A_1150 = vector.shape_cast %get3A_1149 : vector<1x1x16xi32> to vector<16xi32>
        %shift_left3A_1151 = arith.constant 16 : i32
        %shift_left3A_1152 = vector.broadcast %shift_left3A_1151 : i32 to vector<16xi32>
        %shift_left3A_1153 = arith.shli %get3A_1150, %shift_left3A_1152 : vector<16xi32>
        %bitcast_convert_type3A_1154 = tpu.bitcast %shift_left3A_1153 : vector<16xi32> -> vector<16xf32>
        %add3A_1155 = arith.addf %add3A_1138, %bitcast_convert_type3A_1154 : vector<16xf32>
        %bitcast_convert_type3A_1156 = tpu.bitcast %get3A_1150 : vector<16xi32> -> vector<16xf32>
        %add3A_1157 = arith.addf %add3A_1140, %bitcast_convert_type3A_1156 : vector<16xf32>
        %mul3A_1158 = arith.constant 16 : i32
        %mul3A_1159 = arith.muli %scan3A_187, %mul3A_1158 : i32
        %add3A_1160 = arith.constant 6 : i32
        %add3A_1161 = arith.addi %mul3A_1159, %add3A_1160 : i32
        %get3A_1162 = arith.constant 1 : i32
        %get3A_1163 = arith.index_cast %get3A_1162 : i32 to index
        %get3A_1164 = arith.index_cast %add3A_1161 : i32 to index
        %get3A_1165 = arith.constant 48 : index
        %get3A_1166 = tpu.vector_load %arg6[%get3A_1163, %get3A_1164, %get3A_1165] {strides = array<i32>} : memref<4x128x64xi32, #tpu.memory_space<vmem>>, vector<1x1x16xi32>,
        %get3A_1167 = vector.shape_cast %get3A_1166 : vector<1x1x16xi32> to vector<16xi32>
        %shift_left3A_1168 = arith.constant 16 : i32
        %shift_left3A_1169 = vector.broadcast %shift_left3A_1168 : i32 to vector<16xi32>
        %shift_left3A_1170 = arith.shli %get3A_1167, %shift_left3A_1169 : vector<16xi32>
        %bitcast_convert_type3A_1171 = tpu.bitcast %shift_left3A_1170 : vector<16xi32> -> vector<16xf32>
        %add3A_1172 = arith.addf %add3A_1155, %bitcast_convert_type3A_1171 : vector<16xf32>
        %bitcast_convert_type3A_1173 = tpu.bitcast %get3A_1167 : vector<16xi32> -> vector<16xf32>
        %add3A_1174 = arith.addf %add3A_1157, %bitcast_convert_type3A_1173 : vector<16xf32>
        %mul3A_1175 = arith.constant 16 : i32
        %mul3A_1176 = arith.muli %scan3A_187, %mul3A_1175 : i32
        %add3A_1177 = arith.constant 7 : i32
        %add3A_1178 = arith.addi %mul3A_1176, %add3A_1177 : i32
        %get3A_1179 = arith.constant 1 : i32
        %get3A_1180 = arith.index_cast %get3A_1179 : i32 to index
        %get3A_1181 = arith.index_cast %add3A_1178 : i32 to index
        %get3A_1182 = arith.constant 48 : index
        %get3A_1183 = tpu.vector_load %arg6[%get3A_1180, %get3A_1181, %get3A_1182] {strides = array<i32>} : memref<4x128x64xi32, #tpu.memory_space<vmem>>, vector<1x1x16xi32>,
        %get3A_1184 = vector.shape_cast %get3A_1183 : vector<1x1x16xi32> to vector<16xi32>
        %shift_left3A_1185 = arith.constant 16 : i32
        %shift_left3A_1186 = vector.broadcast %shift_left3A_1185 : i32 to vector<16xi32>
        %shift_left3A_1187 = arith.shli %get3A_1184, %shift_left3A_1186 : vector<16xi32>
        %bitcast_convert_type3A_1188 = tpu.bitcast %shift_left3A_1187 : vector<16xi32> -> vector<16xf32>
        %add3A_1189 = arith.addf %add3A_1172, %bitcast_convert_type3A_1188 : vector<16xf32>
        %bitcast_convert_type3A_1190 = tpu.bitcast %get3A_1184 : vector<16xi32> -> vector<16xf32>
        %add3A_1191 = arith.addf %add3A_1174, %bitcast_convert_type3A_1190 : vector<16xf32>
        %mul3A_1192 = arith.constant 16 : i32
        %mul3A_1193 = arith.muli %scan3A_187, %mul3A_1192 : i32
        %add3A_1194 = arith.constant 8 : i32
        %add3A_1195 = arith.addi %mul3A_1193, %add3A_1194 : i32
        %get3A_1196 = arith.constant 1 : i32
        %get3A_1197 = arith.index_cast %get3A_1196 : i32 to index
        %get3A_1198 = arith.index_cast %add3A_1195 : i32 to index
        %get3A_1199 = arith.constant 48 : index
        %get3A_1200 = tpu.vector_load %arg6[%get3A_1197, %get3A_1198, %get3A_1199] {strides = array<i32>} : memref<4x128x64xi32, #tpu.memory_space<vmem>>, vector<1x1x16xi32>,
        %get3A_1201 = vector.shape_cast %get3A_1200 : vector<1x1x16xi32> to vector<16xi32>
        %shift_left3A_1202 = arith.constant 16 : i32
        %shift_left3A_1203 = vector.broadcast %shift_left3A_1202 : i32 to vector<16xi32>
        %shift_left3A_1204 = arith.shli %get3A_1201, %shift_left3A_1203 : vector<16xi32>
        %bitcast_convert_type3A_1205 = tpu.bitcast %shift_left3A_1204 : vector<16xi32> -> vector<16xf32>
        %add3A_1206 = arith.addf %add3A_1189, %bitcast_convert_type3A_1205 : vector<16xf32>
        %bitcast_convert_type3A_1207 = tpu.bitcast %get3A_1201 : vector<16xi32> -> vector<16xf32>
        %add3A_1208 = arith.addf %add3A_1191, %bitcast_convert_type3A_1207 : vector<16xf32>
        %mul3A_1209 = arith.constant 16 : i32
        %mul3A_1210 = arith.muli %scan3A_187, %mul3A_1209 : i32
        %add3A_1211 = arith.constant 9 : i32
        %add3A_1212 = arith.addi %mul3A_1210, %add3A_1211 : i32
        %get3A_1213 = arith.constant 1 : i32
        %get3A_1214 = arith.index_cast %get3A_1213 : i32 to index
        %get3A_1215 = arith.index_cast %add3A_1212 : i32 to index
        %get3A_1216 = arith.constant 48 : index
        %get3A_1217 = tpu.vector_load %arg6[%get3A_1214, %get3A_1215, %get3A_1216] {strides = array<i32>} : memref<4x128x64xi32, #tpu.memory_space<vmem>>, vector<1x1x16xi32>,
        %get3A_1218 = vector.shape_cast %get3A_1217 : vector<1x1x16xi32> to vector<16xi32>
        %shift_left3A_1219 = arith.constant 16 : i32
        %shift_left3A_1220 = vector.broadcast %shift_left3A_1219 : i32 to vector<16xi32>
        %shift_left3A_1221 = arith.shli %get3A_1218, %shift_left3A_1220 : vector<16xi32>
        %bitcast_convert_type3A_1222 = tpu.bitcast %shift_left3A_1221 : vector<16xi32> -> vector<16xf32>
        %add3A_1223 = arith.addf %add3A_1206, %bitcast_convert_type3A_1222 : vector<16xf32>
        %bitcast_convert_type3A_1224 = tpu.bitcast %get3A_1218 : vector<16xi32> -> vector<16xf32>
        %add3A_1225 = arith.addf %add3A_1208, %bitcast_convert_type3A_1224 : vector<16xf32>
        %mul3A_1226 = arith.constant 16 : i32
        %mul3A_1227 = arith.muli %scan3A_187, %mul3A_1226 : i32
        %add3A_1228 = arith.constant 10 : i32
        %add3A_1229 = arith.addi %mul3A_1227, %add3A_1228 : i32
        %get3A_1230 = arith.constant 1 : i32
        %get3A_1231 = arith.index_cast %get3A_1230 : i32 to index
        %get3A_1232 = arith.index_cast %add3A_1229 : i32 to index
        %get3A_1233 = arith.constant 48 : index
        %get3A_1234 = tpu.vector_load %arg6[%get3A_1231, %get3A_1232, %get3A_1233] {strides = array<i32>} : memref<4x128x64xi32, #tpu.memory_space<vmem>>, vector<1x1x16xi32>,
        %get3A_1235 = vector.shape_cast %get3A_1234 : vector<1x1x16xi32> to vector<16xi32>
        %shift_left3A_1236 = arith.constant 16 : i32
        %shift_left3A_1237 = vector.broadcast %shift_left3A_1236 : i32 to vector<16xi32>
        %shift_left3A_1238 = arith.shli %get3A_1235, %shift_left3A_1237 : vector<16xi32>
        %bitcast_convert_type3A_1239 = tpu.bitcast %shift_left3A_1238 : vector<16xi32> -> vector<16xf32>
        %add3A_1240 = arith.addf %add3A_1223, %bitcast_convert_type3A_1239 : vector<16xf32>
        %bitcast_convert_type3A_1241 = tpu.bitcast %get3A_1235 : vector<16xi32> -> vector<16xf32>
        %add3A_1242 = arith.addf %add3A_1225, %bitcast_convert_type3A_1241 : vector<16xf32>
        %mul3A_1243 = arith.constant 16 : i32
        %mul3A_1244 = arith.muli %scan3A_187, %mul3A_1243 : i32
        %add3A_1245 = arith.constant 11 : i32
        %add3A_1246 = arith.addi %mul3A_1244, %add3A_1245 : i32
        %get3A_1247 = arith.constant 1 : i32
        %get3A_1248 = arith.index_cast %get3A_1247 : i32 to index
        %get3A_1249 = arith.index_cast %add3A_1246 : i32 to index
        %get3A_1250 = arith.constant 48 : index
        %get3A_1251 = tpu.vector_load %arg6[%get3A_1248, %get3A_1249, %get3A_1250] {strides = array<i32>} : memref<4x128x64xi32, #tpu.memory_space<vmem>>, vector<1x1x16xi32>,
        %get3A_1252 = vector.shape_cast %get3A_1251 : vector<1x1x16xi32> to vector<16xi32>
        %shift_left3A_1253 = arith.constant 16 : i32
        %shift_left3A_1254 = vector.broadcast %shift_left3A_1253 : i32 to vector<16xi32>
        %shift_left3A_1255 = arith.shli %get3A_1252, %shift_left3A_1254 : vector<16xi32>
        %bitcast_convert_type3A_1256 = tpu.bitcast %shift_left3A_1255 : vector<16xi32> -> vector<16xf32>
        %add3A_1257 = arith.addf %add3A_1240, %bitcast_convert_type3A_1256 : vector<16xf32>
        %bitcast_convert_type3A_1258 = tpu.bitcast %get3A_1252 : vector<16xi32> -> vector<16xf32>
        %add3A_1259 = arith.addf %add3A_1242, %bitcast_convert_type3A_1258 : vector<16xf32>
        %mul3A_1260 = arith.constant 16 : i32
        %mul3A_1261 = arith.muli %scan3A_187, %mul3A_1260 : i32
        %add3A_1262 = arith.constant 12 : i32
        %add3A_1263 = arith.addi %mul3A_1261, %add3A_1262 : i32
        %get3A_1264 = arith.constant 1 : i32
        %get3A_1265 = arith.index_cast %get3A_1264 : i32 to index
        %get3A_1266 = arith.index_cast %add3A_1263 : i32 to index
        %get3A_1267 = arith.constant 48 : index
        %get3A_1268 = tpu.vector_load %arg6[%get3A_1265, %get3A_1266, %get3A_1267] {strides = array<i32>} : memref<4x128x64xi32, #tpu.memory_space<vmem>>, vector<1x1x16xi32>,
        %get3A_1269 = vector.shape_cast %get3A_1268 : vector<1x1x16xi32> to vector<16xi32>
        %shift_left3A_1270 = arith.constant 16 : i32
        %shift_left3A_1271 = vector.broadcast %shift_left3A_1270 : i32 to vector<16xi32>
        %shift_left3A_1272 = arith.shli %get3A_1269, %shift_left3A_1271 : vector<16xi32>
        %bitcast_convert_type3A_1273 = tpu.bitcast %shift_left3A_1272 : vector<16xi32> -> vector<16xf32>
        %add3A_1274 = arith.addf %add3A_1257, %bitcast_convert_type3A_1273 : vector<16xf32>
        %bitcast_convert_type3A_1275 = tpu.bitcast %get3A_1269 : vector<16xi32> -> vector<16xf32>
        %add3A_1276 = arith.addf %add3A_1259, %bitcast_convert_type3A_1275 : vector<16xf32>
        %mul3A_1277 = arith.constant 16 : i32
        %mul3A_1278 = arith.muli %scan3A_187, %mul3A_1277 : i32
        %add3A_1279 = arith.constant 13 : i32
        %add3A_1280 = arith.addi %mul3A_1278, %add3A_1279 : i32
        %get3A_1281 = arith.constant 1 : i32
        %get3A_1282 = arith.index_cast %get3A_1281 : i32 to index
        %get3A_1283 = arith.index_cast %add3A_1280 : i32 to index
        %get3A_1284 = arith.constant 48 : index
        %get3A_1285 = tpu.vector_load %arg6[%get3A_1282, %get3A_1283, %get3A_1284] {strides = array<i32>} : memref<4x128x64xi32, #tpu.memory_space<vmem>>, vector<1x1x16xi32>,
        %get3A_1286 = vector.shape_cast %get3A_1285 : vector<1x1x16xi32> to vector<16xi32>
        %shift_left3A_1287 = arith.constant 16 : i32
        %shift_left3A_1288 = vector.broadcast %shift_left3A_1287 : i32 to vector<16xi32>
        %shift_left3A_1289 = arith.shli %get3A_1286, %shift_left3A_1288 : vector<16xi32>
        %bitcast_convert_type3A_1290 = tpu.bitcast %shift_left3A_1289 : vector<16xi32> -> vector<16xf32>
        %add3A_1291 = arith.addf %add3A_1274, %bitcast_convert_type3A_1290 : vector<16xf32>
        %bitcast_convert_type3A_1292 = tpu.bitcast %get3A_1286 : vector<16xi32> -> vector<16xf32>
        %add3A_1293 = arith.addf %add3A_1276, %bitcast_convert_type3A_1292 : vector<16xf32>
        %mul3A_1294 = arith.constant 16 : i32
        %mul3A_1295 = arith.muli %scan3A_187, %mul3A_1294 : i32
        %add3A_1296 = arith.constant 14 : i32
        %add3A_1297 = arith.addi %mul3A_1295, %add3A_1296 : i32
        %get3A_1298 = arith.constant 1 : i32
        %get3A_1299 = arith.index_cast %get3A_1298 : i32 to index
        %get3A_1300 = arith.index_cast %add3A_1297 : i32 to index
        %get3A_1301 = arith.constant 48 : index
        %get3A_1302 = tpu.vector_load %arg6[%get3A_1299, %get3A_1300, %get3A_1301] {strides = array<i32>} : memref<4x128x64xi32, #tpu.memory_space<vmem>>, vector<1x1x16xi32>,
        %get3A_1303 = vector.shape_cast %get3A_1302 : vector<1x1x16xi32> to vector<16xi32>
        %shift_left3A_1304 = arith.constant 16 : i32
        %shift_left3A_1305 = vector.broadcast %shift_left3A_1304 : i32 to vector<16xi32>
        %shift_left3A_1306 = arith.shli %get3A_1303, %shift_left3A_1305 : vector<16xi32>
        %bitcast_convert_type3A_1307 = tpu.bitcast %shift_left3A_1306 : vector<16xi32> -> vector<16xf32>
        %add3A_1308 = arith.addf %add3A_1291, %bitcast_convert_type3A_1307 : vector<16xf32>
        %bitcast_convert_type3A_1309 = tpu.bitcast %get3A_1303 : vector<16xi32> -> vector<16xf32>
        %add3A_1310 = arith.addf %add3A_1293, %bitcast_convert_type3A_1309 : vector<16xf32>
        %mul3A_1311 = arith.constant 16 : i32
        %mul3A_1312 = arith.muli %scan3A_187, %mul3A_1311 : i32
        %add3A_1313 = arith.constant 15 : i32
        %add3A_1314 = arith.addi %mul3A_1312, %add3A_1313 : i32
        %get3A_1315 = arith.constant 1 : i32
        %get3A_1316 = arith.index_cast %get3A_1315 : i32 to index
        %get3A_1317 = arith.index_cast %add3A_1314 : i32 to index
        %get3A_1318 = arith.constant 48 : index
        %get3A_1319 = tpu.vector_load %arg6[%get3A_1316, %get3A_1317, %get3A_1318] {strides = array<i32>} : memref<4x128x64xi32, #tpu.memory_space<vmem>>, vector<1x1x16xi32>,
        %get3A_1320 = vector.shape_cast %get3A_1319 : vector<1x1x16xi32> to vector<16xi32>
        %shift_left3A_1321 = arith.constant 16 : i32
        %shift_left3A_1322 = vector.broadcast %shift_left3A_1321 : i32 to vector<16xi32>
        %shift_left3A_1323 = arith.shli %get3A_1320, %shift_left3A_1322 : vector<16xi32>
        %bitcast_convert_type3A_1324 = tpu.bitcast %shift_left3A_1323 : vector<16xi32> -> vector<16xf32>
        %add3A_1325 = arith.addf %add3A_1308, %bitcast_convert_type3A_1324 : vector<16xf32>
        %bitcast_convert_type3A_1326 = tpu.bitcast %get3A_1320 : vector<16xi32> -> vector<16xf32>
        %add3A_1327 = arith.addf %add3A_1310, %bitcast_convert_type3A_1326 : vector<16xf32>
        %add3A_1328 = arith.constant 8 : i32
        %add3A_1329 = arith.addi %add3A_1328, %scan3A_187 : i32
        %mul3A_1330 = arith.constant 128 : i32
        %mul3A_1331 = arith.muli %add3A_1329, %mul3A_1330 : i32
        %mul3A_1332 = arith.constant 6.250000e-02 : f32
        %mul3A_1333 = vector.broadcast %mul3A_1332 : f32 to vector<16xf32>
        %mul3A_1334 = arith.mulf %add3A_1325, %mul3A_1333 : vector<16xf32>
        %add3A_1335 = arith.constant 96 : i32
        %add3A_1336 = arith.addi %mul3A_1331, %add3A_1335 : i32
        %swap3A_1337 = arith.index_cast %add3A_1336 : i32 to index
        %swap3A_1338 = tpu.vector_load %arg7[%swap3A_1337] {strides = array<i32>} : memref<4096xf32, #tpu.memory_space<vmem>>, vector<16xf32>,
        %swap3A_1339 = vector.shape_cast %swap3A_1338 : vector<16xf32> to vector<16xf32>
        %swap3A_1340 = vector.shape_cast %mul3A_1334 : vector<16xf32> to vector<16xf32>
        tpu.vector_store %arg7[%swap3A_1337], %swap3A_1340 {strides = array<i32>} : memref<4096xf32, #tpu.memory_space<vmem>>, vector<16xf32>,
        %mul3A_1341 = arith.constant 6.250000e-02 : f32
        %mul3A_1342 = vector.broadcast %mul3A_1341 : f32 to vector<16xf32>
        %mul3A_1343 = arith.mulf %add3A_1327, %mul3A_1342 : vector<16xf32>
        %add3A_1344 = arith.constant 96 : i32
        %add3A_1345 = arith.addi %mul3A_1331, %add3A_1344 : i32
        %add3A_1346 = arith.constant 16 : i32
        %add3A_1347 = arith.addi %add3A_1345, %add3A_1346 : i32
        %swap3A_1348 = arith.index_cast %add3A_1347 : i32 to index
        %swap3A_1349 = tpu.vector_load %arg7[%swap3A_1348] {strides = array<i32>} : memref<4096xf32, #tpu.memory_space<vmem>>, vector<16xf32>,
        %swap3A_1350 = vector.shape_cast %swap3A_1349 : vector<16xf32> to vector<16xf32>
        %swap3A_1351 = vector.shape_cast %mul3A_1343 : vector<16xf32> to vector<16xf32>
        tpu.vector_store %arg7[%swap3A_1348], %swap3A_1351 {strides = array<i32>} : memref<4096xf32, #tpu.memory_space<vmem>>, vector<16xf32>,
      }
      %scan3A_120 = arith.constant 8 : i32
      %add3A_121 = arith.constant 4 : i32
      %add3A_122 = arith.addi %add3A_102, %add3A_121 : i32
      %lt3A_123 = arith.constant 160 : i32
      %lt3A_124 = arith.cmpi slt, %add3A_122, %lt3A_123 : i32
      %convert_element_type3A_125 = arith.extui %lt3A_124 : i1 to i32
      %cond3A_126 = arith.constant 0 : i32
      %cond3A_127 = arith.cmpi ne, %convert_element_type3A_125, %cond3A_126 : i32
      scf.if %cond3A_127 {
        %mul3A_187 = arith.constant 128 : i32
        %mul3A_188 = arith.muli %add3A_122, %mul3A_187 : i32
        %dma_start3A_189 = arith.constant 1 : i32
        %dma_start3A_190 = arith.constant 0 : i32
        %dma_start3A_191 = arith.constant 0 : i32
        %dma_start3A_192 = tpu.memref_slice %arg6[%dma_start3A_189, %dma_start3A_190, %dma_start3A_191] : memref<4x128x64xi32, #tpu.memory_space<vmem>> -> memref<1x128x64xi32, #tpu.memory_space<vmem>>
        %dma_start3A_193 = tpu.memref_squeeze %dma_start3A_192 : memref<1x128x64xi32, #tpu.memory_space<vmem>> -> memref<128x64xi32, #tpu.memory_space<vmem>>
        %dma_start3A_194 = tpu.memref_slice %arg5[%mul3A_188] : memref<20480xi32, #tpu.memory_space<vmem>> -> memref<128xi32, #tpu.memory_space<vmem>>
        %dma_start3A_195 = arith.constant 0 : i32
        %dma_start3A_196 = tpu.memref_slice %arg2[%mul3A_20, %dma_start3A_195] : memref<40960x64xi32, #tpu.memory_space<hbm>> -> memref<10240x64xi32, #tpu.memory_space<hbm>>
        %dma_start3A_197 = arith.constant 0 : i32
        %dma_start3A_198 = arith.constant 0 : i32
        %dma_start3A_199 = tpu.memref_slice %dma_start3A_196[%dma_start3A_197, %dma_start3A_198] : memref<10240x64xi32, #tpu.memory_space<hbm>> -> memref<10240x64xi32, #tpu.memory_space<hbm>>
        tpu.enqueue_indirect_dma source(%dma_start3A_199 : memref<10240x64xi32, #tpu.memory_space<hbm>>) target(%dma_start3A_193 : memref<128x64xi32, #tpu.memory_space<vmem>>) offsets(%dma_start3A_194 : memref<128xi32, #tpu.memory_space<vmem>>) semaphore(%arg9 : memref<!tpu.dma_semaphore, #tpu.memory_space<semaphore_mem>>)
      } else {
      }
      %add3A_128 = arith.constant 2 : i32
      %add3A_129 = arith.addi %mul3A_77, %add3A_128 : i32
      %dma_wait3A_130 = arith.constant 2 : i32
      %dma_wait3A_131 = arith.constant 0 : i32
      %dma_wait3A_132 = arith.constant 0 : i32
      %dma_wait3A_133 = tpu.memref_slice %arg6[%dma_wait3A_130, %dma_wait3A_131, %dma_wait3A_132] : memref<4x128x64xi32, #tpu.memory_space<vmem>> -> memref<1x128x64xi32, #tpu.memory_space<vmem>>
      %dma_wait3A_134 = tpu.memref_squeeze %dma_wait3A_133 : memref<1x128x64xi32, #tpu.memory_space<vmem>> -> memref<128x64xi32, #tpu.memory_space<vmem>>
      %dma_wait3A_135 = arith.constant 0 : i32
      %dma_wait3A_136 = tpu.memref_slice %arg5[%dma_wait3A_135] : memref<20480xi32, #tpu.memory_space<vmem>> -> memref<128xi32, #tpu.memory_space<vmem>>
      %dma_wait3A_137 = arith.constant 0 : i32
      %dma_wait3A_138 = tpu.memref_slice %arg2[%mul3A_20, %dma_wait3A_137] : memref<40960x64xi32, #tpu.memory_space<hbm>> -> memref<10240x64xi32, #tpu.memory_space<hbm>>
      %dma_wait3A_139 = arith.constant 0 : i32
      %dma_wait3A_140 = arith.constant 0 : i32
      %dma_wait3A_141 = tpu.memref_slice %dma_wait3A_138[%dma_wait3A_139, %dma_wait3A_140] : memref<10240x64xi32, #tpu.memory_space<hbm>> -> memref<10240x64xi32, #tpu.memory_space<hbm>>
      tpu.wait_indirect_dma semaphore(%arg10 : memref<!tpu.dma_semaphore, #tpu.memory_space<semaphore_mem>>) src(%dma_wait3A_141 : memref<10240x64xi32, #tpu.memory_space<hbm>>) dst(%dma_wait3A_134 : memref<128x64xi32, #tpu.memory_space<vmem>>)
      %scan3A_142 = arith.constant 0 : i32
      %scan3A_143 = arith.constant 0 : i32
      %scan3A_144 = arith.constant 8 : i32
      %scan3A_145 = arith.addi %scan3A_143, %scan3A_144 : i32
      %scan3A_146 = arith.constant 1 : i32
      scf.for %scan3A_187 = %scan3A_143 to %scan3A_145 step %scan3A_146  : i32 {
        %mul3A_188 = arith.constant 16 : i32
        %mul3A_189 = arith.muli %scan3A_187, %mul3A_188 : i32
        %get3A = arith.constant 2 : i32
        %get3A_190 = arith.index_cast %get3A : i32 to index
        %get3A_191 = arith.index_cast %mul3A_189 : i32 to index
        %get3A_192 = arith.constant 0 : index
        %get3A_193 = tpu.vector_load %arg6[%get3A_190, %get3A_191, %get3A_192] {strides = array<i32>} : memref<4x128x64xi32, #tpu.memory_space<vmem>>, vector<1x1x16xi32>,
        %get3A_194 = vector.shape_cast %get3A_193 : vector<1x1x16xi32> to vector<16xi32>
        %shift_left3A = arith.constant 16 : i32
        %shift_left3A_195 = vector.broadcast %shift_left3A : i32 to vector<16xi32>
        %shift_left3A_196 = arith.shli %get3A_194, %shift_left3A_195 : vector<16xi32>
        %bitcast_convert_type3A = tpu.bitcast %shift_left3A_196 : vector<16xi32> -> vector<16xf32>
        %bitcast_convert_type3A_197 = tpu.bitcast %get3A_194 : vector<16xi32> -> vector<16xf32>
        %mul3A_198 = arith.constant 16 : i32
        %mul3A_199 = arith.muli %scan3A_187, %mul3A_198 : i32
        %add3A_200 = arith.constant 1 : i32
        %add3A_201 = arith.addi %mul3A_199, %add3A_200 : i32
        %get3A_202 = arith.constant 2 : i32
        %get3A_203 = arith.index_cast %get3A_202 : i32 to index
        %get3A_204 = arith.index_cast %add3A_201 : i32 to index
        %get3A_205 = arith.constant 0 : index
        %get3A_206 = tpu.vector_load %arg6[%get3A_203, %get3A_204, %get3A_205] {strides = array<i32>} : memref<4x128x64xi32, #tpu.memory_space<vmem>>, vector<1x1x16xi32>,
        %get3A_207 = vector.shape_cast %get3A_206 : vector<1x1x16xi32> to vector<16xi32>
        %shift_left3A_208 = arith.constant 16 : i32
        %shift_left3A_209 = vector.broadcast %shift_left3A_208 : i32 to vector<16xi32>
        %shift_left3A_210 = arith.shli %get3A_207, %shift_left3A_209 : vector<16xi32>
        %bitcast_convert_type3A_211 = tpu.bitcast %shift_left3A_210 : vector<16xi32> -> vector<16xf32>
        %add3A_212 = arith.addf %bitcast_convert_type3A, %bitcast_convert_type3A_211 : vector<16xf32>
        %bitcast_convert_type3A_213 = tpu.bitcast %get3A_207 : vector<16xi32> -> vector<16xf32>
        %add3A_214 = arith.addf %bitcast_convert_type3A_197, %bitcast_convert_type3A_213 : vector<16xf32>
        %mul3A_215 = arith.constant 16 : i32
        %mul3A_216 = arith.muli %scan3A_187, %mul3A_215 : i32
        %add3A_217 = arith.constant 2 : i32
        %add3A_218 = arith.addi %mul3A_216, %add3A_217 : i32
        %get3A_219 = arith.constant 2 : i32
        %get3A_220 = arith.index_cast %get3A_219 : i32 to index
        %get3A_221 = arith.index_cast %add3A_218 : i32 to index
        %get3A_222 = arith.constant 0 : index
        %get3A_223 = tpu.vector_load %arg6[%get3A_220, %get3A_221, %get3A_222] {strides = array<i32>} : memref<4x128x64xi32, #tpu.memory_space<vmem>>, vector<1x1x16xi32>,
        %get3A_224 = vector.shape_cast %get3A_223 : vector<1x1x16xi32> to vector<16xi32>
        %shift_left3A_225 = arith.constant 16 : i32
        %shift_left3A_226 = vector.broadcast %shift_left3A_225 : i32 to vector<16xi32>
        %shift_left3A_227 = arith.shli %get3A_224, %shift_left3A_226 : vector<16xi32>
        %bitcast_convert_type3A_228 = tpu.bitcast %shift_left3A_227 : vector<16xi32> -> vector<16xf32>
        %add3A_229 = arith.addf %add3A_212, %bitcast_convert_type3A_228 : vector<16xf32>
        %bitcast_convert_type3A_230 = tpu.bitcast %get3A_224 : vector<16xi32> -> vector<16xf32>
        %add3A_231 = arith.addf %add3A_214, %bitcast_convert_type3A_230 : vector<16xf32>
        %mul3A_232 = arith.constant 16 : i32
        %mul3A_233 = arith.muli %scan3A_187, %mul3A_232 : i32
        %add3A_234 = arith.constant 3 : i32
        %add3A_235 = arith.addi %mul3A_233, %add3A_234 : i32
        %get3A_236 = arith.constant 2 : i32
        %get3A_237 = arith.index_cast %get3A_236 : i32 to index
        %get3A_238 = arith.index_cast %add3A_235 : i32 to index
        %get3A_239 = arith.constant 0 : index
        %get3A_240 = tpu.vector_load %arg6[%get3A_237, %get3A_238, %get3A_239] {strides = array<i32>} : memref<4x128x64xi32, #tpu.memory_space<vmem>>, vector<1x1x16xi32>,
        %get3A_241 = vector.shape_cast %get3A_240 : vector<1x1x16xi32> to vector<16xi32>
        %shift_left3A_242 = arith.constant 16 : i32
        %shift_left3A_243 = vector.broadcast %shift_left3A_242 : i32 to vector<16xi32>
        %shift_left3A_244 = arith.shli %get3A_241, %shift_left3A_243 : vector<16xi32>
        %bitcast_convert_type3A_245 = tpu.bitcast %shift_left3A_244 : vector<16xi32> -> vector<16xf32>
        %add3A_246 = arith.addf %add3A_229, %bitcast_convert_type3A_245 : vector<16xf32>
        %bitcast_convert_type3A_247 = tpu.bitcast %get3A_241 : vector<16xi32> -> vector<16xf32>
        %add3A_248 = arith.addf %add3A_231, %bitcast_convert_type3A_247 : vector<16xf32>
        %mul3A_249 = arith.constant 16 : i32
        %mul3A_250 = arith.muli %scan3A_187, %mul3A_249 : i32
        %add3A_251 = arith.constant 4 : i32
        %add3A_252 = arith.addi %mul3A_250, %add3A_251 : i32
        %get3A_253 = arith.constant 2 : i32
        %get3A_254 = arith.index_cast %get3A_253 : i32 to index
        %get3A_255 = arith.index_cast %add3A_252 : i32 to index
        %get3A_256 = arith.constant 0 : index
        %get3A_257 = tpu.vector_load %arg6[%get3A_254, %get3A_255, %get3A_256] {strides = array<i32>} : memref<4x128x64xi32, #tpu.memory_space<vmem>>, vector<1x1x16xi32>,
        %get3A_258 = vector.shape_cast %get3A_257 : vector<1x1x16xi32> to vector<16xi32>
        %shift_left3A_259 = arith.constant 16 : i32
        %shift_left3A_260 = vector.broadcast %shift_left3A_259 : i32 to vector<16xi32>
        %shift_left3A_261 = arith.shli %get3A_258, %shift_left3A_260 : vector<16xi32>
        %bitcast_convert_type3A_262 = tpu.bitcast %shift_left3A_261 : vector<16xi32> -> vector<16xf32>
        %add3A_263 = arith.addf %add3A_246, %bitcast_convert_type3A_262 : vector<16xf32>
        %bitcast_convert_type3A_264 = tpu.bitcast %get3A_258 : vector<16xi32> -> vector<16xf32>
        %add3A_265 = arith.addf %add3A_248, %bitcast_convert_type3A_264 : vector<16xf32>
        %mul3A_266 = arith.constant 16 : i32
        %mul3A_267 = arith.muli %scan3A_187, %mul3A_266 : i32
        %add3A_268 = arith.constant 5 : i32
        %add3A_269 = arith.addi %mul3A_267, %add3A_268 : i32
        %get3A_270 = arith.constant 2 : i32
        %get3A_271 = arith.index_cast %get3A_270 : i32 to index
        %get3A_272 = arith.index_cast %add3A_269 : i32 to index
        %get3A_273 = arith.constant 0 : index
        %get3A_274 = tpu.vector_load %arg6[%get3A_271, %get3A_272, %get3A_273] {strides = array<i32>} : memref<4x128x64xi32, #tpu.memory_space<vmem>>, vector<1x1x16xi32>,
        %get3A_275 = vector.shape_cast %get3A_274 : vector<1x1x16xi32> to vector<16xi32>
        %shift_left3A_276 = arith.constant 16 : i32
        %shift_left3A_277 = vector.broadcast %shift_left3A_276 : i32 to vector<16xi32>
        %shift_left3A_278 = arith.shli %get3A_275, %shift_left3A_277 : vector<16xi32>
        %bitcast_convert_type3A_279 = tpu.bitcast %shift_left3A_278 : vector<16xi32> -> vector<16xf32>
        %add3A_280 = arith.addf %add3A_263, %bitcast_convert_type3A_279 : vector<16xf32>
        %bitcast_convert_type3A_281 = tpu.bitcast %get3A_275 : vector<16xi32> -> vector<16xf32>
        %add3A_282 = arith.addf %add3A_265, %bitcast_convert_type3A_281 : vector<16xf32>
        %mul3A_283 = arith.constant 16 : i32
        %mul3A_284 = arith.muli %scan3A_187, %mul3A_283 : i32
        %add3A_285 = arith.constant 6 : i32
        %add3A_286 = arith.addi %mul3A_284, %add3A_285 : i32
        %get3A_287 = arith.constant 2 : i32
        %get3A_288 = arith.index_cast %get3A_287 : i32 to index
        %get3A_289 = arith.index_cast %add3A_286 : i32 to index
        %get3A_290 = arith.constant 0 : index
        %get3A_291 = tpu.vector_load %arg6[%get3A_288, %get3A_289, %get3A_290] {strides = array<i32>} : memref<4x128x64xi32, #tpu.memory_space<vmem>>, vector<1x1x16xi32>,
        %get3A_292 = vector.shape_cast %get3A_291 : vector<1x1x16xi32> to vector<16xi32>
        %shift_left3A_293 = arith.constant 16 : i32
        %shift_left3A_294 = vector.broadcast %shift_left3A_293 : i32 to vector<16xi32>
        %shift_left3A_295 = arith.shli %get3A_292, %shift_left3A_294 : vector<16xi32>
        %bitcast_convert_type3A_296 = tpu.bitcast %shift_left3A_295 : vector<16xi32> -> vector<16xf32>
        %add3A_297 = arith.addf %add3A_280, %bitcast_convert_type3A_296 : vector<16xf32>
        %bitcast_convert_type3A_298 = tpu.bitcast %get3A_292 : vector<16xi32> -> vector<16xf32>
        %add3A_299 = arith.addf %add3A_282, %bitcast_convert_type3A_298 : vector<16xf32>
        %mul3A_300 = arith.constant 16 : i32
        %mul3A_301 = arith.muli %scan3A_187, %mul3A_300 : i32
        %add3A_302 = arith.constant 7 : i32
        %add3A_303 = arith.addi %mul3A_301, %add3A_302 : i32
        %get3A_304 = arith.constant 2 : i32
        %get3A_305 = arith.index_cast %get3A_304 : i32 to index
        %get3A_306 = arith.index_cast %add3A_303 : i32 to index
        %get3A_307 = arith.constant 0 : index
        %get3A_308 = tpu.vector_load %arg6[%get3A_305, %get3A_306, %get3A_307] {strides = array<i32>} : memref<4x128x64xi32, #tpu.memory_space<vmem>>, vector<1x1x16xi32>,
        %get3A_309 = vector.shape_cast %get3A_308 : vector<1x1x16xi32> to vector<16xi32>
        %shift_left3A_310 = arith.constant 16 : i32
        %shift_left3A_311 = vector.broadcast %shift_left3A_310 : i32 to vector<16xi32>
        %shift_left3A_312 = arith.shli %get3A_309, %shift_left3A_311 : vector<16xi32>
        %bitcast_convert_type3A_313 = tpu.bitcast %shift_left3A_312 : vector<16xi32> -> vector<16xf32>
        %add3A_314 = arith.addf %add3A_297, %bitcast_convert_type3A_313 : vector<16xf32>
        %bitcast_convert_type3A_315 = tpu.bitcast %get3A_309 : vector<16xi32> -> vector<16xf32>
        %add3A_316 = arith.addf %add3A_299, %bitcast_convert_type3A_315 : vector<16xf32>
        %mul3A_317 = arith.constant 16 : i32
        %mul3A_318 = arith.muli %scan3A_187, %mul3A_317 : i32
        %add3A_319 = arith.constant 8 : i32
        %add3A_320 = arith.addi %mul3A_318, %add3A_319 : i32
        %get3A_321 = arith.constant 2 : i32
        %get3A_322 = arith.index_cast %get3A_321 : i32 to index
        %get3A_323 = arith.index_cast %add3A_320 : i32 to index
        %get3A_324 = arith.constant 0 : index
        %get3A_325 = tpu.vector_load %arg6[%get3A_322, %get3A_323, %get3A_324] {strides = array<i32>} : memref<4x128x64xi32, #tpu.memory_space<vmem>>, vector<1x1x16xi32>,
        %get3A_326 = vector.shape_cast %get3A_325 : vector<1x1x16xi32> to vector<16xi32>
        %shift_left3A_327 = arith.constant 16 : i32
        %shift_left3A_328 = vector.broadcast %shift_left3A_327 : i32 to vector<16xi32>
        %shift_left3A_329 = arith.shli %get3A_326, %shift_left3A_328 : vector<16xi32>
        %bitcast_convert_type3A_330 = tpu.bitcast %shift_left3A_329 : vector<16xi32> -> vector<16xf32>
        %add3A_331 = arith.addf %add3A_314, %bitcast_convert_type3A_330 : vector<16xf32>
        %bitcast_convert_type3A_332 = tpu.bitcast %get3A_326 : vector<16xi32> -> vector<16xf32>
        %add3A_333 = arith.addf %add3A_316, %bitcast_convert_type3A_332 : vector<16xf32>
        %mul3A_334 = arith.constant 16 : i32
        %mul3A_335 = arith.muli %scan3A_187, %mul3A_334 : i32
        %add3A_336 = arith.constant 9 : i32
        %add3A_337 = arith.addi %mul3A_335, %add3A_336 : i32
        %get3A_338 = arith.constant 2 : i32
        %get3A_339 = arith.index_cast %get3A_338 : i32 to index
        %get3A_340 = arith.index_cast %add3A_337 : i32 to index
        %get3A_341 = arith.constant 0 : index
        %get3A_342 = tpu.vector_load %arg6[%get3A_339, %get3A_340, %get3A_341] {strides = array<i32>} : memref<4x128x64xi32, #tpu.memory_space<vmem>>, vector<1x1x16xi32>,
        %get3A_343 = vector.shape_cast %get3A_342 : vector<1x1x16xi32> to vector<16xi32>
        %shift_left3A_344 = arith.constant 16 : i32
        %shift_left3A_345 = vector.broadcast %shift_left3A_344 : i32 to vector<16xi32>
        %shift_left3A_346 = arith.shli %get3A_343, %shift_left3A_345 : vector<16xi32>
        %bitcast_convert_type3A_347 = tpu.bitcast %shift_left3A_346 : vector<16xi32> -> vector<16xf32>
        %add3A_348 = arith.addf %add3A_331, %bitcast_convert_type3A_347 : vector<16xf32>
        %bitcast_convert_type3A_349 = tpu.bitcast %get3A_343 : vector<16xi32> -> vector<16xf32>
        %add3A_350 = arith.addf %add3A_333, %bitcast_convert_type3A_349 : vector<16xf32>
        %mul3A_351 = arith.constant 16 : i32
        %mul3A_352 = arith.muli %scan3A_187, %mul3A_351 : i32
        %add3A_353 = arith.constant 10 : i32
        %add3A_354 = arith.addi %mul3A_352, %add3A_353 : i32
        %get3A_355 = arith.constant 2 : i32
        %get3A_356 = arith.index_cast %get3A_355 : i32 to index
        %get3A_357 = arith.index_cast %add3A_354 : i32 to index
        %get3A_358 = arith.constant 0 : index
        %get3A_359 = tpu.vector_load %arg6[%get3A_356, %get3A_357, %get3A_358] {strides = array<i32>} : memref<4x128x64xi32, #tpu.memory_space<vmem>>, vector<1x1x16xi32>,
        %get3A_360 = vector.shape_cast %get3A_359 : vector<1x1x16xi32> to vector<16xi32>
        %shift_left3A_361 = arith.constant 16 : i32
        %shift_left3A_362 = vector.broadcast %shift_left3A_361 : i32 to vector<16xi32>
        %shift_left3A_363 = arith.shli %get3A_360, %shift_left3A_362 : vector<16xi32>
        %bitcast_convert_type3A_364 = tpu.bitcast %shift_left3A_363 : vector<16xi32> -> vector<16xf32>
        %add3A_365 = arith.addf %add3A_348, %bitcast_convert_type3A_364 : vector<16xf32>
        %bitcast_convert_type3A_366 = tpu.bitcast %get3A_360 : vector<16xi32> -> vector<16xf32>
        %add3A_367 = arith.addf %add3A_350, %bitcast_convert_type3A_366 : vector<16xf32>
        %mul3A_368 = arith.constant 16 : i32
        %mul3A_369 = arith.muli %scan3A_187, %mul3A_368 : i32
        %add3A_370 = arith.constant 11 : i32
        %add3A_371 = arith.addi %mul3A_369, %add3A_370 : i32
        %get3A_372 = arith.constant 2 : i32
        %get3A_373 = arith.index_cast %get3A_372 : i32 to index
        %get3A_374 = arith.index_cast %add3A_371 : i32 to index
        %get3A_375 = arith.constant 0 : index
        %get3A_376 = tpu.vector_load %arg6[%get3A_373, %get3A_374, %get3A_375] {strides = array<i32>} : memref<4x128x64xi32, #tpu.memory_space<vmem>>, vector<1x1x16xi32>,
        %get3A_377 = vector.shape_cast %get3A_376 : vector<1x1x16xi32> to vector<16xi32>
        %shift_left3A_378 = arith.constant 16 : i32
        %shift_left3A_379 = vector.broadcast %shift_left3A_378 : i32 to vector<16xi32>
        %shift_left3A_380 = arith.shli %get3A_377, %shift_left3A_379 : vector<16xi32>
        %bitcast_convert_type3A_381 = tpu.bitcast %shift_left3A_380 : vector<16xi32> -> vector<16xf32>
        %add3A_382 = arith.addf %add3A_365, %bitcast_convert_type3A_381 : vector<16xf32>
        %bitcast_convert_type3A_383 = tpu.bitcast %get3A_377 : vector<16xi32> -> vector<16xf32>
        %add3A_384 = arith.addf %add3A_367, %bitcast_convert_type3A_383 : vector<16xf32>
        %mul3A_385 = arith.constant 16 : i32
        %mul3A_386 = arith.muli %scan3A_187, %mul3A_385 : i32
        %add3A_387 = arith.constant 12 : i32
        %add3A_388 = arith.addi %mul3A_386, %add3A_387 : i32
        %get3A_389 = arith.constant 2 : i32
        %get3A_390 = arith.index_cast %get3A_389 : i32 to index
        %get3A_391 = arith.index_cast %add3A_388 : i32 to index
        %get3A_392 = arith.constant 0 : index
        %get3A_393 = tpu.vector_load %arg6[%get3A_390, %get3A_391, %get3A_392] {strides = array<i32>} : memref<4x128x64xi32, #tpu.memory_space<vmem>>, vector<1x1x16xi32>,
        %get3A_394 = vector.shape_cast %get3A_393 : vector<1x1x16xi32> to vector<16xi32>
        %shift_left3A_395 = arith.constant 16 : i32
        %shift_left3A_396 = vector.broadcast %shift_left3A_395 : i32 to vector<16xi32>
        %shift_left3A_397 = arith.shli %get3A_394, %shift_left3A_396 : vector<16xi32>
        %bitcast_convert_type3A_398 = tpu.bitcast %shift_left3A_397 : vector<16xi32> -> vector<16xf32>
        %add3A_399 = arith.addf %add3A_382, %bitcast_convert_type3A_398 : vector<16xf32>
        %bitcast_convert_type3A_400 = tpu.bitcast %get3A_394 : vector<16xi32> -> vector<16xf32>
        %add3A_401 = arith.addf %add3A_384, %bitcast_convert_type3A_400 : vector<16xf32>
        %mul3A_402 = arith.constant 16 : i32
        %mul3A_403 = arith.muli %scan3A_187, %mul3A_402 : i32
        %add3A_404 = arith.constant 13 : i32
        %add3A_405 = arith.addi %mul3A_403, %add3A_404 : i32
        %get3A_406 = arith.constant 2 : i32
        %get3A_407 = arith.index_cast %get3A_406 : i32 to index
        %get3A_408 = arith.index_cast %add3A_405 : i32 to index
        %get3A_409 = arith.constant 0 : index
        %get3A_410 = tpu.vector_load %arg6[%get3A_407, %get3A_408, %get3A_409] {strides = array<i32>} : memref<4x128x64xi32, #tpu.memory_space<vmem>>, vector<1x1x16xi32>,
        %get3A_411 = vector.shape_cast %get3A_410 : vector<1x1x16xi32> to vector<16xi32>
        %shift_left3A_412 = arith.constant 16 : i32
        %shift_left3A_413 = vector.broadcast %shift_left3A_412 : i32 to vector<16xi32>
        %shift_left3A_414 = arith.shli %get3A_411, %shift_left3A_413 : vector<16xi32>
        %bitcast_convert_type3A_415 = tpu.bitcast %shift_left3A_414 : vector<16xi32> -> vector<16xf32>
        %add3A_416 = arith.addf %add3A_399, %bitcast_convert_type3A_415 : vector<16xf32>
        %bitcast_convert_type3A_417 = tpu.bitcast %get3A_411 : vector<16xi32> -> vector<16xf32>
        %add3A_418 = arith.addf %add3A_401, %bitcast_convert_type3A_417 : vector<16xf32>
        %mul3A_419 = arith.constant 16 : i32
        %mul3A_420 = arith.muli %scan3A_187, %mul3A_419 : i32
        %add3A_421 = arith.constant 14 : i32
        %add3A_422 = arith.addi %mul3A_420, %add3A_421 : i32
        %get3A_423 = arith.constant 2 : i32
        %get3A_424 = arith.index_cast %get3A_423 : i32 to index
        %get3A_425 = arith.index_cast %add3A_422 : i32 to index
        %get3A_426 = arith.constant 0 : index
        %get3A_427 = tpu.vector_load %arg6[%get3A_424, %get3A_425, %get3A_426] {strides = array<i32>} : memref<4x128x64xi32, #tpu.memory_space<vmem>>, vector<1x1x16xi32>,
        %get3A_428 = vector.shape_cast %get3A_427 : vector<1x1x16xi32> to vector<16xi32>
        %shift_left3A_429 = arith.constant 16 : i32
        %shift_left3A_430 = vector.broadcast %shift_left3A_429 : i32 to vector<16xi32>
        %shift_left3A_431 = arith.shli %get3A_428, %shift_left3A_430 : vector<16xi32>
        %bitcast_convert_type3A_432 = tpu.bitcast %shift_left3A_431 : vector<16xi32> -> vector<16xf32>
        %add3A_433 = arith.addf %add3A_416, %bitcast_convert_type3A_432 : vector<16xf32>
        %bitcast_convert_type3A_434 = tpu.bitcast %get3A_428 : vector<16xi32> -> vector<16xf32>
        %add3A_435 = arith.addf %add3A_418, %bitcast_convert_type3A_434 : vector<16xf32>
        %mul3A_436 = arith.constant 16 : i32
        %mul3A_437 = arith.muli %scan3A_187, %mul3A_436 : i32
        %add3A_438 = arith.constant 15 : i32
        %add3A_439 = arith.addi %mul3A_437, %add3A_438 : i32
        %get3A_440 = arith.constant 2 : i32
        %get3A_441 = arith.index_cast %get3A_440 : i32 to index
        %get3A_442 = arith.index_cast %add3A_439 : i32 to index
        %get3A_443 = arith.constant 0 : index
        %get3A_444 = tpu.vector_load %arg6[%get3A_441, %get3A_442, %get3A_443] {strides = array<i32>} : memref<4x128x64xi32, #tpu.memory_space<vmem>>, vector<1x1x16xi32>,
        %get3A_445 = vector.shape_cast %get3A_444 : vector<1x1x16xi32> to vector<16xi32>
        %shift_left3A_446 = arith.constant 16 : i32
        %shift_left3A_447 = vector.broadcast %shift_left3A_446 : i32 to vector<16xi32>
        %shift_left3A_448 = arith.shli %get3A_445, %shift_left3A_447 : vector<16xi32>
        %bitcast_convert_type3A_449 = tpu.bitcast %shift_left3A_448 : vector<16xi32> -> vector<16xf32>
        %add3A_450 = arith.addf %add3A_433, %bitcast_convert_type3A_449 : vector<16xf32>
        %bitcast_convert_type3A_451 = tpu.bitcast %get3A_445 : vector<16xi32> -> vector<16xf32>
        %add3A_452 = arith.addf %add3A_435, %bitcast_convert_type3A_451 : vector<16xf32>
        %add3A_453 = arith.constant 16 : i32
        %add3A_454 = arith.addi %add3A_453, %scan3A_187 : i32
        %mul3A_455 = arith.constant 128 : i32
        %mul3A_456 = arith.muli %add3A_454, %mul3A_455 : i32
        %mul3A_457 = arith.constant 6.250000e-02 : f32
        %mul3A_458 = vector.broadcast %mul3A_457 : f32 to vector<16xf32>
        %mul3A_459 = arith.mulf %add3A_450, %mul3A_458 : vector<16xf32>
        %add3A_460 = arith.constant 0 : i32
        %add3A_461 = arith.addi %mul3A_456, %add3A_460 : i32
        %swap3A = arith.index_cast %add3A_461 : i32 to index
        %swap3A_462 = tpu.vector_load %arg7[%swap3A] {strides = array<i32>} : memref<4096xf32, #tpu.memory_space<vmem>>, vector<16xf32>,
        %swap3A_463 = vector.shape_cast %swap3A_462 : vector<16xf32> to vector<16xf32>
        %swap3A_464 = vector.shape_cast %mul3A_459 : vector<16xf32> to vector<16xf32>
        tpu.vector_store %arg7[%swap3A], %swap3A_464 {strides = array<i32>} : memref<4096xf32, #tpu.memory_space<vmem>>, vector<16xf32>,
        %mul3A_465 = arith.constant 6.250000e-02 : f32
        %mul3A_466 = vector.broadcast %mul3A_465 : f32 to vector<16xf32>
        %mul3A_467 = arith.mulf %add3A_452, %mul3A_466 : vector<16xf32>
        %add3A_468 = arith.constant 0 : i32
        %add3A_469 = arith.addi %mul3A_456, %add3A_468 : i32
        %add3A_470 = arith.constant 16 : i32
        %add3A_471 = arith.addi %add3A_469, %add3A_470 : i32
        %swap3A_472 = arith.index_cast %add3A_471 : i32 to index
        %swap3A_473 = tpu.vector_load %arg7[%swap3A_472] {strides = array<i32>} : memref<4096xf32, #tpu.memory_space<vmem>>, vector<16xf32>,
        %swap3A_474 = vector.shape_cast %swap3A_473 : vector<16xf32> to vector<16xf32>
        %swap3A_475 = vector.shape_cast %mul3A_467 : vector<16xf32> to vector<16xf32>
        tpu.vector_store %arg7[%swap3A_472], %swap3A_475 {strides = array<i32>} : memref<4096xf32, #tpu.memory_space<vmem>>, vector<16xf32>,
        %mul3A_476 = arith.constant 16 : i32
        %mul3A_477 = arith.muli %scan3A_187, %mul3A_476 : i32
        %get3A_478 = arith.constant 2 : i32
        %get3A_479 = arith.index_cast %get3A_478 : i32 to index
        %get3A_480 = arith.index_cast %mul3A_477 : i32 to index
        %get3A_481 = arith.constant 16 : index
        %get3A_482 = tpu.vector_load %arg6[%get3A_479, %get3A_480, %get3A_481] {strides = array<i32>} : memref<4x128x64xi32, #tpu.memory_space<vmem>>, vector<1x1x16xi32>,
        %get3A_483 = vector.shape_cast %get3A_482 : vector<1x1x16xi32> to vector<16xi32>
        %shift_left3A_484 = arith.constant 16 : i32
        %shift_left3A_485 = vector.broadcast %shift_left3A_484 : i32 to vector<16xi32>
        %shift_left3A_486 = arith.shli %get3A_483, %shift_left3A_485 : vector<16xi32>
        %bitcast_convert_type3A_487 = tpu.bitcast %shift_left3A_486 : vector<16xi32> -> vector<16xf32>
        %bitcast_convert_type3A_488 = tpu.bitcast %get3A_483 : vector<16xi32> -> vector<16xf32>
        %mul3A_489 = arith.constant 16 : i32
        %mul3A_490 = arith.muli %scan3A_187, %mul3A_489 : i32
        %add3A_491 = arith.constant 1 : i32
        %add3A_492 = arith.addi %mul3A_490, %add3A_491 : i32
        %get3A_493 = arith.constant 2 : i32
        %get3A_494 = arith.index_cast %get3A_493 : i32 to index
        %get3A_495 = arith.index_cast %add3A_492 : i32 to index
        %get3A_496 = arith.constant 16 : index
        %get3A_497 = tpu.vector_load %arg6[%get3A_494, %get3A_495, %get3A_496] {strides = array<i32>} : memref<4x128x64xi32, #tpu.memory_space<vmem>>, vector<1x1x16xi32>,
        %get3A_498 = vector.shape_cast %get3A_497 : vector<1x1x16xi32> to vector<16xi32>
        %shift_left3A_499 = arith.constant 16 : i32
        %shift_left3A_500 = vector.broadcast %shift_left3A_499 : i32 to vector<16xi32>
        %shift_left3A_501 = arith.shli %get3A_498, %shift_left3A_500 : vector<16xi32>
        %bitcast_convert_type3A_502 = tpu.bitcast %shift_left3A_501 : vector<16xi32> -> vector<16xf32>
        %add3A_503 = arith.addf %bitcast_convert_type3A_487, %bitcast_convert_type3A_502 : vector<16xf32>
        %bitcast_convert_type3A_504 = tpu.bitcast %get3A_498 : vector<16xi32> -> vector<16xf32>
        %add3A_505 = arith.addf %bitcast_convert_type3A_488, %bitcast_convert_type3A_504 : vector<16xf32>
        %mul3A_506 = arith.constant 16 : i32
        %mul3A_507 = arith.muli %scan3A_187, %mul3A_506 : i32
        %add3A_508 = arith.constant 2 : i32
        %add3A_509 = arith.addi %mul3A_507, %add3A_508 : i32
        %get3A_510 = arith.constant 2 : i32
        %get3A_511 = arith.index_cast %get3A_510 : i32 to index
        %get3A_512 = arith.index_cast %add3A_509 : i32 to index
        %get3A_513 = arith.constant 16 : index
        %get3A_514 = tpu.vector_load %arg6[%get3A_511, %get3A_512, %get3A_513] {strides = array<i32>} : memref<4x128x64xi32, #tpu.memory_space<vmem>>, vector<1x1x16xi32>,
        %get3A_515 = vector.shape_cast %get3A_514 : vector<1x1x16xi32> to vector<16xi32>
        %shift_left3A_516 = arith.constant 16 : i32
        %shift_left3A_517 = vector.broadcast %shift_left3A_516 : i32 to vector<16xi32>
        %shift_left3A_518 = arith.shli %get3A_515, %shift_left3A_517 : vector<16xi32>
        %bitcast_convert_type3A_519 = tpu.bitcast %shift_left3A_518 : vector<16xi32> -> vector<16xf32>
        %add3A_520 = arith.addf %add3A_503, %bitcast_convert_type3A_519 : vector<16xf32>
        %bitcast_convert_type3A_521 = tpu.bitcast %get3A_515 : vector<16xi32> -> vector<16xf32>
        %add3A_522 = arith.addf %add3A_505, %bitcast_convert_type3A_521 : vector<16xf32>
        %mul3A_523 = arith.constant 16 : i32
        %mul3A_524 = arith.muli %scan3A_187, %mul3A_523 : i32
        %add3A_525 = arith.constant 3 : i32
        %add3A_526 = arith.addi %mul3A_524, %add3A_525 : i32
        %get3A_527 = arith.constant 2 : i32
        %get3A_528 = arith.index_cast %get3A_527 : i32 to index
        %get3A_529 = arith.index_cast %add3A_526 : i32 to index
        %get3A_530 = arith.constant 16 : index
        %get3A_531 = tpu.vector_load %arg6[%get3A_528, %get3A_529, %get3A_530] {strides = array<i32>} : memref<4x128x64xi32, #tpu.memory_space<vmem>>, vector<1x1x16xi32>,
        %get3A_532 = vector.shape_cast %get3A_531 : vector<1x1x16xi32> to vector<16xi32>
        %shift_left3A_533 = arith.constant 16 : i32
        %shift_left3A_534 = vector.broadcast %shift_left3A_533 : i32 to vector<16xi32>
        %shift_left3A_535 = arith.shli %get3A_532, %shift_left3A_534 : vector<16xi32>
        %bitcast_convert_type3A_536 = tpu.bitcast %shift_left3A_535 : vector<16xi32> -> vector<16xf32>
        %add3A_537 = arith.addf %add3A_520, %bitcast_convert_type3A_536 : vector<16xf32>
        %bitcast_convert_type3A_538 = tpu.bitcast %get3A_532 : vector<16xi32> -> vector<16xf32>
        %add3A_539 = arith.addf %add3A_522, %bitcast_convert_type3A_538 : vector<16xf32>
        %mul3A_540 = arith.constant 16 : i32
        %mul3A_541 = arith.muli %scan3A_187, %mul3A_540 : i32
        %add3A_542 = arith.constant 4 : i32
        %add3A_543 = arith.addi %mul3A_541, %add3A_542 : i32
        %get3A_544 = arith.constant 2 : i32
        %get3A_545 = arith.index_cast %get3A_544 : i32 to index
        %get3A_546 = arith.index_cast %add3A_543 : i32 to index
        %get3A_547 = arith.constant 16 : index
        %get3A_548 = tpu.vector_load %arg6[%get3A_545, %get3A_546, %get3A_547] {strides = array<i32>} : memref<4x128x64xi32, #tpu.memory_space<vmem>>, vector<1x1x16xi32>,
        %get3A_549 = vector.shape_cast %get3A_548 : vector<1x1x16xi32> to vector<16xi32>
        %shift_left3A_550 = arith.constant 16 : i32
        %shift_left3A_551 = vector.broadcast %shift_left3A_550 : i32 to vector<16xi32>
        %shift_left3A_552 = arith.shli %get3A_549, %shift_left3A_551 : vector<16xi32>
        %bitcast_convert_type3A_553 = tpu.bitcast %shift_left3A_552 : vector<16xi32> -> vector<16xf32>
        %add3A_554 = arith.addf %add3A_537, %bitcast_convert_type3A_553 : vector<16xf32>
        %bitcast_convert_type3A_555 = tpu.bitcast %get3A_549 : vector<16xi32> -> vector<16xf32>
        %add3A_556 = arith.addf %add3A_539, %bitcast_convert_type3A_555 : vector<16xf32>
        %mul3A_557 = arith.constant 16 : i32
        %mul3A_558 = arith.muli %scan3A_187, %mul3A_557 : i32
        %add3A_559 = arith.constant 5 : i32
        %add3A_560 = arith.addi %mul3A_558, %add3A_559 : i32
        %get3A_561 = arith.constant 2 : i32
        %get3A_562 = arith.index_cast %get3A_561 : i32 to index
        %get3A_563 = arith.index_cast %add3A_560 : i32 to index
        %get3A_564 = arith.constant 16 : index
        %get3A_565 = tpu.vector_load %arg6[%get3A_562, %get3A_563, %get3A_564] {strides = array<i32>} : memref<4x128x64xi32, #tpu.memory_space<vmem>>, vector<1x1x16xi32>,
        %get3A_566 = vector.shape_cast %get3A_565 : vector<1x1x16xi32> to vector<16xi32>
        %shift_left3A_567 = arith.constant 16 : i32
        %shift_left3A_568 = vector.broadcast %shift_left3A_567 : i32 to vector<16xi32>
        %shift_left3A_569 = arith.shli %get3A_566, %shift_left3A_568 : vector<16xi32>
        %bitcast_convert_type3A_570 = tpu.bitcast %shift_left3A_569 : vector<16xi32> -> vector<16xf32>
        %add3A_571 = arith.addf %add3A_554, %bitcast_convert_type3A_570 : vector<16xf32>
        %bitcast_convert_type3A_572 = tpu.bitcast %get3A_566 : vector<16xi32> -> vector<16xf32>
        %add3A_573 = arith.addf %add3A_556, %bitcast_convert_type3A_572 : vector<16xf32>
        %mul3A_574 = arith.constant 16 : i32
        %mul3A_575 = arith.muli %scan3A_187, %mul3A_574 : i32
        %add3A_576 = arith.constant 6 : i32
        %add3A_577 = arith.addi %mul3A_575, %add3A_576 : i32
        %get3A_578 = arith.constant 2 : i32
        %get3A_579 = arith.index_cast %get3A_578 : i32 to index
        %get3A_580 = arith.index_cast %add3A_577 : i32 to index
        %get3A_581 = arith.constant 16 : index
        %get3A_582 = tpu.vector_load %arg6[%get3A_579, %get3A_580, %get3A_581] {strides = array<i32>} : memref<4x128x64xi32, #tpu.memory_space<vmem>>, vector<1x1x16xi32>,
        %get3A_583 = vector.shape_cast %get3A_582 : vector<1x1x16xi32> to vector<16xi32>
        %shift_left3A_584 = arith.constant 16 : i32
        %shift_left3A_585 = vector.broadcast %shift_left3A_584 : i32 to vector<16xi32>
        %shift_left3A_586 = arith.shli %get3A_583, %shift_left3A_585 : vector<16xi32>
        %bitcast_convert_type3A_587 = tpu.bitcast %shift_left3A_586 : vector<16xi32> -> vector<16xf32>
        %add3A_588 = arith.addf %add3A_571, %bitcast_convert_type3A_587 : vector<16xf32>
        %bitcast_convert_type3A_589 = tpu.bitcast %get3A_583 : vector<16xi32> -> vector<16xf32>
        %add3A_590 = arith.addf %add3A_573, %bitcast_convert_type3A_589 : vector<16xf32>
        %mul3A_591 = arith.constant 16 : i32
        %mul3A_592 = arith.muli %scan3A_187, %mul3A_591 : i32
        %add3A_593 = arith.constant 7 : i32
        %add3A_594 = arith.addi %mul3A_592, %add3A_593 : i32
        %get3A_595 = arith.constant 2 : i32
        %get3A_596 = arith.index_cast %get3A_595 : i32 to index
        %get3A_597 = arith.index_cast %add3A_594 : i32 to index
        %get3A_598 = arith.constant 16 : index
        %get3A_599 = tpu.vector_load %arg6[%get3A_596, %get3A_597, %get3A_598] {strides = array<i32>} : memref<4x128x64xi32, #tpu.memory_space<vmem>>, vector<1x1x16xi32>,
        %get3A_600 = vector.shape_cast %get3A_599 : vector<1x1x16xi32> to vector<16xi32>
        %shift_left3A_601 = arith.constant 16 : i32
        %shift_left3A_602 = vector.broadcast %shift_left3A_601 : i32 to vector<16xi32>
        %shift_left3A_603 = arith.shli %get3A_600, %shift_left3A_602 : vector<16xi32>
        %bitcast_convert_type3A_604 = tpu.bitcast %shift_left3A_603 : vector<16xi32> -> vector<16xf32>
        %add3A_605 = arith.addf %add3A_588, %bitcast_convert_type3A_604 : vector<16xf32>
        %bitcast_convert_type3A_606 = tpu.bitcast %get3A_600 : vector<16xi32> -> vector<16xf32>
        %add3A_607 = arith.addf %add3A_590, %bitcast_convert_type3A_606 : vector<16xf32>
        %mul3A_608 = arith.constant 16 : i32
        %mul3A_609 = arith.muli %scan3A_187, %mul3A_608 : i32
        %add3A_610 = arith.constant 8 : i32
        %add3A_611 = arith.addi %mul3A_609, %add3A_610 : i32
        %get3A_612 = arith.constant 2 : i32
        %get3A_613 = arith.index_cast %get3A_612 : i32 to index
        %get3A_614 = arith.index_cast %add3A_611 : i32 to index
        %get3A_615 = arith.constant 16 : index
        %get3A_616 = tpu.vector_load %arg6[%get3A_613, %get3A_614, %get3A_615] {strides = array<i32>} : memref<4x128x64xi32, #tpu.memory_space<vmem>>, vector<1x1x16xi32>,
        %get3A_617 = vector.shape_cast %get3A_616 : vector<1x1x16xi32> to vector<16xi32>
        %shift_left3A_618 = arith.constant 16 : i32
        %shift_left3A_619 = vector.broadcast %shift_left3A_618 : i32 to vector<16xi32>
        %shift_left3A_620 = arith.shli %get3A_617, %shift_left3A_619 : vector<16xi32>
        %bitcast_convert_type3A_621 = tpu.bitcast %shift_left3A_620 : vector<16xi32> -> vector<16xf32>
        %add3A_622 = arith.addf %add3A_605, %bitcast_convert_type3A_621 : vector<16xf32>
        %bitcast_convert_type3A_623 = tpu.bitcast %get3A_617 : vector<16xi32> -> vector<16xf32>
        %add3A_624 = arith.addf %add3A_607, %bitcast_convert_type3A_623 : vector<16xf32>
        %mul3A_625 = arith.constant 16 : i32
        %mul3A_626 = arith.muli %scan3A_187, %mul3A_625 : i32
        %add3A_627 = arith.constant 9 : i32
        %add3A_628 = arith.addi %mul3A_626, %add3A_627 : i32
        %get3A_629 = arith.constant 2 : i32
        %get3A_630 = arith.index_cast %get3A_629 : i32 to index
        %get3A_631 = arith.index_cast %add3A_628 : i32 to index
        %get3A_632 = arith.constant 16 : index
        %get3A_633 = tpu.vector_load %arg6[%get3A_630, %get3A_631, %get3A_632] {strides = array<i32>} : memref<4x128x64xi32, #tpu.memory_space<vmem>>, vector<1x1x16xi32>,
        %get3A_634 = vector.shape_cast %get3A_633 : vector<1x1x16xi32> to vector<16xi32>
        %shift_left3A_635 = arith.constant 16 : i32
        %shift_left3A_636 = vector.broadcast %shift_left3A_635 : i32 to vector<16xi32>
        %shift_left3A_637 = arith.shli %get3A_634, %shift_left3A_636 : vector<16xi32>
        %bitcast_convert_type3A_638 = tpu.bitcast %shift_left3A_637 : vector<16xi32> -> vector<16xf32>
        %add3A_639 = arith.addf %add3A_622, %bitcast_convert_type3A_638 : vector<16xf32>
        %bitcast_convert_type3A_640 = tpu.bitcast %get3A_634 : vector<16xi32> -> vector<16xf32>
        %add3A_641 = arith.addf %add3A_624, %bitcast_convert_type3A_640 : vector<16xf32>
        %mul3A_642 = arith.constant 16 : i32
        %mul3A_643 = arith.muli %scan3A_187, %mul3A_642 : i32
        %add3A_644 = arith.constant 10 : i32
        %add3A_645 = arith.addi %mul3A_643, %add3A_644 : i32
        %get3A_646 = arith.constant 2 : i32
        %get3A_647 = arith.index_cast %get3A_646 : i32 to index
        %get3A_648 = arith.index_cast %add3A_645 : i32 to index
        %get3A_649 = arith.constant 16 : index
        %get3A_650 = tpu.vector_load %arg6[%get3A_647, %get3A_648, %get3A_649] {strides = array<i32>} : memref<4x128x64xi32, #tpu.memory_space<vmem>>, vector<1x1x16xi32>,
        %get3A_651 = vector.shape_cast %get3A_650 : vector<1x1x16xi32> to vector<16xi32>
        %shift_left3A_652 = arith.constant 16 : i32
        %shift_left3A_653 = vector.broadcast %shift_left3A_652 : i32 to vector<16xi32>
        %shift_left3A_654 = arith.shli %get3A_651, %shift_left3A_653 : vector<16xi32>
        %bitcast_convert_type3A_655 = tpu.bitcast %shift_left3A_654 : vector<16xi32> -> vector<16xf32>
        %add3A_656 = arith.addf %add3A_639, %bitcast_convert_type3A_655 : vector<16xf32>
        %bitcast_convert_type3A_657 = tpu.bitcast %get3A_651 : vector<16xi32> -> vector<16xf32>
        %add3A_658 = arith.addf %add3A_641, %bitcast_convert_type3A_657 : vector<16xf32>
        %mul3A_659 = arith.constant 16 : i32
        %mul3A_660 = arith.muli %scan3A_187, %mul3A_659 : i32
        %add3A_661 = arith.constant 11 : i32
        %add3A_662 = arith.addi %mul3A_660, %add3A_661 : i32
        %get3A_663 = arith.constant 2 : i32
        %get3A_664 = arith.index_cast %get3A_663 : i32 to index
        %get3A_665 = arith.index_cast %add3A_662 : i32 to index
        %get3A_666 = arith.constant 16 : index
        %get3A_667 = tpu.vector_load %arg6[%get3A_664, %get3A_665, %get3A_666] {strides = array<i32>} : memref<4x128x64xi32, #tpu.memory_space<vmem>>, vector<1x1x16xi32>,
        %get3A_668 = vector.shape_cast %get3A_667 : vector<1x1x16xi32> to vector<16xi32>
        %shift_left3A_669 = arith.constant 16 : i32
        %shift_left3A_670 = vector.broadcast %shift_left3A_669 : i32 to vector<16xi32>
        %shift_left3A_671 = arith.shli %get3A_668, %shift_left3A_670 : vector<16xi32>
        %bitcast_convert_type3A_672 = tpu.bitcast %shift_left3A_671 : vector<16xi32> -> vector<16xf32>
        %add3A_673 = arith.addf %add3A_656, %bitcast_convert_type3A_672 : vector<16xf32>
        %bitcast_convert_type3A_674 = tpu.bitcast %get3A_668 : vector<16xi32> -> vector<16xf32>
        %add3A_675 = arith.addf %add3A_658, %bitcast_convert_type3A_674 : vector<16xf32>
        %mul3A_676 = arith.constant 16 : i32
        %mul3A_677 = arith.muli %scan3A_187, %mul3A_676 : i32
        %add3A_678 = arith.constant 12 : i32
        %add3A_679 = arith.addi %mul3A_677, %add3A_678 : i32
        %get3A_680 = arith.constant 2 : i32
        %get3A_681 = arith.index_cast %get3A_680 : i32 to index
        %get3A_682 = arith.index_cast %add3A_679 : i32 to index
        %get3A_683 = arith.constant 16 : index
        %get3A_684 = tpu.vector_load %arg6[%get3A_681, %get3A_682, %get3A_683] {strides = array<i32>} : memref<4x128x64xi32, #tpu.memory_space<vmem>>, vector<1x1x16xi32>,
        %get3A_685 = vector.shape_cast %get3A_684 : vector<1x1x16xi32> to vector<16xi32>
        %shift_left3A_686 = arith.constant 16 : i32
        %shift_left3A_687 = vector.broadcast %shift_left3A_686 : i32 to vector<16xi32>
        %shift_left3A_688 = arith.shli %get3A_685, %shift_left3A_687 : vector<16xi32>
        %bitcast_convert_type3A_689 = tpu.bitcast %shift_left3A_688 : vector<16xi32> -> vector<16xf32>
        %add3A_690 = arith.addf %add3A_673, %bitcast_convert_type3A_689 : vector<16xf32>
        %bitcast_convert_type3A_691 = tpu.bitcast %get3A_685 : vector<16xi32> -> vector<16xf32>
        %add3A_692 = arith.addf %add3A_675, %bitcast_convert_type3A_691 : vector<16xf32>
        %mul3A_693 = arith.constant 16 : i32
        %mul3A_694 = arith.muli %scan3A_187, %mul3A_693 : i32
        %add3A_695 = arith.constant 13 : i32
        %add3A_696 = arith.addi %mul3A_694, %add3A_695 : i32
        %get3A_697 = arith.constant 2 : i32
        %get3A_698 = arith.index_cast %get3A_697 : i32 to index
        %get3A_699 = arith.index_cast %add3A_696 : i32 to index
        %get3A_700 = arith.constant 16 : index
        %get3A_701 = tpu.vector_load %arg6[%get3A_698, %get3A_699, %get3A_700] {strides = array<i32>} : memref<4x128x64xi32, #tpu.memory_space<vmem>>, vector<1x1x16xi32>,
        %get3A_702 = vector.shape_cast %get3A_701 : vector<1x1x16xi32> to vector<16xi32>
        %shift_left3A_703 = arith.constant 16 : i32
        %shift_left3A_704 = vector.broadcast %shift_left3A_703 : i32 to vector<16xi32>
        %shift_left3A_705 = arith.shli %get3A_702, %shift_left3A_704 : vector<16xi32>
        %bitcast_convert_type3A_706 = tpu.bitcast %shift_left3A_705 : vector<16xi32> -> vector<16xf32>
        %add3A_707 = arith.addf %add3A_690, %bitcast_convert_type3A_706 : vector<16xf32>
        %bitcast_convert_type3A_708 = tpu.bitcast %get3A_702 : vector<16xi32> -> vector<16xf32>
        %add3A_709 = arith.addf %add3A_692, %bitcast_convert_type3A_708 : vector<16xf32>
        %mul3A_710 = arith.constant 16 : i32
        %mul3A_711 = arith.muli %scan3A_187, %mul3A_710 : i32
        %add3A_712 = arith.constant 14 : i32
        %add3A_713 = arith.addi %mul3A_711, %add3A_712 : i32
        %get3A_714 = arith.constant 2 : i32
        %get3A_715 = arith.index_cast %get3A_714 : i32 to index
        %get3A_716 = arith.index_cast %add3A_713 : i32 to index
        %get3A_717 = arith.constant 16 : index
        %get3A_718 = tpu.vector_load %arg6[%get3A_715, %get3A_716, %get3A_717] {strides = array<i32>} : memref<4x128x64xi32, #tpu.memory_space<vmem>>, vector<1x1x16xi32>,
        %get3A_719 = vector.shape_cast %get3A_718 : vector<1x1x16xi32> to vector<16xi32>
        %shift_left3A_720 = arith.constant 16 : i32
        %shift_left3A_721 = vector.broadcast %shift_left3A_720 : i32 to vector<16xi32>
        %shift_left3A_722 = arith.shli %get3A_719, %shift_left3A_721 : vector<16xi32>
        %bitcast_convert_type3A_723 = tpu.bitcast %shift_left3A_722 : vector<16xi32> -> vector<16xf32>
        %add3A_724 = arith.addf %add3A_707, %bitcast_convert_type3A_723 : vector<16xf32>
        %bitcast_convert_type3A_725 = tpu.bitcast %get3A_719 : vector<16xi32> -> vector<16xf32>
        %add3A_726 = arith.addf %add3A_709, %bitcast_convert_type3A_725 : vector<16xf32>
        %mul3A_727 = arith.constant 16 : i32
        %mul3A_728 = arith.muli %scan3A_187, %mul3A_727 : i32
        %add3A_729 = arith.constant 15 : i32
        %add3A_730 = arith.addi %mul3A_728, %add3A_729 : i32
        %get3A_731 = arith.constant 2 : i32
        %get3A_732 = arith.index_cast %get3A_731 : i32 to index
        %get3A_733 = arith.index_cast %add3A_730 : i32 to index
        %get3A_734 = arith.constant 16 : index
        %get3A_735 = tpu.vector_load %arg6[%get3A_732, %get3A_733, %get3A_734] {strides = array<i32>} : memref<4x128x64xi32, #tpu.memory_space<vmem>>, vector<1x1x16xi32>,
        %get3A_736 = vector.shape_cast %get3A_735 : vector<1x1x16xi32> to vector<16xi32>
        %shift_left3A_737 = arith.constant 16 : i32
        %shift_left3A_738 = vector.broadcast %shift_left3A_737 : i32 to vector<16xi32>
        %shift_left3A_739 = arith.shli %get3A_736, %shift_left3A_738 : vector<16xi32>
        %bitcast_convert_type3A_740 = tpu.bitcast %shift_left3A_739 : vector<16xi32> -> vector<16xf32>
        %add3A_741 = arith.addf %add3A_724, %bitcast_convert_type3A_740 : vector<16xf32>
        %bitcast_convert_type3A_742 = tpu.bitcast %get3A_736 : vector<16xi32> -> vector<16xf32>
        %add3A_743 = arith.addf %add3A_726, %bitcast_convert_type3A_742 : vector<16xf32>
        %add3A_744 = arith.constant 16 : i32
        %add3A_745 = arith.addi %add3A_744, %scan3A_187 : i32
        %mul3A_746 = arith.constant 128 : i32
        %mul3A_747 = arith.muli %add3A_745, %mul3A_746 : i32
        %mul3A_748 = arith.constant 6.250000e-02 : f32
        %mul3A_749 = vector.broadcast %mul3A_748 : f32 to vector<16xf32>
        %mul3A_750 = arith.mulf %add3A_741, %mul3A_749 : vector<16xf32>
        %add3A_751 = arith.constant 32 : i32
        %add3A_752 = arith.addi %mul3A_747, %add3A_751 : i32
        %swap3A_753 = arith.index_cast %add3A_752 : i32 to index
        %swap3A_754 = tpu.vector_load %arg7[%swap3A_753] {strides = array<i32>} : memref<4096xf32, #tpu.memory_space<vmem>>, vector<16xf32>,
        %swap3A_755 = vector.shape_cast %swap3A_754 : vector<16xf32> to vector<16xf32>
        %swap3A_756 = vector.shape_cast %mul3A_750 : vector<16xf32> to vector<16xf32>
        tpu.vector_store %arg7[%swap3A_753], %swap3A_756 {strides = array<i32>} : memref<4096xf32, #tpu.memory_space<vmem>>, vector<16xf32>,
        %mul3A_757 = arith.constant 6.250000e-02 : f32
        %mul3A_758 = vector.broadcast %mul3A_757 : f32 to vector<16xf32>
        %mul3A_759 = arith.mulf %add3A_743, %mul3A_758 : vector<16xf32>
        %add3A_760 = arith.constant 32 : i32
        %add3A_761 = arith.addi %mul3A_747, %add3A_760 : i32
        %add3A_762 = arith.constant 16 : i32
        %add3A_763 = arith.addi %add3A_761, %add3A_762 : i32
        %swap3A_764 = arith.index_cast %add3A_763 : i32 to index
        %swap3A_765 = tpu.vector_load %arg7[%swap3A_764] {strides = array<i32>} : memref<4096xf32, #tpu.memory_space<vmem>>, vector<16xf32>,
        %swap3A_766 = vector.shape_cast %swap3A_765 : vector<16xf32> to vector<16xf32>
        %swap3A_767 = vector.shape_cast %mul3A_759 : vector<16xf32> to vector<16xf32>
        tpu.vector_store %arg7[%swap3A_764], %swap3A_767 {strides = array<i32>} : memref<4096xf32, #tpu.memory_space<vmem>>, vector<16xf32>,
        %mul3A_768 = arith.constant 16 : i32
        %mul3A_769 = arith.muli %scan3A_187, %mul3A_768 : i32
        %get3A_770 = arith.constant 2 : i32
        %get3A_771 = arith.index_cast %get3A_770 : i32 to index
        %get3A_772 = arith.index_cast %mul3A_769 : i32 to index
        %get3A_773 = arith.constant 32 : index
        %get3A_774 = tpu.vector_load %arg6[%get3A_771, %get3A_772, %get3A_773] {strides = array<i32>} : memref<4x128x64xi32, #tpu.memory_space<vmem>>, vector<1x1x16xi32>,
        %get3A_775 = vector.shape_cast %get3A_774 : vector<1x1x16xi32> to vector<16xi32>
        %shift_left3A_776 = arith.constant 16 : i32
        %shift_left3A_777 = vector.broadcast %shift_left3A_776 : i32 to vector<16xi32>
        %shift_left3A_778 = arith.shli %get3A_775, %shift_left3A_777 : vector<16xi32>
        %bitcast_convert_type3A_779 = tpu.bitcast %shift_left3A_778 : vector<16xi32> -> vector<16xf32>
        %bitcast_convert_type3A_780 = tpu.bitcast %get3A_775 : vector<16xi32> -> vector<16xf32>
        %mul3A_781 = arith.constant 16 : i32
        %mul3A_782 = arith.muli %scan3A_187, %mul3A_781 : i32
        %add3A_783 = arith.constant 1 : i32
        %add3A_784 = arith.addi %mul3A_782, %add3A_783 : i32
        %get3A_785 = arith.constant 2 : i32
        %get3A_786 = arith.index_cast %get3A_785 : i32 to index
        %get3A_787 = arith.index_cast %add3A_784 : i32 to index
        %get3A_788 = arith.constant 32 : index
        %get3A_789 = tpu.vector_load %arg6[%get3A_786, %get3A_787, %get3A_788] {strides = array<i32>} : memref<4x128x64xi32, #tpu.memory_space<vmem>>, vector<1x1x16xi32>,
        %get3A_790 = vector.shape_cast %get3A_789 : vector<1x1x16xi32> to vector<16xi32>
        %shift_left3A_791 = arith.constant 16 : i32
        %shift_left3A_792 = vector.broadcast %shift_left3A_791 : i32 to vector<16xi32>
        %shift_left3A_793 = arith.shli %get3A_790, %shift_left3A_792 : vector<16xi32>
        %bitcast_convert_type3A_794 = tpu.bitcast %shift_left3A_793 : vector<16xi32> -> vector<16xf32>
        %add3A_795 = arith.addf %bitcast_convert_type3A_779, %bitcast_convert_type3A_794 : vector<16xf32>
        %bitcast_convert_type3A_796 = tpu.bitcast %get3A_790 : vector<16xi32> -> vector<16xf32>
        %add3A_797 = arith.addf %bitcast_convert_type3A_780, %bitcast_convert_type3A_796 : vector<16xf32>
        %mul3A_798 = arith.constant 16 : i32
        %mul3A_799 = arith.muli %scan3A_187, %mul3A_798 : i32
        %add3A_800 = arith.constant 2 : i32
        %add3A_801 = arith.addi %mul3A_799, %add3A_800 : i32
        %get3A_802 = arith.constant 2 : i32
        %get3A_803 = arith.index_cast %get3A_802 : i32 to index
        %get3A_804 = arith.index_cast %add3A_801 : i32 to index
        %get3A_805 = arith.constant 32 : index
        %get3A_806 = tpu.vector_load %arg6[%get3A_803, %get3A_804, %get3A_805] {strides = array<i32>} : memref<4x128x64xi32, #tpu.memory_space<vmem>>, vector<1x1x16xi32>,
        %get3A_807 = vector.shape_cast %get3A_806 : vector<1x1x16xi32> to vector<16xi32>
        %shift_left3A_808 = arith.constant 16 : i32
        %shift_left3A_809 = vector.broadcast %shift_left3A_808 : i32 to vector<16xi32>
        %shift_left3A_810 = arith.shli %get3A_807, %shift_left3A_809 : vector<16xi32>
        %bitcast_convert_type3A_811 = tpu.bitcast %shift_left3A_810 : vector<16xi32> -> vector<16xf32>
        %add3A_812 = arith.addf %add3A_795, %bitcast_convert_type3A_811 : vector<16xf32>
        %bitcast_convert_type3A_813 = tpu.bitcast %get3A_807 : vector<16xi32> -> vector<16xf32>
        %add3A_814 = arith.addf %add3A_797, %bitcast_convert_type3A_813 : vector<16xf32>
        %mul3A_815 = arith.constant 16 : i32
        %mul3A_816 = arith.muli %scan3A_187, %mul3A_815 : i32
        %add3A_817 = arith.constant 3 : i32
        %add3A_818 = arith.addi %mul3A_816, %add3A_817 : i32
        %get3A_819 = arith.constant 2 : i32
        %get3A_820 = arith.index_cast %get3A_819 : i32 to index
        %get3A_821 = arith.index_cast %add3A_818 : i32 to index
        %get3A_822 = arith.constant 32 : index
        %get3A_823 = tpu.vector_load %arg6[%get3A_820, %get3A_821, %get3A_822] {strides = array<i32>} : memref<4x128x64xi32, #tpu.memory_space<vmem>>, vector<1x1x16xi32>,
        %get3A_824 = vector.shape_cast %get3A_823 : vector<1x1x16xi32> to vector<16xi32>
        %shift_left3A_825 = arith.constant 16 : i32
        %shift_left3A_826 = vector.broadcast %shift_left3A_825 : i32 to vector<16xi32>
        %shift_left3A_827 = arith.shli %get3A_824, %shift_left3A_826 : vector<16xi32>
        %bitcast_convert_type3A_828 = tpu.bitcast %shift_left3A_827 : vector<16xi32> -> vector<16xf32>
        %add3A_829 = arith.addf %add3A_812, %bitcast_convert_type3A_828 : vector<16xf32>
        %bitcast_convert_type3A_830 = tpu.bitcast %get3A_824 : vector<16xi32> -> vector<16xf32>
        %add3A_831 = arith.addf %add3A_814, %bitcast_convert_type3A_830 : vector<16xf32>
        %mul3A_832 = arith.constant 16 : i32
        %mul3A_833 = arith.muli %scan3A_187, %mul3A_832 : i32
        %add3A_834 = arith.constant 4 : i32
        %add3A_835 = arith.addi %mul3A_833, %add3A_834 : i32
        %get3A_836 = arith.constant 2 : i32
        %get3A_837 = arith.index_cast %get3A_836 : i32 to index
        %get3A_838 = arith.index_cast %add3A_835 : i32 to index
        %get3A_839 = arith.constant 32 : index
        %get3A_840 = tpu.vector_load %arg6[%get3A_837, %get3A_838, %get3A_839] {strides = array<i32>} : memref<4x128x64xi32, #tpu.memory_space<vmem>>, vector<1x1x16xi32>,
        %get3A_841 = vector.shape_cast %get3A_840 : vector<1x1x16xi32> to vector<16xi32>
        %shift_left3A_842 = arith.constant 16 : i32
        %shift_left3A_843 = vector.broadcast %shift_left3A_842 : i32 to vector<16xi32>
        %shift_left3A_844 = arith.shli %get3A_841, %shift_left3A_843 : vector<16xi32>
        %bitcast_convert_type3A_845 = tpu.bitcast %shift_left3A_844 : vector<16xi32> -> vector<16xf32>
        %add3A_846 = arith.addf %add3A_829, %bitcast_convert_type3A_845 : vector<16xf32>
        %bitcast_convert_type3A_847 = tpu.bitcast %get3A_841 : vector<16xi32> -> vector<16xf32>
        %add3A_848 = arith.addf %add3A_831, %bitcast_convert_type3A_847 : vector<16xf32>
        %mul3A_849 = arith.constant 16 : i32
        %mul3A_850 = arith.muli %scan3A_187, %mul3A_849 : i32
        %add3A_851 = arith.constant 5 : i32
        %add3A_852 = arith.addi %mul3A_850, %add3A_851 : i32
        %get3A_853 = arith.constant 2 : i32
        %get3A_854 = arith.index_cast %get3A_853 : i32 to index
        %get3A_855 = arith.index_cast %add3A_852 : i32 to index
        %get3A_856 = arith.constant 32 : index
        %get3A_857 = tpu.vector_load %arg6[%get3A_854, %get3A_855, %get3A_856] {strides = array<i32>} : memref<4x128x64xi32, #tpu.memory_space<vmem>>, vector<1x1x16xi32>,
        %get3A_858 = vector.shape_cast %get3A_857 : vector<1x1x16xi32> to vector<16xi32>
        %shift_left3A_859 = arith.constant 16 : i32
        %shift_left3A_860 = vector.broadcast %shift_left3A_859 : i32 to vector<16xi32>
        %shift_left3A_861 = arith.shli %get3A_858, %shift_left3A_860 : vector<16xi32>
        %bitcast_convert_type3A_862 = tpu.bitcast %shift_left3A_861 : vector<16xi32> -> vector<16xf32>
        %add3A_863 = arith.addf %add3A_846, %bitcast_convert_type3A_862 : vector<16xf32>
        %bitcast_convert_type3A_864 = tpu.bitcast %get3A_858 : vector<16xi32> -> vector<16xf32>
        %add3A_865 = arith.addf %add3A_848, %bitcast_convert_type3A_864 : vector<16xf32>
        %mul3A_866 = arith.constant 16 : i32
        %mul3A_867 = arith.muli %scan3A_187, %mul3A_866 : i32
        %add3A_868 = arith.constant 6 : i32
        %add3A_869 = arith.addi %mul3A_867, %add3A_868 : i32
        %get3A_870 = arith.constant 2 : i32
        %get3A_871 = arith.index_cast %get3A_870 : i32 to index
        %get3A_872 = arith.index_cast %add3A_869 : i32 to index
        %get3A_873 = arith.constant 32 : index
        %get3A_874 = tpu.vector_load %arg6[%get3A_871, %get3A_872, %get3A_873] {strides = array<i32>} : memref<4x128x64xi32, #tpu.memory_space<vmem>>, vector<1x1x16xi32>,
        %get3A_875 = vector.shape_cast %get3A_874 : vector<1x1x16xi32> to vector<16xi32>
        %shift_left3A_876 = arith.constant 16 : i32
        %shift_left3A_877 = vector.broadcast %shift_left3A_876 : i32 to vector<16xi32>
        %shift_left3A_878 = arith.shli %get3A_875, %shift_left3A_877 : vector<16xi32>
        %bitcast_convert_type3A_879 = tpu.bitcast %shift_left3A_878 : vector<16xi32> -> vector<16xf32>
        %add3A_880 = arith.addf %add3A_863, %bitcast_convert_type3A_879 : vector<16xf32>
        %bitcast_convert_type3A_881 = tpu.bitcast %get3A_875 : vector<16xi32> -> vector<16xf32>
        %add3A_882 = arith.addf %add3A_865, %bitcast_convert_type3A_881 : vector<16xf32>
        %mul3A_883 = arith.constant 16 : i32
        %mul3A_884 = arith.muli %scan3A_187, %mul3A_883 : i32
        %add3A_885 = arith.constant 7 : i32
        %add3A_886 = arith.addi %mul3A_884, %add3A_885 : i32
        %get3A_887 = arith.constant 2 : i32
        %get3A_888 = arith.index_cast %get3A_887 : i32 to index
        %get3A_889 = arith.index_cast %add3A_886 : i32 to index
        %get3A_890 = arith.constant 32 : index
        %get3A_891 = tpu.vector_load %arg6[%get3A_888, %get3A_889, %get3A_890] {strides = array<i32>} : memref<4x128x64xi32, #tpu.memory_space<vmem>>, vector<1x1x16xi32>,
        %get3A_892 = vector.shape_cast %get3A_891 : vector<1x1x16xi32> to vector<16xi32>
        %shift_left3A_893 = arith.constant 16 : i32
        %shift_left3A_894 = vector.broadcast %shift_left3A_893 : i32 to vector<16xi32>
        %shift_left3A_895 = arith.shli %get3A_892, %shift_left3A_894 : vector<16xi32>
        %bitcast_convert_type3A_896 = tpu.bitcast %shift_left3A_895 : vector<16xi32> -> vector<16xf32>
        %add3A_897 = arith.addf %add3A_880, %bitcast_convert_type3A_896 : vector<16xf32>
        %bitcast_convert_type3A_898 = tpu.bitcast %get3A_892 : vector<16xi32> -> vector<16xf32>
        %add3A_899 = arith.addf %add3A_882, %bitcast_convert_type3A_898 : vector<16xf32>
        %mul3A_900 = arith.constant 16 : i32
        %mul3A_901 = arith.muli %scan3A_187, %mul3A_900 : i32
        %add3A_902 = arith.constant 8 : i32
        %add3A_903 = arith.addi %mul3A_901, %add3A_902 : i32
        %get3A_904 = arith.constant 2 : i32
        %get3A_905 = arith.index_cast %get3A_904 : i32 to index
        %get3A_906 = arith.index_cast %add3A_903 : i32 to index
        %get3A_907 = arith.constant 32 : index
        %get3A_908 = tpu.vector_load %arg6[%get3A_905, %get3A_906, %get3A_907] {strides = array<i32>} : memref<4x128x64xi32, #tpu.memory_space<vmem>>, vector<1x1x16xi32>,
        %get3A_909 = vector.shape_cast %get3A_908 : vector<1x1x16xi32> to vector<16xi32>
        %shift_left3A_910 = arith.constant 16 : i32
        %shift_left3A_911 = vector.broadcast %shift_left3A_910 : i32 to vector<16xi32>
        %shift_left3A_912 = arith.shli %get3A_909, %shift_left3A_911 : vector<16xi32>
        %bitcast_convert_type3A_913 = tpu.bitcast %shift_left3A_912 : vector<16xi32> -> vector<16xf32>
        %add3A_914 = arith.addf %add3A_897, %bitcast_convert_type3A_913 : vector<16xf32>
        %bitcast_convert_type3A_915 = tpu.bitcast %get3A_909 : vector<16xi32> -> vector<16xf32>
        %add3A_916 = arith.addf %add3A_899, %bitcast_convert_type3A_915 : vector<16xf32>
        %mul3A_917 = arith.constant 16 : i32
        %mul3A_918 = arith.muli %scan3A_187, %mul3A_917 : i32
        %add3A_919 = arith.constant 9 : i32
        %add3A_920 = arith.addi %mul3A_918, %add3A_919 : i32
        %get3A_921 = arith.constant 2 : i32
        %get3A_922 = arith.index_cast %get3A_921 : i32 to index
        %get3A_923 = arith.index_cast %add3A_920 : i32 to index
        %get3A_924 = arith.constant 32 : index
        %get3A_925 = tpu.vector_load %arg6[%get3A_922, %get3A_923, %get3A_924] {strides = array<i32>} : memref<4x128x64xi32, #tpu.memory_space<vmem>>, vector<1x1x16xi32>,
        %get3A_926 = vector.shape_cast %get3A_925 : vector<1x1x16xi32> to vector<16xi32>
        %shift_left3A_927 = arith.constant 16 : i32
        %shift_left3A_928 = vector.broadcast %shift_left3A_927 : i32 to vector<16xi32>
        %shift_left3A_929 = arith.shli %get3A_926, %shift_left3A_928 : vector<16xi32>
        %bitcast_convert_type3A_930 = tpu.bitcast %shift_left3A_929 : vector<16xi32> -> vector<16xf32>
        %add3A_931 = arith.addf %add3A_914, %bitcast_convert_type3A_930 : vector<16xf32>
        %bitcast_convert_type3A_932 = tpu.bitcast %get3A_926 : vector<16xi32> -> vector<16xf32>
        %add3A_933 = arith.addf %add3A_916, %bitcast_convert_type3A_932 : vector<16xf32>
        %mul3A_934 = arith.constant 16 : i32
        %mul3A_935 = arith.muli %scan3A_187, %mul3A_934 : i32
        %add3A_936 = arith.constant 10 : i32
        %add3A_937 = arith.addi %mul3A_935, %add3A_936 : i32
        %get3A_938 = arith.constant 2 : i32
        %get3A_939 = arith.index_cast %get3A_938 : i32 to index
        %get3A_940 = arith.index_cast %add3A_937 : i32 to index
        %get3A_941 = arith.constant 32 : index
        %get3A_942 = tpu.vector_load %arg6[%get3A_939, %get3A_940, %get3A_941] {strides = array<i32>} : memref<4x128x64xi32, #tpu.memory_space<vmem>>, vector<1x1x16xi32>,
        %get3A_943 = vector.shape_cast %get3A_942 : vector<1x1x16xi32> to vector<16xi32>
        %shift_left3A_944 = arith.constant 16 : i32
        %shift_left3A_945 = vector.broadcast %shift_left3A_944 : i32 to vector<16xi32>
        %shift_left3A_946 = arith.shli %get3A_943, %shift_left3A_945 : vector<16xi32>
        %bitcast_convert_type3A_947 = tpu.bitcast %shift_left3A_946 : vector<16xi32> -> vector<16xf32>
        %add3A_948 = arith.addf %add3A_931, %bitcast_convert_type3A_947 : vector<16xf32>
        %bitcast_convert_type3A_949 = tpu.bitcast %get3A_943 : vector<16xi32> -> vector<16xf32>
        %add3A_950 = arith.addf %add3A_933, %bitcast_convert_type3A_949 : vector<16xf32>
        %mul3A_951 = arith.constant 16 : i32
        %mul3A_952 = arith.muli %scan3A_187, %mul3A_951 : i32
        %add3A_953 = arith.constant 11 : i32
        %add3A_954 = arith.addi %mul3A_952, %add3A_953 : i32
        %get3A_955 = arith.constant 2 : i32
        %get3A_956 = arith.index_cast %get3A_955 : i32 to index
        %get3A_957 = arith.index_cast %add3A_954 : i32 to index
        %get3A_958 = arith.constant 32 : index
        %get3A_959 = tpu.vector_load %arg6[%get3A_956, %get3A_957, %get3A_958] {strides = array<i32>} : memref<4x128x64xi32, #tpu.memory_space<vmem>>, vector<1x1x16xi32>,
        %get3A_960 = vector.shape_cast %get3A_959 : vector<1x1x16xi32> to vector<16xi32>
        %shift_left3A_961 = arith.constant 16 : i32
        %shift_left3A_962 = vector.broadcast %shift_left3A_961 : i32 to vector<16xi32>
        %shift_left3A_963 = arith.shli %get3A_960, %shift_left3A_962 : vector<16xi32>
        %bitcast_convert_type3A_964 = tpu.bitcast %shift_left3A_963 : vector<16xi32> -> vector<16xf32>
        %add3A_965 = arith.addf %add3A_948, %bitcast_convert_type3A_964 : vector<16xf32>
        %bitcast_convert_type3A_966 = tpu.bitcast %get3A_960 : vector<16xi32> -> vector<16xf32>
        %add3A_967 = arith.addf %add3A_950, %bitcast_convert_type3A_966 : vector<16xf32>
        %mul3A_968 = arith.constant 16 : i32
        %mul3A_969 = arith.muli %scan3A_187, %mul3A_968 : i32
        %add3A_970 = arith.constant 12 : i32
        %add3A_971 = arith.addi %mul3A_969, %add3A_970 : i32
        %get3A_972 = arith.constant 2 : i32
        %get3A_973 = arith.index_cast %get3A_972 : i32 to index
        %get3A_974 = arith.index_cast %add3A_971 : i32 to index
        %get3A_975 = arith.constant 32 : index
        %get3A_976 = tpu.vector_load %arg6[%get3A_973, %get3A_974, %get3A_975] {strides = array<i32>} : memref<4x128x64xi32, #tpu.memory_space<vmem>>, vector<1x1x16xi32>,
        %get3A_977 = vector.shape_cast %get3A_976 : vector<1x1x16xi32> to vector<16xi32>
        %shift_left3A_978 = arith.constant 16 : i32
        %shift_left3A_979 = vector.broadcast %shift_left3A_978 : i32 to vector<16xi32>
        %shift_left3A_980 = arith.shli %get3A_977, %shift_left3A_979 : vector<16xi32>
        %bitcast_convert_type3A_981 = tpu.bitcast %shift_left3A_980 : vector<16xi32> -> vector<16xf32>
        %add3A_982 = arith.addf %add3A_965, %bitcast_convert_type3A_981 : vector<16xf32>
        %bitcast_convert_type3A_983 = tpu.bitcast %get3A_977 : vector<16xi32> -> vector<16xf32>
        %add3A_984 = arith.addf %add3A_967, %bitcast_convert_type3A_983 : vector<16xf32>
        %mul3A_985 = arith.constant 16 : i32
        %mul3A_986 = arith.muli %scan3A_187, %mul3A_985 : i32
        %add3A_987 = arith.constant 13 : i32
        %add3A_988 = arith.addi %mul3A_986, %add3A_987 : i32
        %get3A_989 = arith.constant 2 : i32
        %get3A_990 = arith.index_cast %get3A_989 : i32 to index
        %get3A_991 = arith.index_cast %add3A_988 : i32 to index
        %get3A_992 = arith.constant 32 : index
        %get3A_993 = tpu.vector_load %arg6[%get3A_990, %get3A_991, %get3A_992] {strides = array<i32>} : memref<4x128x64xi32, #tpu.memory_space<vmem>>, vector<1x1x16xi32>,
        %get3A_994 = vector.shape_cast %get3A_993 : vector<1x1x16xi32> to vector<16xi32>
        %shift_left3A_995 = arith.constant 16 : i32
        %shift_left3A_996 = vector.broadcast %shift_left3A_995 : i32 to vector<16xi32>
        %shift_left3A_997 = arith.shli %get3A_994, %shift_left3A_996 : vector<16xi32>
        %bitcast_convert_type3A_998 = tpu.bitcast %shift_left3A_997 : vector<16xi32> -> vector<16xf32>
        %add3A_999 = arith.addf %add3A_982, %bitcast_convert_type3A_998 : vector<16xf32>
        %bitcast_convert_type3A_1000 = tpu.bitcast %get3A_994 : vector<16xi32> -> vector<16xf32>
        %add3A_1001 = arith.addf %add3A_984, %bitcast_convert_type3A_1000 : vector<16xf32>
        %mul3A_1002 = arith.constant 16 : i32
        %mul3A_1003 = arith.muli %scan3A_187, %mul3A_1002 : i32
        %add3A_1004 = arith.constant 14 : i32
        %add3A_1005 = arith.addi %mul3A_1003, %add3A_1004 : i32
        %get3A_1006 = arith.constant 2 : i32
        %get3A_1007 = arith.index_cast %get3A_1006 : i32 to index
        %get3A_1008 = arith.index_cast %add3A_1005 : i32 to index
        %get3A_1009 = arith.constant 32 : index
        %get3A_1010 = tpu.vector_load %arg6[%get3A_1007, %get3A_1008, %get3A_1009] {strides = array<i32>} : memref<4x128x64xi32, #tpu.memory_space<vmem>>, vector<1x1x16xi32>,
        %get3A_1011 = vector.shape_cast %get3A_1010 : vector<1x1x16xi32> to vector<16xi32>
        %shift_left3A_1012 = arith.constant 16 : i32
        %shift_left3A_1013 = vector.broadcast %shift_left3A_1012 : i32 to vector<16xi32>
        %shift_left3A_1014 = arith.shli %get3A_1011, %shift_left3A_1013 : vector<16xi32>
        %bitcast_convert_type3A_1015 = tpu.bitcast %shift_left3A_1014 : vector<16xi32> -> vector<16xf32>
        %add3A_1016 = arith.addf %add3A_999, %bitcast_convert_type3A_1015 : vector<16xf32>
        %bitcast_convert_type3A_1017 = tpu.bitcast %get3A_1011 : vector<16xi32> -> vector<16xf32>
        %add3A_1018 = arith.addf %add3A_1001, %bitcast_convert_type3A_1017 : vector<16xf32>
        %mul3A_1019 = arith.constant 16 : i32
        %mul3A_1020 = arith.muli %scan3A_187, %mul3A_1019 : i32
        %add3A_1021 = arith.constant 15 : i32
        %add3A_1022 = arith.addi %mul3A_1020, %add3A_1021 : i32
        %get3A_1023 = arith.constant 2 : i32
        %get3A_1024 = arith.index_cast %get3A_1023 : i32 to index
        %get3A_1025 = arith.index_cast %add3A_1022 : i32 to index
        %get3A_1026 = arith.constant 32 : index
        %get3A_1027 = tpu.vector_load %arg6[%get3A_1024, %get3A_1025, %get3A_1026] {strides = array<i32>} : memref<4x128x64xi32, #tpu.memory_space<vmem>>, vector<1x1x16xi32>,
        %get3A_1028 = vector.shape_cast %get3A_1027 : vector<1x1x16xi32> to vector<16xi32>
        %shift_left3A_1029 = arith.constant 16 : i32
        %shift_left3A_1030 = vector.broadcast %shift_left3A_1029 : i32 to vector<16xi32>
        %shift_left3A_1031 = arith.shli %get3A_1028, %shift_left3A_1030 : vector<16xi32>
        %bitcast_convert_type3A_1032 = tpu.bitcast %shift_left3A_1031 : vector<16xi32> -> vector<16xf32>
        %add3A_1033 = arith.addf %add3A_1016, %bitcast_convert_type3A_1032 : vector<16xf32>
        %bitcast_convert_type3A_1034 = tpu.bitcast %get3A_1028 : vector<16xi32> -> vector<16xf32>
        %add3A_1035 = arith.addf %add3A_1018, %bitcast_convert_type3A_1034 : vector<16xf32>
        %add3A_1036 = arith.constant 16 : i32
        %add3A_1037 = arith.addi %add3A_1036, %scan3A_187 : i32
        %mul3A_1038 = arith.constant 128 : i32
        %mul3A_1039 = arith.muli %add3A_1037, %mul3A_1038 : i32
        %mul3A_1040 = arith.constant 6.250000e-02 : f32
        %mul3A_1041 = vector.broadcast %mul3A_1040 : f32 to vector<16xf32>
        %mul3A_1042 = arith.mulf %add3A_1033, %mul3A_1041 : vector<16xf32>
        %add3A_1043 = arith.constant 64 : i32
        %add3A_1044 = arith.addi %mul3A_1039, %add3A_1043 : i32
        %swap3A_1045 = arith.index_cast %add3A_1044 : i32 to index
        %swap3A_1046 = tpu.vector_load %arg7[%swap3A_1045] {strides = array<i32>} : memref<4096xf32, #tpu.memory_space<vmem>>, vector<16xf32>,
        %swap3A_1047 = vector.shape_cast %swap3A_1046 : vector<16xf32> to vector<16xf32>
        %swap3A_1048 = vector.shape_cast %mul3A_1042 : vector<16xf32> to vector<16xf32>
        tpu.vector_store %arg7[%swap3A_1045], %swap3A_1048 {strides = array<i32>} : memref<4096xf32, #tpu.memory_space<vmem>>, vector<16xf32>,
        %mul3A_1049 = arith.constant 6.250000e-02 : f32
        %mul3A_1050 = vector.broadcast %mul3A_1049 : f32 to vector<16xf32>
        %mul3A_1051 = arith.mulf %add3A_1035, %mul3A_1050 : vector<16xf32>
        %add3A_1052 = arith.constant 64 : i32
        %add3A_1053 = arith.addi %mul3A_1039, %add3A_1052 : i32
        %add3A_1054 = arith.constant 16 : i32
        %add3A_1055 = arith.addi %add3A_1053, %add3A_1054 : i32
        %swap3A_1056 = arith.index_cast %add3A_1055 : i32 to index
        %swap3A_1057 = tpu.vector_load %arg7[%swap3A_1056] {strides = array<i32>} : memref<4096xf32, #tpu.memory_space<vmem>>, vector<16xf32>,
        %swap3A_1058 = vector.shape_cast %swap3A_1057 : vector<16xf32> to vector<16xf32>
        %swap3A_1059 = vector.shape_cast %mul3A_1051 : vector<16xf32> to vector<16xf32>
        tpu.vector_store %arg7[%swap3A_1056], %swap3A_1059 {strides = array<i32>} : memref<4096xf32, #tpu.memory_space<vmem>>, vector<16xf32>,
        %mul3A_1060 = arith.constant 16 : i32
        %mul3A_1061 = arith.muli %scan3A_187, %mul3A_1060 : i32
        %get3A_1062 = arith.constant 2 : i32
        %get3A_1063 = arith.index_cast %get3A_1062 : i32 to index
        %get3A_1064 = arith.index_cast %mul3A_1061 : i32 to index
        %get3A_1065 = arith.constant 48 : index
        %get3A_1066 = tpu.vector_load %arg6[%get3A_1063, %get3A_1064, %get3A_1065] {strides = array<i32>} : memref<4x128x64xi32, #tpu.memory_space<vmem>>, vector<1x1x16xi32>,
        %get3A_1067 = vector.shape_cast %get3A_1066 : vector<1x1x16xi32> to vector<16xi32>
        %shift_left3A_1068 = arith.constant 16 : i32
        %shift_left3A_1069 = vector.broadcast %shift_left3A_1068 : i32 to vector<16xi32>
        %shift_left3A_1070 = arith.shli %get3A_1067, %shift_left3A_1069 : vector<16xi32>
        %bitcast_convert_type3A_1071 = tpu.bitcast %shift_left3A_1070 : vector<16xi32> -> vector<16xf32>
        %bitcast_convert_type3A_1072 = tpu.bitcast %get3A_1067 : vector<16xi32> -> vector<16xf32>
        %mul3A_1073 = arith.constant 16 : i32
        %mul3A_1074 = arith.muli %scan3A_187, %mul3A_1073 : i32
        %add3A_1075 = arith.constant 1 : i32
        %add3A_1076 = arith.addi %mul3A_1074, %add3A_1075 : i32
        %get3A_1077 = arith.constant 2 : i32
        %get3A_1078 = arith.index_cast %get3A_1077 : i32 to index
        %get3A_1079 = arith.index_cast %add3A_1076 : i32 to index
        %get3A_1080 = arith.constant 48 : index
        %get3A_1081 = tpu.vector_load %arg6[%get3A_1078, %get3A_1079, %get3A_1080] {strides = array<i32>} : memref<4x128x64xi32, #tpu.memory_space<vmem>>, vector<1x1x16xi32>,
        %get3A_1082 = vector.shape_cast %get3A_1081 : vector<1x1x16xi32> to vector<16xi32>
        %shift_left3A_1083 = arith.constant 16 : i32
        %shift_left3A_1084 = vector.broadcast %shift_left3A_1083 : i32 to vector<16xi32>
        %shift_left3A_1085 = arith.shli %get3A_1082, %shift_left3A_1084 : vector<16xi32>
        %bitcast_convert_type3A_1086 = tpu.bitcast %shift_left3A_1085 : vector<16xi32> -> vector<16xf32>
        %add3A_1087 = arith.addf %bitcast_convert_type3A_1071, %bitcast_convert_type3A_1086 : vector<16xf32>
        %bitcast_convert_type3A_1088 = tpu.bitcast %get3A_1082 : vector<16xi32> -> vector<16xf32>
        %add3A_1089 = arith.addf %bitcast_convert_type3A_1072, %bitcast_convert_type3A_1088 : vector<16xf32>
        %mul3A_1090 = arith.constant 16 : i32
        %mul3A_1091 = arith.muli %scan3A_187, %mul3A_1090 : i32
        %add3A_1092 = arith.constant 2 : i32
        %add3A_1093 = arith.addi %mul3A_1091, %add3A_1092 : i32
        %get3A_1094 = arith.constant 2 : i32
        %get3A_1095 = arith.index_cast %get3A_1094 : i32 to index
        %get3A_1096 = arith.index_cast %add3A_1093 : i32 to index
        %get3A_1097 = arith.constant 48 : index
        %get3A_1098 = tpu.vector_load %arg6[%get3A_1095, %get3A_1096, %get3A_1097] {strides = array<i32>} : memref<4x128x64xi32, #tpu.memory_space<vmem>>, vector<1x1x16xi32>,
        %get3A_1099 = vector.shape_cast %get3A_1098 : vector<1x1x16xi32> to vector<16xi32>
        %shift_left3A_1100 = arith.constant 16 : i32
        %shift_left3A_1101 = vector.broadcast %shift_left3A_1100 : i32 to vector<16xi32>
        %shift_left3A_1102 = arith.shli %get3A_1099, %shift_left3A_1101 : vector<16xi32>
        %bitcast_convert_type3A_1103 = tpu.bitcast %shift_left3A_1102 : vector<16xi32> -> vector<16xf32>
        %add3A_1104 = arith.addf %add3A_1087, %bitcast_convert_type3A_1103 : vector<16xf32>
        %bitcast_convert_type3A_1105 = tpu.bitcast %get3A_1099 : vector<16xi32> -> vector<16xf32>
        %add3A_1106 = arith.addf %add3A_1089, %bitcast_convert_type3A_1105 : vector<16xf32>
        %mul3A_1107 = arith.constant 16 : i32
        %mul3A_1108 = arith.muli %scan3A_187, %mul3A_1107 : i32
        %add3A_1109 = arith.constant 3 : i32
        %add3A_1110 = arith.addi %mul3A_1108, %add3A_1109 : i32
        %get3A_1111 = arith.constant 2 : i32
        %get3A_1112 = arith.index_cast %get3A_1111 : i32 to index
        %get3A_1113 = arith.index_cast %add3A_1110 : i32 to index
        %get3A_1114 = arith.constant 48 : index
        %get3A_1115 = tpu.vector_load %arg6[%get3A_1112, %get3A_1113, %get3A_1114] {strides = array<i32>} : memref<4x128x64xi32, #tpu.memory_space<vmem>>, vector<1x1x16xi32>,
        %get3A_1116 = vector.shape_cast %get3A_1115 : vector<1x1x16xi32> to vector<16xi32>
        %shift_left3A_1117 = arith.constant 16 : i32
        %shift_left3A_1118 = vector.broadcast %shift_left3A_1117 : i32 to vector<16xi32>
        %shift_left3A_1119 = arith.shli %get3A_1116, %shift_left3A_1118 : vector<16xi32>
        %bitcast_convert_type3A_1120 = tpu.bitcast %shift_left3A_1119 : vector<16xi32> -> vector<16xf32>
        %add3A_1121 = arith.addf %add3A_1104, %bitcast_convert_type3A_1120 : vector<16xf32>
        %bitcast_convert_type3A_1122 = tpu.bitcast %get3A_1116 : vector<16xi32> -> vector<16xf32>
        %add3A_1123 = arith.addf %add3A_1106, %bitcast_convert_type3A_1122 : vector<16xf32>
        %mul3A_1124 = arith.constant 16 : i32
        %mul3A_1125 = arith.muli %scan3A_187, %mul3A_1124 : i32
        %add3A_1126 = arith.constant 4 : i32
        %add3A_1127 = arith.addi %mul3A_1125, %add3A_1126 : i32
        %get3A_1128 = arith.constant 2 : i32
        %get3A_1129 = arith.index_cast %get3A_1128 : i32 to index
        %get3A_1130 = arith.index_cast %add3A_1127 : i32 to index
        %get3A_1131 = arith.constant 48 : index
        %get3A_1132 = tpu.vector_load %arg6[%get3A_1129, %get3A_1130, %get3A_1131] {strides = array<i32>} : memref<4x128x64xi32, #tpu.memory_space<vmem>>, vector<1x1x16xi32>,
        %get3A_1133 = vector.shape_cast %get3A_1132 : vector<1x1x16xi32> to vector<16xi32>
        %shift_left3A_1134 = arith.constant 16 : i32
        %shift_left3A_1135 = vector.broadcast %shift_left3A_1134 : i32 to vector<16xi32>
        %shift_left3A_1136 = arith.shli %get3A_1133, %shift_left3A_1135 : vector<16xi32>
        %bitcast_convert_type3A_1137 = tpu.bitcast %shift_left3A_1136 : vector<16xi32> -> vector<16xf32>
        %add3A_1138 = arith.addf %add3A_1121, %bitcast_convert_type3A_1137 : vector<16xf32>
        %bitcast_convert_type3A_1139 = tpu.bitcast %get3A_1133 : vector<16xi32> -> vector<16xf32>
        %add3A_1140 = arith.addf %add3A_1123, %bitcast_convert_type3A_1139 : vector<16xf32>
        %mul3A_1141 = arith.constant 16 : i32
        %mul3A_1142 = arith.muli %scan3A_187, %mul3A_1141 : i32
        %add3A_1143 = arith.constant 5 : i32
        %add3A_1144 = arith.addi %mul3A_1142, %add3A_1143 : i32
        %get3A_1145 = arith.constant 2 : i32
        %get3A_1146 = arith.index_cast %get3A_1145 : i32 to index
        %get3A_1147 = arith.index_cast %add3A_1144 : i32 to index
        %get3A_1148 = arith.constant 48 : index
        %get3A_1149 = tpu.vector_load %arg6[%get3A_1146, %get3A_1147, %get3A_1148] {strides = array<i32>} : memref<4x128x64xi32, #tpu.memory_space<vmem>>, vector<1x1x16xi32>,
        %get3A_1150 = vector.shape_cast %get3A_1149 : vector<1x1x16xi32> to vector<16xi32>
        %shift_left3A_1151 = arith.constant 16 : i32
        %shift_left3A_1152 = vector.broadcast %shift_left3A_1151 : i32 to vector<16xi32>
        %shift_left3A_1153 = arith.shli %get3A_1150, %shift_left3A_1152 : vector<16xi32>
        %bitcast_convert_type3A_1154 = tpu.bitcast %shift_left3A_1153 : vector<16xi32> -> vector<16xf32>
        %add3A_1155 = arith.addf %add3A_1138, %bitcast_convert_type3A_1154 : vector<16xf32>
        %bitcast_convert_type3A_1156 = tpu.bitcast %get3A_1150 : vector<16xi32> -> vector<16xf32>
        %add3A_1157 = arith.addf %add3A_1140, %bitcast_convert_type3A_1156 : vector<16xf32>
        %mul3A_1158 = arith.constant 16 : i32
        %mul3A_1159 = arith.muli %scan3A_187, %mul3A_1158 : i32
        %add3A_1160 = arith.constant 6 : i32
        %add3A_1161 = arith.addi %mul3A_1159, %add3A_1160 : i32
        %get3A_1162 = arith.constant 2 : i32
        %get3A_1163 = arith.index_cast %get3A_1162 : i32 to index
        %get3A_1164 = arith.index_cast %add3A_1161 : i32 to index
        %get3A_1165 = arith.constant 48 : index
        %get3A_1166 = tpu.vector_load %arg6[%get3A_1163, %get3A_1164, %get3A_1165] {strides = array<i32>} : memref<4x128x64xi32, #tpu.memory_space<vmem>>, vector<1x1x16xi32>,
        %get3A_1167 = vector.shape_cast %get3A_1166 : vector<1x1x16xi32> to vector<16xi32>
        %shift_left3A_1168 = arith.constant 16 : i32
        %shift_left3A_1169 = vector.broadcast %shift_left3A_1168 : i32 to vector<16xi32>
        %shift_left3A_1170 = arith.shli %get3A_1167, %shift_left3A_1169 : vector<16xi32>
        %bitcast_convert_type3A_1171 = tpu.bitcast %shift_left3A_1170 : vector<16xi32> -> vector<16xf32>
        %add3A_1172 = arith.addf %add3A_1155, %bitcast_convert_type3A_1171 : vector<16xf32>
        %bitcast_convert_type3A_1173 = tpu.bitcast %get3A_1167 : vector<16xi32> -> vector<16xf32>
        %add3A_1174 = arith.addf %add3A_1157, %bitcast_convert_type3A_1173 : vector<16xf32>
        %mul3A_1175 = arith.constant 16 : i32
        %mul3A_1176 = arith.muli %scan3A_187, %mul3A_1175 : i32
        %add3A_1177 = arith.constant 7 : i32
        %add3A_1178 = arith.addi %mul3A_1176, %add3A_1177 : i32
        %get3A_1179 = arith.constant 2 : i32
        %get3A_1180 = arith.index_cast %get3A_1179 : i32 to index
        %get3A_1181 = arith.index_cast %add3A_1178 : i32 to index
        %get3A_1182 = arith.constant 48 : index
        %get3A_1183 = tpu.vector_load %arg6[%get3A_1180, %get3A_1181, %get3A_1182] {strides = array<i32>} : memref<4x128x64xi32, #tpu.memory_space<vmem>>, vector<1x1x16xi32>,
        %get3A_1184 = vector.shape_cast %get3A_1183 : vector<1x1x16xi32> to vector<16xi32>
        %shift_left3A_1185 = arith.constant 16 : i32
        %shift_left3A_1186 = vector.broadcast %shift_left3A_1185 : i32 to vector<16xi32>
        %shift_left3A_1187 = arith.shli %get3A_1184, %shift_left3A_1186 : vector<16xi32>
        %bitcast_convert_type3A_1188 = tpu.bitcast %shift_left3A_1187 : vector<16xi32> -> vector<16xf32>
        %add3A_1189 = arith.addf %add3A_1172, %bitcast_convert_type3A_1188 : vector<16xf32>
        %bitcast_convert_type3A_1190 = tpu.bitcast %get3A_1184 : vector<16xi32> -> vector<16xf32>
        %add3A_1191 = arith.addf %add3A_1174, %bitcast_convert_type3A_1190 : vector<16xf32>
        %mul3A_1192 = arith.constant 16 : i32
        %mul3A_1193 = arith.muli %scan3A_187, %mul3A_1192 : i32
        %add3A_1194 = arith.constant 8 : i32
        %add3A_1195 = arith.addi %mul3A_1193, %add3A_1194 : i32
        %get3A_1196 = arith.constant 2 : i32
        %get3A_1197 = arith.index_cast %get3A_1196 : i32 to index
        %get3A_1198 = arith.index_cast %add3A_1195 : i32 to index
        %get3A_1199 = arith.constant 48 : index
        %get3A_1200 = tpu.vector_load %arg6[%get3A_1197, %get3A_1198, %get3A_1199] {strides = array<i32>} : memref<4x128x64xi32, #tpu.memory_space<vmem>>, vector<1x1x16xi32>,
        %get3A_1201 = vector.shape_cast %get3A_1200 : vector<1x1x16xi32> to vector<16xi32>
        %shift_left3A_1202 = arith.constant 16 : i32
        %shift_left3A_1203 = vector.broadcast %shift_left3A_1202 : i32 to vector<16xi32>
        %shift_left3A_1204 = arith.shli %get3A_1201, %shift_left3A_1203 : vector<16xi32>
        %bitcast_convert_type3A_1205 = tpu.bitcast %shift_left3A_1204 : vector<16xi32> -> vector<16xf32>
        %add3A_1206 = arith.addf %add3A_1189, %bitcast_convert_type3A_1205 : vector<16xf32>
        %bitcast_convert_type3A_1207 = tpu.bitcast %get3A_1201 : vector<16xi32> -> vector<16xf32>
        %add3A_1208 = arith.addf %add3A_1191, %bitcast_convert_type3A_1207 : vector<16xf32>
        %mul3A_1209 = arith.constant 16 : i32
        %mul3A_1210 = arith.muli %scan3A_187, %mul3A_1209 : i32
        %add3A_1211 = arith.constant 9 : i32
        %add3A_1212 = arith.addi %mul3A_1210, %add3A_1211 : i32
        %get3A_1213 = arith.constant 2 : i32
        %get3A_1214 = arith.index_cast %get3A_1213 : i32 to index
        %get3A_1215 = arith.index_cast %add3A_1212 : i32 to index
        %get3A_1216 = arith.constant 48 : index
        %get3A_1217 = tpu.vector_load %arg6[%get3A_1214, %get3A_1215, %get3A_1216] {strides = array<i32>} : memref<4x128x64xi32, #tpu.memory_space<vmem>>, vector<1x1x16xi32>,
        %get3A_1218 = vector.shape_cast %get3A_1217 : vector<1x1x16xi32> to vector<16xi32>
        %shift_left3A_1219 = arith.constant 16 : i32
        %shift_left3A_1220 = vector.broadcast %shift_left3A_1219 : i32 to vector<16xi32>
        %shift_left3A_1221 = arith.shli %get3A_1218, %shift_left3A_1220 : vector<16xi32>
        %bitcast_convert_type3A_1222 = tpu.bitcast %shift_left3A_1221 : vector<16xi32> -> vector<16xf32>
        %add3A_1223 = arith.addf %add3A_1206, %bitcast_convert_type3A_1222 : vector<16xf32>
        %bitcast_convert_type3A_1224 = tpu.bitcast %get3A_1218 : vector<16xi32> -> vector<16xf32>
        %add3A_1225 = arith.addf %add3A_1208, %bitcast_convert_type3A_1224 : vector<16xf32>
        %mul3A_1226 = arith.constant 16 : i32
        %mul3A_1227 = arith.muli %scan3A_187, %mul3A_1226 : i32
        %add3A_1228 = arith.constant 10 : i32
        %add3A_1229 = arith.addi %mul3A_1227, %add3A_1228 : i32
        %get3A_1230 = arith.constant 2 : i32
        %get3A_1231 = arith.index_cast %get3A_1230 : i32 to index
        %get3A_1232 = arith.index_cast %add3A_1229 : i32 to index
        %get3A_1233 = arith.constant 48 : index
        %get3A_1234 = tpu.vector_load %arg6[%get3A_1231, %get3A_1232, %get3A_1233] {strides = array<i32>} : memref<4x128x64xi32, #tpu.memory_space<vmem>>, vector<1x1x16xi32>,
        %get3A_1235 = vector.shape_cast %get3A_1234 : vector<1x1x16xi32> to vector<16xi32>
        %shift_left3A_1236 = arith.constant 16 : i32
        %shift_left3A_1237 = vector.broadcast %shift_left3A_1236 : i32 to vector<16xi32>
        %shift_left3A_1238 = arith.shli %get3A_1235, %shift_left3A_1237 : vector<16xi32>
        %bitcast_convert_type3A_1239 = tpu.bitcast %shift_left3A_1238 : vector<16xi32> -> vector<16xf32>
        %add3A_1240 = arith.addf %add3A_1223, %bitcast_convert_type3A_1239 : vector<16xf32>
        %bitcast_convert_type3A_1241 = tpu.bitcast %get3A_1235 : vector<16xi32> -> vector<16xf32>
        %add3A_1242 = arith.addf %add3A_1225, %bitcast_convert_type3A_1241 : vector<16xf32>
        %mul3A_1243 = arith.constant 16 : i32
        %mul3A_1244 = arith.muli %scan3A_187, %mul3A_1243 : i32
        %add3A_1245 = arith.constant 11 : i32
        %add3A_1246 = arith.addi %mul3A_1244, %add3A_1245 : i32
        %get3A_1247 = arith.constant 2 : i32
        %get3A_1248 = arith.index_cast %get3A_1247 : i32 to index
        %get3A_1249 = arith.index_cast %add3A_1246 : i32 to index
        %get3A_1250 = arith.constant 48 : index
        %get3A_1251 = tpu.vector_load %arg6[%get3A_1248, %get3A_1249, %get3A_1250] {strides = array<i32>} : memref<4x128x64xi32, #tpu.memory_space<vmem>>, vector<1x1x16xi32>,
        %get3A_1252 = vector.shape_cast %get3A_1251 : vector<1x1x16xi32> to vector<16xi32>
        %shift_left3A_1253 = arith.constant 16 : i32
        %shift_left3A_1254 = vector.broadcast %shift_left3A_1253 : i32 to vector<16xi32>
        %shift_left3A_1255 = arith.shli %get3A_1252, %shift_left3A_1254 : vector<16xi32>
        %bitcast_convert_type3A_1256 = tpu.bitcast %shift_left3A_1255 : vector<16xi32> -> vector<16xf32>
        %add3A_1257 = arith.addf %add3A_1240, %bitcast_convert_type3A_1256 : vector<16xf32>
        %bitcast_convert_type3A_1258 = tpu.bitcast %get3A_1252 : vector<16xi32> -> vector<16xf32>
        %add3A_1259 = arith.addf %add3A_1242, %bitcast_convert_type3A_1258 : vector<16xf32>
        %mul3A_1260 = arith.constant 16 : i32
        %mul3A_1261 = arith.muli %scan3A_187, %mul3A_1260 : i32
        %add3A_1262 = arith.constant 12 : i32
        %add3A_1263 = arith.addi %mul3A_1261, %add3A_1262 : i32
        %get3A_1264 = arith.constant 2 : i32
        %get3A_1265 = arith.index_cast %get3A_1264 : i32 to index
        %get3A_1266 = arith.index_cast %add3A_1263 : i32 to index
        %get3A_1267 = arith.constant 48 : index
        %get3A_1268 = tpu.vector_load %arg6[%get3A_1265, %get3A_1266, %get3A_1267] {strides = array<i32>} : memref<4x128x64xi32, #tpu.memory_space<vmem>>, vector<1x1x16xi32>,
        %get3A_1269 = vector.shape_cast %get3A_1268 : vector<1x1x16xi32> to vector<16xi32>
        %shift_left3A_1270 = arith.constant 16 : i32
        %shift_left3A_1271 = vector.broadcast %shift_left3A_1270 : i32 to vector<16xi32>
        %shift_left3A_1272 = arith.shli %get3A_1269, %shift_left3A_1271 : vector<16xi32>
        %bitcast_convert_type3A_1273 = tpu.bitcast %shift_left3A_1272 : vector<16xi32> -> vector<16xf32>
        %add3A_1274 = arith.addf %add3A_1257, %bitcast_convert_type3A_1273 : vector<16xf32>
        %bitcast_convert_type3A_1275 = tpu.bitcast %get3A_1269 : vector<16xi32> -> vector<16xf32>
        %add3A_1276 = arith.addf %add3A_1259, %bitcast_convert_type3A_1275 : vector<16xf32>
        %mul3A_1277 = arith.constant 16 : i32
        %mul3A_1278 = arith.muli %scan3A_187, %mul3A_1277 : i32
        %add3A_1279 = arith.constant 13 : i32
        %add3A_1280 = arith.addi %mul3A_1278, %add3A_1279 : i32
        %get3A_1281 = arith.constant 2 : i32
        %get3A_1282 = arith.index_cast %get3A_1281 : i32 to index
        %get3A_1283 = arith.index_cast %add3A_1280 : i32 to index
        %get3A_1284 = arith.constant 48 : index
        %get3A_1285 = tpu.vector_load %arg6[%get3A_1282, %get3A_1283, %get3A_1284] {strides = array<i32>} : memref<4x128x64xi32, #tpu.memory_space<vmem>>, vector<1x1x16xi32>,
        %get3A_1286 = vector.shape_cast %get3A_1285 : vector<1x1x16xi32> to vector<16xi32>
        %shift_left3A_1287 = arith.constant 16 : i32
        %shift_left3A_1288 = vector.broadcast %shift_left3A_1287 : i32 to vector<16xi32>
        %shift_left3A_1289 = arith.shli %get3A_1286, %shift_left3A_1288 : vector<16xi32>
        %bitcast_convert_type3A_1290 = tpu.bitcast %shift_left3A_1289 : vector<16xi32> -> vector<16xf32>
        %add3A_1291 = arith.addf %add3A_1274, %bitcast_convert_type3A_1290 : vector<16xf32>
        %bitcast_convert_type3A_1292 = tpu.bitcast %get3A_1286 : vector<16xi32> -> vector<16xf32>
        %add3A_1293 = arith.addf %add3A_1276, %bitcast_convert_type3A_1292 : vector<16xf32>
        %mul3A_1294 = arith.constant 16 : i32
        %mul3A_1295 = arith.muli %scan3A_187, %mul3A_1294 : i32
        %add3A_1296 = arith.constant 14 : i32
        %add3A_1297 = arith.addi %mul3A_1295, %add3A_1296 : i32
        %get3A_1298 = arith.constant 2 : i32
        %get3A_1299 = arith.index_cast %get3A_1298 : i32 to index
        %get3A_1300 = arith.index_cast %add3A_1297 : i32 to index
        %get3A_1301 = arith.constant 48 : index
        %get3A_1302 = tpu.vector_load %arg6[%get3A_1299, %get3A_1300, %get3A_1301] {strides = array<i32>} : memref<4x128x64xi32, #tpu.memory_space<vmem>>, vector<1x1x16xi32>,
        %get3A_1303 = vector.shape_cast %get3A_1302 : vector<1x1x16xi32> to vector<16xi32>
        %shift_left3A_1304 = arith.constant 16 : i32
        %shift_left3A_1305 = vector.broadcast %shift_left3A_1304 : i32 to vector<16xi32>
        %shift_left3A_1306 = arith.shli %get3A_1303, %shift_left3A_1305 : vector<16xi32>
        %bitcast_convert_type3A_1307 = tpu.bitcast %shift_left3A_1306 : vector<16xi32> -> vector<16xf32>
        %add3A_1308 = arith.addf %add3A_1291, %bitcast_convert_type3A_1307 : vector<16xf32>
        %bitcast_convert_type3A_1309 = tpu.bitcast %get3A_1303 : vector<16xi32> -> vector<16xf32>
        %add3A_1310 = arith.addf %add3A_1293, %bitcast_convert_type3A_1309 : vector<16xf32>
        %mul3A_1311 = arith.constant 16 : i32
        %mul3A_1312 = arith.muli %scan3A_187, %mul3A_1311 : i32
        %add3A_1313 = arith.constant 15 : i32
        %add3A_1314 = arith.addi %mul3A_1312, %add3A_1313 : i32
        %get3A_1315 = arith.constant 2 : i32
        %get3A_1316 = arith.index_cast %get3A_1315 : i32 to index
        %get3A_1317 = arith.index_cast %add3A_1314 : i32 to index
        %get3A_1318 = arith.constant 48 : index
        %get3A_1319 = tpu.vector_load %arg6[%get3A_1316, %get3A_1317, %get3A_1318] {strides = array<i32>} : memref<4x128x64xi32, #tpu.memory_space<vmem>>, vector<1x1x16xi32>,
        %get3A_1320 = vector.shape_cast %get3A_1319 : vector<1x1x16xi32> to vector<16xi32>
        %shift_left3A_1321 = arith.constant 16 : i32
        %shift_left3A_1322 = vector.broadcast %shift_left3A_1321 : i32 to vector<16xi32>
        %shift_left3A_1323 = arith.shli %get3A_1320, %shift_left3A_1322 : vector<16xi32>
        %bitcast_convert_type3A_1324 = tpu.bitcast %shift_left3A_1323 : vector<16xi32> -> vector<16xf32>
        %add3A_1325 = arith.addf %add3A_1308, %bitcast_convert_type3A_1324 : vector<16xf32>
        %bitcast_convert_type3A_1326 = tpu.bitcast %get3A_1320 : vector<16xi32> -> vector<16xf32>
        %add3A_1327 = arith.addf %add3A_1310, %bitcast_convert_type3A_1326 : vector<16xf32>
        %add3A_1328 = arith.constant 16 : i32
        %add3A_1329 = arith.addi %add3A_1328, %scan3A_187 : i32
        %mul3A_1330 = arith.constant 128 : i32
        %mul3A_1331 = arith.muli %add3A_1329, %mul3A_1330 : i32
        %mul3A_1332 = arith.constant 6.250000e-02 : f32
        %mul3A_1333 = vector.broadcast %mul3A_1332 : f32 to vector<16xf32>
        %mul3A_1334 = arith.mulf %add3A_1325, %mul3A_1333 : vector<16xf32>
        %add3A_1335 = arith.constant 96 : i32
        %add3A_1336 = arith.addi %mul3A_1331, %add3A_1335 : i32
        %swap3A_1337 = arith.index_cast %add3A_1336 : i32 to index
        %swap3A_1338 = tpu.vector_load %arg7[%swap3A_1337] {strides = array<i32>} : memref<4096xf32, #tpu.memory_space<vmem>>, vector<16xf32>,
        %swap3A_1339 = vector.shape_cast %swap3A_1338 : vector<16xf32> to vector<16xf32>
        %swap3A_1340 = vector.shape_cast %mul3A_1334 : vector<16xf32> to vector<16xf32>
        tpu.vector_store %arg7[%swap3A_1337], %swap3A_1340 {strides = array<i32>} : memref<4096xf32, #tpu.memory_space<vmem>>, vector<16xf32>,
        %mul3A_1341 = arith.constant 6.250000e-02 : f32
        %mul3A_1342 = vector.broadcast %mul3A_1341 : f32 to vector<16xf32>
        %mul3A_1343 = arith.mulf %add3A_1327, %mul3A_1342 : vector<16xf32>
        %add3A_1344 = arith.constant 96 : i32
        %add3A_1345 = arith.addi %mul3A_1331, %add3A_1344 : i32
        %add3A_1346 = arith.constant 16 : i32
        %add3A_1347 = arith.addi %add3A_1345, %add3A_1346 : i32
        %swap3A_1348 = arith.index_cast %add3A_1347 : i32 to index
        %swap3A_1349 = tpu.vector_load %arg7[%swap3A_1348] {strides = array<i32>} : memref<4096xf32, #tpu.memory_space<vmem>>, vector<16xf32>,
        %swap3A_1350 = vector.shape_cast %swap3A_1349 : vector<16xf32> to vector<16xf32>
        %swap3A_1351 = vector.shape_cast %mul3A_1343 : vector<16xf32> to vector<16xf32>
        tpu.vector_store %arg7[%swap3A_1348], %swap3A_1351 {strides = array<i32>} : memref<4096xf32, #tpu.memory_space<vmem>>, vector<16xf32>,
      }
      %scan3A_147 = arith.constant 8 : i32
      %add3A_148 = arith.constant 4 : i32
      %add3A_149 = arith.addi %add3A_129, %add3A_148 : i32
      %lt3A_150 = arith.constant 160 : i32
      %lt3A_151 = arith.cmpi slt, %add3A_149, %lt3A_150 : i32
      %convert_element_type3A_152 = arith.extui %lt3A_151 : i1 to i32
      %cond3A_153 = arith.constant 0 : i32
      %cond3A_154 = arith.cmpi ne, %convert_element_type3A_152, %cond3A_153 : i32
      scf.if %cond3A_154 {
        %mul3A_187 = arith.constant 128 : i32
        %mul3A_188 = arith.muli %add3A_149, %mul3A_187 : i32
        %dma_start3A_189 = arith.constant 2 : i32
        %dma_start3A_190 = arith.constant 0 : i32
        %dma_start3A_191 = arith.constant 0 : i32
        %dma_start3A_192 = tpu.memref_slice %arg6[%dma_start3A_189, %dma_start3A_190, %dma_start3A_191] : memref<4x128x64xi32, #tpu.memory_space<vmem>> -> memref<1x128x64xi32, #tpu.memory_space<vmem>>
        %dma_start3A_193 = tpu.memref_squeeze %dma_start3A_192 : memref<1x128x64xi32, #tpu.memory_space<vmem>> -> memref<128x64xi32, #tpu.memory_space<vmem>>
        %dma_start3A_194 = tpu.memref_slice %arg5[%mul3A_188] : memref<20480xi32, #tpu.memory_space<vmem>> -> memref<128xi32, #tpu.memory_space<vmem>>
        %dma_start3A_195 = arith.constant 0 : i32
        %dma_start3A_196 = tpu.memref_slice %arg2[%mul3A_20, %dma_start3A_195] : memref<40960x64xi32, #tpu.memory_space<hbm>> -> memref<10240x64xi32, #tpu.memory_space<hbm>>
        %dma_start3A_197 = arith.constant 0 : i32
        %dma_start3A_198 = arith.constant 0 : i32
        %dma_start3A_199 = tpu.memref_slice %dma_start3A_196[%dma_start3A_197, %dma_start3A_198] : memref<10240x64xi32, #tpu.memory_space<hbm>> -> memref<10240x64xi32, #tpu.memory_space<hbm>>
        tpu.enqueue_indirect_dma source(%dma_start3A_199 : memref<10240x64xi32, #tpu.memory_space<hbm>>) target(%dma_start3A_193 : memref<128x64xi32, #tpu.memory_space<vmem>>) offsets(%dma_start3A_194 : memref<128xi32, #tpu.memory_space<vmem>>) semaphore(%arg10 : memref<!tpu.dma_semaphore, #tpu.memory_space<semaphore_mem>>)
      } else {
      }
      %add3A_155 = arith.constant 3 : i32
      %add3A_156 = arith.addi %mul3A_77, %add3A_155 : i32
      %dma_wait3A_157 = arith.constant 3 : i32
      %dma_wait3A_158 = arith.constant 0 : i32
      %dma_wait3A_159 = arith.constant 0 : i32
      %dma_wait3A_160 = tpu.memref_slice %arg6[%dma_wait3A_157, %dma_wait3A_158, %dma_wait3A_159] : memref<4x128x64xi32, #tpu.memory_space<vmem>> -> memref<1x128x64xi32, #tpu.memory_space<vmem>>
      %dma_wait3A_161 = tpu.memref_squeeze %dma_wait3A_160 : memref<1x128x64xi32, #tpu.memory_space<vmem>> -> memref<128x64xi32, #tpu.memory_space<vmem>>
      %dma_wait3A_162 = arith.constant 0 : i32
      %dma_wait3A_163 = tpu.memref_slice %arg5[%dma_wait3A_162] : memref<20480xi32, #tpu.memory_space<vmem>> -> memref<128xi32, #tpu.memory_space<vmem>>
      %dma_wait3A_164 = arith.constant 0 : i32
      %dma_wait3A_165 = tpu.memref_slice %arg2[%mul3A_20, %dma_wait3A_164] : memref<40960x64xi32, #tpu.memory_space<hbm>> -> memref<10240x64xi32, #tpu.memory_space<hbm>>
      %dma_wait3A_166 = arith.constant 0 : i32
      %dma_wait3A_167 = arith.constant 0 : i32
      %dma_wait3A_168 = tpu.memref_slice %dma_wait3A_165[%dma_wait3A_166, %dma_wait3A_167] : memref<10240x64xi32, #tpu.memory_space<hbm>> -> memref<10240x64xi32, #tpu.memory_space<hbm>>
      tpu.wait_indirect_dma semaphore(%arg11 : memref<!tpu.dma_semaphore, #tpu.memory_space<semaphore_mem>>) src(%dma_wait3A_168 : memref<10240x64xi32, #tpu.memory_space<hbm>>) dst(%dma_wait3A_161 : memref<128x64xi32, #tpu.memory_space<vmem>>)
      %scan3A_169 = arith.constant 0 : i32
      %scan3A_170 = arith.constant 0 : i32
      %scan3A_171 = arith.constant 8 : i32
      %scan3A_172 = arith.addi %scan3A_170, %scan3A_171 : i32
      %scan3A_173 = arith.constant 1 : i32
      scf.for %scan3A_187 = %scan3A_170 to %scan3A_172 step %scan3A_173  : i32 {
        %mul3A_188 = arith.constant 16 : i32
        %mul3A_189 = arith.muli %scan3A_187, %mul3A_188 : i32
        %get3A = arith.constant 3 : i32
        %get3A_190 = arith.index_cast %get3A : i32 to index
        %get3A_191 = arith.index_cast %mul3A_189 : i32 to index
        %get3A_192 = arith.constant 0 : index
        %get3A_193 = tpu.vector_load %arg6[%get3A_190, %get3A_191, %get3A_192] {strides = array<i32>} : memref<4x128x64xi32, #tpu.memory_space<vmem>>, vector<1x1x16xi32>,
        %get3A_194 = vector.shape_cast %get3A_193 : vector<1x1x16xi32> to vector<16xi32>
        %shift_left3A = arith.constant 16 : i32
        %shift_left3A_195 = vector.broadcast %shift_left3A : i32 to vector<16xi32>
        %shift_left3A_196 = arith.shli %get3A_194, %shift_left3A_195 : vector<16xi32>
        %bitcast_convert_type3A = tpu.bitcast %shift_left3A_196 : vector<16xi32> -> vector<16xf32>
        %bitcast_convert_type3A_197 = tpu.bitcast %get3A_194 : vector<16xi32> -> vector<16xf32>
        %mul3A_198 = arith.constant 16 : i32
        %mul3A_199 = arith.muli %scan3A_187, %mul3A_198 : i32
        %add3A_200 = arith.constant 1 : i32
        %add3A_201 = arith.addi %mul3A_199, %add3A_200 : i32
        %get3A_202 = arith.constant 3 : i32
        %get3A_203 = arith.index_cast %get3A_202 : i32 to index
        %get3A_204 = arith.index_cast %add3A_201 : i32 to index
        %get3A_205 = arith.constant 0 : index
        %get3A_206 = tpu.vector_load %arg6[%get3A_203, %get3A_204, %get3A_205] {strides = array<i32>} : memref<4x128x64xi32, #tpu.memory_space<vmem>>, vector<1x1x16xi32>,
        %get3A_207 = vector.shape_cast %get3A_206 : vector<1x1x16xi32> to vector<16xi32>
        %shift_left3A_208 = arith.constant 16 : i32
        %shift_left3A_209 = vector.broadcast %shift_left3A_208 : i32 to vector<16xi32>
        %shift_left3A_210 = arith.shli %get3A_207, %shift_left3A_209 : vector<16xi32>
        %bitcast_convert_type3A_211 = tpu.bitcast %shift_left3A_210 : vector<16xi32> -> vector<16xf32>
        %add3A_212 = arith.addf %bitcast_convert_type3A, %bitcast_convert_type3A_211 : vector<16xf32>
        %bitcast_convert_type3A_213 = tpu.bitcast %get3A_207 : vector<16xi32> -> vector<16xf32>
        %add3A_214 = arith.addf %bitcast_convert_type3A_197, %bitcast_convert_type3A_213 : vector<16xf32>
        %mul3A_215 = arith.constant 16 : i32
        %mul3A_216 = arith.muli %scan3A_187, %mul3A_215 : i32
        %add3A_217 = arith.constant 2 : i32
        %add3A_218 = arith.addi %mul3A_216, %add3A_217 : i32
        %get3A_219 = arith.constant 3 : i32
        %get3A_220 = arith.index_cast %get3A_219 : i32 to index
        %get3A_221 = arith.index_cast %add3A_218 : i32 to index
        %get3A_222 = arith.constant 0 : index
        %get3A_223 = tpu.vector_load %arg6[%get3A_220, %get3A_221, %get3A_222] {strides = array<i32>} : memref<4x128x64xi32, #tpu.memory_space<vmem>>, vector<1x1x16xi32>,
        %get3A_224 = vector.shape_cast %get3A_223 : vector<1x1x16xi32> to vector<16xi32>
        %shift_left3A_225 = arith.constant 16 : i32
        %shift_left3A_226 = vector.broadcast %shift_left3A_225 : i32 to vector<16xi32>
        %shift_left3A_227 = arith.shli %get3A_224, %shift_left3A_226 : vector<16xi32>
        %bitcast_convert_type3A_228 = tpu.bitcast %shift_left3A_227 : vector<16xi32> -> vector<16xf32>
        %add3A_229 = arith.addf %add3A_212, %bitcast_convert_type3A_228 : vector<16xf32>
        %bitcast_convert_type3A_230 = tpu.bitcast %get3A_224 : vector<16xi32> -> vector<16xf32>
        %add3A_231 = arith.addf %add3A_214, %bitcast_convert_type3A_230 : vector<16xf32>
        %mul3A_232 = arith.constant 16 : i32
        %mul3A_233 = arith.muli %scan3A_187, %mul3A_232 : i32
        %add3A_234 = arith.constant 3 : i32
        %add3A_235 = arith.addi %mul3A_233, %add3A_234 : i32
        %get3A_236 = arith.constant 3 : i32
        %get3A_237 = arith.index_cast %get3A_236 : i32 to index
        %get3A_238 = arith.index_cast %add3A_235 : i32 to index
        %get3A_239 = arith.constant 0 : index
        %get3A_240 = tpu.vector_load %arg6[%get3A_237, %get3A_238, %get3A_239] {strides = array<i32>} : memref<4x128x64xi32, #tpu.memory_space<vmem>>, vector<1x1x16xi32>,
        %get3A_241 = vector.shape_cast %get3A_240 : vector<1x1x16xi32> to vector<16xi32>
        %shift_left3A_242 = arith.constant 16 : i32
        %shift_left3A_243 = vector.broadcast %shift_left3A_242 : i32 to vector<16xi32>
        %shift_left3A_244 = arith.shli %get3A_241, %shift_left3A_243 : vector<16xi32>
        %bitcast_convert_type3A_245 = tpu.bitcast %shift_left3A_244 : vector<16xi32> -> vector<16xf32>
        %add3A_246 = arith.addf %add3A_229, %bitcast_convert_type3A_245 : vector<16xf32>
        %bitcast_convert_type3A_247 = tpu.bitcast %get3A_241 : vector<16xi32> -> vector<16xf32>
        %add3A_248 = arith.addf %add3A_231, %bitcast_convert_type3A_247 : vector<16xf32>
        %mul3A_249 = arith.constant 16 : i32
        %mul3A_250 = arith.muli %scan3A_187, %mul3A_249 : i32
        %add3A_251 = arith.constant 4 : i32
        %add3A_252 = arith.addi %mul3A_250, %add3A_251 : i32
        %get3A_253 = arith.constant 3 : i32
        %get3A_254 = arith.index_cast %get3A_253 : i32 to index
        %get3A_255 = arith.index_cast %add3A_252 : i32 to index
        %get3A_256 = arith.constant 0 : index
        %get3A_257 = tpu.vector_load %arg6[%get3A_254, %get3A_255, %get3A_256] {strides = array<i32>} : memref<4x128x64xi32, #tpu.memory_space<vmem>>, vector<1x1x16xi32>,
        %get3A_258 = vector.shape_cast %get3A_257 : vector<1x1x16xi32> to vector<16xi32>
        %shift_left3A_259 = arith.constant 16 : i32
        %shift_left3A_260 = vector.broadcast %shift_left3A_259 : i32 to vector<16xi32>
        %shift_left3A_261 = arith.shli %get3A_258, %shift_left3A_260 : vector<16xi32>
        %bitcast_convert_type3A_262 = tpu.bitcast %shift_left3A_261 : vector<16xi32> -> vector<16xf32>
        %add3A_263 = arith.addf %add3A_246, %bitcast_convert_type3A_262 : vector<16xf32>
        %bitcast_convert_type3A_264 = tpu.bitcast %get3A_258 : vector<16xi32> -> vector<16xf32>
        %add3A_265 = arith.addf %add3A_248, %bitcast_convert_type3A_264 : vector<16xf32>
        %mul3A_266 = arith.constant 16 : i32
        %mul3A_267 = arith.muli %scan3A_187, %mul3A_266 : i32
        %add3A_268 = arith.constant 5 : i32
        %add3A_269 = arith.addi %mul3A_267, %add3A_268 : i32
        %get3A_270 = arith.constant 3 : i32
        %get3A_271 = arith.index_cast %get3A_270 : i32 to index
        %get3A_272 = arith.index_cast %add3A_269 : i32 to index
        %get3A_273 = arith.constant 0 : index
        %get3A_274 = tpu.vector_load %arg6[%get3A_271, %get3A_272, %get3A_273] {strides = array<i32>} : memref<4x128x64xi32, #tpu.memory_space<vmem>>, vector<1x1x16xi32>,
        %get3A_275 = vector.shape_cast %get3A_274 : vector<1x1x16xi32> to vector<16xi32>
        %shift_left3A_276 = arith.constant 16 : i32
        %shift_left3A_277 = vector.broadcast %shift_left3A_276 : i32 to vector<16xi32>
        %shift_left3A_278 = arith.shli %get3A_275, %shift_left3A_277 : vector<16xi32>
        %bitcast_convert_type3A_279 = tpu.bitcast %shift_left3A_278 : vector<16xi32> -> vector<16xf32>
        %add3A_280 = arith.addf %add3A_263, %bitcast_convert_type3A_279 : vector<16xf32>
        %bitcast_convert_type3A_281 = tpu.bitcast %get3A_275 : vector<16xi32> -> vector<16xf32>
        %add3A_282 = arith.addf %add3A_265, %bitcast_convert_type3A_281 : vector<16xf32>
        %mul3A_283 = arith.constant 16 : i32
        %mul3A_284 = arith.muli %scan3A_187, %mul3A_283 : i32
        %add3A_285 = arith.constant 6 : i32
        %add3A_286 = arith.addi %mul3A_284, %add3A_285 : i32
        %get3A_287 = arith.constant 3 : i32
        %get3A_288 = arith.index_cast %get3A_287 : i32 to index
        %get3A_289 = arith.index_cast %add3A_286 : i32 to index
        %get3A_290 = arith.constant 0 : index
        %get3A_291 = tpu.vector_load %arg6[%get3A_288, %get3A_289, %get3A_290] {strides = array<i32>} : memref<4x128x64xi32, #tpu.memory_space<vmem>>, vector<1x1x16xi32>,
        %get3A_292 = vector.shape_cast %get3A_291 : vector<1x1x16xi32> to vector<16xi32>
        %shift_left3A_293 = arith.constant 16 : i32
        %shift_left3A_294 = vector.broadcast %shift_left3A_293 : i32 to vector<16xi32>
        %shift_left3A_295 = arith.shli %get3A_292, %shift_left3A_294 : vector<16xi32>
        %bitcast_convert_type3A_296 = tpu.bitcast %shift_left3A_295 : vector<16xi32> -> vector<16xf32>
        %add3A_297 = arith.addf %add3A_280, %bitcast_convert_type3A_296 : vector<16xf32>
        %bitcast_convert_type3A_298 = tpu.bitcast %get3A_292 : vector<16xi32> -> vector<16xf32>
        %add3A_299 = arith.addf %add3A_282, %bitcast_convert_type3A_298 : vector<16xf32>
        %mul3A_300 = arith.constant 16 : i32
        %mul3A_301 = arith.muli %scan3A_187, %mul3A_300 : i32
        %add3A_302 = arith.constant 7 : i32
        %add3A_303 = arith.addi %mul3A_301, %add3A_302 : i32
        %get3A_304 = arith.constant 3 : i32
        %get3A_305 = arith.index_cast %get3A_304 : i32 to index
        %get3A_306 = arith.index_cast %add3A_303 : i32 to index
        %get3A_307 = arith.constant 0 : index
        %get3A_308 = tpu.vector_load %arg6[%get3A_305, %get3A_306, %get3A_307] {strides = array<i32>} : memref<4x128x64xi32, #tpu.memory_space<vmem>>, vector<1x1x16xi32>,
        %get3A_309 = vector.shape_cast %get3A_308 : vector<1x1x16xi32> to vector<16xi32>
        %shift_left3A_310 = arith.constant 16 : i32
        %shift_left3A_311 = vector.broadcast %shift_left3A_310 : i32 to vector<16xi32>
        %shift_left3A_312 = arith.shli %get3A_309, %shift_left3A_311 : vector<16xi32>
        %bitcast_convert_type3A_313 = tpu.bitcast %shift_left3A_312 : vector<16xi32> -> vector<16xf32>
        %add3A_314 = arith.addf %add3A_297, %bitcast_convert_type3A_313 : vector<16xf32>
        %bitcast_convert_type3A_315 = tpu.bitcast %get3A_309 : vector<16xi32> -> vector<16xf32>
        %add3A_316 = arith.addf %add3A_299, %bitcast_convert_type3A_315 : vector<16xf32>
        %mul3A_317 = arith.constant 16 : i32
        %mul3A_318 = arith.muli %scan3A_187, %mul3A_317 : i32
        %add3A_319 = arith.constant 8 : i32
        %add3A_320 = arith.addi %mul3A_318, %add3A_319 : i32
        %get3A_321 = arith.constant 3 : i32
        %get3A_322 = arith.index_cast %get3A_321 : i32 to index
        %get3A_323 = arith.index_cast %add3A_320 : i32 to index
        %get3A_324 = arith.constant 0 : index
        %get3A_325 = tpu.vector_load %arg6[%get3A_322, %get3A_323, %get3A_324] {strides = array<i32>} : memref<4x128x64xi32, #tpu.memory_space<vmem>>, vector<1x1x16xi32>,
        %get3A_326 = vector.shape_cast %get3A_325 : vector<1x1x16xi32> to vector<16xi32>
        %shift_left3A_327 = arith.constant 16 : i32
        %shift_left3A_328 = vector.broadcast %shift_left3A_327 : i32 to vector<16xi32>
        %shift_left3A_329 = arith.shli %get3A_326, %shift_left3A_328 : vector<16xi32>
        %bitcast_convert_type3A_330 = tpu.bitcast %shift_left3A_329 : vector<16xi32> -> vector<16xf32>
        %add3A_331 = arith.addf %add3A_314, %bitcast_convert_type3A_330 : vector<16xf32>
        %bitcast_convert_type3A_332 = tpu.bitcast %get3A_326 : vector<16xi32> -> vector<16xf32>
        %add3A_333 = arith.addf %add3A_316, %bitcast_convert_type3A_332 : vector<16xf32>
        %mul3A_334 = arith.constant 16 : i32
        %mul3A_335 = arith.muli %scan3A_187, %mul3A_334 : i32
        %add3A_336 = arith.constant 9 : i32
        %add3A_337 = arith.addi %mul3A_335, %add3A_336 : i32
        %get3A_338 = arith.constant 3 : i32
        %get3A_339 = arith.index_cast %get3A_338 : i32 to index
        %get3A_340 = arith.index_cast %add3A_337 : i32 to index
        %get3A_341 = arith.constant 0 : index
        %get3A_342 = tpu.vector_load %arg6[%get3A_339, %get3A_340, %get3A_341] {strides = array<i32>} : memref<4x128x64xi32, #tpu.memory_space<vmem>>, vector<1x1x16xi32>,
        %get3A_343 = vector.shape_cast %get3A_342 : vector<1x1x16xi32> to vector<16xi32>
        %shift_left3A_344 = arith.constant 16 : i32
        %shift_left3A_345 = vector.broadcast %shift_left3A_344 : i32 to vector<16xi32>
        %shift_left3A_346 = arith.shli %get3A_343, %shift_left3A_345 : vector<16xi32>
        %bitcast_convert_type3A_347 = tpu.bitcast %shift_left3A_346 : vector<16xi32> -> vector<16xf32>
        %add3A_348 = arith.addf %add3A_331, %bitcast_convert_type3A_347 : vector<16xf32>
        %bitcast_convert_type3A_349 = tpu.bitcast %get3A_343 : vector<16xi32> -> vector<16xf32>
        %add3A_350 = arith.addf %add3A_333, %bitcast_convert_type3A_349 : vector<16xf32>
        %mul3A_351 = arith.constant 16 : i32
        %mul3A_352 = arith.muli %scan3A_187, %mul3A_351 : i32
        %add3A_353 = arith.constant 10 : i32
        %add3A_354 = arith.addi %mul3A_352, %add3A_353 : i32
        %get3A_355 = arith.constant 3 : i32
        %get3A_356 = arith.index_cast %get3A_355 : i32 to index
        %get3A_357 = arith.index_cast %add3A_354 : i32 to index
        %get3A_358 = arith.constant 0 : index
        %get3A_359 = tpu.vector_load %arg6[%get3A_356, %get3A_357, %get3A_358] {strides = array<i32>} : memref<4x128x64xi32, #tpu.memory_space<vmem>>, vector<1x1x16xi32>,
        %get3A_360 = vector.shape_cast %get3A_359 : vector<1x1x16xi32> to vector<16xi32>
        %shift_left3A_361 = arith.constant 16 : i32
        %shift_left3A_362 = vector.broadcast %shift_left3A_361 : i32 to vector<16xi32>
        %shift_left3A_363 = arith.shli %get3A_360, %shift_left3A_362 : vector<16xi32>
        %bitcast_convert_type3A_364 = tpu.bitcast %shift_left3A_363 : vector<16xi32> -> vector<16xf32>
        %add3A_365 = arith.addf %add3A_348, %bitcast_convert_type3A_364 : vector<16xf32>
        %bitcast_convert_type3A_366 = tpu.bitcast %get3A_360 : vector<16xi32> -> vector<16xf32>
        %add3A_367 = arith.addf %add3A_350, %bitcast_convert_type3A_366 : vector<16xf32>
        %mul3A_368 = arith.constant 16 : i32
        %mul3A_369 = arith.muli %scan3A_187, %mul3A_368 : i32
        %add3A_370 = arith.constant 11 : i32
        %add3A_371 = arith.addi %mul3A_369, %add3A_370 : i32
        %get3A_372 = arith.constant 3 : i32
        %get3A_373 = arith.index_cast %get3A_372 : i32 to index
        %get3A_374 = arith.index_cast %add3A_371 : i32 to index
        %get3A_375 = arith.constant 0 : index
        %get3A_376 = tpu.vector_load %arg6[%get3A_373, %get3A_374, %get3A_375] {strides = array<i32>} : memref<4x128x64xi32, #tpu.memory_space<vmem>>, vector<1x1x16xi32>,
        %get3A_377 = vector.shape_cast %get3A_376 : vector<1x1x16xi32> to vector<16xi32>
        %shift_left3A_378 = arith.constant 16 : i32
        %shift_left3A_379 = vector.broadcast %shift_left3A_378 : i32 to vector<16xi32>
        %shift_left3A_380 = arith.shli %get3A_377, %shift_left3A_379 : vector<16xi32>
        %bitcast_convert_type3A_381 = tpu.bitcast %shift_left3A_380 : vector<16xi32> -> vector<16xf32>
        %add3A_382 = arith.addf %add3A_365, %bitcast_convert_type3A_381 : vector<16xf32>
        %bitcast_convert_type3A_383 = tpu.bitcast %get3A_377 : vector<16xi32> -> vector<16xf32>
        %add3A_384 = arith.addf %add3A_367, %bitcast_convert_type3A_383 : vector<16xf32>
        %mul3A_385 = arith.constant 16 : i32
        %mul3A_386 = arith.muli %scan3A_187, %mul3A_385 : i32
        %add3A_387 = arith.constant 12 : i32
        %add3A_388 = arith.addi %mul3A_386, %add3A_387 : i32
        %get3A_389 = arith.constant 3 : i32
        %get3A_390 = arith.index_cast %get3A_389 : i32 to index
        %get3A_391 = arith.index_cast %add3A_388 : i32 to index
        %get3A_392 = arith.constant 0 : index
        %get3A_393 = tpu.vector_load %arg6[%get3A_390, %get3A_391, %get3A_392] {strides = array<i32>} : memref<4x128x64xi32, #tpu.memory_space<vmem>>, vector<1x1x16xi32>,
        %get3A_394 = vector.shape_cast %get3A_393 : vector<1x1x16xi32> to vector<16xi32>
        %shift_left3A_395 = arith.constant 16 : i32
        %shift_left3A_396 = vector.broadcast %shift_left3A_395 : i32 to vector<16xi32>
        %shift_left3A_397 = arith.shli %get3A_394, %shift_left3A_396 : vector<16xi32>
        %bitcast_convert_type3A_398 = tpu.bitcast %shift_left3A_397 : vector<16xi32> -> vector<16xf32>
        %add3A_399 = arith.addf %add3A_382, %bitcast_convert_type3A_398 : vector<16xf32>
        %bitcast_convert_type3A_400 = tpu.bitcast %get3A_394 : vector<16xi32> -> vector<16xf32>
        %add3A_401 = arith.addf %add3A_384, %bitcast_convert_type3A_400 : vector<16xf32>
        %mul3A_402 = arith.constant 16 : i32
        %mul3A_403 = arith.muli %scan3A_187, %mul3A_402 : i32
        %add3A_404 = arith.constant 13 : i32
        %add3A_405 = arith.addi %mul3A_403, %add3A_404 : i32
        %get3A_406 = arith.constant 3 : i32
        %get3A_407 = arith.index_cast %get3A_406 : i32 to index
        %get3A_408 = arith.index_cast %add3A_405 : i32 to index
        %get3A_409 = arith.constant 0 : index
        %get3A_410 = tpu.vector_load %arg6[%get3A_407, %get3A_408, %get3A_409] {strides = array<i32>} : memref<4x128x64xi32, #tpu.memory_space<vmem>>, vector<1x1x16xi32>,
        %get3A_411 = vector.shape_cast %get3A_410 : vector<1x1x16xi32> to vector<16xi32>
        %shift_left3A_412 = arith.constant 16 : i32
        %shift_left3A_413 = vector.broadcast %shift_left3A_412 : i32 to vector<16xi32>
        %shift_left3A_414 = arith.shli %get3A_411, %shift_left3A_413 : vector<16xi32>
        %bitcast_convert_type3A_415 = tpu.bitcast %shift_left3A_414 : vector<16xi32> -> vector<16xf32>
        %add3A_416 = arith.addf %add3A_399, %bitcast_convert_type3A_415 : vector<16xf32>
        %bitcast_convert_type3A_417 = tpu.bitcast %get3A_411 : vector<16xi32> -> vector<16xf32>
        %add3A_418 = arith.addf %add3A_401, %bitcast_convert_type3A_417 : vector<16xf32>
        %mul3A_419 = arith.constant 16 : i32
        %mul3A_420 = arith.muli %scan3A_187, %mul3A_419 : i32
        %add3A_421 = arith.constant 14 : i32
        %add3A_422 = arith.addi %mul3A_420, %add3A_421 : i32
        %get3A_423 = arith.constant 3 : i32
        %get3A_424 = arith.index_cast %get3A_423 : i32 to index
        %get3A_425 = arith.index_cast %add3A_422 : i32 to index
        %get3A_426 = arith.constant 0 : index
        %get3A_427 = tpu.vector_load %arg6[%get3A_424, %get3A_425, %get3A_426] {strides = array<i32>} : memref<4x128x64xi32, #tpu.memory_space<vmem>>, vector<1x1x16xi32>,
        %get3A_428 = vector.shape_cast %get3A_427 : vector<1x1x16xi32> to vector<16xi32>
        %shift_left3A_429 = arith.constant 16 : i32
        %shift_left3A_430 = vector.broadcast %shift_left3A_429 : i32 to vector<16xi32>
        %shift_left3A_431 = arith.shli %get3A_428, %shift_left3A_430 : vector<16xi32>
        %bitcast_convert_type3A_432 = tpu.bitcast %shift_left3A_431 : vector<16xi32> -> vector<16xf32>
        %add3A_433 = arith.addf %add3A_416, %bitcast_convert_type3A_432 : vector<16xf32>
        %bitcast_convert_type3A_434 = tpu.bitcast %get3A_428 : vector<16xi32> -> vector<16xf32>
        %add3A_435 = arith.addf %add3A_418, %bitcast_convert_type3A_434 : vector<16xf32>
        %mul3A_436 = arith.constant 16 : i32
        %mul3A_437 = arith.muli %scan3A_187, %mul3A_436 : i32
        %add3A_438 = arith.constant 15 : i32
        %add3A_439 = arith.addi %mul3A_437, %add3A_438 : i32
        %get3A_440 = arith.constant 3 : i32
        %get3A_441 = arith.index_cast %get3A_440 : i32 to index
        %get3A_442 = arith.index_cast %add3A_439 : i32 to index
        %get3A_443 = arith.constant 0 : index
        %get3A_444 = tpu.vector_load %arg6[%get3A_441, %get3A_442, %get3A_443] {strides = array<i32>} : memref<4x128x64xi32, #tpu.memory_space<vmem>>, vector<1x1x16xi32>,
        %get3A_445 = vector.shape_cast %get3A_444 : vector<1x1x16xi32> to vector<16xi32>
        %shift_left3A_446 = arith.constant 16 : i32
        %shift_left3A_447 = vector.broadcast %shift_left3A_446 : i32 to vector<16xi32>
        %shift_left3A_448 = arith.shli %get3A_445, %shift_left3A_447 : vector<16xi32>
        %bitcast_convert_type3A_449 = tpu.bitcast %shift_left3A_448 : vector<16xi32> -> vector<16xf32>
        %add3A_450 = arith.addf %add3A_433, %bitcast_convert_type3A_449 : vector<16xf32>
        %bitcast_convert_type3A_451 = tpu.bitcast %get3A_445 : vector<16xi32> -> vector<16xf32>
        %add3A_452 = arith.addf %add3A_435, %bitcast_convert_type3A_451 : vector<16xf32>
        %add3A_453 = arith.constant 24 : i32
        %add3A_454 = arith.addi %add3A_453, %scan3A_187 : i32
        %mul3A_455 = arith.constant 128 : i32
        %mul3A_456 = arith.muli %add3A_454, %mul3A_455 : i32
        %mul3A_457 = arith.constant 6.250000e-02 : f32
        %mul3A_458 = vector.broadcast %mul3A_457 : f32 to vector<16xf32>
        %mul3A_459 = arith.mulf %add3A_450, %mul3A_458 : vector<16xf32>
        %add3A_460 = arith.constant 0 : i32
        %add3A_461 = arith.addi %mul3A_456, %add3A_460 : i32
        %swap3A = arith.index_cast %add3A_461 : i32 to index
        %swap3A_462 = tpu.vector_load %arg7[%swap3A] {strides = array<i32>} : memref<4096xf32, #tpu.memory_space<vmem>>, vector<16xf32>,
        %swap3A_463 = vector.shape_cast %swap3A_462 : vector<16xf32> to vector<16xf32>
        %swap3A_464 = vector.shape_cast %mul3A_459 : vector<16xf32> to vector<16xf32>
        tpu.vector_store %arg7[%swap3A], %swap3A_464 {strides = array<i32>} : memref<4096xf32, #tpu.memory_space<vmem>>, vector<16xf32>,
        %mul3A_465 = arith.constant 6.250000e-02 : f32
        %mul3A_466 = vector.broadcast %mul3A_465 : f32 to vector<16xf32>
        %mul3A_467 = arith.mulf %add3A_452, %mul3A_466 : vector<16xf32>
        %add3A_468 = arith.constant 0 : i32
        %add3A_469 = arith.addi %mul3A_456, %add3A_468 : i32
        %add3A_470 = arith.constant 16 : i32
        %add3A_471 = arith.addi %add3A_469, %add3A_470 : i32
        %swap3A_472 = arith.index_cast %add3A_471 : i32 to index
        %swap3A_473 = tpu.vector_load %arg7[%swap3A_472] {strides = array<i32>} : memref<4096xf32, #tpu.memory_space<vmem>>, vector<16xf32>,
        %swap3A_474 = vector.shape_cast %swap3A_473 : vector<16xf32> to vector<16xf32>
        %swap3A_475 = vector.shape_cast %mul3A_467 : vector<16xf32> to vector<16xf32>
        tpu.vector_store %arg7[%swap3A_472], %swap3A_475 {strides = array<i32>} : memref<4096xf32, #tpu.memory_space<vmem>>, vector<16xf32>,
        %mul3A_476 = arith.constant 16 : i32
        %mul3A_477 = arith.muli %scan3A_187, %mul3A_476 : i32
        %get3A_478 = arith.constant 3 : i32
        %get3A_479 = arith.index_cast %get3A_478 : i32 to index
        %get3A_480 = arith.index_cast %mul3A_477 : i32 to index
        %get3A_481 = arith.constant 16 : index
        %get3A_482 = tpu.vector_load %arg6[%get3A_479, %get3A_480, %get3A_481] {strides = array<i32>} : memref<4x128x64xi32, #tpu.memory_space<vmem>>, vector<1x1x16xi32>,
        %get3A_483 = vector.shape_cast %get3A_482 : vector<1x1x16xi32> to vector<16xi32>
        %shift_left3A_484 = arith.constant 16 : i32
        %shift_left3A_485 = vector.broadcast %shift_left3A_484 : i32 to vector<16xi32>
        %shift_left3A_486 = arith.shli %get3A_483, %shift_left3A_485 : vector<16xi32>
        %bitcast_convert_type3A_487 = tpu.bitcast %shift_left3A_486 : vector<16xi32> -> vector<16xf32>
        %bitcast_convert_type3A_488 = tpu.bitcast %get3A_483 : vector<16xi32> -> vector<16xf32>
        %mul3A_489 = arith.constant 16 : i32
        %mul3A_490 = arith.muli %scan3A_187, %mul3A_489 : i32
        %add3A_491 = arith.constant 1 : i32
        %add3A_492 = arith.addi %mul3A_490, %add3A_491 : i32
        %get3A_493 = arith.constant 3 : i32
        %get3A_494 = arith.index_cast %get3A_493 : i32 to index
        %get3A_495 = arith.index_cast %add3A_492 : i32 to index
        %get3A_496 = arith.constant 16 : index
        %get3A_497 = tpu.vector_load %arg6[%get3A_494, %get3A_495, %get3A_496] {strides = array<i32>} : memref<4x128x64xi32, #tpu.memory_space<vmem>>, vector<1x1x16xi32>,
        %get3A_498 = vector.shape_cast %get3A_497 : vector<1x1x16xi32> to vector<16xi32>
        %shift_left3A_499 = arith.constant 16 : i32
        %shift_left3A_500 = vector.broadcast %shift_left3A_499 : i32 to vector<16xi32>
        %shift_left3A_501 = arith.shli %get3A_498, %shift_left3A_500 : vector<16xi32>
        %bitcast_convert_type3A_502 = tpu.bitcast %shift_left3A_501 : vector<16xi32> -> vector<16xf32>
        %add3A_503 = arith.addf %bitcast_convert_type3A_487, %bitcast_convert_type3A_502 : vector<16xf32>
        %bitcast_convert_type3A_504 = tpu.bitcast %get3A_498 : vector<16xi32> -> vector<16xf32>
        %add3A_505 = arith.addf %bitcast_convert_type3A_488, %bitcast_convert_type3A_504 : vector<16xf32>
        %mul3A_506 = arith.constant 16 : i32
        %mul3A_507 = arith.muli %scan3A_187, %mul3A_506 : i32
        %add3A_508 = arith.constant 2 : i32
        %add3A_509 = arith.addi %mul3A_507, %add3A_508 : i32
        %get3A_510 = arith.constant 3 : i32
        %get3A_511 = arith.index_cast %get3A_510 : i32 to index
        %get3A_512 = arith.index_cast %add3A_509 : i32 to index
        %get3A_513 = arith.constant 16 : index
        %get3A_514 = tpu.vector_load %arg6[%get3A_511, %get3A_512, %get3A_513] {strides = array<i32>} : memref<4x128x64xi32, #tpu.memory_space<vmem>>, vector<1x1x16xi32>,
        %get3A_515 = vector.shape_cast %get3A_514 : vector<1x1x16xi32> to vector<16xi32>
        %shift_left3A_516 = arith.constant 16 : i32
        %shift_left3A_517 = vector.broadcast %shift_left3A_516 : i32 to vector<16xi32>
        %shift_left3A_518 = arith.shli %get3A_515, %shift_left3A_517 : vector<16xi32>
        %bitcast_convert_type3A_519 = tpu.bitcast %shift_left3A_518 : vector<16xi32> -> vector<16xf32>
        %add3A_520 = arith.addf %add3A_503, %bitcast_convert_type3A_519 : vector<16xf32>
        %bitcast_convert_type3A_521 = tpu.bitcast %get3A_515 : vector<16xi32> -> vector<16xf32>
        %add3A_522 = arith.addf %add3A_505, %bitcast_convert_type3A_521 : vector<16xf32>
        %mul3A_523 = arith.constant 16 : i32
        %mul3A_524 = arith.muli %scan3A_187, %mul3A_523 : i32
        %add3A_525 = arith.constant 3 : i32
        %add3A_526 = arith.addi %mul3A_524, %add3A_525 : i32
        %get3A_527 = arith.constant 3 : i32
        %get3A_528 = arith.index_cast %get3A_527 : i32 to index
        %get3A_529 = arith.index_cast %add3A_526 : i32 to index
        %get3A_530 = arith.constant 16 : index
        %get3A_531 = tpu.vector_load %arg6[%get3A_528, %get3A_529, %get3A_530] {strides = array<i32>} : memref<4x128x64xi32, #tpu.memory_space<vmem>>, vector<1x1x16xi32>,
        %get3A_532 = vector.shape_cast %get3A_531 : vector<1x1x16xi32> to vector<16xi32>
        %shift_left3A_533 = arith.constant 16 : i32
        %shift_left3A_534 = vector.broadcast %shift_left3A_533 : i32 to vector<16xi32>
        %shift_left3A_535 = arith.shli %get3A_532, %shift_left3A_534 : vector<16xi32>
        %bitcast_convert_type3A_536 = tpu.bitcast %shift_left3A_535 : vector<16xi32> -> vector<16xf32>
        %add3A_537 = arith.addf %add3A_520, %bitcast_convert_type3A_536 : vector<16xf32>
        %bitcast_convert_type3A_538 = tpu.bitcast %get3A_532 : vector<16xi32> -> vector<16xf32>
        %add3A_539 = arith.addf %add3A_522, %bitcast_convert_type3A_538 : vector<16xf32>
        %mul3A_540 = arith.constant 16 : i32
        %mul3A_541 = arith.muli %scan3A_187, %mul3A_540 : i32
        %add3A_542 = arith.constant 4 : i32
        %add3A_543 = arith.addi %mul3A_541, %add3A_542 : i32
        %get3A_544 = arith.constant 3 : i32
        %get3A_545 = arith.index_cast %get3A_544 : i32 to index
        %get3A_546 = arith.index_cast %add3A_543 : i32 to index
        %get3A_547 = arith.constant 16 : index
        %get3A_548 = tpu.vector_load %arg6[%get3A_545, %get3A_546, %get3A_547] {strides = array<i32>} : memref<4x128x64xi32, #tpu.memory_space<vmem>>, vector<1x1x16xi32>,
        %get3A_549 = vector.shape_cast %get3A_548 : vector<1x1x16xi32> to vector<16xi32>
        %shift_left3A_550 = arith.constant 16 : i32
        %shift_left3A_551 = vector.broadcast %shift_left3A_550 : i32 to vector<16xi32>
        %shift_left3A_552 = arith.shli %get3A_549, %shift_left3A_551 : vector<16xi32>
        %bitcast_convert_type3A_553 = tpu.bitcast %shift_left3A_552 : vector<16xi32> -> vector<16xf32>
        %add3A_554 = arith.addf %add3A_537, %bitcast_convert_type3A_553 : vector<16xf32>
        %bitcast_convert_type3A_555 = tpu.bitcast %get3A_549 : vector<16xi32> -> vector<16xf32>
        %add3A_556 = arith.addf %add3A_539, %bitcast_convert_type3A_555 : vector<16xf32>
        %mul3A_557 = arith.constant 16 : i32
        %mul3A_558 = arith.muli %scan3A_187, %mul3A_557 : i32
        %add3A_559 = arith.constant 5 : i32
        %add3A_560 = arith.addi %mul3A_558, %add3A_559 : i32
        %get3A_561 = arith.constant 3 : i32
        %get3A_562 = arith.index_cast %get3A_561 : i32 to index
        %get3A_563 = arith.index_cast %add3A_560 : i32 to index
        %get3A_564 = arith.constant 16 : index
        %get3A_565 = tpu.vector_load %arg6[%get3A_562, %get3A_563, %get3A_564] {strides = array<i32>} : memref<4x128x64xi32, #tpu.memory_space<vmem>>, vector<1x1x16xi32>,
        %get3A_566 = vector.shape_cast %get3A_565 : vector<1x1x16xi32> to vector<16xi32>
        %shift_left3A_567 = arith.constant 16 : i32
        %shift_left3A_568 = vector.broadcast %shift_left3A_567 : i32 to vector<16xi32>
        %shift_left3A_569 = arith.shli %get3A_566, %shift_left3A_568 : vector<16xi32>
        %bitcast_convert_type3A_570 = tpu.bitcast %shift_left3A_569 : vector<16xi32> -> vector<16xf32>
        %add3A_571 = arith.addf %add3A_554, %bitcast_convert_type3A_570 : vector<16xf32>
        %bitcast_convert_type3A_572 = tpu.bitcast %get3A_566 : vector<16xi32> -> vector<16xf32>
        %add3A_573 = arith.addf %add3A_556, %bitcast_convert_type3A_572 : vector<16xf32>
        %mul3A_574 = arith.constant 16 : i32
        %mul3A_575 = arith.muli %scan3A_187, %mul3A_574 : i32
        %add3A_576 = arith.constant 6 : i32
        %add3A_577 = arith.addi %mul3A_575, %add3A_576 : i32
        %get3A_578 = arith.constant 3 : i32
        %get3A_579 = arith.index_cast %get3A_578 : i32 to index
        %get3A_580 = arith.index_cast %add3A_577 : i32 to index
        %get3A_581 = arith.constant 16 : index
        %get3A_582 = tpu.vector_load %arg6[%get3A_579, %get3A_580, %get3A_581] {strides = array<i32>} : memref<4x128x64xi32, #tpu.memory_space<vmem>>, vector<1x1x16xi32>,
        %get3A_583 = vector.shape_cast %get3A_582 : vector<1x1x16xi32> to vector<16xi32>
        %shift_left3A_584 = arith.constant 16 : i32
        %shift_left3A_585 = vector.broadcast %shift_left3A_584 : i32 to vector<16xi32>
        %shift_left3A_586 = arith.shli %get3A_583, %shift_left3A_585 : vector<16xi32>
        %bitcast_convert_type3A_587 = tpu.bitcast %shift_left3A_586 : vector<16xi32> -> vector<16xf32>
        %add3A_588 = arith.addf %add3A_571, %bitcast_convert_type3A_587 : vector<16xf32>
        %bitcast_convert_type3A_589 = tpu.bitcast %get3A_583 : vector<16xi32> -> vector<16xf32>
        %add3A_590 = arith.addf %add3A_573, %bitcast_convert_type3A_589 : vector<16xf32>
        %mul3A_591 = arith.constant 16 : i32
        %mul3A_592 = arith.muli %scan3A_187, %mul3A_591 : i32
        %add3A_593 = arith.constant 7 : i32
        %add3A_594 = arith.addi %mul3A_592, %add3A_593 : i32
        %get3A_595 = arith.constant 3 : i32
        %get3A_596 = arith.index_cast %get3A_595 : i32 to index
        %get3A_597 = arith.index_cast %add3A_594 : i32 to index
        %get3A_598 = arith.constant 16 : index
        %get3A_599 = tpu.vector_load %arg6[%get3A_596, %get3A_597, %get3A_598] {strides = array<i32>} : memref<4x128x64xi32, #tpu.memory_space<vmem>>, vector<1x1x16xi32>,
        %get3A_600 = vector.shape_cast %get3A_599 : vector<1x1x16xi32> to vector<16xi32>
        %shift_left3A_601 = arith.constant 16 : i32
        %shift_left3A_602 = vector.broadcast %shift_left3A_601 : i32 to vector<16xi32>
        %shift_left3A_603 = arith.shli %get3A_600, %shift_left3A_602 : vector<16xi32>
        %bitcast_convert_type3A_604 = tpu.bitcast %shift_left3A_603 : vector<16xi32> -> vector<16xf32>
        %add3A_605 = arith.addf %add3A_588, %bitcast_convert_type3A_604 : vector<16xf32>
        %bitcast_convert_type3A_606 = tpu.bitcast %get3A_600 : vector<16xi32> -> vector<16xf32>
        %add3A_607 = arith.addf %add3A_590, %bitcast_convert_type3A_606 : vector<16xf32>
        %mul3A_608 = arith.constant 16 : i32
        %mul3A_609 = arith.muli %scan3A_187, %mul3A_608 : i32
        %add3A_610 = arith.constant 8 : i32
        %add3A_611 = arith.addi %mul3A_609, %add3A_610 : i32
        %get3A_612 = arith.constant 3 : i32
        %get3A_613 = arith.index_cast %get3A_612 : i32 to index
        %get3A_614 = arith.index_cast %add3A_611 : i32 to index
        %get3A_615 = arith.constant 16 : index
        %get3A_616 = tpu.vector_load %arg6[%get3A_613, %get3A_614, %get3A_615] {strides = array<i32>} : memref<4x128x64xi32, #tpu.memory_space<vmem>>, vector<1x1x16xi32>,
        %get3A_617 = vector.shape_cast %get3A_616 : vector<1x1x16xi32> to vector<16xi32>
        %shift_left3A_618 = arith.constant 16 : i32
        %shift_left3A_619 = vector.broadcast %shift_left3A_618 : i32 to vector<16xi32>
        %shift_left3A_620 = arith.shli %get3A_617, %shift_left3A_619 : vector<16xi32>
        %bitcast_convert_type3A_621 = tpu.bitcast %shift_left3A_620 : vector<16xi32> -> vector<16xf32>
        %add3A_622 = arith.addf %add3A_605, %bitcast_convert_type3A_621 : vector<16xf32>
        %bitcast_convert_type3A_623 = tpu.bitcast %get3A_617 : vector<16xi32> -> vector<16xf32>
        %add3A_624 = arith.addf %add3A_607, %bitcast_convert_type3A_623 : vector<16xf32>
        %mul3A_625 = arith.constant 16 : i32
        %mul3A_626 = arith.muli %scan3A_187, %mul3A_625 : i32
        %add3A_627 = arith.constant 9 : i32
        %add3A_628 = arith.addi %mul3A_626, %add3A_627 : i32
        %get3A_629 = arith.constant 3 : i32
        %get3A_630 = arith.index_cast %get3A_629 : i32 to index
        %get3A_631 = arith.index_cast %add3A_628 : i32 to index
        %get3A_632 = arith.constant 16 : index
        %get3A_633 = tpu.vector_load %arg6[%get3A_630, %get3A_631, %get3A_632] {strides = array<i32>} : memref<4x128x64xi32, #tpu.memory_space<vmem>>, vector<1x1x16xi32>,
        %get3A_634 = vector.shape_cast %get3A_633 : vector<1x1x16xi32> to vector<16xi32>
        %shift_left3A_635 = arith.constant 16 : i32
        %shift_left3A_636 = vector.broadcast %shift_left3A_635 : i32 to vector<16xi32>
        %shift_left3A_637 = arith.shli %get3A_634, %shift_left3A_636 : vector<16xi32>
        %bitcast_convert_type3A_638 = tpu.bitcast %shift_left3A_637 : vector<16xi32> -> vector<16xf32>
        %add3A_639 = arith.addf %add3A_622, %bitcast_convert_type3A_638 : vector<16xf32>
        %bitcast_convert_type3A_640 = tpu.bitcast %get3A_634 : vector<16xi32> -> vector<16xf32>
        %add3A_641 = arith.addf %add3A_624, %bitcast_convert_type3A_640 : vector<16xf32>
        %mul3A_642 = arith.constant 16 : i32
        %mul3A_643 = arith.muli %scan3A_187, %mul3A_642 : i32
        %add3A_644 = arith.constant 10 : i32
        %add3A_645 = arith.addi %mul3A_643, %add3A_644 : i32
        %get3A_646 = arith.constant 3 : i32
        %get3A_647 = arith.index_cast %get3A_646 : i32 to index
        %get3A_648 = arith.index_cast %add3A_645 : i32 to index
        %get3A_649 = arith.constant 16 : index
        %get3A_650 = tpu.vector_load %arg6[%get3A_647, %get3A_648, %get3A_649] {strides = array<i32>} : memref<4x128x64xi32, #tpu.memory_space<vmem>>, vector<1x1x16xi32>,
        %get3A_651 = vector.shape_cast %get3A_650 : vector<1x1x16xi32> to vector<16xi32>
        %shift_left3A_652 = arith.constant 16 : i32
        %shift_left3A_653 = vector.broadcast %shift_left3A_652 : i32 to vector<16xi32>
        %shift_left3A_654 = arith.shli %get3A_651, %shift_left3A_653 : vector<16xi32>
        %bitcast_convert_type3A_655 = tpu.bitcast %shift_left3A_654 : vector<16xi32> -> vector<16xf32>
        %add3A_656 = arith.addf %add3A_639, %bitcast_convert_type3A_655 : vector<16xf32>
        %bitcast_convert_type3A_657 = tpu.bitcast %get3A_651 : vector<16xi32> -> vector<16xf32>
        %add3A_658 = arith.addf %add3A_641, %bitcast_convert_type3A_657 : vector<16xf32>
        %mul3A_659 = arith.constant 16 : i32
        %mul3A_660 = arith.muli %scan3A_187, %mul3A_659 : i32
        %add3A_661 = arith.constant 11 : i32
        %add3A_662 = arith.addi %mul3A_660, %add3A_661 : i32
        %get3A_663 = arith.constant 3 : i32
        %get3A_664 = arith.index_cast %get3A_663 : i32 to index
        %get3A_665 = arith.index_cast %add3A_662 : i32 to index
        %get3A_666 = arith.constant 16 : index
        %get3A_667 = tpu.vector_load %arg6[%get3A_664, %get3A_665, %get3A_666] {strides = array<i32>} : memref<4x128x64xi32, #tpu.memory_space<vmem>>, vector<1x1x16xi32>,
        %get3A_668 = vector.shape_cast %get3A_667 : vector<1x1x16xi32> to vector<16xi32>
        %shift_left3A_669 = arith.constant 16 : i32
        %shift_left3A_670 = vector.broadcast %shift_left3A_669 : i32 to vector<16xi32>
        %shift_left3A_671 = arith.shli %get3A_668, %shift_left3A_670 : vector<16xi32>
        %bitcast_convert_type3A_672 = tpu.bitcast %shift_left3A_671 : vector<16xi32> -> vector<16xf32>
        %add3A_673 = arith.addf %add3A_656, %bitcast_convert_type3A_672 : vector<16xf32>
        %bitcast_convert_type3A_674 = tpu.bitcast %get3A_668 : vector<16xi32> -> vector<16xf32>
        %add3A_675 = arith.addf %add3A_658, %bitcast_convert_type3A_674 : vector<16xf32>
        %mul3A_676 = arith.constant 16 : i32
        %mul3A_677 = arith.muli %scan3A_187, %mul3A_676 : i32
        %add3A_678 = arith.constant 12 : i32
        %add3A_679 = arith.addi %mul3A_677, %add3A_678 : i32
        %get3A_680 = arith.constant 3 : i32
        %get3A_681 = arith.index_cast %get3A_680 : i32 to index
        %get3A_682 = arith.index_cast %add3A_679 : i32 to index
        %get3A_683 = arith.constant 16 : index
        %get3A_684 = tpu.vector_load %arg6[%get3A_681, %get3A_682, %get3A_683] {strides = array<i32>} : memref<4x128x64xi32, #tpu.memory_space<vmem>>, vector<1x1x16xi32>,
        %get3A_685 = vector.shape_cast %get3A_684 : vector<1x1x16xi32> to vector<16xi32>
        %shift_left3A_686 = arith.constant 16 : i32
        %shift_left3A_687 = vector.broadcast %shift_left3A_686 : i32 to vector<16xi32>
        %shift_left3A_688 = arith.shli %get3A_685, %shift_left3A_687 : vector<16xi32>
        %bitcast_convert_type3A_689 = tpu.bitcast %shift_left3A_688 : vector<16xi32> -> vector<16xf32>
        %add3A_690 = arith.addf %add3A_673, %bitcast_convert_type3A_689 : vector<16xf32>
        %bitcast_convert_type3A_691 = tpu.bitcast %get3A_685 : vector<16xi32> -> vector<16xf32>
        %add3A_692 = arith.addf %add3A_675, %bitcast_convert_type3A_691 : vector<16xf32>
        %mul3A_693 = arith.constant 16 : i32
        %mul3A_694 = arith.muli %scan3A_187, %mul3A_693 : i32
        %add3A_695 = arith.constant 13 : i32
        %add3A_696 = arith.addi %mul3A_694, %add3A_695 : i32
        %get3A_697 = arith.constant 3 : i32
        %get3A_698 = arith.index_cast %get3A_697 : i32 to index
        %get3A_699 = arith.index_cast %add3A_696 : i32 to index
        %get3A_700 = arith.constant 16 : index
        %get3A_701 = tpu.vector_load %arg6[%get3A_698, %get3A_699, %get3A_700] {strides = array<i32>} : memref<4x128x64xi32, #tpu.memory_space<vmem>>, vector<1x1x16xi32>,
        %get3A_702 = vector.shape_cast %get3A_701 : vector<1x1x16xi32> to vector<16xi32>
        %shift_left3A_703 = arith.constant 16 : i32
        %shift_left3A_704 = vector.broadcast %shift_left3A_703 : i32 to vector<16xi32>
        %shift_left3A_705 = arith.shli %get3A_702, %shift_left3A_704 : vector<16xi32>
        %bitcast_convert_type3A_706 = tpu.bitcast %shift_left3A_705 : vector<16xi32> -> vector<16xf32>
        %add3A_707 = arith.addf %add3A_690, %bitcast_convert_type3A_706 : vector<16xf32>
        %bitcast_convert_type3A_708 = tpu.bitcast %get3A_702 : vector<16xi32> -> vector<16xf32>
        %add3A_709 = arith.addf %add3A_692, %bitcast_convert_type3A_708 : vector<16xf32>
        %mul3A_710 = arith.constant 16 : i32
        %mul3A_711 = arith.muli %scan3A_187, %mul3A_710 : i32
        %add3A_712 = arith.constant 14 : i32
        %add3A_713 = arith.addi %mul3A_711, %add3A_712 : i32
        %get3A_714 = arith.constant 3 : i32
        %get3A_715 = arith.index_cast %get3A_714 : i32 to index
        %get3A_716 = arith.index_cast %add3A_713 : i32 to index
        %get3A_717 = arith.constant 16 : index
        %get3A_718 = tpu.vector_load %arg6[%get3A_715, %get3A_716, %get3A_717] {strides = array<i32>} : memref<4x128x64xi32, #tpu.memory_space<vmem>>, vector<1x1x16xi32>,
        %get3A_719 = vector.shape_cast %get3A_718 : vector<1x1x16xi32> to vector<16xi32>
        %shift_left3A_720 = arith.constant 16 : i32
        %shift_left3A_721 = vector.broadcast %shift_left3A_720 : i32 to vector<16xi32>
        %shift_left3A_722 = arith.shli %get3A_719, %shift_left3A_721 : vector<16xi32>
        %bitcast_convert_type3A_723 = tpu.bitcast %shift_left3A_722 : vector<16xi32> -> vector<16xf32>
        %add3A_724 = arith.addf %add3A_707, %bitcast_convert_type3A_723 : vector<16xf32>
        %bitcast_convert_type3A_725 = tpu.bitcast %get3A_719 : vector<16xi32> -> vector<16xf32>
        %add3A_726 = arith.addf %add3A_709, %bitcast_convert_type3A_725 : vector<16xf32>
        %mul3A_727 = arith.constant 16 : i32
        %mul3A_728 = arith.muli %scan3A_187, %mul3A_727 : i32
        %add3A_729 = arith.constant 15 : i32
        %add3A_730 = arith.addi %mul3A_728, %add3A_729 : i32
        %get3A_731 = arith.constant 3 : i32
        %get3A_732 = arith.index_cast %get3A_731 : i32 to index
        %get3A_733 = arith.index_cast %add3A_730 : i32 to index
        %get3A_734 = arith.constant 16 : index
        %get3A_735 = tpu.vector_load %arg6[%get3A_732, %get3A_733, %get3A_734] {strides = array<i32>} : memref<4x128x64xi32, #tpu.memory_space<vmem>>, vector<1x1x16xi32>,
        %get3A_736 = vector.shape_cast %get3A_735 : vector<1x1x16xi32> to vector<16xi32>
        %shift_left3A_737 = arith.constant 16 : i32
        %shift_left3A_738 = vector.broadcast %shift_left3A_737 : i32 to vector<16xi32>
        %shift_left3A_739 = arith.shli %get3A_736, %shift_left3A_738 : vector<16xi32>
        %bitcast_convert_type3A_740 = tpu.bitcast %shift_left3A_739 : vector<16xi32> -> vector<16xf32>
        %add3A_741 = arith.addf %add3A_724, %bitcast_convert_type3A_740 : vector<16xf32>
        %bitcast_convert_type3A_742 = tpu.bitcast %get3A_736 : vector<16xi32> -> vector<16xf32>
        %add3A_743 = arith.addf %add3A_726, %bitcast_convert_type3A_742 : vector<16xf32>
        %add3A_744 = arith.constant 24 : i32
        %add3A_745 = arith.addi %add3A_744, %scan3A_187 : i32
        %mul3A_746 = arith.constant 128 : i32
        %mul3A_747 = arith.muli %add3A_745, %mul3A_746 : i32
        %mul3A_748 = arith.constant 6.250000e-02 : f32
        %mul3A_749 = vector.broadcast %mul3A_748 : f32 to vector<16xf32>
        %mul3A_750 = arith.mulf %add3A_741, %mul3A_749 : vector<16xf32>
        %add3A_751 = arith.constant 32 : i32
        %add3A_752 = arith.addi %mul3A_747, %add3A_751 : i32
        %swap3A_753 = arith.index_cast %add3A_752 : i32 to index
        %swap3A_754 = tpu.vector_load %arg7[%swap3A_753] {strides = array<i32>} : memref<4096xf32, #tpu.memory_space<vmem>>, vector<16xf32>,
        %swap3A_755 = vector.shape_cast %swap3A_754 : vector<16xf32> to vector<16xf32>
        %swap3A_756 = vector.shape_cast %mul3A_750 : vector<16xf32> to vector<16xf32>
        tpu.vector_store %arg7[%swap3A_753], %swap3A_756 {strides = array<i32>} : memref<4096xf32, #tpu.memory_space<vmem>>, vector<16xf32>,
        %mul3A_757 = arith.constant 6.250000e-02 : f32
        %mul3A_758 = vector.broadcast %mul3A_757 : f32 to vector<16xf32>
        %mul3A_759 = arith.mulf %add3A_743, %mul3A_758 : vector<16xf32>
        %add3A_760 = arith.constant 32 : i32
        %add3A_761 = arith.addi %mul3A_747, %add3A_760 : i32
        %add3A_762 = arith.constant 16 : i32
        %add3A_763 = arith.addi %add3A_761, %add3A_762 : i32
        %swap3A_764 = arith.index_cast %add3A_763 : i32 to index
        %swap3A_765 = tpu.vector_load %arg7[%swap3A_764] {strides = array<i32>} : memref<4096xf32, #tpu.memory_space<vmem>>, vector<16xf32>,
        %swap3A_766 = vector.shape_cast %swap3A_765 : vector<16xf32> to vector<16xf32>
        %swap3A_767 = vector.shape_cast %mul3A_759 : vector<16xf32> to vector<16xf32>
        tpu.vector_store %arg7[%swap3A_764], %swap3A_767 {strides = array<i32>} : memref<4096xf32, #tpu.memory_space<vmem>>, vector<16xf32>,
        %mul3A_768 = arith.constant 16 : i32
        %mul3A_769 = arith.muli %scan3A_187, %mul3A_768 : i32
        %get3A_770 = arith.constant 3 : i32
        %get3A_771 = arith.index_cast %get3A_770 : i32 to index
        %get3A_772 = arith.index_cast %mul3A_769 : i32 to index
        %get3A_773 = arith.constant 32 : index
        %get3A_774 = tpu.vector_load %arg6[%get3A_771, %get3A_772, %get3A_773] {strides = array<i32>} : memref<4x128x64xi32, #tpu.memory_space<vmem>>, vector<1x1x16xi32>,
        %get3A_775 = vector.shape_cast %get3A_774 : vector<1x1x16xi32> to vector<16xi32>
        %shift_left3A_776 = arith.constant 16 : i32
        %shift_left3A_777 = vector.broadcast %shift_left3A_776 : i32 to vector<16xi32>
        %shift_left3A_778 = arith.shli %get3A_775, %shift_left3A_777 : vector<16xi32>
        %bitcast_convert_type3A_779 = tpu.bitcast %shift_left3A_778 : vector<16xi32> -> vector<16xf32>
        %bitcast_convert_type3A_780 = tpu.bitcast %get3A_775 : vector<16xi32> -> vector<16xf32>
        %mul3A_781 = arith.constant 16 : i32
        %mul3A_782 = arith.muli %scan3A_187, %mul3A_781 : i32
        %add3A_783 = arith.constant 1 : i32
        %add3A_784 = arith.addi %mul3A_782, %add3A_783 : i32
        %get3A_785 = arith.constant 3 : i32
        %get3A_786 = arith.index_cast %get3A_785 : i32 to index
        %get3A_787 = arith.index_cast %add3A_784 : i32 to index
        %get3A_788 = arith.constant 32 : index
        %get3A_789 = tpu.vector_load %arg6[%get3A_786, %get3A_787, %get3A_788] {strides = array<i32>} : memref<4x128x64xi32, #tpu.memory_space<vmem>>, vector<1x1x16xi32>,
        %get3A_790 = vector.shape_cast %get3A_789 : vector<1x1x16xi32> to vector<16xi32>
        %shift_left3A_791 = arith.constant 16 : i32
        %shift_left3A_792 = vector.broadcast %shift_left3A_791 : i32 to vector<16xi32>
        %shift_left3A_793 = arith.shli %get3A_790, %shift_left3A_792 : vector<16xi32>
        %bitcast_convert_type3A_794 = tpu.bitcast %shift_left3A_793 : vector<16xi32> -> vector<16xf32>
        %add3A_795 = arith.addf %bitcast_convert_type3A_779, %bitcast_convert_type3A_794 : vector<16xf32>
        %bitcast_convert_type3A_796 = tpu.bitcast %get3A_790 : vector<16xi32> -> vector<16xf32>
        %add3A_797 = arith.addf %bitcast_convert_type3A_780, %bitcast_convert_type3A_796 : vector<16xf32>
        %mul3A_798 = arith.constant 16 : i32
        %mul3A_799 = arith.muli %scan3A_187, %mul3A_798 : i32
        %add3A_800 = arith.constant 2 : i32
        %add3A_801 = arith.addi %mul3A_799, %add3A_800 : i32
        %get3A_802 = arith.constant 3 : i32
        %get3A_803 = arith.index_cast %get3A_802 : i32 to index
        %get3A_804 = arith.index_cast %add3A_801 : i32 to index
        %get3A_805 = arith.constant 32 : index
        %get3A_806 = tpu.vector_load %arg6[%get3A_803, %get3A_804, %get3A_805] {strides = array<i32>} : memref<4x128x64xi32, #tpu.memory_space<vmem>>, vector<1x1x16xi32>,
        %get3A_807 = vector.shape_cast %get3A_806 : vector<1x1x16xi32> to vector<16xi32>
        %shift_left3A_808 = arith.constant 16 : i32
        %shift_left3A_809 = vector.broadcast %shift_left3A_808 : i32 to vector<16xi32>
        %shift_left3A_810 = arith.shli %get3A_807, %shift_left3A_809 : vector<16xi32>
        %bitcast_convert_type3A_811 = tpu.bitcast %shift_left3A_810 : vector<16xi32> -> vector<16xf32>
        %add3A_812 = arith.addf %add3A_795, %bitcast_convert_type3A_811 : vector<16xf32>
        %bitcast_convert_type3A_813 = tpu.bitcast %get3A_807 : vector<16xi32> -> vector<16xf32>
        %add3A_814 = arith.addf %add3A_797, %bitcast_convert_type3A_813 : vector<16xf32>
        %mul3A_815 = arith.constant 16 : i32
        %mul3A_816 = arith.muli %scan3A_187, %mul3A_815 : i32
        %add3A_817 = arith.constant 3 : i32
        %add3A_818 = arith.addi %mul3A_816, %add3A_817 : i32
        %get3A_819 = arith.constant 3 : i32
        %get3A_820 = arith.index_cast %get3A_819 : i32 to index
        %get3A_821 = arith.index_cast %add3A_818 : i32 to index
        %get3A_822 = arith.constant 32 : index
        %get3A_823 = tpu.vector_load %arg6[%get3A_820, %get3A_821, %get3A_822] {strides = array<i32>} : memref<4x128x64xi32, #tpu.memory_space<vmem>>, vector<1x1x16xi32>,
        %get3A_824 = vector.shape_cast %get3A_823 : vector<1x1x16xi32> to vector<16xi32>
        %shift_left3A_825 = arith.constant 16 : i32
        %shift_left3A_826 = vector.broadcast %shift_left3A_825 : i32 to vector<16xi32>
        %shift_left3A_827 = arith.shli %get3A_824, %shift_left3A_826 : vector<16xi32>
        %bitcast_convert_type3A_828 = tpu.bitcast %shift_left3A_827 : vector<16xi32> -> vector<16xf32>
        %add3A_829 = arith.addf %add3A_812, %bitcast_convert_type3A_828 : vector<16xf32>
        %bitcast_convert_type3A_830 = tpu.bitcast %get3A_824 : vector<16xi32> -> vector<16xf32>
        %add3A_831 = arith.addf %add3A_814, %bitcast_convert_type3A_830 : vector<16xf32>
        %mul3A_832 = arith.constant 16 : i32
        %mul3A_833 = arith.muli %scan3A_187, %mul3A_832 : i32
        %add3A_834 = arith.constant 4 : i32
        %add3A_835 = arith.addi %mul3A_833, %add3A_834 : i32
        %get3A_836 = arith.constant 3 : i32
        %get3A_837 = arith.index_cast %get3A_836 : i32 to index
        %get3A_838 = arith.index_cast %add3A_835 : i32 to index
        %get3A_839 = arith.constant 32 : index
        %get3A_840 = tpu.vector_load %arg6[%get3A_837, %get3A_838, %get3A_839] {strides = array<i32>} : memref<4x128x64xi32, #tpu.memory_space<vmem>>, vector<1x1x16xi32>,
        %get3A_841 = vector.shape_cast %get3A_840 : vector<1x1x16xi32> to vector<16xi32>
        %shift_left3A_842 = arith.constant 16 : i32
        %shift_left3A_843 = vector.broadcast %shift_left3A_842 : i32 to vector<16xi32>
        %shift_left3A_844 = arith.shli %get3A_841, %shift_left3A_843 : vector<16xi32>
        %bitcast_convert_type3A_845 = tpu.bitcast %shift_left3A_844 : vector<16xi32> -> vector<16xf32>
        %add3A_846 = arith.addf %add3A_829, %bitcast_convert_type3A_845 : vector<16xf32>
        %bitcast_convert_type3A_847 = tpu.bitcast %get3A_841 : vector<16xi32> -> vector<16xf32>
        %add3A_848 = arith.addf %add3A_831, %bitcast_convert_type3A_847 : vector<16xf32>
        %mul3A_849 = arith.constant 16 : i32
        %mul3A_850 = arith.muli %scan3A_187, %mul3A_849 : i32
        %add3A_851 = arith.constant 5 : i32
        %add3A_852 = arith.addi %mul3A_850, %add3A_851 : i32
        %get3A_853 = arith.constant 3 : i32
        %get3A_854 = arith.index_cast %get3A_853 : i32 to index
        %get3A_855 = arith.index_cast %add3A_852 : i32 to index
        %get3A_856 = arith.constant 32 : index
        %get3A_857 = tpu.vector_load %arg6[%get3A_854, %get3A_855, %get3A_856] {strides = array<i32>} : memref<4x128x64xi32, #tpu.memory_space<vmem>>, vector<1x1x16xi32>,
        %get3A_858 = vector.shape_cast %get3A_857 : vector<1x1x16xi32> to vector<16xi32>
        %shift_left3A_859 = arith.constant 16 : i32
        %shift_left3A_860 = vector.broadcast %shift_left3A_859 : i32 to vector<16xi32>
        %shift_left3A_861 = arith.shli %get3A_858, %shift_left3A_860 : vector<16xi32>
        %bitcast_convert_type3A_862 = tpu.bitcast %shift_left3A_861 : vector<16xi32> -> vector<16xf32>
        %add3A_863 = arith.addf %add3A_846, %bitcast_convert_type3A_862 : vector<16xf32>
        %bitcast_convert_type3A_864 = tpu.bitcast %get3A_858 : vector<16xi32> -> vector<16xf32>
        %add3A_865 = arith.addf %add3A_848, %bitcast_convert_type3A_864 : vector<16xf32>
        %mul3A_866 = arith.constant 16 : i32
        %mul3A_867 = arith.muli %scan3A_187, %mul3A_866 : i32
        %add3A_868 = arith.constant 6 : i32
        %add3A_869 = arith.addi %mul3A_867, %add3A_868 : i32
        %get3A_870 = arith.constant 3 : i32
        %get3A_871 = arith.index_cast %get3A_870 : i32 to index
        %get3A_872 = arith.index_cast %add3A_869 : i32 to index
        %get3A_873 = arith.constant 32 : index
        %get3A_874 = tpu.vector_load %arg6[%get3A_871, %get3A_872, %get3A_873] {strides = array<i32>} : memref<4x128x64xi32, #tpu.memory_space<vmem>>, vector<1x1x16xi32>,
        %get3A_875 = vector.shape_cast %get3A_874 : vector<1x1x16xi32> to vector<16xi32>
        %shift_left3A_876 = arith.constant 16 : i32
        %shift_left3A_877 = vector.broadcast %shift_left3A_876 : i32 to vector<16xi32>
        %shift_left3A_878 = arith.shli %get3A_875, %shift_left3A_877 : vector<16xi32>
        %bitcast_convert_type3A_879 = tpu.bitcast %shift_left3A_878 : vector<16xi32> -> vector<16xf32>
        %add3A_880 = arith.addf %add3A_863, %bitcast_convert_type3A_879 : vector<16xf32>
        %bitcast_convert_type3A_881 = tpu.bitcast %get3A_875 : vector<16xi32> -> vector<16xf32>
        %add3A_882 = arith.addf %add3A_865, %bitcast_convert_type3A_881 : vector<16xf32>
        %mul3A_883 = arith.constant 16 : i32
        %mul3A_884 = arith.muli %scan3A_187, %mul3A_883 : i32
        %add3A_885 = arith.constant 7 : i32
        %add3A_886 = arith.addi %mul3A_884, %add3A_885 : i32
        %get3A_887 = arith.constant 3 : i32
        %get3A_888 = arith.index_cast %get3A_887 : i32 to index
        %get3A_889 = arith.index_cast %add3A_886 : i32 to index
        %get3A_890 = arith.constant 32 : index
        %get3A_891 = tpu.vector_load %arg6[%get3A_888, %get3A_889, %get3A_890] {strides = array<i32>} : memref<4x128x64xi32, #tpu.memory_space<vmem>>, vector<1x1x16xi32>,
        %get3A_892 = vector.shape_cast %get3A_891 : vector<1x1x16xi32> to vector<16xi32>
        %shift_left3A_893 = arith.constant 16 : i32
        %shift_left3A_894 = vector.broadcast %shift_left3A_893 : i32 to vector<16xi32>
        %shift_left3A_895 = arith.shli %get3A_892, %shift_left3A_894 : vector<16xi32>
        %bitcast_convert_type3A_896 = tpu.bitcast %shift_left3A_895 : vector<16xi32> -> vector<16xf32>
        %add3A_897 = arith.addf %add3A_880, %bitcast_convert_type3A_896 : vector<16xf32>
        %bitcast_convert_type3A_898 = tpu.bitcast %get3A_892 : vector<16xi32> -> vector<16xf32>
        %add3A_899 = arith.addf %add3A_882, %bitcast_convert_type3A_898 : vector<16xf32>
        %mul3A_900 = arith.constant 16 : i32
        %mul3A_901 = arith.muli %scan3A_187, %mul3A_900 : i32
        %add3A_902 = arith.constant 8 : i32
        %add3A_903 = arith.addi %mul3A_901, %add3A_902 : i32
        %get3A_904 = arith.constant 3 : i32
        %get3A_905 = arith.index_cast %get3A_904 : i32 to index
        %get3A_906 = arith.index_cast %add3A_903 : i32 to index
        %get3A_907 = arith.constant 32 : index
        %get3A_908 = tpu.vector_load %arg6[%get3A_905, %get3A_906, %get3A_907] {strides = array<i32>} : memref<4x128x64xi32, #tpu.memory_space<vmem>>, vector<1x1x16xi32>,
        %get3A_909 = vector.shape_cast %get3A_908 : vector<1x1x16xi32> to vector<16xi32>
        %shift_left3A_910 = arith.constant 16 : i32
        %shift_left3A_911 = vector.broadcast %shift_left3A_910 : i32 to vector<16xi32>
        %shift_left3A_912 = arith.shli %get3A_909, %shift_left3A_911 : vector<16xi32>
        %bitcast_convert_type3A_913 = tpu.bitcast %shift_left3A_912 : vector<16xi32> -> vector<16xf32>
        %add3A_914 = arith.addf %add3A_897, %bitcast_convert_type3A_913 : vector<16xf32>
        %bitcast_convert_type3A_915 = tpu.bitcast %get3A_909 : vector<16xi32> -> vector<16xf32>
        %add3A_916 = arith.addf %add3A_899, %bitcast_convert_type3A_915 : vector<16xf32>
        %mul3A_917 = arith.constant 16 : i32
        %mul3A_918 = arith.muli %scan3A_187, %mul3A_917 : i32
        %add3A_919 = arith.constant 9 : i32
        %add3A_920 = arith.addi %mul3A_918, %add3A_919 : i32
        %get3A_921 = arith.constant 3 : i32
        %get3A_922 = arith.index_cast %get3A_921 : i32 to index
        %get3A_923 = arith.index_cast %add3A_920 : i32 to index
        %get3A_924 = arith.constant 32 : index
        %get3A_925 = tpu.vector_load %arg6[%get3A_922, %get3A_923, %get3A_924] {strides = array<i32>} : memref<4x128x64xi32, #tpu.memory_space<vmem>>, vector<1x1x16xi32>,
        %get3A_926 = vector.shape_cast %get3A_925 : vector<1x1x16xi32> to vector<16xi32>
        %shift_left3A_927 = arith.constant 16 : i32
        %shift_left3A_928 = vector.broadcast %shift_left3A_927 : i32 to vector<16xi32>
        %shift_left3A_929 = arith.shli %get3A_926, %shift_left3A_928 : vector<16xi32>
        %bitcast_convert_type3A_930 = tpu.bitcast %shift_left3A_929 : vector<16xi32> -> vector<16xf32>
        %add3A_931 = arith.addf %add3A_914, %bitcast_convert_type3A_930 : vector<16xf32>
        %bitcast_convert_type3A_932 = tpu.bitcast %get3A_926 : vector<16xi32> -> vector<16xf32>
        %add3A_933 = arith.addf %add3A_916, %bitcast_convert_type3A_932 : vector<16xf32>
        %mul3A_934 = arith.constant 16 : i32
        %mul3A_935 = arith.muli %scan3A_187, %mul3A_934 : i32
        %add3A_936 = arith.constant 10 : i32
        %add3A_937 = arith.addi %mul3A_935, %add3A_936 : i32
        %get3A_938 = arith.constant 3 : i32
        %get3A_939 = arith.index_cast %get3A_938 : i32 to index
        %get3A_940 = arith.index_cast %add3A_937 : i32 to index
        %get3A_941 = arith.constant 32 : index
        %get3A_942 = tpu.vector_load %arg6[%get3A_939, %get3A_940, %get3A_941] {strides = array<i32>} : memref<4x128x64xi32, #tpu.memory_space<vmem>>, vector<1x1x16xi32>,
        %get3A_943 = vector.shape_cast %get3A_942 : vector<1x1x16xi32> to vector<16xi32>
        %shift_left3A_944 = arith.constant 16 : i32
        %shift_left3A_945 = vector.broadcast %shift_left3A_944 : i32 to vector<16xi32>
        %shift_left3A_946 = arith.shli %get3A_943, %shift_left3A_945 : vector<16xi32>
        %bitcast_convert_type3A_947 = tpu.bitcast %shift_left3A_946 : vector<16xi32> -> vector<16xf32>
        %add3A_948 = arith.addf %add3A_931, %bitcast_convert_type3A_947 : vector<16xf32>
        %bitcast_convert_type3A_949 = tpu.bitcast %get3A_943 : vector<16xi32> -> vector<16xf32>
        %add3A_950 = arith.addf %add3A_933, %bitcast_convert_type3A_949 : vector<16xf32>
        %mul3A_951 = arith.constant 16 : i32
        %mul3A_952 = arith.muli %scan3A_187, %mul3A_951 : i32
        %add3A_953 = arith.constant 11 : i32
        %add3A_954 = arith.addi %mul3A_952, %add3A_953 : i32
        %get3A_955 = arith.constant 3 : i32
        %get3A_956 = arith.index_cast %get3A_955 : i32 to index
        %get3A_957 = arith.index_cast %add3A_954 : i32 to index
        %get3A_958 = arith.constant 32 : index
        %get3A_959 = tpu.vector_load %arg6[%get3A_956, %get3A_957, %get3A_958] {strides = array<i32>} : memref<4x128x64xi32, #tpu.memory_space<vmem>>, vector<1x1x16xi32>,
        %get3A_960 = vector.shape_cast %get3A_959 : vector<1x1x16xi32> to vector<16xi32>
        %shift_left3A_961 = arith.constant 16 : i32
        %shift_left3A_962 = vector.broadcast %shift_left3A_961 : i32 to vector<16xi32>
        %shift_left3A_963 = arith.shli %get3A_960, %shift_left3A_962 : vector<16xi32>
        %bitcast_convert_type3A_964 = tpu.bitcast %shift_left3A_963 : vector<16xi32> -> vector<16xf32>
        %add3A_965 = arith.addf %add3A_948, %bitcast_convert_type3A_964 : vector<16xf32>
        %bitcast_convert_type3A_966 = tpu.bitcast %get3A_960 : vector<16xi32> -> vector<16xf32>
        %add3A_967 = arith.addf %add3A_950, %bitcast_convert_type3A_966 : vector<16xf32>
        %mul3A_968 = arith.constant 16 : i32
        %mul3A_969 = arith.muli %scan3A_187, %mul3A_968 : i32
        %add3A_970 = arith.constant 12 : i32
        %add3A_971 = arith.addi %mul3A_969, %add3A_970 : i32
        %get3A_972 = arith.constant 3 : i32
        %get3A_973 = arith.index_cast %get3A_972 : i32 to index
        %get3A_974 = arith.index_cast %add3A_971 : i32 to index
        %get3A_975 = arith.constant 32 : index
        %get3A_976 = tpu.vector_load %arg6[%get3A_973, %get3A_974, %get3A_975] {strides = array<i32>} : memref<4x128x64xi32, #tpu.memory_space<vmem>>, vector<1x1x16xi32>,
        %get3A_977 = vector.shape_cast %get3A_976 : vector<1x1x16xi32> to vector<16xi32>
        %shift_left3A_978 = arith.constant 16 : i32
        %shift_left3A_979 = vector.broadcast %shift_left3A_978 : i32 to vector<16xi32>
        %shift_left3A_980 = arith.shli %get3A_977, %shift_left3A_979 : vector<16xi32>
        %bitcast_convert_type3A_981 = tpu.bitcast %shift_left3A_980 : vector<16xi32> -> vector<16xf32>
        %add3A_982 = arith.addf %add3A_965, %bitcast_convert_type3A_981 : vector<16xf32>
        %bitcast_convert_type3A_983 = tpu.bitcast %get3A_977 : vector<16xi32> -> vector<16xf32>
        %add3A_984 = arith.addf %add3A_967, %bitcast_convert_type3A_983 : vector<16xf32>
        %mul3A_985 = arith.constant 16 : i32
        %mul3A_986 = arith.muli %scan3A_187, %mul3A_985 : i32
        %add3A_987 = arith.constant 13 : i32
        %add3A_988 = arith.addi %mul3A_986, %add3A_987 : i32
        %get3A_989 = arith.constant 3 : i32
        %get3A_990 = arith.index_cast %get3A_989 : i32 to index
        %get3A_991 = arith.index_cast %add3A_988 : i32 to index
        %get3A_992 = arith.constant 32 : index
        %get3A_993 = tpu.vector_load %arg6[%get3A_990, %get3A_991, %get3A_992] {strides = array<i32>} : memref<4x128x64xi32, #tpu.memory_space<vmem>>, vector<1x1x16xi32>,
        %get3A_994 = vector.shape_cast %get3A_993 : vector<1x1x16xi32> to vector<16xi32>
        %shift_left3A_995 = arith.constant 16 : i32
        %shift_left3A_996 = vector.broadcast %shift_left3A_995 : i32 to vector<16xi32>
        %shift_left3A_997 = arith.shli %get3A_994, %shift_left3A_996 : vector<16xi32>
        %bitcast_convert_type3A_998 = tpu.bitcast %shift_left3A_997 : vector<16xi32> -> vector<16xf32>
        %add3A_999 = arith.addf %add3A_982, %bitcast_convert_type3A_998 : vector<16xf32>
        %bitcast_convert_type3A_1000 = tpu.bitcast %get3A_994 : vector<16xi32> -> vector<16xf32>
        %add3A_1001 = arith.addf %add3A_984, %bitcast_convert_type3A_1000 : vector<16xf32>
        %mul3A_1002 = arith.constant 16 : i32
        %mul3A_1003 = arith.muli %scan3A_187, %mul3A_1002 : i32
        %add3A_1004 = arith.constant 14 : i32
        %add3A_1005 = arith.addi %mul3A_1003, %add3A_1004 : i32
        %get3A_1006 = arith.constant 3 : i32
        %get3A_1007 = arith.index_cast %get3A_1006 : i32 to index
        %get3A_1008 = arith.index_cast %add3A_1005 : i32 to index
        %get3A_1009 = arith.constant 32 : index
        %get3A_1010 = tpu.vector_load %arg6[%get3A_1007, %get3A_1008, %get3A_1009] {strides = array<i32>} : memref<4x128x64xi32, #tpu.memory_space<vmem>>, vector<1x1x16xi32>,
        %get3A_1011 = vector.shape_cast %get3A_1010 : vector<1x1x16xi32> to vector<16xi32>
        %shift_left3A_1012 = arith.constant 16 : i32
        %shift_left3A_1013 = vector.broadcast %shift_left3A_1012 : i32 to vector<16xi32>
        %shift_left3A_1014 = arith.shli %get3A_1011, %shift_left3A_1013 : vector<16xi32>
        %bitcast_convert_type3A_1015 = tpu.bitcast %shift_left3A_1014 : vector<16xi32> -> vector<16xf32>
        %add3A_1016 = arith.addf %add3A_999, %bitcast_convert_type3A_1015 : vector<16xf32>
        %bitcast_convert_type3A_1017 = tpu.bitcast %get3A_1011 : vector<16xi32> -> vector<16xf32>
        %add3A_1018 = arith.addf %add3A_1001, %bitcast_convert_type3A_1017 : vector<16xf32>
        %mul3A_1019 = arith.constant 16 : i32
        %mul3A_1020 = arith.muli %scan3A_187, %mul3A_1019 : i32
        %add3A_1021 = arith.constant 15 : i32
        %add3A_1022 = arith.addi %mul3A_1020, %add3A_1021 : i32
        %get3A_1023 = arith.constant 3 : i32
        %get3A_1024 = arith.index_cast %get3A_1023 : i32 to index
        %get3A_1025 = arith.index_cast %add3A_1022 : i32 to index
        %get3A_1026 = arith.constant 32 : index
        %get3A_1027 = tpu.vector_load %arg6[%get3A_1024, %get3A_1025, %get3A_1026] {strides = array<i32>} : memref<4x128x64xi32, #tpu.memory_space<vmem>>, vector<1x1x16xi32>,
        %get3A_1028 = vector.shape_cast %get3A_1027 : vector<1x1x16xi32> to vector<16xi32>
        %shift_left3A_1029 = arith.constant 16 : i32
        %shift_left3A_1030 = vector.broadcast %shift_left3A_1029 : i32 to vector<16xi32>
        %shift_left3A_1031 = arith.shli %get3A_1028, %shift_left3A_1030 : vector<16xi32>
        %bitcast_convert_type3A_1032 = tpu.bitcast %shift_left3A_1031 : vector<16xi32> -> vector<16xf32>
        %add3A_1033 = arith.addf %add3A_1016, %bitcast_convert_type3A_1032 : vector<16xf32>
        %bitcast_convert_type3A_1034 = tpu.bitcast %get3A_1028 : vector<16xi32> -> vector<16xf32>
        %add3A_1035 = arith.addf %add3A_1018, %bitcast_convert_type3A_1034 : vector<16xf32>
        %add3A_1036 = arith.constant 24 : i32
        %add3A_1037 = arith.addi %add3A_1036, %scan3A_187 : i32
        %mul3A_1038 = arith.constant 128 : i32
        %mul3A_1039 = arith.muli %add3A_1037, %mul3A_1038 : i32
        %mul3A_1040 = arith.constant 6.250000e-02 : f32
        %mul3A_1041 = vector.broadcast %mul3A_1040 : f32 to vector<16xf32>
        %mul3A_1042 = arith.mulf %add3A_1033, %mul3A_1041 : vector<16xf32>
        %add3A_1043 = arith.constant 64 : i32
        %add3A_1044 = arith.addi %mul3A_1039, %add3A_1043 : i32
        %swap3A_1045 = arith.index_cast %add3A_1044 : i32 to index
        %swap3A_1046 = tpu.vector_load %arg7[%swap3A_1045] {strides = array<i32>} : memref<4096xf32, #tpu.memory_space<vmem>>, vector<16xf32>,
        %swap3A_1047 = vector.shape_cast %swap3A_1046 : vector<16xf32> to vector<16xf32>
        %swap3A_1048 = vector.shape_cast %mul3A_1042 : vector<16xf32> to vector<16xf32>
        tpu.vector_store %arg7[%swap3A_1045], %swap3A_1048 {strides = array<i32>} : memref<4096xf32, #tpu.memory_space<vmem>>, vector<16xf32>,
        %mul3A_1049 = arith.constant 6.250000e-02 : f32
        %mul3A_1050 = vector.broadcast %mul3A_1049 : f32 to vector<16xf32>
        %mul3A_1051 = arith.mulf %add3A_1035, %mul3A_1050 : vector<16xf32>
        %add3A_1052 = arith.constant 64 : i32
        %add3A_1053 = arith.addi %mul3A_1039, %add3A_1052 : i32
        %add3A_1054 = arith.constant 16 : i32
        %add3A_1055 = arith.addi %add3A_1053, %add3A_1054 : i32
        %swap3A_1056 = arith.index_cast %add3A_1055 : i32 to index
        %swap3A_1057 = tpu.vector_load %arg7[%swap3A_1056] {strides = array<i32>} : memref<4096xf32, #tpu.memory_space<vmem>>, vector<16xf32>,
        %swap3A_1058 = vector.shape_cast %swap3A_1057 : vector<16xf32> to vector<16xf32>
        %swap3A_1059 = vector.shape_cast %mul3A_1051 : vector<16xf32> to vector<16xf32>
        tpu.vector_store %arg7[%swap3A_1056], %swap3A_1059 {strides = array<i32>} : memref<4096xf32, #tpu.memory_space<vmem>>, vector<16xf32>,
        %mul3A_1060 = arith.constant 16 : i32
        %mul3A_1061 = arith.muli %scan3A_187, %mul3A_1060 : i32
        %get3A_1062 = arith.constant 3 : i32
        %get3A_1063 = arith.index_cast %get3A_1062 : i32 to index
        %get3A_1064 = arith.index_cast %mul3A_1061 : i32 to index
        %get3A_1065 = arith.constant 48 : index
        %get3A_1066 = tpu.vector_load %arg6[%get3A_1063, %get3A_1064, %get3A_1065] {strides = array<i32>} : memref<4x128x64xi32, #tpu.memory_space<vmem>>, vector<1x1x16xi32>,
        %get3A_1067 = vector.shape_cast %get3A_1066 : vector<1x1x16xi32> to vector<16xi32>
        %shift_left3A_1068 = arith.constant 16 : i32
        %shift_left3A_1069 = vector.broadcast %shift_left3A_1068 : i32 to vector<16xi32>
        %shift_left3A_1070 = arith.shli %get3A_1067, %shift_left3A_1069 : vector<16xi32>
        %bitcast_convert_type3A_1071 = tpu.bitcast %shift_left3A_1070 : vector<16xi32> -> vector<16xf32>
        %bitcast_convert_type3A_1072 = tpu.bitcast %get3A_1067 : vector<16xi32> -> vector<16xf32>
        %mul3A_1073 = arith.constant 16 : i32
        %mul3A_1074 = arith.muli %scan3A_187, %mul3A_1073 : i32
        %add3A_1075 = arith.constant 1 : i32
        %add3A_1076 = arith.addi %mul3A_1074, %add3A_1075 : i32
        %get3A_1077 = arith.constant 3 : i32
        %get3A_1078 = arith.index_cast %get3A_1077 : i32 to index
        %get3A_1079 = arith.index_cast %add3A_1076 : i32 to index
        %get3A_1080 = arith.constant 48 : index
        %get3A_1081 = tpu.vector_load %arg6[%get3A_1078, %get3A_1079, %get3A_1080] {strides = array<i32>} : memref<4x128x64xi32, #tpu.memory_space<vmem>>, vector<1x1x16xi32>,
        %get3A_1082 = vector.shape_cast %get3A_1081 : vector<1x1x16xi32> to vector<16xi32>
        %shift_left3A_1083 = arith.constant 16 : i32
        %shift_left3A_1084 = vector.broadcast %shift_left3A_1083 : i32 to vector<16xi32>
        %shift_left3A_1085 = arith.shli %get3A_1082, %shift_left3A_1084 : vector<16xi32>
        %bitcast_convert_type3A_1086 = tpu.bitcast %shift_left3A_1085 : vector<16xi32> -> vector<16xf32>
        %add3A_1087 = arith.addf %bitcast_convert_type3A_1071, %bitcast_convert_type3A_1086 : vector<16xf32>
        %bitcast_convert_type3A_1088 = tpu.bitcast %get3A_1082 : vector<16xi32> -> vector<16xf32>
        %add3A_1089 = arith.addf %bitcast_convert_type3A_1072, %bitcast_convert_type3A_1088 : vector<16xf32>
        %mul3A_1090 = arith.constant 16 : i32
        %mul3A_1091 = arith.muli %scan3A_187, %mul3A_1090 : i32
        %add3A_1092 = arith.constant 2 : i32
        %add3A_1093 = arith.addi %mul3A_1091, %add3A_1092 : i32
        %get3A_1094 = arith.constant 3 : i32
        %get3A_1095 = arith.index_cast %get3A_1094 : i32 to index
        %get3A_1096 = arith.index_cast %add3A_1093 : i32 to index
        %get3A_1097 = arith.constant 48 : index
        %get3A_1098 = tpu.vector_load %arg6[%get3A_1095, %get3A_1096, %get3A_1097] {strides = array<i32>} : memref<4x128x64xi32, #tpu.memory_space<vmem>>, vector<1x1x16xi32>,
        %get3A_1099 = vector.shape_cast %get3A_1098 : vector<1x1x16xi32> to vector<16xi32>
        %shift_left3A_1100 = arith.constant 16 : i32
        %shift_left3A_1101 = vector.broadcast %shift_left3A_1100 : i32 to vector<16xi32>
        %shift_left3A_1102 = arith.shli %get3A_1099, %shift_left3A_1101 : vector<16xi32>
        %bitcast_convert_type3A_1103 = tpu.bitcast %shift_left3A_1102 : vector<16xi32> -> vector<16xf32>
        %add3A_1104 = arith.addf %add3A_1087, %bitcast_convert_type3A_1103 : vector<16xf32>
        %bitcast_convert_type3A_1105 = tpu.bitcast %get3A_1099 : vector<16xi32> -> vector<16xf32>
        %add3A_1106 = arith.addf %add3A_1089, %bitcast_convert_type3A_1105 : vector<16xf32>
        %mul3A_1107 = arith.constant 16 : i32
        %mul3A_1108 = arith.muli %scan3A_187, %mul3A_1107 : i32
        %add3A_1109 = arith.constant 3 : i32
        %add3A_1110 = arith.addi %mul3A_1108, %add3A_1109 : i32
        %get3A_1111 = arith.constant 3 : i32
        %get3A_1112 = arith.index_cast %get3A_1111 : i32 to index
        %get3A_1113 = arith.index_cast %add3A_1110 : i32 to index
        %get3A_1114 = arith.constant 48 : index
        %get3A_1115 = tpu.vector_load %arg6[%get3A_1112, %get3A_1113, %get3A_1114] {strides = array<i32>} : memref<4x128x64xi32, #tpu.memory_space<vmem>>, vector<1x1x16xi32>,
        %get3A_1116 = vector.shape_cast %get3A_1115 : vector<1x1x16xi32> to vector<16xi32>
        %shift_left3A_1117 = arith.constant 16 : i32
        %shift_left3A_1118 = vector.broadcast %shift_left3A_1117 : i32 to vector<16xi32>
        %shift_left3A_1119 = arith.shli %get3A_1116, %shift_left3A_1118 : vector<16xi32>
        %bitcast_convert_type3A_1120 = tpu.bitcast %shift_left3A_1119 : vector<16xi32> -> vector<16xf32>
        %add3A_1121 = arith.addf %add3A_1104, %bitcast_convert_type3A_1120 : vector<16xf32>
        %bitcast_convert_type3A_1122 = tpu.bitcast %get3A_1116 : vector<16xi32> -> vector<16xf32>
        %add3A_1123 = arith.addf %add3A_1106, %bitcast_convert_type3A_1122 : vector<16xf32>
        %mul3A_1124 = arith.constant 16 : i32
        %mul3A_1125 = arith.muli %scan3A_187, %mul3A_1124 : i32
        %add3A_1126 = arith.constant 4 : i32
        %add3A_1127 = arith.addi %mul3A_1125, %add3A_1126 : i32
        %get3A_1128 = arith.constant 3 : i32
        %get3A_1129 = arith.index_cast %get3A_1128 : i32 to index
        %get3A_1130 = arith.index_cast %add3A_1127 : i32 to index
        %get3A_1131 = arith.constant 48 : index
        %get3A_1132 = tpu.vector_load %arg6[%get3A_1129, %get3A_1130, %get3A_1131] {strides = array<i32>} : memref<4x128x64xi32, #tpu.memory_space<vmem>>, vector<1x1x16xi32>,
        %get3A_1133 = vector.shape_cast %get3A_1132 : vector<1x1x16xi32> to vector<16xi32>
        %shift_left3A_1134 = arith.constant 16 : i32
        %shift_left3A_1135 = vector.broadcast %shift_left3A_1134 : i32 to vector<16xi32>
        %shift_left3A_1136 = arith.shli %get3A_1133, %shift_left3A_1135 : vector<16xi32>
        %bitcast_convert_type3A_1137 = tpu.bitcast %shift_left3A_1136 : vector<16xi32> -> vector<16xf32>
        %add3A_1138 = arith.addf %add3A_1121, %bitcast_convert_type3A_1137 : vector<16xf32>
        %bitcast_convert_type3A_1139 = tpu.bitcast %get3A_1133 : vector<16xi32> -> vector<16xf32>
        %add3A_1140 = arith.addf %add3A_1123, %bitcast_convert_type3A_1139 : vector<16xf32>
        %mul3A_1141 = arith.constant 16 : i32
        %mul3A_1142 = arith.muli %scan3A_187, %mul3A_1141 : i32
        %add3A_1143 = arith.constant 5 : i32
        %add3A_1144 = arith.addi %mul3A_1142, %add3A_1143 : i32
        %get3A_1145 = arith.constant 3 : i32
        %get3A_1146 = arith.index_cast %get3A_1145 : i32 to index
        %get3A_1147 = arith.index_cast %add3A_1144 : i32 to index
        %get3A_1148 = arith.constant 48 : index
        %get3A_1149 = tpu.vector_load %arg6[%get3A_1146, %get3A_1147, %get3A_1148] {strides = array<i32>} : memref<4x128x64xi32, #tpu.memory_space<vmem>>, vector<1x1x16xi32>,
        %get3A_1150 = vector.shape_cast %get3A_1149 : vector<1x1x16xi32> to vector<16xi32>
        %shift_left3A_1151 = arith.constant 16 : i32
        %shift_left3A_1152 = vector.broadcast %shift_left3A_1151 : i32 to vector<16xi32>
        %shift_left3A_1153 = arith.shli %get3A_1150, %shift_left3A_1152 : vector<16xi32>
        %bitcast_convert_type3A_1154 = tpu.bitcast %shift_left3A_1153 : vector<16xi32> -> vector<16xf32>
        %add3A_1155 = arith.addf %add3A_1138, %bitcast_convert_type3A_1154 : vector<16xf32>
        %bitcast_convert_type3A_1156 = tpu.bitcast %get3A_1150 : vector<16xi32> -> vector<16xf32>
        %add3A_1157 = arith.addf %add3A_1140, %bitcast_convert_type3A_1156 : vector<16xf32>
        %mul3A_1158 = arith.constant 16 : i32
        %mul3A_1159 = arith.muli %scan3A_187, %mul3A_1158 : i32
        %add3A_1160 = arith.constant 6 : i32
        %add3A_1161 = arith.addi %mul3A_1159, %add3A_1160 : i32
        %get3A_1162 = arith.constant 3 : i32
        %get3A_1163 = arith.index_cast %get3A_1162 : i32 to index
        %get3A_1164 = arith.index_cast %add3A_1161 : i32 to index
        %get3A_1165 = arith.constant 48 : index
        %get3A_1166 = tpu.vector_load %arg6[%get3A_1163, %get3A_1164, %get3A_1165] {strides = array<i32>} : memref<4x128x64xi32, #tpu.memory_space<vmem>>, vector<1x1x16xi32>,
        %get3A_1167 = vector.shape_cast %get3A_1166 : vector<1x1x16xi32> to vector<16xi32>
        %shift_left3A_1168 = arith.constant 16 : i32
        %shift_left3A_1169 = vector.broadcast %shift_left3A_1168 : i32 to vector<16xi32>
        %shift_left3A_1170 = arith.shli %get3A_1167, %shift_left3A_1169 : vector<16xi32>
        %bitcast_convert_type3A_1171 = tpu.bitcast %shift_left3A_1170 : vector<16xi32> -> vector<16xf32>
        %add3A_1172 = arith.addf %add3A_1155, %bitcast_convert_type3A_1171 : vector<16xf32>
        %bitcast_convert_type3A_1173 = tpu.bitcast %get3A_1167 : vector<16xi32> -> vector<16xf32>
        %add3A_1174 = arith.addf %add3A_1157, %bitcast_convert_type3A_1173 : vector<16xf32>
        %mul3A_1175 = arith.constant 16 : i32
        %mul3A_1176 = arith.muli %scan3A_187, %mul3A_1175 : i32
        %add3A_1177 = arith.constant 7 : i32
        %add3A_1178 = arith.addi %mul3A_1176, %add3A_1177 : i32
        %get3A_1179 = arith.constant 3 : i32
        %get3A_1180 = arith.index_cast %get3A_1179 : i32 to index
        %get3A_1181 = arith.index_cast %add3A_1178 : i32 to index
        %get3A_1182 = arith.constant 48 : index
        %get3A_1183 = tpu.vector_load %arg6[%get3A_1180, %get3A_1181, %get3A_1182] {strides = array<i32>} : memref<4x128x64xi32, #tpu.memory_space<vmem>>, vector<1x1x16xi32>,
        %get3A_1184 = vector.shape_cast %get3A_1183 : vector<1x1x16xi32> to vector<16xi32>
        %shift_left3A_1185 = arith.constant 16 : i32
        %shift_left3A_1186 = vector.broadcast %shift_left3A_1185 : i32 to vector<16xi32>
        %shift_left3A_1187 = arith.shli %get3A_1184, %shift_left3A_1186 : vector<16xi32>
        %bitcast_convert_type3A_1188 = tpu.bitcast %shift_left3A_1187 : vector<16xi32> -> vector<16xf32>
        %add3A_1189 = arith.addf %add3A_1172, %bitcast_convert_type3A_1188 : vector<16xf32>
        %bitcast_convert_type3A_1190 = tpu.bitcast %get3A_1184 : vector<16xi32> -> vector<16xf32>
        %add3A_1191 = arith.addf %add3A_1174, %bitcast_convert_type3A_1190 : vector<16xf32>
        %mul3A_1192 = arith.constant 16 : i32
        %mul3A_1193 = arith.muli %scan3A_187, %mul3A_1192 : i32
        %add3A_1194 = arith.constant 8 : i32
        %add3A_1195 = arith.addi %mul3A_1193, %add3A_1194 : i32
        %get3A_1196 = arith.constant 3 : i32
        %get3A_1197 = arith.index_cast %get3A_1196 : i32 to index
        %get3A_1198 = arith.index_cast %add3A_1195 : i32 to index
        %get3A_1199 = arith.constant 48 : index
        %get3A_1200 = tpu.vector_load %arg6[%get3A_1197, %get3A_1198, %get3A_1199] {strides = array<i32>} : memref<4x128x64xi32, #tpu.memory_space<vmem>>, vector<1x1x16xi32>,
        %get3A_1201 = vector.shape_cast %get3A_1200 : vector<1x1x16xi32> to vector<16xi32>
        %shift_left3A_1202 = arith.constant 16 : i32
        %shift_left3A_1203 = vector.broadcast %shift_left3A_1202 : i32 to vector<16xi32>
        %shift_left3A_1204 = arith.shli %get3A_1201, %shift_left3A_1203 : vector<16xi32>
        %bitcast_convert_type3A_1205 = tpu.bitcast %shift_left3A_1204 : vector<16xi32> -> vector<16xf32>
        %add3A_1206 = arith.addf %add3A_1189, %bitcast_convert_type3A_1205 : vector<16xf32>
        %bitcast_convert_type3A_1207 = tpu.bitcast %get3A_1201 : vector<16xi32> -> vector<16xf32>
        %add3A_1208 = arith.addf %add3A_1191, %bitcast_convert_type3A_1207 : vector<16xf32>
        %mul3A_1209 = arith.constant 16 : i32
        %mul3A_1210 = arith.muli %scan3A_187, %mul3A_1209 : i32
        %add3A_1211 = arith.constant 9 : i32
        %add3A_1212 = arith.addi %mul3A_1210, %add3A_1211 : i32
        %get3A_1213 = arith.constant 3 : i32
        %get3A_1214 = arith.index_cast %get3A_1213 : i32 to index
        %get3A_1215 = arith.index_cast %add3A_1212 : i32 to index
        %get3A_1216 = arith.constant 48 : index
        %get3A_1217 = tpu.vector_load %arg6[%get3A_1214, %get3A_1215, %get3A_1216] {strides = array<i32>} : memref<4x128x64xi32, #tpu.memory_space<vmem>>, vector<1x1x16xi32>,
        %get3A_1218 = vector.shape_cast %get3A_1217 : vector<1x1x16xi32> to vector<16xi32>
        %shift_left3A_1219 = arith.constant 16 : i32
        %shift_left3A_1220 = vector.broadcast %shift_left3A_1219 : i32 to vector<16xi32>
        %shift_left3A_1221 = arith.shli %get3A_1218, %shift_left3A_1220 : vector<16xi32>
        %bitcast_convert_type3A_1222 = tpu.bitcast %shift_left3A_1221 : vector<16xi32> -> vector<16xf32>
        %add3A_1223 = arith.addf %add3A_1206, %bitcast_convert_type3A_1222 : vector<16xf32>
        %bitcast_convert_type3A_1224 = tpu.bitcast %get3A_1218 : vector<16xi32> -> vector<16xf32>
        %add3A_1225 = arith.addf %add3A_1208, %bitcast_convert_type3A_1224 : vector<16xf32>
        %mul3A_1226 = arith.constant 16 : i32
        %mul3A_1227 = arith.muli %scan3A_187, %mul3A_1226 : i32
        %add3A_1228 = arith.constant 10 : i32
        %add3A_1229 = arith.addi %mul3A_1227, %add3A_1228 : i32
        %get3A_1230 = arith.constant 3 : i32
        %get3A_1231 = arith.index_cast %get3A_1230 : i32 to index
        %get3A_1232 = arith.index_cast %add3A_1229 : i32 to index
        %get3A_1233 = arith.constant 48 : index
        %get3A_1234 = tpu.vector_load %arg6[%get3A_1231, %get3A_1232, %get3A_1233] {strides = array<i32>} : memref<4x128x64xi32, #tpu.memory_space<vmem>>, vector<1x1x16xi32>,
        %get3A_1235 = vector.shape_cast %get3A_1234 : vector<1x1x16xi32> to vector<16xi32>
        %shift_left3A_1236 = arith.constant 16 : i32
        %shift_left3A_1237 = vector.broadcast %shift_left3A_1236 : i32 to vector<16xi32>
        %shift_left3A_1238 = arith.shli %get3A_1235, %shift_left3A_1237 : vector<16xi32>
        %bitcast_convert_type3A_1239 = tpu.bitcast %shift_left3A_1238 : vector<16xi32> -> vector<16xf32>
        %add3A_1240 = arith.addf %add3A_1223, %bitcast_convert_type3A_1239 : vector<16xf32>
        %bitcast_convert_type3A_1241 = tpu.bitcast %get3A_1235 : vector<16xi32> -> vector<16xf32>
        %add3A_1242 = arith.addf %add3A_1225, %bitcast_convert_type3A_1241 : vector<16xf32>
        %mul3A_1243 = arith.constant 16 : i32
        %mul3A_1244 = arith.muli %scan3A_187, %mul3A_1243 : i32
        %add3A_1245 = arith.constant 11 : i32
        %add3A_1246 = arith.addi %mul3A_1244, %add3A_1245 : i32
        %get3A_1247 = arith.constant 3 : i32
        %get3A_1248 = arith.index_cast %get3A_1247 : i32 to index
        %get3A_1249 = arith.index_cast %add3A_1246 : i32 to index
        %get3A_1250 = arith.constant 48 : index
        %get3A_1251 = tpu.vector_load %arg6[%get3A_1248, %get3A_1249, %get3A_1250] {strides = array<i32>} : memref<4x128x64xi32, #tpu.memory_space<vmem>>, vector<1x1x16xi32>,
        %get3A_1252 = vector.shape_cast %get3A_1251 : vector<1x1x16xi32> to vector<16xi32>
        %shift_left3A_1253 = arith.constant 16 : i32
        %shift_left3A_1254 = vector.broadcast %shift_left3A_1253 : i32 to vector<16xi32>
        %shift_left3A_1255 = arith.shli %get3A_1252, %shift_left3A_1254 : vector<16xi32>
        %bitcast_convert_type3A_1256 = tpu.bitcast %shift_left3A_1255 : vector<16xi32> -> vector<16xf32>
        %add3A_1257 = arith.addf %add3A_1240, %bitcast_convert_type3A_1256 : vector<16xf32>
        %bitcast_convert_type3A_1258 = tpu.bitcast %get3A_1252 : vector<16xi32> -> vector<16xf32>
        %add3A_1259 = arith.addf %add3A_1242, %bitcast_convert_type3A_1258 : vector<16xf32>
        %mul3A_1260 = arith.constant 16 : i32
        %mul3A_1261 = arith.muli %scan3A_187, %mul3A_1260 : i32
        %add3A_1262 = arith.constant 12 : i32
        %add3A_1263 = arith.addi %mul3A_1261, %add3A_1262 : i32
        %get3A_1264 = arith.constant 3 : i32
        %get3A_1265 = arith.index_cast %get3A_1264 : i32 to index
        %get3A_1266 = arith.index_cast %add3A_1263 : i32 to index
        %get3A_1267 = arith.constant 48 : index
        %get3A_1268 = tpu.vector_load %arg6[%get3A_1265, %get3A_1266, %get3A_1267] {strides = array<i32>} : memref<4x128x64xi32, #tpu.memory_space<vmem>>, vector<1x1x16xi32>,
        %get3A_1269 = vector.shape_cast %get3A_1268 : vector<1x1x16xi32> to vector<16xi32>
        %shift_left3A_1270 = arith.constant 16 : i32
        %shift_left3A_1271 = vector.broadcast %shift_left3A_1270 : i32 to vector<16xi32>
        %shift_left3A_1272 = arith.shli %get3A_1269, %shift_left3A_1271 : vector<16xi32>
        %bitcast_convert_type3A_1273 = tpu.bitcast %shift_left3A_1272 : vector<16xi32> -> vector<16xf32>
        %add3A_1274 = arith.addf %add3A_1257, %bitcast_convert_type3A_1273 : vector<16xf32>
        %bitcast_convert_type3A_1275 = tpu.bitcast %get3A_1269 : vector<16xi32> -> vector<16xf32>
        %add3A_1276 = arith.addf %add3A_1259, %bitcast_convert_type3A_1275 : vector<16xf32>
        %mul3A_1277 = arith.constant 16 : i32
        %mul3A_1278 = arith.muli %scan3A_187, %mul3A_1277 : i32
        %add3A_1279 = arith.constant 13 : i32
        %add3A_1280 = arith.addi %mul3A_1278, %add3A_1279 : i32
        %get3A_1281 = arith.constant 3 : i32
        %get3A_1282 = arith.index_cast %get3A_1281 : i32 to index
        %get3A_1283 = arith.index_cast %add3A_1280 : i32 to index
        %get3A_1284 = arith.constant 48 : index
        %get3A_1285 = tpu.vector_load %arg6[%get3A_1282, %get3A_1283, %get3A_1284] {strides = array<i32>} : memref<4x128x64xi32, #tpu.memory_space<vmem>>, vector<1x1x16xi32>,
        %get3A_1286 = vector.shape_cast %get3A_1285 : vector<1x1x16xi32> to vector<16xi32>
        %shift_left3A_1287 = arith.constant 16 : i32
        %shift_left3A_1288 = vector.broadcast %shift_left3A_1287 : i32 to vector<16xi32>
        %shift_left3A_1289 = arith.shli %get3A_1286, %shift_left3A_1288 : vector<16xi32>
        %bitcast_convert_type3A_1290 = tpu.bitcast %shift_left3A_1289 : vector<16xi32> -> vector<16xf32>
        %add3A_1291 = arith.addf %add3A_1274, %bitcast_convert_type3A_1290 : vector<16xf32>
        %bitcast_convert_type3A_1292 = tpu.bitcast %get3A_1286 : vector<16xi32> -> vector<16xf32>
        %add3A_1293 = arith.addf %add3A_1276, %bitcast_convert_type3A_1292 : vector<16xf32>
        %mul3A_1294 = arith.constant 16 : i32
        %mul3A_1295 = arith.muli %scan3A_187, %mul3A_1294 : i32
        %add3A_1296 = arith.constant 14 : i32
        %add3A_1297 = arith.addi %mul3A_1295, %add3A_1296 : i32
        %get3A_1298 = arith.constant 3 : i32
        %get3A_1299 = arith.index_cast %get3A_1298 : i32 to index
        %get3A_1300 = arith.index_cast %add3A_1297 : i32 to index
        %get3A_1301 = arith.constant 48 : index
        %get3A_1302 = tpu.vector_load %arg6[%get3A_1299, %get3A_1300, %get3A_1301] {strides = array<i32>} : memref<4x128x64xi32, #tpu.memory_space<vmem>>, vector<1x1x16xi32>,
        %get3A_1303 = vector.shape_cast %get3A_1302 : vector<1x1x16xi32> to vector<16xi32>
        %shift_left3A_1304 = arith.constant 16 : i32
        %shift_left3A_1305 = vector.broadcast %shift_left3A_1304 : i32 to vector<16xi32>
        %shift_left3A_1306 = arith.shli %get3A_1303, %shift_left3A_1305 : vector<16xi32>
        %bitcast_convert_type3A_1307 = tpu.bitcast %shift_left3A_1306 : vector<16xi32> -> vector<16xf32>
        %add3A_1308 = arith.addf %add3A_1291, %bitcast_convert_type3A_1307 : vector<16xf32>
        %bitcast_convert_type3A_1309 = tpu.bitcast %get3A_1303 : vector<16xi32> -> vector<16xf32>
        %add3A_1310 = arith.addf %add3A_1293, %bitcast_convert_type3A_1309 : vector<16xf32>
        %mul3A_1311 = arith.constant 16 : i32
        %mul3A_1312 = arith.muli %scan3A_187, %mul3A_1311 : i32
        %add3A_1313 = arith.constant 15 : i32
        %add3A_1314 = arith.addi %mul3A_1312, %add3A_1313 : i32
        %get3A_1315 = arith.constant 3 : i32
        %get3A_1316 = arith.index_cast %get3A_1315 : i32 to index
        %get3A_1317 = arith.index_cast %add3A_1314 : i32 to index
        %get3A_1318 = arith.constant 48 : index
        %get3A_1319 = tpu.vector_load %arg6[%get3A_1316, %get3A_1317, %get3A_1318] {strides = array<i32>} : memref<4x128x64xi32, #tpu.memory_space<vmem>>, vector<1x1x16xi32>,
        %get3A_1320 = vector.shape_cast %get3A_1319 : vector<1x1x16xi32> to vector<16xi32>
        %shift_left3A_1321 = arith.constant 16 : i32
        %shift_left3A_1322 = vector.broadcast %shift_left3A_1321 : i32 to vector<16xi32>
        %shift_left3A_1323 = arith.shli %get3A_1320, %shift_left3A_1322 : vector<16xi32>
        %bitcast_convert_type3A_1324 = tpu.bitcast %shift_left3A_1323 : vector<16xi32> -> vector<16xf32>
        %add3A_1325 = arith.addf %add3A_1308, %bitcast_convert_type3A_1324 : vector<16xf32>
        %bitcast_convert_type3A_1326 = tpu.bitcast %get3A_1320 : vector<16xi32> -> vector<16xf32>
        %add3A_1327 = arith.addf %add3A_1310, %bitcast_convert_type3A_1326 : vector<16xf32>
        %add3A_1328 = arith.constant 24 : i32
        %add3A_1329 = arith.addi %add3A_1328, %scan3A_187 : i32
        %mul3A_1330 = arith.constant 128 : i32
        %mul3A_1331 = arith.muli %add3A_1329, %mul3A_1330 : i32
        %mul3A_1332 = arith.constant 6.250000e-02 : f32
        %mul3A_1333 = vector.broadcast %mul3A_1332 : f32 to vector<16xf32>
        %mul3A_1334 = arith.mulf %add3A_1325, %mul3A_1333 : vector<16xf32>
        %add3A_1335 = arith.constant 96 : i32
        %add3A_1336 = arith.addi %mul3A_1331, %add3A_1335 : i32
        %swap3A_1337 = arith.index_cast %add3A_1336 : i32 to index
        %swap3A_1338 = tpu.vector_load %arg7[%swap3A_1337] {strides = array<i32>} : memref<4096xf32, #tpu.memory_space<vmem>>, vector<16xf32>,
        %swap3A_1339 = vector.shape_cast %swap3A_1338 : vector<16xf32> to vector<16xf32>
        %swap3A_1340 = vector.shape_cast %mul3A_1334 : vector<16xf32> to vector<16xf32>
        tpu.vector_store %arg7[%swap3A_1337], %swap3A_1340 {strides = array<i32>} : memref<4096xf32, #tpu.memory_space<vmem>>, vector<16xf32>,
        %mul3A_1341 = arith.constant 6.250000e-02 : f32
        %mul3A_1342 = vector.broadcast %mul3A_1341 : f32 to vector<16xf32>
        %mul3A_1343 = arith.mulf %add3A_1327, %mul3A_1342 : vector<16xf32>
        %add3A_1344 = arith.constant 96 : i32
        %add3A_1345 = arith.addi %mul3A_1331, %add3A_1344 : i32
        %add3A_1346 = arith.constant 16 : i32
        %add3A_1347 = arith.addi %add3A_1345, %add3A_1346 : i32
        %swap3A_1348 = arith.index_cast %add3A_1347 : i32 to index
        %swap3A_1349 = tpu.vector_load %arg7[%swap3A_1348] {strides = array<i32>} : memref<4096xf32, #tpu.memory_space<vmem>>, vector<16xf32>,
        %swap3A_1350 = vector.shape_cast %swap3A_1349 : vector<16xf32> to vector<16xf32>
        %swap3A_1351 = vector.shape_cast %mul3A_1343 : vector<16xf32> to vector<16xf32>
        tpu.vector_store %arg7[%swap3A_1348], %swap3A_1351 {strides = array<i32>} : memref<4096xf32, #tpu.memory_space<vmem>>, vector<16xf32>,
      }
      %scan3A_174 = arith.constant 8 : i32
      %add3A_175 = arith.constant 4 : i32
      %add3A_176 = arith.addi %add3A_156, %add3A_175 : i32
      %lt3A_177 = arith.constant 160 : i32
      %lt3A_178 = arith.cmpi slt, %add3A_176, %lt3A_177 : i32
      %convert_element_type3A_179 = arith.extui %lt3A_178 : i1 to i32
      %cond3A_180 = arith.constant 0 : i32
      %cond3A_181 = arith.cmpi ne, %convert_element_type3A_179, %cond3A_180 : i32
      scf.if %cond3A_181 {
        %mul3A_187 = arith.constant 128 : i32
        %mul3A_188 = arith.muli %add3A_176, %mul3A_187 : i32
        %dma_start3A_189 = arith.constant 3 : i32
        %dma_start3A_190 = arith.constant 0 : i32
        %dma_start3A_191 = arith.constant 0 : i32
        %dma_start3A_192 = tpu.memref_slice %arg6[%dma_start3A_189, %dma_start3A_190, %dma_start3A_191] : memref<4x128x64xi32, #tpu.memory_space<vmem>> -> memref<1x128x64xi32, #tpu.memory_space<vmem>>
        %dma_start3A_193 = tpu.memref_squeeze %dma_start3A_192 : memref<1x128x64xi32, #tpu.memory_space<vmem>> -> memref<128x64xi32, #tpu.memory_space<vmem>>
        %dma_start3A_194 = tpu.memref_slice %arg5[%mul3A_188] : memref<20480xi32, #tpu.memory_space<vmem>> -> memref<128xi32, #tpu.memory_space<vmem>>
        %dma_start3A_195 = arith.constant 0 : i32
        %dma_start3A_196 = tpu.memref_slice %arg2[%mul3A_20, %dma_start3A_195] : memref<40960x64xi32, #tpu.memory_space<hbm>> -> memref<10240x64xi32, #tpu.memory_space<hbm>>
        %dma_start3A_197 = arith.constant 0 : i32
        %dma_start3A_198 = arith.constant 0 : i32
        %dma_start3A_199 = tpu.memref_slice %dma_start3A_196[%dma_start3A_197, %dma_start3A_198] : memref<10240x64xi32, #tpu.memory_space<hbm>> -> memref<10240x64xi32, #tpu.memory_space<hbm>>
        tpu.enqueue_indirect_dma source(%dma_start3A_199 : memref<10240x64xi32, #tpu.memory_space<hbm>>) target(%dma_start3A_193 : memref<128x64xi32, #tpu.memory_space<vmem>>) offsets(%dma_start3A_194 : memref<128xi32, #tpu.memory_space<vmem>>) semaphore(%arg11 : memref<!tpu.dma_semaphore, #tpu.memory_space<semaphore_mem>>)
      } else {
      }
      %mul3A_182 = arith.constant 8 : i32
      %mul3A_183 = arith.muli %mul3A_77, %mul3A_182 : i32
      %add3A_184 = arith.addi %mul3A_2, %mul3A_183 : i32
      %mul3A_185 = arith.constant 128 : i32
      %mul3A_186 = arith.muli %add3A_184, %mul3A_185 : i32
      "tpu.region"() ({
        %run_scoped3A = tpu.sem_alloc : memref<!tpu.dma_semaphore, #tpu.memory_space<semaphore_mem>>
        %dma_start3A_187 = tpu.memref_slice %arg4[%mul3A_186] : memref<5242880xf32, #tpu.memory_space<hbm>> -> memref<4096xf32, #tpu.memory_space<hbm>>
        %dma_start3A_188 = tpu.memref_slice %arg4[%mul3A_186] : memref<5242880xf32, #tpu.memory_space<hbm>> -> memref<4096xf32, #tpu.memory_space<hbm>>
        tpu.enqueue_dma source(%arg7 : memref<4096xf32, #tpu.memory_space<vmem>>) target(%dma_start3A_188 : memref<4096xf32, #tpu.memory_space<hbm>>) target_semaphore(%run_scoped3A : memref<!tpu.dma_semaphore, #tpu.memory_space<semaphore_mem>>)
        %dma_wait3A_189 = tpu.memref_slice %arg4[%mul3A_186] : memref<5242880xf32, #tpu.memory_space<hbm>> -> memref<4096xf32, #tpu.memory_space<hbm>>
        %dma_wait3A_190 = tpu.memref_slice %arg4[%mul3A_186] : memref<5242880xf32, #tpu.memory_space<hbm>> -> memref<4096xf32, #tpu.memory_space<hbm>>
        tpu.wait_dma2 semaphore(%run_scoped3A : memref<!tpu.dma_semaphore, #tpu.memory_space<semaphore_mem>>) src(%arg7 : memref<4096xf32, #tpu.memory_space<vmem>>) dst(%dma_wait3A_190 : memref<4096xf32, #tpu.memory_space<hbm>>)
        tpu.yield
      }) : () -> ()
    }
    %scan3A_74 = arith.constant 40 : i32
    return
  }
}

module attributes {stable_mosaic.version = 14 : i64} {
  func.func @_xterm_body(%arg0: i32, %arg1: i32, %arg2: memref<1x2000x128xbf16, #tpu.memory_space<vmem>>, %arg3: memref<128x128xbf16, #tpu.memory_space<vmem>>, %arg4: memref<1x128xf32, #tpu.memory_space<vmem>>, %arg5: memref<1x2000x128xbf16, #tpu.memory_space<vmem>>) attributes {dimension_semantics = [#tpu.dimension_semantics<arbitrary>, #tpu.dimension_semantics<arbitrary>], iteration_bounds = array<i64: 4, 5>, scalar_prefetch = 0 : i64, scratch_operands = 0 : i64, tpu.core_type = #tpu.core_type<tc>, window_params = [{transform_indices = @transform_0, window_bounds = array<i64: 1, 2000, 128>}, {pipeline_mode = #tpu.pipeline_mode<synchronous>, transform_indices = @transform_1, window_bounds = array<i64: 128, 128>}, {pipeline_mode = #tpu.pipeline_mode<synchronous>, transform_indices = @transform_2, window_bounds = array<i64: 1, 128>}, {transform_indices = @transform_3, window_bounds = array<i64: 1, 2000, 128>}]} {
    %get3A = arith.constant 0 : index
    %get3A_0 = arith.constant 0 : index
    %get3A_1 = arith.constant 0 : index
    %get3A_2 = vector.load %arg2[%get3A, %get3A_0, %get3A_1] : memref<1x2000x128xbf16, #tpu.memory_space<vmem>>, vector<1x2000x128xbf16>
    %get3A_3 = vector.shape_cast %get3A_2 : vector<1x2000x128xbf16> to vector<2000x128xbf16>
    %get3A_4 = arith.constant 0 : index
    %get3A_5 = arith.constant 0 : index
    %get3A_6 = vector.load %arg3[%get3A_4, %get3A_5] : memref<128x128xbf16, #tpu.memory_space<vmem>>, vector<128x128xbf16>
    %dot_general3A = arith.constant dense<0.000000e+00> : vector<2000x128xf32>
    %dot_general3A_7 = tpu.matmul %get3A_3, %get3A_6, %dot_general3A {dimension_numbers = #tpu.dot_dimension_numbers<[1], [0], [0], [1], [0, 0, 1, 1], [], []>, transpose_lhs_hint = false} : vector<2000x128xbf16>, vector<128x128xbf16>, vector<2000x128xf32> -> vector<2000x128xf32>
    %get3A_8 = arith.constant 0 : index
    %get3A_9 = arith.constant 0 : index
    %get3A_10 = vector.load %arg4[%get3A_8, %get3A_9] : memref<1x128xf32, #tpu.memory_space<vmem>>, vector<1x128xf32>
    %add3A = vector.broadcast %get3A_10 : vector<1x128xf32> to vector<2000x128xf32>
    %add3A_11 = arith.addf %dot_general3A_7, %add3A : vector<2000x128xf32>
    %convert_element_type3A = arith.truncf %add3A_11 : vector<2000x128xf32> to vector<2000x128xbf16>
    %swap3A = arith.constant 0 : index
    %swap3A_12 = arith.constant 0 : index
    %swap3A_13 = arith.constant 0 : index
    %swap3A_14 = vector.load %arg5[%swap3A, %swap3A_12, %swap3A_13] : memref<1x2000x128xbf16, #tpu.memory_space<vmem>>, vector<1x2000x128xbf16>
    %swap3A_15 = vector.shape_cast %swap3A_14 : vector<1x2000x128xbf16> to vector<2000x128xbf16>
    %swap3A_16 = vector.shape_cast %convert_element_type3A : vector<2000x128xbf16> to vector<1x2000x128xbf16>
    tpu.vector_store %arg5[%swap3A, %swap3A_12, %swap3A_13], %swap3A_16 {strides = array<i32>} : memref<1x2000x128xbf16, #tpu.memory_space<vmem>>, vector<1x2000x128xbf16>,
    return
  }
  func.func @transform_0(%arg0: i32, %arg1: i32) -> (i32, i32, i32) {
    %c0_i32 = arith.constant 0 : i32
    %c0_i32_0 = arith.constant 0 : i32
    return %arg0, %arg1, %c0_i32 : i32, i32, i32
  }
  func.func @transform_1(%arg0: i32, %arg1: i32) -> (i32, i32) {
    %c0_i32 = arith.constant 0 : i32
    %c0_i32_0 = arith.constant 0 : i32
    %c0_i32_1 = arith.constant 0 : i32
    return %c0_i32, %c0_i32_0 : i32, i32
  }
  func.func @transform_2(%arg0: i32, %arg1: i32) -> (i32, i32) {
    %c0_i32 = arith.constant 0 : i32
    %c0_i32_0 = arith.constant 0 : i32
    %c0_i32_1 = arith.constant 0 : i32
    return %c0_i32, %c0_i32_0 : i32, i32
  }
  func.func @transform_3(%arg0: i32, %arg1: i32) -> (i32, i32, i32) {
    %c0_i32 = arith.constant 0 : i32
    %c0_i32_0 = arith.constant 0 : i32
    return %arg0, %arg1, %c0_i32 : i32, i32, i32
  }
}

module attributes {stable_mosaic.version = 14 : i64} {
  func.func @_mterm_body(%arg0: i32, %arg1: i32, %arg2: memref<1x2000x128xbf16, #tpu.memory_space<vmem>>, %arg3: memref<1x2000x128xf32, #tpu.memory_space<vmem>>, %arg4: memref<128x128xf32, #tpu.memory_space<vmem>>, %arg5: memref<1x2000x128xf32, #tpu.memory_space<vmem>>) attributes {dimension_semantics = [#tpu.dimension_semantics<arbitrary>, #tpu.dimension_semantics<arbitrary>], iteration_bounds = array<i64: 4, 5>, scalar_prefetch = 0 : i64, scratch_operands = 0 : i64, tpu.core_type = #tpu.core_type<tc>, window_params = [{transform_indices = @transform_0, window_bounds = array<i64: 1, 2000, 128>}, {transform_indices = @transform_1, window_bounds = array<i64: 1, 2000, 128>}, {pipeline_mode = #tpu.pipeline_mode<synchronous>, transform_indices = @transform_2, window_bounds = array<i64: 128, 128>}, {transform_indices = @transform_3, window_bounds = array<i64: 1, 2000, 128>}]} {
    %get3A = arith.constant 0 : index
    %get3A_0 = arith.constant 0 : index
    %get3A_1 = arith.constant 0 : index
    %get3A_2 = vector.load %arg3[%get3A, %get3A_0, %get3A_1] : memref<1x2000x128xf32, #tpu.memory_space<vmem>>, vector<1x2000x128xf32>
    %get3A_3 = vector.shape_cast %get3A_2 : vector<1x2000x128xf32> to vector<2000x128xf32>
    %get3A_4 = arith.constant 0 : index
    %get3A_5 = arith.constant 0 : index
    %get3A_6 = vector.load %arg4[%get3A_4, %get3A_5] : memref<128x128xf32, #tpu.memory_space<vmem>>, vector<128x128xf32>
    %dot_general3A = arith.constant dense<0.000000e+00> : vector<2000x128xf32>
    %dot_general3A_7 = tpu.matmul %get3A_3, %get3A_6, %dot_general3A {dimension_numbers = #tpu.dot_dimension_numbers<[1], [0], [0], [1], [0, 0, 1, 1], [], []>, transpose_lhs_hint = false} : vector<2000x128xf32>, vector<128x128xf32>, vector<2000x128xf32> -> vector<2000x128xf32>
    %get3A_8 = arith.constant 0 : index
    %get3A_9 = arith.constant 0 : index
    %get3A_10 = arith.constant 0 : index
    %get3A_11 = vector.load %arg2[%get3A_8, %get3A_9, %get3A_10] : memref<1x2000x128xbf16, #tpu.memory_space<vmem>>, vector<1x2000x128xbf16>
    %get3A_12 = vector.shape_cast %get3A_11 : vector<1x2000x128xbf16> to vector<2000x128xbf16>
    %convert_element_type3A = arith.extf %get3A_12 : vector<2000x128xbf16> to vector<2000x128xf32>
    %add3A = arith.addf %dot_general3A_7, %convert_element_type3A : vector<2000x128xf32>
    %swap3A = arith.constant 0 : index
    %swap3A_13 = arith.constant 0 : index
    %swap3A_14 = arith.constant 0 : index
    %swap3A_15 = vector.load %arg5[%swap3A, %swap3A_13, %swap3A_14] : memref<1x2000x128xf32, #tpu.memory_space<vmem>>, vector<1x2000x128xf32>
    %swap3A_16 = vector.shape_cast %swap3A_15 : vector<1x2000x128xf32> to vector<2000x128xf32>
    %swap3A_17 = vector.shape_cast %add3A : vector<2000x128xf32> to vector<1x2000x128xf32>
    tpu.vector_store %arg5[%swap3A, %swap3A_13, %swap3A_14], %swap3A_17 {strides = array<i32>} : memref<1x2000x128xf32, #tpu.memory_space<vmem>>, vector<1x2000x128xf32>,
    return
  }
  func.func @transform_0(%arg0: i32, %arg1: i32) -> (i32, i32, i32) {
    %c0_i32 = arith.constant 0 : i32
    %c0_i32_0 = arith.constant 0 : i32
    return %arg0, %arg1, %c0_i32 : i32, i32, i32
  }
  func.func @transform_1(%arg0: i32, %arg1: i32) -> (i32, i32, i32) {
    %c0_i32 = arith.constant 0 : i32
    %c0_i32_0 = arith.constant 0 : i32
    return %arg0, %arg1, %c0_i32 : i32, i32, i32
  }
  func.func @transform_2(%arg0: i32, %arg1: i32) -> (i32, i32) {
    %c0_i32 = arith.constant 0 : i32
    %c0_i32_0 = arith.constant 0 : i32
    %c0_i32_1 = arith.constant 0 : i32
    return %c0_i32, %c0_i32_0 : i32, i32
  }
  func.func @transform_3(%arg0: i32, %arg1: i32) -> (i32, i32, i32) {
    %c0_i32 = arith.constant 0 : i32
    %c0_i32_0 = arith.constant 0 : i32
    return %arg0, %arg1, %c0_i32 : i32, i32, i32
  }
}

</mosaic_0001>

<sc_bundles>
// kernel: kernel.5.cloned.1.call-start
scs
__scs_entry_jumppad:
0x0: {  	(pc) =	sbr.rel $0x88, $3  }
0x1: {  	(tag) =	ssettag $0x0;
	lr =	simm.s32 $0x1  }
0x2: {  	[smem:$0x3F9D] =	sst lr;
	_ =	strace $0xD0000000  }
0x3: {  	_ = 	snop  }
0x4: {  	_ = 	snop  }
0x5: {  	_ = 	snop  }
0x6: {  	_ = 	snop  }
0x7: {  	_ = 	snop  }
__scs_overlays_trampoline_lowered:
0x8: {  	[smem:$0x3FAC] =	sst s0  }
0x9: {  	[smem:$0x3FAD] =	sst s1  }
0xa: {  	[smem:$0x3FAE] =	sst s2  }
0xb: {  	[smem:$0x3FAF] =	sst s3  }
0xc: {  	[smem:$0x3FB0] =	sst s4  }
0xd: {  	[smem:$0x3FB1] =	sst s5  }
0xe: {  	[smem:$0x3FB2] =	sst s6  }
0xf: {  	[smem:$0x3FB3] =	sst s7  }
0x10: {  	[smem:$0x3FB4] =	sst s8  }
0x11: {  	[smem:$0x3FB5] =	sst s9;
	s0 =	simm.s32 @!p0 $0x0  }
0x12: {  	s1 =	sld [smem:$0x3F9B];
	s0 =	simm.s32 @p0 $0x1  }
0x13: {  	[smem:$0x3FB6] =	sst s0;
	s0 =	simm.s32 @!p1 $0x0  }
0x14: {  	s2 =	sld [smem:$0x3F9A];
	s0 =	simm.s32 @p1 $0x1  }
0x15: {  	[smem:$0x3FB7] =	sst s0;
	s0 =	simm.s32 @!p2 $0x0  }
0x16: {  	s3 =	sld [smem:$0x3FDB];
	s0 =	simm.s32 @p2 $0x1  }
0x17: {  	s4 =	simm.s32 $0x1BF5;
	[smem:$0x3FB9] =	sst s0  }
0x18: {  	s0 =	sld [smem:$0x3F9C];
	_ =	swait.ge [sflag:s4], $0x0  }
0x19: {  	s7 =	sld [smem:$0x3F9D]  }
0x1a: {  	s8 =	sadd.s32 $0xFFFFE003, lr  }
0x1b: {  	s9 =	sadd.s32 $0xFFFFFEF7, lr;
	s5 =	simm.s32 $0xFFFFFFFF;
	p2 =	slt.u32 s8, $0xFFFFF086  }
0x1c: {  	p1 =	slt.u32 s9, $0xF7A;
	s5 =	simm.s32 @!p2 $0x0  }
0x1d: {  	s5 =	simm.s32 @p1 $0x1;
	p0 =	seq.s32 s7, s2  }
0x1e: {  	s7 =	smul.u32 @!p0 $0xF7A, s2;
	p2 =	seq.s32 @!p0 s5, $0x0  }
0x1f: {  	s9 =	smul.u32 $0xF7A, s1;
	s8 =	simm.s32 @!p0 $0x1BF5;
	p2 =	por !p2, p0  }
0x20: {  	[sflag:s8] =	ssyncset.s32 @!p0 $0xFFFFF086;
	s6 =	sadd.s32 @!p0 s3, s7;
	s7 =	simm.s32 @!p0 $0x108  }
0x21: {  	s3 =	sadd.s32 s3, s9;
	s6 =	sadd.s32 @!p0 $0x88, s6;
	s7 =	simm.s32 @p2 $0x1082  }
0x22: {  	[simem:s7], [sflag:s8] =	dma.local @!p0 [hbm:s6], $0xF7A  }
0x23: {  	s9 =	sor.u32 $0xD0000000, s2;
	s6 =	simm.s32 $0x108;
	_ =	swait.ge @!p0 [sflag:s8], $0x0  }
0x24: {  	s3 =	sadd.s32 $0x88, s3;
	s6 =	simm.s32 @!p1 $0x1082;
	[sflag:s4] =	ssyncset.s32 $0xFFFFF086  }
0x25: {  	[simem:s6], [sflag:s4] =	dma.local [hbm:s3], $0xF7A  }
0x26: {  	[smem:$0x3F9D] =	sst s1;
	(tag) =	ssettag s2;
	_ =	strace s9  }
0x27: {  	s1 =	sld [smem:$0x3FAD]  }
0x28: {  	s2 =	sld [smem:$0x3FAE]  }
0x29: {  	s4 =	sld [smem:$0x3FB0]  }
0x2a: {  	p0 =	seq.s32 s5, $0x0;
	s5 =	sld [smem:$0x3FB1]  }
0x2b: {  	s6 =	sld [smem:$0x3FB2]  }
0x2c: {  	s7 =	sld [smem:$0x3FB3]  }
0x2d: {  	s3 =	simm.s32 $0x108;
	s8 =	sld [smem:$0x3FB4]  }
0x2e: {  	s3 =	simm.s32 @!p0 $0x1082;
	s9 =	sld [smem:$0x3FB5]  }
0x2f: {  	lr =	sadd.s32 s0, s3;
	s0 =	sld [smem:$0x3FAC]  }
0x30: {  	s3 =	sld [smem:$0x3FAF]  }
0x31: {  	[smem:$0x3FB8] =	sst s10  }
0x32: {  	s10 =	sld [smem:$0x3FB6];
	_ =	sdelay $0x3  }
0x33: {  	p0 =	seq.s32 s10, $0x1;
	s10 =	sld [smem:$0x3FB8];
	_ =	sdelay $0x3  }
0x34: {  	[smem:$0x3FB8] =	sst s10  }
0x35: {  	s10 =	sld [smem:$0x3FB7];
	_ =	sdelay $0x3  }
0x36: {  	p1 =	seq.s32 s10, $0x1;
	s10 =	sld [smem:$0x3FB8];
	_ =	sdelay $0x3  }
0x37: {  	[smem:$0x3FB8] =	sst s10  }
0x38: {  	s10 =	sld [smem:$0x3FB9]  }
0x39: {  	_ = 	snop;
	(pc) =	sbr.ind lr, $3  }
0x3a: {  	_ = 	snop  }
0x3b: {  	_ = 	snop  }
0x3c: {  	p2 =	seq.s32 s10, $0x1;
	s10 =	sld [smem:$0x3FB8]  }
0x3d: {  	_ =	shalt  }
0x3e: {  	_ =	shalt  }
0x3f: {  	_ =	shalt  }
0x40: {  	_ =	shalt  }
0x41: {  	_ =	shalt  }
0x42: {  	_ =	shalt  }
0x43: {  	_ =	shalt  }
0x44: {  	_ =	shalt  }
0x45: {  	_ =	shalt  }
0x46: {  	_ =	shalt  }
0x47: {  	_ =	shalt  }
0x48: {  	_ =	shalt  }
0x49: {  	_ =	shalt  }
0x4a: {  	_ =	shalt  }
0x4b: {  	_ =	shalt  }
0x4c: {  	_ =	shalt  }
0x4d: {  	_ =	shalt  }
0x4e: {  	_ =	shalt  }
0x4f: {  	_ =	shalt  }
0x50: {  	_ =	shalt  }
0x51: {  	_ =	shalt  }
0x52: {  	_ =	shalt  }
0x53: {  	_ =	shalt  }
0x54: {  	_ =	shalt  }
0x55: {  	_ =	shalt  }
0x56: {  	_ =	shalt  }
0x57: {  	_ =	shalt  }
0x58: {  	_ =	shalt  }
0x59: {  	_ =	shalt  }
0x5a: {  	_ =	shalt  }
0x5b: {  	_ =	shalt  }
0x5c: {  	_ =	shalt  }
0x5d: {  	_ =	shalt  }
0x5e: {  	_ =	shalt  }
0x5f: {  	_ =	shalt  }
0x60: {  	_ =	shalt  }
0x61: {  	_ =	shalt  }
0x62: {  	_ =	shalt  }
0x63: {  	_ =	shalt  }
0x64: {  	_ =	shalt  }
0x65: {  	_ =	shalt  }
0x66: {  	_ =	shalt  }
0x67: {  	_ =	shalt  }
0x68: {  	_ =	shalt  }
0x69: {  	_ =	shalt  }
0x6a: {  	_ =	shalt  }
0x6b: {  	_ =	shalt  }
0x6c: {  	_ =	shalt  }
0x6d: {  	_ =	shalt  }
0x6e: {  	_ =	shalt  }
0x6f: {  	_ =	shalt  }
0x70: {  	_ =	shalt  }
0x71: {  	_ =	shalt  }
0x72: {  	_ =	shalt  }
0x73: {  	_ =	shalt  }
0x74: {  	_ =	shalt  }
0x75: {  	_ =	shalt  }
0x76: {  	_ =	shalt  }
0x77: {  	_ =	shalt  }
0x78: {  	_ =	shalt  }
0x79: {  	_ =	shalt  }
0x7a: {  	_ =	shalt  }
0x7b: {  	_ =	shalt  }
0x7c: {  	_ =	shalt  }
0x7d: {  	_ =	shalt  }
0x7e: {  	_ =	shalt  }
0x7f: {  	_ =	shalt  }
0x80: {  	_ =	shalt  }
0x81: {  	_ =	shalt  }
0x82: {  	_ =	shalt  }
0x83: {  	_ =	shalt  }
0x84: {  	_ =	shalt  }
0x85: {  	_ =	shalt  }
0x86: {  	_ =	shalt  }
0x87: {  	_ =	shalt  }
.Lfunc_end0:
.L_simem_size_0:
called_computation_lowered:
.L_overlay_start_0:
0x88: {  	s2 =	sld [smem:$0x3FD9]  }
0x89: {  	s3 =	sld [smem:$0x3FFE];
	_ =	sdelay $0x1  }
0x8a: {  	s1 =	srdreg.scid  }
0x8b: {  	s0 =	sand.u32 $0x1, s1  }
0x8c: {  	s17 =	sshll.u32 s0, $0xA;
	s2 =	sadd.s32 s3, s2  }
0x8d: {  	s2 =	sadd.s32 s2, s17  }
0x8e: {  	[smem:$0x3FC4] =	sst s2  }
0x8f: {  	_ = 	snop  }
0x90: {  	s2 =	sld [smem:$0x3FD0];
	(tm) =	ssettm $0x1  }
0x91: {  	s18 =	sld [smem:$0x3FFB];
	_ =	sdelay $0x3  }
0x92: {  	_ =	strace s18  }
0x93: {  	s3 =	sld [smem:$0x3FFC];
	_ =	sdelay $0x3  }
0x94: {  	_ =	strace s3  }
0x95: {  	s3 =	sld [smem:$0x3FFD];
	_ =	sdelay $0x3  }
0x96: {  	_ =	strace s3  }
0x97: {  	_ =	strace $0x8FFFFFFF  }
0x98: {  	s19 =	sld [smem:$0x3FDB];
	_ =	sdelay $0x1  }
0x99: {  	s4 =	simm.s32 $_scs_section_size  }
0x9a: {  	s5 =	simm.s32 $_size__tile_overlayer_lowered;
	s6 =	simm.s32 $_tile_overlayer_lowered  }
0x9b: {  	s22 =	simm.s32 $0x1BFF;
	s21 =	sshll.u32 s6, $0x1;
	s3 =	sadd.s32 s4, s19  }
0x9c: {  	s7 =	simm.s32 $0x0;
	s20 =	sshll.u32 s5, $0x1;
	s5 =	sadd.s32 s21, s3  }
0x9d: {  	[timem:s7], [sflag:s22] =	dma.local [hbm:s5], s20  }
0x9e: {  	_ =	swait.ge [sflag:s22], s20  }
0x9f: {  	s4 =	ssub.s32 $0x0, s20;
	[sflag:s22] =	ssyncset.done $0x0  }
0xa0: {  	[sflag:s22] =	ssyncadd.s32 s4;
	_ =	sdelay $0x1  }
0xa1: {  	s23 =	simm.s32 $0x1B8B  }
0xa2: {  	_ =	swait.ge [sflag:s23], $0x1  }
0xa3: {  	[sflag:s23] =	ssyncset.done $0x0  }
0xa4: {  	s25 =	simm.s32 $0x1B8E;
	s24 =	sld [smem:$0x3FFE];
	[sflag:s23] =	ssyncadd.s32 $0xFFFFFFFF  }
0xa5: {  	s26 =	simm.s32 $execute0_lowered;
	[smem:$0x3FD2] =	sst s25  }
0xa6: {  	s5 =	sshll.u32 s26, $0x1;
	_ =	strace $0x80000046;
	[dreg:$0x1] =	wrdreg $0xFFFFFFFF  }
0xa7: {  	s28 =	simm.s32 $_size_execute0_lowered;
	s3 =	sadd.s32 s3, s5;
	[dreg:$0x0] =	wrdreg $0x0  }
0xa8: {  	s5 =	sshll.u32 s28, $0x1;
	[dreg:$0x2] =	wrdreg s3  }
0xa9: {  	[dreg:$0x3] =	wrdreg s5  }
0xaa: {  	[dreg:$0x4] =	wrdreg $0xC0  }
0xab: {  	_ =	task [dreg:s7], $0x5FFFF  }
0xac: {  	[dreg:$0x1] =	wrdreg $0xFFFFFFFF  }
0xad: {  	[dreg:$0x0] =	wrdreg $0x60  }
0xae: {  	[dreg:$0x2] =	wrdreg s24  }
0xaf: {  	[dreg:$0x3] =	wrdreg s2  }
0xb0: {  	[dreg:$0x4] =	wrdreg $0x9  }
0xb1: {  	_ =	task.clear_ibuf [dreg:s7], $0x5FFFF;
	_ =	strace $0x90000046  }
0xb2: {  	s29 =	simm.s32 $0x9;
	_ =	strace $0x80000048  }
0xb3: {  	_ =	swait.ge [sflag:s29], $0x1  }
0xb4: {  	[sflag:s29] =	ssyncadd.s32 $0xFFFFFFFF  }
0xb5: {  	_ =	strace $0x90000048  }
0xb6: {  	_ =	sfence  }
0xb7: {  	s30 =	sld [smem:$0x0];
	_ =	sdelay $0x2  }
0xb8: {  	s31 =	sshll.u32 s1, $0xD;
	s1 =	sshrl.u32 s1, $0x2  }
0xb9: {  	s3 =	sand.u32 $0x4000, s31;
	s1 =	sadd.s32 s1, s30  }
0xba: {  	s0 =	sor.u32 s3, s0;
	s1 =	sshll.u32 s1, $0x11  }
0xbb: {  	s0 =	sor.u32 s1, s0  }
0xbc: {  	s0 =	sadd.s32 $0x8F2B, s0  }
0xbd: {  	[sflag:s0] =	ssyncadd.remote.s32 $0x1  }
0xbe: {  	_ =	sfence.sel $0xFFFF  }
0xbf: {  	[dreg:$0x0] =	wrdreg $0xFFFFFFFF;
	(pc) =	sbr.abs _section_cstart, $3  }
0xc0: {  	[dreg:$0x1] =	wrdreg $0xFFFFFFFF  }
0xc1: {  	_ =	task.clear_ibuf [dreg:s7], $0x2FFFF;
	_ =	strace $0x9FFFFFFF  }
0xc2: {  	(tm) =	ssettm $0x7FFFFFFF  }
0xc3: {  	_ =	shalt  }
tec
execute0_lowered:
.L_overlay_start_1:
0x0: {  	(tag) =	ssettag $0x1  }
0x1: {  	s3 =	rddreg [dreg:$0x0]  }
0x2: {  	s4 =	rddreg [dreg:$0x1]  }
0x3: {  	s0 =	rddreg [dreg:$0x2];
	s2 =	simm.s32 $0x0  }
0x4: {  	s1 =	stileid.u32;
	s5 =	srdreg.scid;
	s10 =	simm.s32 $0x5000  }
0x5: {  	s11 =	simm.s32 $0x7000;
	s12 =	simm.s32 $0x100;
	s13 =	simm.s32 $0x9000  }
0x6: {  	s14 =	simm.s32 $0x180;
	s15 =	simm.s32 $0xB000;
	s16 =	simm.s32 $0x1  }
0x7: {  	s17 =	simm.s32 $0x2;
	s18 =	simm.s32 $0x3;
	s19 =	simm.s32 $0x4  }
0x8: {  	s20 =	simm.s32 $0xD000;
	s21 =	simm.s32 $0x0;
	[smem:$0x7FF] =	sst s2  }
0x9: {  	s6 =	sshrl.u32 s1, $0x2;
	s5 =	sand.u32 $0x1, s5;
	s7 =	sshll.u32 s1, $0x1  }
0xa: {  	s6 =	smul.u32 $0x14000, s6;
	s8 =	ssub.s32 $0x2, s5;
	s7 =	sor.u32 s5, s7  }
0xb: {  	_ =	strace $0x80000047;
	s31 =	sshrl.u32 s8, $0x1;
	s9 =	smul.u32 $0xA00, s7  }
0xc: {  	s6 =	sadd.s32 s6, s3;
	s3 =	sadd.s32 $0x50600, s3;
	s8 =	ssub.s32 s8, s31  }
0xd: {  	s4 =	sadd.s32 s4, s9;
	s5 =	sadd.s32 $0x600, s6;
	s6 =	smul.u32 $0x28000, s7  }
0xe: {  	s7 =	smax.u32 s8, $0x1;
	s8 =	simm.s32 $0x5;
	s9 =	simm.s32 $0x80  }
.LBB2_1:
0xf: {  	[tilespmem:s2], [sflag:$0x5] =	stream.linear.gather [hbm4b:s4+s2], $0x5000, $0x38;
	[tilespmem:$0xE000] =	vst v63  }
0x10: {  	_ =	swait.ge [sflag:s8], $0x5000  }
0x11: {  	[sflag:s8] =	ssyncset.done $0x0  }
0x12: {  	[sflag:s8] =	ssyncadd.s32 $0xFFFFB000  }
0x13: {  	[tilespmem:s10], [sflag:$0x1] =	stream.indirect.gather [hbm4b:s5+s9], $0x40, s2, s9, $0xb8;
	[tilespmem:$0xE000] =	vst v63  }
0x14: {  	_ = 	snop  }
0x15: {  	[tilespmem:s11], [sflag:$0x2] =	stream.indirect.gather [hbm4b:s5+s9], $0x40, s9, s9, $0xb8;
	[tilespmem:$0xE000] =	vst v63  }
0x16: {  	_ = 	snop  }
0x17: {  	[tilespmem:s13], [sflag:$0x3] =	stream.indirect.gather [hbm4b:s5+s9], $0x40, s12, s9, $0xb8;
	[tilespmem:$0xE000] =	vst v63  }
0x18: {  	s22 =	simm.s32 $0x0  }
0x19: {  	[tilespmem:s15], [sflag:$0x4] =	stream.indirect.gather [hbm4b:s5+s9], $0x40, s14, s9, $0xb8;
	[tilespmem:$0xE000] =	vst v63  }
.LBB2_2:
0x1a: {  	_ =	swait.ge [sflag:s16], $0x2000  }
0x1b: {  	[sflag:s16] =	ssyncset.done $0x0  }
0x1c: {  	s23 =	simm.s32 $0x5200;
	[sflag:s16] =	ssyncadd.s32 $0xFFFFE000  }
0x1d: {  	v0 =	vld [tilespmem:s23+$0xFFFFFE40]  }
0x1e: {  	v1 =	vld [tilespmem:s23+$0xFFFFFE00];
	_ =	sdelay $0x1  }
0x1f: {  	v2 =	vld [tilespmem:s23+$0xFFFFFE80];
	_ =	sdelay $0x1  }
0x20: {  	v3 =	vld [tilespmem:s23+$0xFFFFFEC0]  }
0x21: {  	v4 =	vshll.u32 v1, $0x10;
	v5 =	vshll.u32 v0, $0x10;
	v0 =	vadd.f32 v0, v1  }
0x22: {  	v57 =	vld [tilespmem:s23+$0xFFFFFF00];
	v1 =	vadd.f32 v5, v4  }
0x23: {  	v58 =	vshll.u32 v2, $0x10;
	v0 =	vadd.f32 v2, v0  }
0x24: {  	v2 =	vld [tilespmem:s23+$0xFFFFFF40];
	v1 =	vadd.f32 v58, v1  }
0x25: {  	v59 =	vshll.u32 v3, $0x10;
	v0 =	vadd.f32 v3, v0  }
0x26: {  	v3 =	vld [tilespmem:s23+$0xFFFFFF80];
	v1 =	vadd.f32 v59, v1  }
0x27: {  	v60 =	vshll.u32 v57, $0x10;
	v0 =	vadd.f32 v57, v0  }
0x28: {  	v61 =	vld [tilespmem:s23+$0xFFFFFFC0];
	v1 =	vadd.f32 v60, v1  }
0x29: {  	v62 =	vshll.u32 v2, $0x10;
	v0 =	vadd.f32 v2, v0  }
0x2a: {  	v2 =	vld [tilespmem:s23+$0x0];
	v1 =	vadd.f32 v62, v1  }
0x2b: {  	v63 =	vshll.u32 v3, $0x10;
	v0 =	vadd.f32 v3, v0  }
0x2c: {  	v3 =	vld [tilespmem:s23+$0x40];
	v1 =	vadd.f32 v63, v1  }
0x2d: {  	v8 =	vshll.u32 v61, $0x10;
	v0 =	vadd.f32 v61, v0  }
0x2e: {  	v9 =	vld [tilespmem:s23+$0x80];
	v1 =	vadd.f32 v8, v1  }
0x2f: {  	v10 =	vshll.u32 v2, $0x10;
	v0 =	vadd.f32 v2, v0  }
0x30: {  	v2 =	vld [tilespmem:s23+$0xC0];
	v1 =	vadd.f32 v10, v1  }
0x31: {  	v11 =	vshll.u32 v3, $0x10;
	v0 =	vadd.f32 v3, v0  }
0x32: {  	v3 =	vld [tilespmem:s23+$0x100];
	v1 =	vadd.f32 v11, v1  }
0x33: {  	v12 =	vshll.u32 v9, $0x10;
	v0 =	vadd.f32 v9, v0  }
0x34: {  	v13 =	vld [tilespmem:s23+$0x140];
	v1 =	vadd.f32 v12, v1  }
0x35: {  	v14 =	vshll.u32 v2, $0x10;
	v0 =	vadd.f32 v2, v0  }
0x36: {  	v2 =	vld [tilespmem:s23+$0x180];
	v1 =	vadd.f32 v14, v1  }
0x37: {  	v15 =	vshll.u32 v3, $0x10;
	v0 =	vadd.f32 v3, v0  }
0x38: {  	v3 =	vld [tilespmem:s23+$0x1C0];
	v1 =	vadd.f32 v15, v1  }
0x39: {  	v16 =	vshll.u32 v13, $0x10;
	v0 =	vadd.f32 v13, v0  }
0x3a: {  	v1 =	vadd.f32 v16, v1  }
0x3b: {  	v17 =	vshll.u32 v2, $0x10;
	v0 =	vadd.f32 v2, v0  }
0x3c: {  	v1 =	vadd.f32 v17, v1  }
0x3d: {  	v2 =	vshll.u32 v3, $0x10;
	v0 =	vadd.f32 v3, v0  }
0x3e: {  	v1 =	vadd.f32 v2, v1  }
0x3f: {  	v0 =	vmul.f32 $6.250000000e-02, v0  }
0x40: {  	s24 =	simm.s32 $0x0;
	v1 =	vmul.f32 $6.250000000e-02, v1  }
0x41: {  	[tilespmem:s24+$0xD010] =	vst v0  }
0x42: {  	[tilespmem:s24+$0xD000] =	vst v1  }
0x43: {  	v0 =	vld [tilespmem:s23+$0xFFFFFE10]  }
0x44: {  	v1 =	vld [tilespmem:s23+$0xFFFFFE50];
	_ =	sdelay $0x1  }
0x45: {  	v2 =	vld [tilespmem:s23+$0xFFFFFE90];
	_ =	sdelay $0x1  }
0x46: {  	v3 =	vld [tilespmem:s23+$0xFFFFFED0]  }
0x47: {  	v18 =	vshll.u32 v0, $0x10;
	v19 =	vshll.u32 v1, $0x10;
	v0 =	vadd.f32 v1, v0  }
0x48: {  	v20 =	vld [tilespmem:s23+$0xFFFFFF10];
	v1 =	vadd.f32 v19, v18  }
0x49: {  	v21 =	vshll.u32 v2, $0x10;
	v0 =	vadd.f32 v2, v0  }
0x4a: {  	v2 =	vld [tilespmem:s23+$0xFFFFFF50];
	v1 =	vadd.f32 v21, v1  }
0x4b: {  	v22 =	vshll.u32 v3, $0x10;
	v0 =	vadd.f32 v3, v0  }
0x4c: {  	v3 =	vld [tilespmem:s23+$0xFFFFFF90];
	v1 =	vadd.f32 v22, v1  }
0x4d: {  	v23 =	vshll.u32 v20, $0x10;
	v0 =	vadd.f32 v20, v0  }
0x4e: {  	v24 =	vld [tilespmem:s23+$0xFFFFFFD0];
	v1 =	vadd.f32 v23, v1  }
0x4f: {  	v25 =	vshll.u32 v2, $0x10;
	v0 =	vadd.f32 v2, v0  }
0x50: {  	v2 =	vld [tilespmem:s23+$0x10];
	v1 =	vadd.f32 v25, v1  }
0x51: {  	v26 =	vshll.u32 v3, $0x10;
	v0 =	vadd.f32 v3, v0  }
0x52: {  	v3 =	vld [tilespmem:s23+$0x50];
	v1 =	vadd.f32 v26, v1  }
0x53: {  	v27 =	vshll.u32 v24, $0x10;
	v0 =	vadd.f32 v24, v0  }
0x54: {  	v28 =	vld [tilespmem:s23+$0x90];
	v1 =	vadd.f32 v27, v1  }
0x55: {  	v29 =	vshll.u32 v2, $0x10;
	v0 =	vadd.f32 v2, v0  }
0x56: {  	v2 =	vld [tilespmem:s23+$0xD0];
	v1 =	vadd.f32 v29, v1  }
0x57: {  	v30 =	vshll.u32 v3, $0x10;
	v0 =	vadd.f32 v3, v0  }
0x58: {  	v3 =	vld [tilespmem:s23+$0x110];
	v1 =	vadd.f32 v30, v1  }
0x59: {  	v31 =	vshll.u32 v28, $0x10;
	v0 =	vadd.f32 v28, v0  }
0x5a: {  	v32 =	vld [tilespmem:s23+$0x150];
	v1 =	vadd.f32 v31, v1  }
0x5b: {  	v33 =	vshll.u32 v2, $0x10;
	v0 =	vadd.f32 v2, v0  }
0x5c: {  	v2 =	vld [tilespmem:s23+$0x190];
	v1 =	vadd.f32 v33, v1  }
0x5d: {  	v34 =	vshll.u32 v3, $0x10;
	v0 =	vadd.f32 v3, v0  }
0x5e: {  	v3 =	vld [tilespmem:s23+$0x1D0];
	v1 =	vadd.f32 v34, v1  }
0x5f: {  	v35 =	vshll.u32 v32, $0x10;
	v0 =	vadd.f32 v32, v0  }
0x60: {  	v1 =	vadd.f32 v35, v1  }
0x61: {  	v36 =	vshll.u32 v2, $0x10;
	v0 =	vadd.f32 v2, v0  }
0x62: {  	v1 =	vadd.f32 v36, v1  }
0x63: {  	v2 =	vshll.u32 v3, $0x10;
	v0 =	vadd.f32 v3, v0  }
0x64: {  	v1 =	vadd.f32 v2, v1  }
0x65: {  	v0 =	vmul.f32 $6.250000000e-02, v0  }
0x66: {  	v1 =	vmul.f32 $6.250000000e-02, v1  }
0x67: {  	[tilespmem:s24+$0xD030] =	vst v0  }
0x68: {  	[tilespmem:s24+$0xD020] =	vst v1  }
0x69: {  	v0 =	vld [tilespmem:s23+$0xFFFFFE20]  }
0x6a: {  	v1 =	vld [tilespmem:s23+$0xFFFFFE60];
	_ =	sdelay $0x1  }
0x6b: {  	v2 =	vld [tilespmem:s23+$0xFFFFFEA0];
	_ =	sdelay $0x1  }
0x6c: {  	v3 =	vld [tilespmem:s23+$0xFFFFFEE0]  }
0x6d: {  	v37 =	vshll.u32 v0, $0x10;
	v38 =	vshll.u32 v1, $0x10;
	v0 =	vadd.f32 v1, v0  }
0x6e: {  	v39 =	vld [tilespmem:s23+$0xFFFFFF20];
	v1 =	vadd.f32 v38, v37  }
0x6f: {  	v40 =	vshll.u32 v2, $0x10;
	v0 =	vadd.f32 v2, v0  }
0x70: {  	v2 =	vld [tilespmem:s23+$0xFFFFFF60];
	v1 =	vadd.f32 v40, v1  }
0x71: {  	v41 =	vshll.u32 v3, $0x10;
	v0 =	vadd.f32 v3, v0  }
0x72: {  	v3 =	vld [tilespmem:s23+$0xFFFFFFA0];
	v1 =	vadd.f32 v41, v1  }
0x73: {  	v42 =	vshll.u32 v39, $0x10;
	v0 =	vadd.f32 v39, v0  }
0x74: {  	v43 =	vld [tilespmem:s23+$0xFFFFFFE0];
	v1 =	vadd.f32 v42, v1  }
0x75: {  	v44 =	vshll.u32 v2, $0x10;
	v0 =	vadd.f32 v2, v0  }
0x76: {  	v2 =	vld [tilespmem:s23+$0x20];
	v1 =	vadd.f32 v44, v1  }
0x77: {  	v45 =	vshll.u32 v3, $0x10;
	v0 =	vadd.f32 v3, v0  }
0x78: {  	v3 =	vld [tilespmem:s23+$0x60];
	v1 =	vadd.f32 v45, v1  }
0x79: {  	v46 =	vshll.u32 v43, $0x10;
	v0 =	vadd.f32 v43, v0  }
0x7a: {  	v47 =	vld [tilespmem:s23+$0xA0];
	v1 =	vadd.f32 v46, v1  }
0x7b: {  	v48 =	vshll.u32 v2, $0x10;
	v0 =	vadd.f32 v2, v0  }
0x7c: {  	v2 =	vld [tilespmem:s23+$0xE0];
	v1 =	vadd.f32 v48, v1  }
0x7d: {  	v49 =	vshll.u32 v3, $0x10;
	v0 =	vadd.f32 v3, v0  }
0x7e: {  	v3 =	vld [tilespmem:s23+$0x120];
	v1 =	vadd.f32 v49, v1  }
0x7f: {  	v50 =	vshll.u32 v47, $0x10;
	v0 =	vadd.f32 v47, v0  }
0x80: {  	v51 =	vld [tilespmem:s23+$0x160];
	v1 =	vadd.f32 v50, v1  }
0x81: {  	v52 =	vshll.u32 v2, $0x10;
	v0 =	vadd.f32 v2, v0  }
0x82: {  	v2 =	vld [tilespmem:s23+$0x1A0];
	v1 =	vadd.f32 v52, v1  }
0x83: {  	v53 =	vshll.u32 v3, $0x10;
	v0 =	vadd.f32 v3, v0  }
0x84: {  	v3 =	vld [tilespmem:s23+$0x1E0];
	v1 =	vadd.f32 v53, v1  }
0x85: {  	v54 =	vshll.u32 v51, $0x10;
	v0 =	vadd.f32 v51, v0  }
0x86: {  	v1 =	vadd.f32 v54, v1  }
0x87: {  	v55 =	vshll.u32 v2, $0x10;
	v0 =	vadd.f32 v2, v0  }
0x88: {  	v1 =	vadd.f32 v55, v1  }
0x89: {  	v2 =	vshll.u32 v3, $0x10;
	v0 =	vadd.f32 v3, v0  }
0x8a: {  	v1 =	vadd.f32 v2, v1  }
0x8b: {  	v0 =	vmul.f32 $6.250000000e-02, v0  }
0x8c: {  	v1 =	vmul.f32 $6.250000000e-02, v1  }
0x8d: {  	[tilespmem:s24+$0xD050] =	vst v0  }
0x8e: {  	[tilespmem:s24+$0xD040] =	vst v1  }
0x8f: {  	v0 =	vld [tilespmem:s23+$0xFFFFFE30]  }
0x90: {  	v1 =	vld [tilespmem:s23+$0xFFFFFE70];
	_ =	sdelay $0x1  }
0x91: {  	v2 =	vld [tilespmem:s23+$0xFFFFFEB0];
	_ =	sdelay $0x1  }
0x92: {  	v3 =	vld [tilespmem:s23+$0xFFFFFEF0]  }
0x93: {  	v56 =	vadd.f32 v1, v0  }
0x94: {  	v57 =	vld [tilespmem:s23+$0xFFFFFF30];
	v0 =	vshll.u32 v0, $0x10;
	v1 =	vshll.u32 v1, $0x10  }
0x95: {  	v0 =	vadd.f32 v1, v0;
	v1 =	vadd.f32 v2, v56  }
0x96: {  	v58 =	vld [tilespmem:s23+$0xFFFFFF70];
	v2 =	vshll.u32 v2, $0x10  }
0x97: {  	v0 =	vadd.f32 v2, v0;
	v1 =	vadd.f32 v3, v1  }
0x98: {  	v2 =	vld [tilespmem:s23+$0xFFFFFFB0];
	v3 =	vshll.u32 v3, $0x10  }
0x99: {  	v0 =	vadd.f32 v3, v0;
	v1 =	vadd.f32 v57, v1  }
0x9a: {  	v5 =	vshll.u32 v57, $0x10;
	v3 =	vld [tilespmem:s23+$0xFFFFFFF0]  }
0x9b: {  	v0 =	vadd.f32 v5, v0;
	v1 =	vadd.f32 v58, v1  }
0x9c: {  	v59 =	vld [tilespmem:s23+$0x30];
	v4 =	vshll.u32 v58, $0x10  }
0x9d: {  	v0 =	vadd.f32 v4, v0;
	v1 =	vadd.f32 v2, v1  }
0x9e: {  	v60 =	vld [tilespmem:s23+$0x70];
	v2 =	vshll.u32 v2, $0x10  }
0x9f: {  	v0 =	vadd.f32 v2, v0;
	v1 =	vadd.f32 v3, v1  }
0xa0: {  	v2 =	vld [tilespmem:s23+$0xB0];
	v3 =	vshll.u32 v3, $0x10  }
0xa1: {  	v0 =	vadd.f32 v3, v0;
	v1 =	vadd.f32 v59, v1  }
0xa2: {  	v5 =	vshll.u32 v59, $0x10;
	v3 =	vld [tilespmem:s23+$0xF0]  }
0xa3: {  	v0 =	vadd.f32 v5, v0;
	v1 =	vadd.f32 v60, v1  }
0xa4: {  	v61 =	vld [tilespmem:s23+$0x130];
	v4 =	vshll.u32 v60, $0x10  }
0xa5: {  	v0 =	vadd.f32 v4, v0;
	v1 =	vadd.f32 v2, v1  }
0xa6: {  	v62 =	vld [tilespmem:s23+$0x170];
	v2 =	vshll.u32 v2, $0x10  }
0xa7: {  	v0 =	vadd.f32 v2, v0;
	v1 =	vadd.f32 v3, v1  }
0xa8: {  	v2 =	vld [tilespmem:s23+$0x1B0];
	v3 =	vshll.u32 v3, $0x10  }
0xa9: {  	v0 =	vadd.f32 v3, v0;
	v1 =	vadd.f32 v61, v1  }
0xaa: {  	v5 =	vshll.u32 v61, $0x10;
	v3 =	vld [tilespmem:s23+$0x1F0]  }
0xab: {  	v0 =	vadd.f32 v5, v0;
	v1 =	vadd.f32 v62, v1  }
0xac: {  	v4 =	vshll.u32 v62, $0x10  }
0xad: {  	v0 =	vadd.f32 v4, v0;
	v63 =	vadd.f32 v2, v1  }
0xae: {  	v1 =	vshll.u32 v2, $0x10  }
0xaf: {  	s25 =	simm.s32 $0x200;
	v2 =	vshll.u32 v3, $0x10;
	v1 =	vadd.f32 v1, v0;
	v0 =	vadd.f32 v3, v63  }
.LBB2_3:
0xb0: {  	p0 =	sne.s32 s25, $0xE00  }
0xb1: {  	v1 =	vadd.f32 v2, v1;
	s23 =	sadd.s32 $0x400, s23;
	s26 =	smov.u32 s25;
	s25 =	sadd.s32 $0x200, s25  }
0xb2: {  	v0 =	vmul.f32 $6.250000000e-02, v0  }
0xb3: {  	v1 =	vmul.f32 $6.250000000e-02, v1  }
0xb4: {  	[tilespmem:s24+$0xD070] =	vst v0  }
0xb5: {  	[tilespmem:s24+$0xD060] =	vst v1  }
0xb6: {  	v0 =	vld [tilespmem:s23+$0xFFFFFE40]  }
0xb7: {  	v1 =	vld [tilespmem:s23+$0xFFFFFE00];
	_ =	sdelay $0x1  }
0xb8: {  	v2 =	vld [tilespmem:s23+$0xFFFFFE80];
	_ =	sdelay $0x1  }
0xb9: {  	v3 =	vld [tilespmem:s23+$0xFFFFFEC0]  }
0xba: {  	v5 =	vshll.u32 v0, $0x10;
	v4 =	vshll.u32 v1, $0x10;
	v0 =	vadd.f32 v0, v1  }
0xbb: {  	v1 =	vadd.f32 v5, v4;
	v4 =	vld [tilespmem:s23+$0xFFFFFF00]  }
0xbc: {  	v5 =	vshll.u32 v2, $0x10;
	v0 =	vadd.f32 v2, v0  }
0xbd: {  	v1 =	vadd.f32 v5, v1;
	v2 =	vld [tilespmem:s23+$0xFFFFFF40]  }
0xbe: {  	v5 =	vshll.u32 v3, $0x10;
	v0 =	vadd.f32 v3, v0  }
0xbf: {  	v1 =	vadd.f32 v5, v1;
	v3 =	vld [tilespmem:s23+$0xFFFFFF80]  }
0xc0: {  	v5 =	vshll.u32 v4, $0x10;
	v0 =	vadd.f32 v4, v0  }
0xc1: {  	v1 =	vadd.f32 v5, v1;
	v4 =	vld [tilespmem:s23+$0xFFFFFFC0]  }
0xc2: {  	v5 =	vshll.u32 v2, $0x10;
	v0 =	vadd.f32 v2, v0  }
0xc3: {  	v1 =	vadd.f32 v5, v1;
	v2 =	vld [tilespmem:s23+$0x0]  }
0xc4: {  	v5 =	vshll.u32 v3, $0x10;
	v0 =	vadd.f32 v3, v0  }
0xc5: {  	v1 =	vadd.f32 v5, v1;
	v3 =	vld [tilespmem:s23+$0x40]  }
0xc6: {  	v5 =	vshll.u32 v4, $0x10;
	v0 =	vadd.f32 v4, v0  }
0xc7: {  	v1 =	vadd.f32 v5, v1;
	v4 =	vld [tilespmem:s23+$0x80]  }
0xc8: {  	v5 =	vshll.u32 v2, $0x10;
	v0 =	vadd.f32 v2, v0  }
0xc9: {  	v1 =	vadd.f32 v5, v1;
	v2 =	vld [tilespmem:s23+$0xC0]  }
0xca: {  	v5 =	vshll.u32 v3, $0x10;
	v0 =	vadd.f32 v3, v0  }
0xcb: {  	v1 =	vadd.f32 v5, v1;
	v3 =	vld [tilespmem:s23+$0x100]  }
0xcc: {  	v5 =	vshll.u32 v4, $0x10;
	v0 =	vadd.f32 v4, v0  }
0xcd: {  	v1 =	vadd.f32 v5, v1;
	v4 =	vld [tilespmem:s23+$0x140]  }
0xce: {  	v5 =	vshll.u32 v2, $0x10;
	v0 =	vadd.f32 v2, v0  }
0xcf: {  	v1 =	vadd.f32 v5, v1;
	v2 =	vld [tilespmem:s23+$0x180]  }
0xd0: {  	v5 =	vshll.u32 v3, $0x10;
	v0 =	vadd.f32 v3, v0  }
0xd1: {  	v1 =	vadd.f32 v5, v1;
	v3 =	vld [tilespmem:s23+$0x1C0]  }
0xd2: {  	v5 =	vshll.u32 v4, $0x10;
	v0 =	vadd.f32 v4, v0  }
0xd3: {  	v1 =	vadd.f32 v5, v1  }
0xd4: {  	v4 =	vshll.u32 v2, $0x10;
	v0 =	vadd.f32 v2, v0  }
0xd5: {  	v1 =	vadd.f32 v4, v1  }
0xd6: {  	v2 =	vshll.u32 v3, $0x10;
	v0 =	vadd.f32 v3, v0  }
0xd7: {  	v1 =	vadd.f32 v2, v1  }
0xd8: {  	v0 =	vmul.f32 $6.250000000e-02, v0  }
0xd9: {  	s24 =	sshra.s32 s26, $0x2;
	v1 =	vmul.f32 $6.250000000e-02, v1  }
0xda: {  	[tilespmem:s24+$0xD010] =	vst v0  }
0xdb: {  	[tilespmem:s24+$0xD000] =	vst v1  }
0xdc: {  	v0 =	vld [tilespmem:s23+$0xFFFFFE10]  }
0xdd: {  	v1 =	vld [tilespmem:s23+$0xFFFFFE50];
	_ =	sdelay $0x1  }
0xde: {  	v2 =	vld [tilespmem:s23+$0xFFFFFE90];
	_ =	sdelay $0x1  }
0xdf: {  	v3 =	vld [tilespmem:s23+$0xFFFFFED0]  }
0xe0: {  	v4 =	vshll.u32 v0, $0x10;
	v5 =	vshll.u32 v1, $0x10;
	v0 =	vadd.f32 v1, v0  }
0xe1: {  	v1 =	vadd.f32 v5, v4;
	v4 =	vld [tilespmem:s23+$0xFFFFFF10]  }
0xe2: {  	v5 =	vshll.u32 v2, $0x10;
	v0 =	vadd.f32 v2, v0  }
0xe3: {  	v1 =	vadd.f32 v5, v1;
	v2 =	vld [tilespmem:s23+$0xFFFFFF50]  }
0xe4: {  	v5 =	vshll.u32 v3, $0x10;
	v0 =	vadd.f32 v3, v0  }
0xe5: {  	v1 =	vadd.f32 v5, v1;
	v3 =	vld [tilespmem:s23+$0xFFFFFF90]  }
0xe6: {  	v5 =	vshll.u32 v4, $0x10;
	v0 =	vadd.f32 v4, v0  }
0xe7: {  	v1 =	vadd.f32 v5, v1;
	v4 =	vld [tilespmem:s23+$0xFFFFFFD0]  }
0xe8: {  	v5 =	vshll.u32 v2, $0x10;
	v0 =	vadd.f32 v2, v0  }
0xe9: {  	v1 =	vadd.f32 v5, v1;
	v2 =	vld [tilespmem:s23+$0x10]  }
0xea: {  	v5 =	vshll.u32 v3, $0x10;
	v0 =	vadd.f32 v3, v0  }
0xeb: {  	v1 =	vadd.f32 v5, v1;
	v3 =	vld [tilespmem:s23+$0x50]  }
0xec: {  	v5 =	vshll.u32 v4, $0x10;
	v0 =	vadd.f32 v4, v0  }
0xed: {  	v1 =	vadd.f32 v5, v1;
	v4 =	vld [tilespmem:s23+$0x90]  }
0xee: {  	v5 =	vshll.u32 v2, $0x10;
	v0 =	vadd.f32 v2, v0  }
0xef: {  	v1 =	vadd.f32 v5, v1;
	v2 =	vld [tilespmem:s23+$0xD0]  }
0xf0: {  	v5 =	vshll.u32 v3, $0x10;
	v0 =	vadd.f32 v3, v0  }
0xf1: {  	v1 =	vadd.f32 v5, v1;
	v3 =	vld [tilespmem:s23+$0x110]  }
0xf2: {  	v5 =	vshll.u32 v4, $0x10;
	v0 =	vadd.f32 v4, v0  }
0xf3: {  	v1 =	vadd.f32 v5, v1;
	v4 =	vld [tilespmem:s23+$0x150]  }
0xf4: {  	v5 =	vshll.u32 v2, $0x10;
	v0 =	vadd.f32 v2, v0  }
0xf5: {  	v1 =	vadd.f32 v5, v1;
	v2 =	vld [tilespmem:s23+$0x190]  }
0xf6: {  	v5 =	vshll.u32 v3, $0x10;
	v0 =	vadd.f32 v3, v0  }
0xf7: {  	v1 =	vadd.f32 v5, v1;
	v3 =	vld [tilespmem:s23+$0x1D0]  }
0xf8: {  	v5 =	vshll.u32 v4, $0x10;
	v0 =	vadd.f32 v4, v0  }
0xf9: {  	v1 =	vadd.f32 v5, v1  }
0xfa: {  	v4 =	vshll.u32 v2, $0x10;
	v0 =	vadd.f32 v2, v0  }
0xfb: {  	v1 =	vadd.f32 v4, v1  }
0xfc: {  	v2 =	vshll.u32 v3, $0x10;
	v0 =	vadd.f32 v3, v0  }
0xfd: {  	v1 =	vadd.f32 v2, v1  }
0xfe: {  	v0 =	vmul.f32 $6.250000000e-02, v0  }
0xff: {  	v1 =	vmul.f32 $6.250000000e-02, v1  }
0x100: {  	[tilespmem:s24+$0xD030] =	vst v0  }
0x101: {  	[tilespmem:s24+$0xD020] =	vst v1  }
0x102: {  	v0 =	vld [tilespmem:s23+$0xFFFFFE20]  }
0x103: {  	v1 =	vld [tilespmem:s23+$0xFFFFFE60];
	_ =	sdelay $0x1  }
0x104: {  	v2 =	vld [tilespmem:s23+$0xFFFFFEA0];
	_ =	sdelay $0x1  }
0x105: {  	v3 =	vshll.u32 v0, $0x10;
	v4 =	vld [tilespmem:s23+$0xFFFFFEE0]  }
0x106: {  	v5 =	vshll.u32 v1, $0x10;
	v0 =	vadd.f32 v1, v0  }
0x107: {  	v1 =	vadd.f32 v5, v3;
	v3 =	vld [tilespmem:s23+$0xFFFFFF20]  }
0x108: {  	v5 =	vshll.u32 v2, $0x10;
	v0 =	vadd.f32 v2, v0  }
0x109: {  	v1 =	vadd.f32 v5, v1;
	v2 =	vld [tilespmem:s23+$0xFFFFFF60]  }
0x10a: {  	v5 =	vshll.u32 v4, $0x10;
	v0 =	vadd.f32 v4, v0  }
0x10b: {  	v1 =	vadd.f32 v5, v1;
	v4 =	vld [tilespmem:s23+$0xFFFFFFA0]  }
0x10c: {  	v5 =	vshll.u32 v3, $0x10;
	v0 =	vadd.f32 v3, v0  }
0x10d: {  	v1 =	vadd.f32 v5, v1;
	v3 =	vld [tilespmem:s23+$0xFFFFFFE0]  }
0x10e: {  	v5 =	vshll.u32 v2, $0x10;
	v0 =	vadd.f32 v2, v0  }
0x10f: {  	v1 =	vadd.f32 v5, v1;
	v2 =	vld [tilespmem:s23+$0x20]  }
0x110: {  	v5 =	vshll.u32 v4, $0x10;
	v0 =	vadd.f32 v4, v0  }
0x111: {  	v1 =	vadd.f32 v5, v1;
	v4 =	vld [tilespmem:s23+$0x60]  }
0x112: {  	v5 =	vshll.u32 v3, $0x10;
	v0 =	vadd.f32 v3, v0  }
0x113: {  	v1 =	vadd.f32 v5, v1;
	v3 =	vld [tilespmem:s23+$0xA0]  }
0x114: {  	v5 =	vshll.u32 v2, $0x10;
	v0 =	vadd.f32 v2, v0  }
0x115: {  	v1 =	vadd.f32 v5, v1;
	v2 =	vld [tilespmem:s23+$0xE0]  }
0x116: {  	v5 =	vshll.u32 v4, $0x10;
	v0 =	vadd.f32 v4, v0  }
0x117: {  	v1 =	vadd.f32 v5, v1;
	v4 =	vld [tilespmem:s23+$0x120]  }
0x118: {  	v5 =	vshll.u32 v3, $0x10;
	v0 =	vadd.f32 v3, v0  }
0x119: {  	v1 =	vadd.f32 v5, v1;
	v3 =	vld [tilespmem:s23+$0x160]  }
0x11a: {  	v5 =	vshll.u32 v2, $0x10;
	v0 =	vadd.f32 v2, v0  }
0x11b: {  	v1 =	vadd.f32 v5, v1;
	v2 =	vld [tilespmem:s23+$0x1A0]  }
0x11c: {  	v5 =	vshll.u32 v4, $0x10;
	v0 =	vadd.f32 v4, v0  }
0x11d: {  	v1 =	vadd.f32 v5, v1;
	v4 =	vld [tilespmem:s23+$0x1E0]  }
0x11e: {  	v5 =	vshll.u32 v3, $0x10;
	v0 =	vadd.f32 v3, v0  }
0x11f: {  	v1 =	vadd.f32 v5, v1  }
0x120: {  	v3 =	vshll.u32 v2, $0x10;
	v0 =	vadd.f32 v2, v0  }
0x121: {  	v1 =	vadd.f32 v3, v1  }
0x122: {  	v2 =	vshll.u32 v4, $0x10;
	v0 =	vadd.f32 v4, v0  }
0x123: {  	v1 =	vadd.f32 v2, v1  }
0x124: {  	v0 =	vmul.f32 $6.250000000e-02, v0  }
0x125: {  	v1 =	vmul.f32 $6.250000000e-02, v1  }
0x126: {  	[tilespmem:s24+$0xD050] =	vst v0  }
0x127: {  	[tilespmem:s24+$0xD040] =	vst v1  }
0x128: {  	v0 =	vld [tilespmem:s23+$0xFFFFFE30]  }
0x129: {  	v1 =	vld [tilespmem:s23+$0xFFFFFE70]  }
0x12a: {  	v2 =	vld [tilespmem:s23+$0xFFFFFEB0]  }
0x12b: {  	v3 =	vld [tilespmem:s23+$0xFFFFFEF0]  }
0x12c: {  	v4 =	vld [tilespmem:s23+$0xFFFFFF30]  }
0x12d: {  	v5 =	vshll.u32 v0, $0x10;
	v6 =	vld [tilespmem:s23+$0xFFFFFF70]  }
0x12e: {  	v7 =	vshll.u32 v1, $0x10;
	v0 =	vadd.f32 v1, v0;
	v1 =	vld [tilespmem:s23+$0xFFFFFFB0]  }
0x12f: {  	v5 =	vadd.f32 v7, v5;
	v7 =	vshll.u32 v2, $0x10;
	v8 =	vld [tilespmem:s23+$0xFFFFFFF0]  }
0x130: {  	v0 =	vadd.f32 v2, v0;
	v2 =	vld [tilespmem:s23+$0x30]  }
0x131: {  	v5 =	vadd.f32 v7, v5;
	v7 =	vshll.u32 v3, $0x10;
	v9 =	vld [tilespmem:s23+$0x70]  }
0x132: {  	v0 =	vadd.f32 v3, v0;
	v3 =	vld [tilespmem:s23+$0xB0]  }
0x133: {  	v5 =	vadd.f32 v7, v5;
	v7 =	vshll.u32 v4, $0x10;
	v10 =	vld [tilespmem:s23+$0xF0]  }
0x134: {  	v0 =	vadd.f32 v4, v0;
	v4 =	vld [tilespmem:s23+$0x130]  }
0x135: {  	v5 =	vadd.f32 v7, v5;
	v7 =	vshll.u32 v6, $0x10;
	v11 =	vld [tilespmem:s23+$0x170]  }
0x136: {  	v0 =	vadd.f32 v6, v0;
	v6 =	vld [tilespmem:s23+$0x1B0]  }
0x137: {  	v5 =	vadd.f32 v7, v5;
	v7 =	vshll.u32 v1, $0x10;
	v12 =	vld [tilespmem:s23+$0x1F0]  }
0x138: {  	v0 =	vadd.f32 v1, v0  }
0x139: {  	v1 =	vadd.f32 v7, v5;
	v5 =	vshll.u32 v8, $0x10  }
0x13a: {  	v0 =	vadd.f32 v8, v0  }
0x13b: {  	v1 =	vadd.f32 v5, v1;
	v5 =	vshll.u32 v2, $0x10  }
0x13c: {  	v0 =	vadd.f32 v2, v0  }
0x13d: {  	v2 =	vshll.u32 v9, $0x10;
	v1 =	vadd.f32 v5, v1  }
0x13e: {  	v0 =	vadd.f32 v9, v0  }
0x13f: {  	v1 =	vadd.f32 v2, v1;
	v2 =	vshll.u32 v3, $0x10  }
0x140: {  	v0 =	vadd.f32 v3, v0  }
0x141: {  	v1 =	vadd.f32 v2, v1;
	v2 =	vshll.u32 v10, $0x10  }
0x142: {  	v0 =	vadd.f32 v10, v0  }
0x143: {  	v1 =	vadd.f32 v2, v1;
	v2 =	vshll.u32 v4, $0x10  }
0x144: {  	v0 =	vadd.f32 v4, v0  }
0x145: {  	v1 =	vadd.f32 v2, v1;
	v2 =	vshll.u32 v11, $0x10  }
.Ltmp0:
0x146: {  	v0 =	vadd.f32 v11, v0;
	(pc) =	sbr.rel @p0 .LBB2_3-.Ltmp0, $4  }
0x147: {  	v1 =	vadd.f32 v2, v1;
	v2 =	vshll.u32 v6, $0x10  }
0x148: {  	v0 =	vadd.f32 v6, v0  }
0x149: {  	v1 =	vadd.f32 v2, v1;
	v2 =	vshll.u32 v12, $0x10  }
0x14a: {  	v0 =	vadd.f32 v12, v0  }
0x14b: {  	v1 =	vadd.f32 v2, v1  }
0x14c: {  	v0 =	vmul.f32 $6.250000000e-02, v0  }
0x14d: {  	s23 =	sshll.u32 s22, $0xB;
	p0 =	seq.s32 s22, $0x27;
	v1 =	vmul.f32 $6.250000000e-02, v1  }
0x14e: {  	s23 =	sshrl.u32 @!p0 s23, $0x2;
	[tilespmem:s24+$0xD070] =	vst v0  }
0x14f: {  	s25 =	simm.s32 @!p0 $0x80;
	s26 =	simm.s32 @!p0 $0x5000;
	[tilespmem:s24+$0xD060] =	vst v1;
	s24 =	sadd.s32 @!p0 $0x200, s23  }
0x150: {  	[tilespmem:s26], [sflag:$0x1] =	stream.indirect.gather @!p0 [hbm4b:s5+s25], $0x40, s24, s25, $0xb8;
	[tilespmem:$0xE000] =	vst v63  }
0x151: {  	_ =	swait.ge [sflag:s17], $0x2000  }
0x152: {  	[sflag:s17] =	ssyncset.done $0x0  }
0x153: {  	s24 =	simm.s32 $0x73F0;
	[sflag:s17] =	ssyncadd.s32 $0xFFFFE000  }
0x154: {  	v0 =	vld [tilespmem:s24+$0xFFFFFC50]  }
0x155: {  	v1 =	vld [tilespmem:s24+$0xFFFFFC10];
	_ =	sdelay $0x1  }
0x156: {  	v2 =	vld [tilespmem:s24+$0xFFFFFC90];
	_ =	sdelay $0x1  }
0x157: {  	v3 =	vld [tilespmem:s24+$0xFFFFFCD0]  }
0x158: {  	v4 =	vshll.u32 v1, $0x10;
	v5 =	vshll.u32 v0, $0x10;
	v0 =	vadd.f32 v0, v1  }
0x159: {  	v57 =	vld [tilespmem:s24+$0xFFFFFD10];
	v1 =	vadd.f32 v5, v4  }
0x15a: {  	v58 =	vshll.u32 v2, $0x10;
	v0 =	vadd.f32 v2, v0  }
0x15b: {  	v2 =	vld [tilespmem:s24+$0xFFFFFD50];
	v1 =	vadd.f32 v58, v1  }
0x15c: {  	v59 =	vshll.u32 v3, $0x10;
	v0 =	vadd.f32 v3, v0  }
0x15d: {  	v3 =	vld [tilespmem:s24+$0xFFFFFD90];
	v1 =	vadd.f32 v59, v1  }
0x15e: {  	v60 =	vshll.u32 v57, $0x10;
	v0 =	vadd.f32 v57, v0  }
0x15f: {  	v61 =	vld [tilespmem:s24+$0xFFFFFDD0];
	v1 =	vadd.f32 v60, v1  }
0x160: {  	v62 =	vshll.u32 v2, $0x10;
	v0 =	vadd.f32 v2, v0  }
0x161: {  	v2 =	vld [tilespmem:s24+$0xFFFFFE10];
	v1 =	vadd.f32 v62, v1  }
0x162: {  	v63 =	vshll.u32 v3, $0x10;
	v0 =	vadd.f32 v3, v0  }
0x163: {  	v3 =	vld [tilespmem:s24+$0xFFFFFE50];
	v1 =	vadd.f32 v63, v1  }
0x164: {  	v8 =	vshll.u32 v61, $0x10;
	v0 =	vadd.f32 v61, v0  }
0x165: {  	v9 =	vld [tilespmem:s24+$0xFFFFFE90];
	v1 =	vadd.f32 v8, v1  }
0x166: {  	v10 =	vshll.u32 v2, $0x10;
	v0 =	vadd.f32 v2, v0  }
0x167: {  	v2 =	vld [tilespmem:s24+$0xFFFFFED0];
	v1 =	vadd.f32 v10, v1  }
0x168: {  	v11 =	vshll.u32 v3, $0x10;
	v0 =	vadd.f32 v3, v0  }
0x169: {  	v3 =	vld [tilespmem:s24+$0xFFFFFF10];
	v1 =	vadd.f32 v11, v1  }
0x16a: {  	v12 =	vshll.u32 v9, $0x10;
	v0 =	vadd.f32 v9, v0  }
0x16b: {  	v13 =	vld [tilespmem:s24+$0xFFFFFF50];
	v1 =	vadd.f32 v12, v1  }
0x16c: {  	v14 =	vshll.u32 v2, $0x10;
	v0 =	vadd.f32 v2, v0  }
0x16d: {  	v2 =	vld [tilespmem:s24+$0xFFFFFF90];
	v1 =	vadd.f32 v14, v1  }
0x16e: {  	v15 =	vshll.u32 v3, $0x10;
	v0 =	vadd.f32 v3, v0  }
0x16f: {  	v3 =	vld [tilespmem:s24+$0xFFFFFFD0];
	v1 =	vadd.f32 v15, v1  }
0x170: {  	v16 =	vshll.u32 v13, $0x10;
	v0 =	vadd.f32 v13, v0  }
0x171: {  	v1 =	vadd.f32 v16, v1  }
0x172: {  	v17 =	vshll.u32 v2, $0x10;
	v0 =	vadd.f32 v2, v0  }
0x173: {  	v1 =	vadd.f32 v17, v1  }
0x174: {  	v2 =	vshll.u32 v3, $0x10;
	v0 =	vadd.f32 v3, v0  }
0x175: {  	v1 =	vadd.f32 v2, v1  }
0x176: {  	v0 =	vmul.f32 $6.250000000e-02, v0  }
0x177: {  	s25 =	simm.s32 $0x0;
	v1 =	vmul.f32 $6.250000000e-02, v1  }
0x178: {  	[tilespmem:s25+$0xD410] =	vst v0  }
0x179: {  	[tilespmem:s25+$0xD400] =	vst v1  }
0x17a: {  	v0 =	vld [tilespmem:s24+$0xFFFFFC20]  }
0x17b: {  	v1 =	vld [tilespmem:s24+$0xFFFFFC60];
	_ =	sdelay $0x1  }
0x17c: {  	v2 =	vld [tilespmem:s24+$0xFFFFFCA0];
	_ =	sdelay $0x1  }
0x17d: {  	v3 =	vld [tilespmem:s24+$0xFFFFFCE0]  }
0x17e: {  	v18 =	vshll.u32 v0, $0x10;
	v19 =	vshll.u32 v1, $0x10;
	v0 =	vadd.f32 v1, v0  }
0x17f: {  	v20 =	vld [tilespmem:s24+$0xFFFFFD20];
	v1 =	vadd.f32 v19, v18  }
0x180: {  	v21 =	vshll.u32 v2, $0x10;
	v0 =	vadd.f32 v2, v0  }
0x181: {  	v2 =	vld [tilespmem:s24+$0xFFFFFD60];
	v1 =	vadd.f32 v21, v1  }
0x182: {  	v22 =	vshll.u32 v3, $0x10;
	v0 =	vadd.f32 v3, v0  }
0x183: {  	v3 =	vld [tilespmem:s24+$0xFFFFFDA0];
	v1 =	vadd.f32 v22, v1  }
0x184: {  	v23 =	vshll.u32 v20, $0x10;
	v0 =	vadd.f32 v20, v0  }
0x185: {  	v24 =	vld [tilespmem:s24+$0xFFFFFDE0];
	v1 =	vadd.f32 v23, v1  }
0x186: {  	v25 =	vshll.u32 v2, $0x10;
	v0 =	vadd.f32 v2, v0  }
0x187: {  	v2 =	vld [tilespmem:s24+$0xFFFFFE20];
	v1 =	vadd.f32 v25, v1  }
0x188: {  	v26 =	vshll.u32 v3, $0x10;
	v0 =	vadd.f32 v3, v0  }
0x189: {  	v3 =	vld [tilespmem:s24+$0xFFFFFE60];
	v1 =	vadd.f32 v26, v1  }
0x18a: {  	v27 =	vshll.u32 v24, $0x10;
	v0 =	vadd.f32 v24, v0  }
0x18b: {  	v28 =	vld [tilespmem:s24+$0xFFFFFEA0];
	v1 =	vadd.f32 v27, v1  }
0x18c: {  	v29 =	vshll.u32 v2, $0x10;
	v0 =	vadd.f32 v2, v0  }
0x18d: {  	v2 =	vld [tilespmem:s24+$0xFFFFFEE0];
	v1 =	vadd.f32 v29, v1  }
0x18e: {  	v30 =	vshll.u32 v3, $0x10;
	v0 =	vadd.f32 v3, v0  }
0x18f: {  	v3 =	vld [tilespmem:s24+$0xFFFFFF20];
	v1 =	vadd.f32 v30, v1  }
0x190: {  	v31 =	vshll.u32 v28, $0x10;
	v0 =	vadd.f32 v28, v0  }
0x191: {  	v32 =	vld [tilespmem:s24+$0xFFFFFF60];
	v1 =	vadd.f32 v31, v1  }
0x192: {  	v33 =	vshll.u32 v2, $0x10;
	v0 =	vadd.f32 v2, v0  }
0x193: {  	v2 =	vld [tilespmem:s24+$0xFFFFFFA0];
	v1 =	vadd.f32 v33, v1  }
0x194: {  	v34 =	vshll.u32 v3, $0x10;
	v0 =	vadd.f32 v3, v0  }
0x195: {  	v3 =	vld [tilespmem:s24+$0xFFFFFFE0];
	v1 =	vadd.f32 v34, v1  }
0x196: {  	v35 =	vshll.u32 v32, $0x10;
	v0 =	vadd.f32 v32, v0  }
0x197: {  	v1 =	vadd.f32 v35, v1  }
0x198: {  	v36 =	vshll.u32 v2, $0x10;
	v0 =	vadd.f32 v2, v0  }
0x199: {  	v1 =	vadd.f32 v36, v1  }
0x19a: {  	v2 =	vshll.u32 v3, $0x10;
	v0 =	vadd.f32 v3, v0  }
0x19b: {  	v1 =	vadd.f32 v2, v1  }
0x19c: {  	v0 =	vmul.f32 $6.250000000e-02, v0  }
0x19d: {  	v1 =	vmul.f32 $6.250000000e-02, v1  }
0x19e: {  	[tilespmem:s25+$0xD430] =	vst v0  }
0x19f: {  	[tilespmem:s25+$0xD420] =	vst v1  }
0x1a0: {  	v0 =	vld [tilespmem:s24+$0xFFFFFC30]  }
0x1a1: {  	v1 =	vld [tilespmem:s24+$0xFFFFFC70];
	_ =	sdelay $0x1  }
0x1a2: {  	v2 =	vld [tilespmem:s24+$0xFFFFFCB0];
	_ =	sdelay $0x1  }
0x1a3: {  	v3 =	vld [tilespmem:s24+$0xFFFFFCF0]  }
0x1a4: {  	v37 =	vshll.u32 v0, $0x10;
	v38 =	vshll.u32 v1, $0x10;
	v0 =	vadd.f32 v1, v0  }
0x1a5: {  	v39 =	vld [tilespmem:s24+$0xFFFFFD30];
	v1 =	vadd.f32 v38, v37  }
0x1a6: {  	v40 =	vshll.u32 v2, $0x10;
	v0 =	vadd.f32 v2, v0  }
0x1a7: {  	v2 =	vld [tilespmem:s24+$0xFFFFFD70];
	v1 =	vadd.f32 v40, v1  }
0x1a8: {  	v41 =	vshll.u32 v3, $0x10;
	v0 =	vadd.f32 v3, v0  }
0x1a9: {  	v3 =	vld [tilespmem:s24+$0xFFFFFDB0];
	v1 =	vadd.f32 v41, v1  }
0x1aa: {  	v42 =	vshll.u32 v39, $0x10;
	v0 =	vadd.f32 v39, v0  }
0x1ab: {  	v43 =	vld [tilespmem:s24+$0xFFFFFDF0];
	v1 =	vadd.f32 v42, v1  }
0x1ac: {  	v44 =	vshll.u32 v2, $0x10;
	v0 =	vadd.f32 v2, v0  }
0x1ad: {  	v2 =	vld [tilespmem:s24+$0xFFFFFE30];
	v1 =	vadd.f32 v44, v1  }
0x1ae: {  	v45 =	vshll.u32 v3, $0x10;
	v0 =	vadd.f32 v3, v0  }
0x1af: {  	v3 =	vld [tilespmem:s24+$0xFFFFFE70];
	v1 =	vadd.f32 v45, v1  }
0x1b0: {  	v46 =	vshll.u32 v43, $0x10;
	v0 =	vadd.f32 v43, v0  }
0x1b1: {  	v47 =	vld [tilespmem:s24+$0xFFFFFEB0];
	v1 =	vadd.f32 v46, v1  }
0x1b2: {  	v48 =	vshll.u32 v2, $0x10;
	v0 =	vadd.f32 v2, v0  }
0x1b3: {  	v2 =	vld [tilespmem:s24+$0xFFFFFEF0];
	v1 =	vadd.f32 v48, v1  }
0x1b4: {  	v49 =	vshll.u32 v3, $0x10;
	v0 =	vadd.f32 v3, v0  }
0x1b5: {  	v3 =	vld [tilespmem:s24+$0xFFFFFF30];
	v1 =	vadd.f32 v49, v1  }
0x1b6: {  	v50 =	vshll.u32 v47, $0x10;
	v0 =	vadd.f32 v47, v0  }
0x1b7: {  	v51 =	vld [tilespmem:s24+$0xFFFFFF70];
	v1 =	vadd.f32 v50, v1  }
0x1b8: {  	v52 =	vshll.u32 v2, $0x10;
	v0 =	vadd.f32 v2, v0  }
0x1b9: {  	v2 =	vld [tilespmem:s24+$0xFFFFFFB0];
	v1 =	vadd.f32 v52, v1  }
0x1ba: {  	v53 =	vshll.u32 v3, $0x10;
	v0 =	vadd.f32 v3, v0  }
0x1bb: {  	v3 =	vld [tilespmem:s24+$0xFFFFFFF0];
	v1 =	vadd.f32 v53, v1  }
0x1bc: {  	v54 =	vshll.u32 v51, $0x10;
	v0 =	vadd.f32 v51, v0  }
0x1bd: {  	v1 =	vadd.f32 v54, v1  }
0x1be: {  	v55 =	vshll.u32 v2, $0x10;
	v0 =	vadd.f32 v2, v0  }
0x1bf: {  	v1 =	vadd.f32 v55, v1  }
0x1c0: {  	v2 =	vshll.u32 v3, $0x10;
	v0 =	vadd.f32 v3, v0  }
0x1c1: {  	v1 =	vadd.f32 v2, v1  }
0x1c2: {  	v0 =	vmul.f32 $6.250000000e-02, v0  }
0x1c3: {  	v1 =	vmul.f32 $6.250000000e-02, v1  }
0x1c4: {  	[tilespmem:s25+$0xD450] =	vst v0  }
0x1c5: {  	[tilespmem:s25+$0xD440] =	vst v1  }
0x1c6: {  	v0 =	vld [tilespmem:s24+$0xFFFFFC40]  }
0x1c7: {  	v1 =	vld [tilespmem:s24+$0xFFFFFC80];
	_ =	sdelay $0x1  }
0x1c8: {  	v2 =	vld [tilespmem:s24+$0xFFFFFCC0];
	_ =	sdelay $0x1  }
0x1c9: {  	v3 =	vld [tilespmem:s24+$0xFFFFFD00]  }
0x1ca: {  	v56 =	vadd.f32 v1, v0  }
0x1cb: {  	v57 =	vld [tilespmem:s24+$0xFFFFFD40];
	v0 =	vshll.u32 v0, $0x10;
	v1 =	vshll.u32 v1, $0x10  }
0x1cc: {  	v0 =	vadd.f32 v1, v0;
	v1 =	vadd.f32 v2, v56  }
0x1cd: {  	v58 =	vld [tilespmem:s24+$0xFFFFFD80];
	v2 =	vshll.u32 v2, $0x10  }
0x1ce: {  	v0 =	vadd.f32 v2, v0;
	v1 =	vadd.f32 v3, v1  }
0x1cf: {  	v2 =	vld [tilespmem:s24+$0xFFFFFDC0];
	v3 =	vshll.u32 v3, $0x10  }
0x1d0: {  	v0 =	vadd.f32 v3, v0;
	v1 =	vadd.f32 v57, v1  }
0x1d1: {  	v5 =	vshll.u32 v57, $0x10;
	v3 =	vld [tilespmem:s24+$0xFFFFFE00]  }
0x1d2: {  	v0 =	vadd.f32 v5, v0;
	v1 =	vadd.f32 v58, v1  }
0x1d3: {  	v59 =	vld [tilespmem:s24+$0xFFFFFE40];
	v4 =	vshll.u32 v58, $0x10  }
0x1d4: {  	v0 =	vadd.f32 v4, v0;
	v1 =	vadd.f32 v2, v1  }
0x1d5: {  	v60 =	vld [tilespmem:s24+$0xFFFFFE80];
	v2 =	vshll.u32 v2, $0x10  }
0x1d6: {  	v0 =	vadd.f32 v2, v0;
	v1 =	vadd.f32 v3, v1  }
0x1d7: {  	v2 =	vld [tilespmem:s24+$0xFFFFFEC0];
	v3 =	vshll.u32 v3, $0x10  }
0x1d8: {  	v0 =	vadd.f32 v3, v0;
	v1 =	vadd.f32 v59, v1  }
0x1d9: {  	v5 =	vshll.u32 v59, $0x10;
	v3 =	vld [tilespmem:s24+$0xFFFFFF00]  }
0x1da: {  	v0 =	vadd.f32 v5, v0;
	v1 =	vadd.f32 v60, v1  }
0x1db: {  	v61 =	vld [tilespmem:s24+$0xFFFFFF40];
	v4 =	vshll.u32 v60, $0x10  }
0x1dc: {  	v0 =	vadd.f32 v4, v0;
	v1 =	vadd.f32 v2, v1  }
0x1dd: {  	v62 =	vld [tilespmem:s24+$0xFFFFFF80];
	v2 =	vshll.u32 v2, $0x10  }
0x1de: {  	v0 =	vadd.f32 v2, v0;
	v1 =	vadd.f32 v3, v1  }
0x1df: {  	v2 =	vld [tilespmem:s24+$0xFFFFFFC0];
	v3 =	vshll.u32 v3, $0x10  }
0x1e0: {  	v0 =	vadd.f32 v3, v0;
	v1 =	vadd.f32 v61, v1  }
0x1e1: {  	v5 =	vshll.u32 v61, $0x10;
	v3 =	vld [tilespmem:s24+$0x0]  }
0x1e2: {  	v0 =	vadd.f32 v5, v0;
	v1 =	vadd.f32 v62, v1  }
0x1e3: {  	v4 =	vshll.u32 v62, $0x10  }
0x1e4: {  	v0 =	vadd.f32 v4, v0;
	v63 =	vadd.f32 v2, v1  }
0x1e5: {  	v1 =	vshll.u32 v2, $0x10  }
0x1e6: {  	s26 =	simm.s32 $0x200;
	v2 =	vshll.u32 v3, $0x10;
	v1 =	vadd.f32 v1, v0;
	v0 =	vadd.f32 v3, v63  }
.LBB2_5:
0x1e7: {  	p1 =	sne.s32 s26, $0xE00  }
0x1e8: {  	v1 =	vadd.f32 v2, v1;
	s24 =	sadd.s32 $0x400, s24;
	s28 =	smov.u32 s26;
	s26 =	sadd.s32 $0x200, s26  }
0x1e9: {  	v0 =	vmul.f32 $6.250000000e-02, v0  }
0x1ea: {  	v1 =	vmul.f32 $6.250000000e-02, v1  }
0x1eb: {  	[tilespmem:s25+$0xD470] =	vst v0  }
0x1ec: {  	[tilespmem:s25+$0xD460] =	vst v1  }
0x1ed: {  	v0 =	vld [tilespmem:s24+$0xFFFFFC50]  }
0x1ee: {  	v1 =	vld [tilespmem:s24+$0xFFFFFC10];
	_ =	sdelay $0x1  }
0x1ef: {  	v2 =	vld [tilespmem:s24+$0xFFFFFC90];
	_ =	sdelay $0x1  }
0x1f0: {  	v3 =	vld [tilespmem:s24+$0xFFFFFCD0]  }
0x1f1: {  	v5 =	vshll.u32 v0, $0x10;
	v4 =	vshll.u32 v1, $0x10;
	v0 =	vadd.f32 v0, v1  }
0x1f2: {  	v1 =	vadd.f32 v5, v4;
	v4 =	vld [tilespmem:s24+$0xFFFFFD10]  }
0x1f3: {  	v5 =	vshll.u32 v2, $0x10;
	v0 =	vadd.f32 v2, v0  }
0x1f4: {  	v1 =	vadd.f32 v5, v1;
	v2 =	vld [tilespmem:s24+$0xFFFFFD50]  }
0x1f5: {  	v5 =	vshll.u32 v3, $0x10;
	v0 =	vadd.f32 v3, v0  }
0x1f6: {  	v1 =	vadd.f32 v5, v1;
	v3 =	vld [tilespmem:s24+$0xFFFFFD90]  }
0x1f7: {  	v5 =	vshll.u32 v4, $0x10;
	v0 =	vadd.f32 v4, v0  }
0x1f8: {  	v1 =	vadd.f32 v5, v1;
	v4 =	vld [tilespmem:s24+$0xFFFFFDD0]  }
0x1f9: {  	v5 =	vshll.u32 v2, $0x10;
	v0 =	vadd.f32 v2, v0  }
0x1fa: {  	v1 =	vadd.f32 v5, v1;
	v2 =	vld [tilespmem:s24+$0xFFFFFE10]  }
0x1fb: {  	v5 =	vshll.u32 v3, $0x10;
	v0 =	vadd.f32 v3, v0  }
0x1fc: {  	v1 =	vadd.f32 v5, v1;
	v3 =	vld [tilespmem:s24+$0xFFFFFE50]  }
0x1fd: {  	v5 =	vshll.u32 v4, $0x10;
	v0 =	vadd.f32 v4, v0  }
0x1fe: {  	v1 =	vadd.f32 v5, v1;
	v4 =	vld [tilespmem:s24+$0xFFFFFE90]  }
0x1ff: {  	v5 =	vshll.u32 v2, $0x10;
	v0 =	vadd.f32 v2, v0  }
0x200: {  	v1 =	vadd.f32 v5, v1;
	v2 =	vld [tilespmem:s24+$0xFFFFFED0]  }
0x201: {  	v5 =	vshll.u32 v3, $0x10;
	v0 =	vadd.f32 v3, v0  }
0x202: {  	v1 =	vadd.f32 v5, v1;
	v3 =	vld [tilespmem:s24+$0xFFFFFF10]  }
0x203: {  	v5 =	vshll.u32 v4, $0x10;
	v0 =	vadd.f32 v4, v0  }
0x204: {  	v1 =	vadd.f32 v5, v1;
	v4 =	vld [tilespmem:s24+$0xFFFFFF50]  }
0x205: {  	v5 =	vshll.u32 v2, $0x10;
	v0 =	vadd.f32 v2, v0  }
0x206: {  	v1 =	vadd.f32 v5, v1;
	v2 =	vld [tilespmem:s24+$0xFFFFFF90]  }
0x207: {  	v5 =	vshll.u32 v3, $0x10;
	v0 =	vadd.f32 v3, v0  }
0x208: {  	v1 =	vadd.f32 v5, v1;
	v3 =	vld [tilespmem:s24+$0xFFFFFFD0]  }
0x209: {  	v5 =	vshll.u32 v4, $0x10;
	v0 =	vadd.f32 v4, v0  }
0x20a: {  	v1 =	vadd.f32 v5, v1  }
0x20b: {  	v4 =	vshll.u32 v2, $0x10;
	v0 =	vadd.f32 v2, v0  }
0x20c: {  	v1 =	vadd.f32 v4, v1  }
0x20d: {  	v2 =	vshll.u32 v3, $0x10;
	v0 =	vadd.f32 v3, v0  }
0x20e: {  	v1 =	vadd.f32 v2, v1  }
0x20f: {  	v0 =	vmul.f32 $6.250000000e-02, v0  }
0x210: {  	s25 =	sshra.s32 s28, $0x2;
	v1 =	vmul.f32 $6.250000000e-02, v1  }
0x211: {  	[tilespmem:s25+$0xD410] =	vst v0  }
0x212: {  	[tilespmem:s25+$0xD400] =	vst v1  }
0x213: {  	v0 =	vld [tilespmem:s24+$0xFFFFFC20]  }
0x214: {  	v1 =	vld [tilespmem:s24+$0xFFFFFC60];
	_ =	sdelay $0x1  }
0x215: {  	v2 =	vld [tilespmem:s24+$0xFFFFFCA0];
	_ =	sdelay $0x1  }
0x216: {  	v3 =	vld [tilespmem:s24+$0xFFFFFCE0]  }
0x217: {  	v4 =	vshll.u32 v0, $0x10;
	v5 =	vshll.u32 v1, $0x10;
	v0 =	vadd.f32 v1, v0  }
0x218: {  	v1 =	vadd.f32 v5, v4;
	v4 =	vld [tilespmem:s24+$0xFFFFFD20]  }
0x219: {  	v5 =	vshll.u32 v2, $0x10;
	v0 =	vadd.f32 v2, v0  }
0x21a: {  	v1 =	vadd.f32 v5, v1;
	v2 =	vld [tilespmem:s24+$0xFFFFFD60]  }
0x21b: {  	v5 =	vshll.u32 v3, $0x10;
	v0 =	vadd.f32 v3, v0  }
0x21c: {  	v1 =	vadd.f32 v5, v1;
	v3 =	vld [tilespmem:s24+$0xFFFFFDA0]  }
0x21d: {  	v5 =	vshll.u32 v4, $0x10;
	v0 =	vadd.f32 v4, v0  }
0x21e: {  	v1 =	vadd.f32 v5, v1;
	v4 =	vld [tilespmem:s24+$0xFFFFFDE0]  }
0x21f: {  	v5 =	vshll.u32 v2, $0x10;
	v0 =	vadd.f32 v2, v0  }
0x220: {  	v1 =	vadd.f32 v5, v1;
	v2 =	vld [tilespmem:s24+$0xFFFFFE20]  }
0x221: {  	v5 =	vshll.u32 v3, $0x10;
	v0 =	vadd.f32 v3, v0  }
0x222: {  	v1 =	vadd.f32 v5, v1;
	v3 =	vld [tilespmem:s24+$0xFFFFFE60]  }
0x223: {  	v5 =	vshll.u32 v4, $0x10;
	v0 =	vadd.f32 v4, v0  }
0x224: {  	v1 =	vadd.f32 v5, v1;
	v4 =	vld [tilespmem:s24+$0xFFFFFEA0]  }
0x225: {  	v5 =	vshll.u32 v2, $0x10;
	v0 =	vadd.f32 v2, v0  }
0x226: {  	v1 =	vadd.f32 v5, v1;
	v2 =	vld [tilespmem:s24+$0xFFFFFEE0]  }
0x227: {  	v5 =	vshll.u32 v3, $0x10;
	v0 =	vadd.f32 v3, v0  }
0x228: {  	v1 =	vadd.f32 v5, v1;
	v3 =	vld [tilespmem:s24+$0xFFFFFF20]  }
0x229: {  	v5 =	vshll.u32 v4, $0x10;
	v0 =	vadd.f32 v4, v0  }
0x22a: {  	v1 =	vadd.f32 v5, v1;
	v4 =	vld [tilespmem:s24+$0xFFFFFF60]  }
0x22b: {  	v5 =	vshll.u32 v2, $0x10;
	v0 =	vadd.f32 v2, v0  }
0x22c: {  	v1 =	vadd.f32 v5, v1;
	v2 =	vld [tilespmem:s24+$0xFFFFFFA0]  }
0x22d: {  	v5 =	vshll.u32 v3, $0x10;
	v0 =	vadd.f32 v3, v0  }
0x22e: {  	v1 =	vadd.f32 v5, v1;
	v3 =	vld [tilespmem:s24+$0xFFFFFFE0]  }
0x22f: {  	v5 =	vshll.u32 v4, $0x10;
	v0 =	vadd.f32 v4, v0  }
0x230: {  	v1 =	vadd.f32 v5, v1  }
0x231: {  	v4 =	vshll.u32 v2, $0x10;
	v0 =	vadd.f32 v2, v0  }
0x232: {  	v1 =	vadd.f32 v4, v1  }
0x233: {  	v2 =	vshll.u32 v3, $0x10;
	v0 =	vadd.f32 v3, v0  }
0x234: {  	v1 =	vadd.f32 v2, v1  }
0x235: {  	v0 =	vmul.f32 $6.250000000e-02, v0  }
0x236: {  	v1 =	vmul.f32 $6.250000000e-02, v1  }
0x237: {  	[tilespmem:s25+$0xD430] =	vst v0  }
0x238: {  	[tilespmem:s25+$0xD420] =	vst v1  }
0x239: {  	v0 =	vld [tilespmem:s24+$0xFFFFFC30]  }
0x23a: {  	v1 =	vld [tilespmem:s24+$0xFFFFFC70];
	_ =	sdelay $0x1  }
0x23b: {  	v2 =	vld [tilespmem:s24+$0xFFFFFCB0];
	_ =	sdelay $0x1  }
0x23c: {  	v3 =	vshll.u32 v0, $0x10;
	v4 =	vld [tilespmem:s24+$0xFFFFFCF0]  }
0x23d: {  	v5 =	vshll.u32 v1, $0x10;
	v0 =	vadd.f32 v1, v0  }
0x23e: {  	v1 =	vadd.f32 v5, v3;
	v3 =	vld [tilespmem:s24+$0xFFFFFD30]  }
0x23f: {  	v5 =	vshll.u32 v2, $0x10;
	v0 =	vadd.f32 v2, v0  }
0x240: {  	v1 =	vadd.f32 v5, v1;
	v2 =	vld [tilespmem:s24+$0xFFFFFD70]  }
0x241: {  	v5 =	vshll.u32 v4, $0x10;
	v0 =	vadd.f32 v4, v0  }
0x242: {  	v1 =	vadd.f32 v5, v1;
	v4 =	vld [tilespmem:s24+$0xFFFFFDB0]  }
0x243: {  	v5 =	vshll.u32 v3, $0x10;
	v0 =	vadd.f32 v3, v0  }
0x244: {  	v1 =	vadd.f32 v5, v1;
	v3 =	vld [tilespmem:s24+$0xFFFFFDF0]  }
0x245: {  	v5 =	vshll.u32 v2, $0x10;
	v0 =	vadd.f32 v2, v0  }
0x246: {  	v1 =	vadd.f32 v5, v1;
	v2 =	vld [tilespmem:s24+$0xFFFFFE30]  }
0x247: {  	v5 =	vshll.u32 v4, $0x10;
	v0 =	vadd.f32 v4, v0  }
0x248: {  	v1 =	vadd.f32 v5, v1;
	v4 =	vld [tilespmem:s24+$0xFFFFFE70]  }
0x249: {  	v5 =	vshll.u32 v3, $0x10;
	v0 =	vadd.f32 v3, v0  }
0x24a: {  	v1 =	vadd.f32 v5, v1;
	v3 =	vld [tilespmem:s24+$0xFFFFFEB0]  }
0x24b: {  	v5 =	vshll.u32 v2, $0x10;
	v0 =	vadd.f32 v2, v0  }
0x24c: {  	v1 =	vadd.f32 v5, v1;
	v2 =	vld [tilespmem:s24+$0xFFFFFEF0]  }
0x24d: {  	v5 =	vshll.u32 v4, $0x10;
	v0 =	vadd.f32 v4, v0  }
0x24e: {  	v1 =	vadd.f32 v5, v1;
	v4 =	vld [tilespmem:s24+$0xFFFFFF30]  }
0x24f: {  	v5 =	vshll.u32 v3, $0x10;
	v0 =	vadd.f32 v3, v0  }
0x250: {  	v1 =	vadd.f32 v5, v1;
	v3 =	vld [tilespmem:s24+$0xFFFFFF70]  }
0x251: {  	v5 =	vshll.u32 v2, $0x10;
	v0 =	vadd.f32 v2, v0  }
0x252: {  	v1 =	vadd.f32 v5, v1;
	v2 =	vld [tilespmem:s24+$0xFFFFFFB0]  }
0x253: {  	v5 =	vshll.u32 v4, $0x10;
	v0 =	vadd.f32 v4, v0  }
0x254: {  	v1 =	vadd.f32 v5, v1;
	v4 =	vld [tilespmem:s24+$0xFFFFFFF0]  }
0x255: {  	v5 =	vshll.u32 v3, $0x10;
	v0 =	vadd.f32 v3, v0  }
0x256: {  	v1 =	vadd.f32 v5, v1  }
0x257: {  	v3 =	vshll.u32 v2, $0x10;
	v0 =	vadd.f32 v2, v0  }
0x258: {  	v1 =	vadd.f32 v3, v1  }
0x259: {  	v2 =	vshll.u32 v4, $0x10;
	v0 =	vadd.f32 v4, v0  }
0x25a: {  	v1 =	vadd.f32 v2, v1  }
0x25b: {  	v0 =	vmul.f32 $6.250000000e-02, v0  }
0x25c: {  	v1 =	vmul.f32 $6.250000000e-02, v1  }
0x25d: {  	[tilespmem:s25+$0xD450] =	vst v0  }
0x25e: {  	[tilespmem:s25+$0xD440] =	vst v1  }
0x25f: {  	v0 =	vld [tilespmem:s24+$0xFFFFFC40]  }
0x260: {  	v1 =	vld [tilespmem:s24+$0xFFFFFC80]  }
0x261: {  	v2 =	vld [tilespmem:s24+$0xFFFFFCC0]  }
0x262: {  	v3 =	vld [tilespmem:s24+$0xFFFFFD00]  }
0x263: {  	v4 =	vld [tilespmem:s24+$0xFFFFFD40]  }
0x264: {  	v5 =	vshll.u32 v0, $0x10;
	v6 =	vld [tilespmem:s24+$0xFFFFFD80]  }
0x265: {  	v7 =	vshll.u32 v1, $0x10;
	v0 =	vadd.f32 v1, v0;
	v1 =	vld [tilespmem:s24+$0xFFFFFDC0]  }
0x266: {  	v5 =	vadd.f32 v7, v5;
	v7 =	vshll.u32 v2, $0x10;
	v8 =	vld [tilespmem:s24+$0xFFFFFE00]  }
0x267: {  	v0 =	vadd.f32 v2, v0;
	v2 =	vld [tilespmem:s24+$0xFFFFFE40]  }
0x268: {  	v5 =	vadd.f32 v7, v5;
	v7 =	vshll.u32 v3, $0x10;
	v9 =	vld [tilespmem:s24+$0xFFFFFE80]  }
0x269: {  	v0 =	vadd.f32 v3, v0;
	v3 =	vld [tilespmem:s24+$0xFFFFFEC0]  }
0x26a: {  	v5 =	vadd.f32 v7, v5;
	v7 =	vshll.u32 v4, $0x10;
	v10 =	vld [tilespmem:s24+$0xFFFFFF00]  }
0x26b: {  	v0 =	vadd.f32 v4, v0;
	v4 =	vld [tilespmem:s24+$0xFFFFFF40]  }
0x26c: {  	v5 =	vadd.f32 v7, v5;
	v7 =	vshll.u32 v6, $0x10;
	v11 =	vld [tilespmem:s24+$0xFFFFFF80]  }
0x26d: {  	v0 =	vadd.f32 v6, v0;
	v6 =	vld [tilespmem:s24+$0xFFFFFFC0]  }
0x26e: {  	v5 =	vadd.f32 v7, v5;
	v7 =	vshll.u32 v1, $0x10;
	v12 =	vld [tilespmem:s24+$0x0]  }
0x26f: {  	v0 =	vadd.f32 v1, v0  }
0x270: {  	v1 =	vadd.f32 v7, v5;
	v5 =	vshll.u32 v8, $0x10  }
0x271: {  	v0 =	vadd.f32 v8, v0  }
0x272: {  	v1 =	vadd.f32 v5, v1;
	v5 =	vshll.u32 v2, $0x10  }
0x273: {  	v0 =	vadd.f32 v2, v0  }
0x274: {  	v2 =	vshll.u32 v9, $0x10;
	v1 =	vadd.f32 v5, v1  }
0x275: {  	v0 =	vadd.f32 v9, v0  }
0x276: {  	v1 =	vadd.f32 v2, v1;
	v2 =	vshll.u32 v3, $0x10  }
0x277: {  	v0 =	vadd.f32 v3, v0  }
0x278: {  	v1 =	vadd.f32 v2, v1;
	v2 =	vshll.u32 v10, $0x10  }
0x279: {  	v0 =	vadd.f32 v10, v0  }
0x27a: {  	v1 =	vadd.f32 v2, v1;
	v2 =	vshll.u32 v4, $0x10  }
0x27b: {  	v0 =	vadd.f32 v4, v0  }
0x27c: {  	v1 =	vadd.f32 v2, v1;
	v2 =	vshll.u32 v11, $0x10  }
.Ltmp1:
0x27d: {  	v0 =	vadd.f32 v11, v0;
	(pc) =	sbr.rel @p1 .LBB2_5-.Ltmp1, $4  }
0x27e: {  	v1 =	vadd.f32 v2, v1;
	v2 =	vshll.u32 v6, $0x10  }
0x27f: {  	v0 =	vadd.f32 v6, v0  }
0x280: {  	v1 =	vadd.f32 v2, v1;
	v2 =	vshll.u32 v12, $0x10  }
0x281: {  	v0 =	vadd.f32 v12, v0  }
0x282: {  	v1 =	vadd.f32 v2, v1  }
0x283: {  	v0 =	vmul.f32 $6.250000000e-02, v0  }
0x284: {  	v1 =	vmul.f32 $6.250000000e-02, v1  }
0x285: {  	[tilespmem:s25+$0xD470] =	vst v0  }
0x286: {  	s24 =	sadd.s32 @!p0 $0x280, s23;
	s26 =	simm.s32 @!p0 $0x7000;
	[tilespmem:s25+$0xD460] =	vst v1;
	s25 =	simm.s32 @!p0 $0x80  }
0x287: {  	[tilespmem:s26], [sflag:$0x2] =	stream.indirect.gather @!p0 [hbm4b:s5+s25], $0x40, s24, s25, $0xb8;
	[tilespmem:$0xE000] =	vst v63  }
0x288: {  	_ =	swait.ge [sflag:s18], $0x2000  }
0x289: {  	[sflag:s18] =	ssyncset.done $0x0  }
0x28a: {  	s24 =	simm.s32 $0x0;
	[sflag:s18] =	ssyncadd.s32 $0xFFFFE000  }
0x28b: {  	v0 =	vld [tilespmem:s24+$0x9000]  }
0x28c: {  	v1 =	vld [tilespmem:s24+$0x9040];
	_ =	sdelay $0x1  }
0x28d: {  	v2 =	vld [tilespmem:s24+$0x9080];
	_ =	sdelay $0x1  }
0x28e: {  	v3 =	vld [tilespmem:s24+$0x90C0]  }
0x28f: {  	v4 =	vshll.u32 v0, $0x10;
	v5 =	vshll.u32 v1, $0x10;
	v0 =	vadd.f32 v1, v0  }
0x290: {  	v9 =	vld [tilespmem:s24+$0x9100];
	v1 =	vadd.f32 v5, v4  }
0x291: {  	v10 =	vshll.u32 v2, $0x10;
	v0 =	vadd.f32 v2, v0  }
0x292: {  	v2 =	vld [tilespmem:s24+$0x9140];
	v1 =	vadd.f32 v10, v1  }
0x293: {  	v11 =	vshll.u32 v3, $0x10;
	v0 =	vadd.f32 v3, v0  }
0x294: {  	v3 =	vld [tilespmem:s24+$0x9180];
	v1 =	vadd.f32 v11, v1  }
0x295: {  	v12 =	vshll.u32 v9, $0x10;
	v0 =	vadd.f32 v9, v0  }
0x296: {  	v13 =	vld [tilespmem:s24+$0x91C0];
	v1 =	vadd.f32 v12, v1  }
0x297: {  	v14 =	vshll.u32 v2, $0x10;
	v0 =	vadd.f32 v2, v0  }
0x298: {  	v2 =	vld [tilespmem:s24+$0x9200];
	v1 =	vadd.f32 v14, v1  }
0x299: {  	v15 =	vshll.u32 v3, $0x10;
	v0 =	vadd.f32 v3, v0  }
0x29a: {  	v3 =	vld [tilespmem:s24+$0x9240];
	v1 =	vadd.f32 v15, v1  }
0x29b: {  	v16 =	vshll.u32 v13, $0x10;
	v0 =	vadd.f32 v13, v0  }
0x29c: {  	v17 =	vld [tilespmem:s24+$0x9280];
	v1 =	vadd.f32 v16, v1  }
0x29d: {  	v18 =	vshll.u32 v2, $0x10;
	v0 =	vadd.f32 v2, v0  }
0x29e: {  	v2 =	vld [tilespmem:s24+$0x92C0];
	v1 =	vadd.f32 v18, v1  }
0x29f: {  	v19 =	vshll.u32 v3, $0x10;
	v0 =	vadd.f32 v3, v0  }
0x2a0: {  	v3 =	vld [tilespmem:s24+$0x9300];
	v1 =	vadd.f32 v19, v1  }
0x2a1: {  	v20 =	vshll.u32 v17, $0x10;
	v0 =	vadd.f32 v17, v0  }
0x2a2: {  	v21 =	vld [tilespmem:s24+$0x9340];
	v1 =	vadd.f32 v20, v1  }
0x2a3: {  	v22 =	vshll.u32 v2, $0x10;
	v0 =	vadd.f32 v2, v0  }
0x2a4: {  	v2 =	vld [tilespmem:s24+$0x9380];
	v1 =	vadd.f32 v22, v1  }
0x2a5: {  	v23 =	vshll.u32 v3, $0x10;
	v0 =	vadd.f32 v3, v0  }
0x2a6: {  	v3 =	vld [tilespmem:s24+$0x93C0];
	v1 =	vadd.f32 v23, v1  }
0x2a7: {  	v24 =	vshll.u32 v21, $0x10;
	v0 =	vadd.f32 v21, v0  }
0x2a8: {  	v1 =	vadd.f32 v24, v1  }
0x2a9: {  	v25 =	vshll.u32 v2, $0x10;
	v0 =	vadd.f32 v2, v0  }
0x2aa: {  	v1 =	vadd.f32 v25, v1  }
0x2ab: {  	v2 =	vshll.u32 v3, $0x10;
	v0 =	vadd.f32 v3, v0  }
0x2ac: {  	v1 =	vadd.f32 v2, v1  }
0x2ad: {  	v0 =	vmul.f32 $6.250000000e-02, v0  }
0x2ae: {  	s25 =	simm.s32 $0xD870;
	v1 =	vmul.f32 $6.250000000e-02, v1  }
0x2af: {  	[tilespmem:s25+$0xFFFFFFA0] =	vst v0  }
0x2b0: {  	[tilespmem:s25+$0xFFFFFF90] =	vst v1  }
0x2b1: {  	v0 =	vld [tilespmem:s24+$0x9010]  }
0x2b2: {  	v1 =	vld [tilespmem:s24+$0x9050];
	_ =	sdelay $0x1  }
0x2b3: {  	v2 =	vld [tilespmem:s24+$0x9090];
	_ =	sdelay $0x1  }
0x2b4: {  	v3 =	vld [tilespmem:s24+$0x90D0]  }
0x2b5: {  	v26 =	vshll.u32 v0, $0x10;
	v27 =	vshll.u32 v1, $0x10;
	v0 =	vadd.f32 v1, v0  }
0x2b6: {  	v28 =	vld [tilespmem:s24+$0x9110];
	v1 =	vadd.f32 v27, v26  }
0x2b7: {  	v29 =	vshll.u32 v2, $0x10;
	v0 =	vadd.f32 v2, v0  }
0x2b8: {  	v2 =	vld [tilespmem:s24+$0x9150];
	v1 =	vadd.f32 v29, v1  }
0x2b9: {  	v30 =	vshll.u32 v3, $0x10;
	v0 =	vadd.f32 v3, v0  }
0x2ba: {  	v3 =	vld [tilespmem:s24+$0x9190];
	v1 =	vadd.f32 v30, v1  }
0x2bb: {  	v31 =	vshll.u32 v28, $0x10;
	v0 =	vadd.f32 v28, v0  }
0x2bc: {  	v32 =	vld [tilespmem:s24+$0x91D0];
	v1 =	vadd.f32 v31, v1  }
0x2bd: {  	v33 =	vshll.u32 v2, $0x10;
	v0 =	vadd.f32 v2, v0  }
0x2be: {  	v2 =	vld [tilespmem:s24+$0x9210];
	v1 =	vadd.f32 v33, v1  }
0x2bf: {  	v34 =	vshll.u32 v3, $0x10;
	v0 =	vadd.f32 v3, v0  }
0x2c0: {  	v3 =	vld [tilespmem:s24+$0x9250];
	v1 =	vadd.f32 v34, v1  }
0x2c1: {  	v35 =	vshll.u32 v32, $0x10;
	v0 =	vadd.f32 v32, v0  }
0x2c2: {  	v36 =	vld [tilespmem:s24+$0x9290];
	v1 =	vadd.f32 v35, v1  }
0x2c3: {  	v37 =	vshll.u32 v2, $0x10;
	v0 =	vadd.f32 v2, v0  }
0x2c4: {  	v2 =	vld [tilespmem:s24+$0x92D0];
	v1 =	vadd.f32 v37, v1  }
0x2c5: {  	v38 =	vshll.u32 v3, $0x10;
	v0 =	vadd.f32 v3, v0  }
0x2c6: {  	v3 =	vld [tilespmem:s24+$0x9310];
	v1 =	vadd.f32 v38, v1  }
0x2c7: {  	v39 =	vshll.u32 v36, $0x10;
	v0 =	vadd.f32 v36, v0  }
0x2c8: {  	v40 =	vld [tilespmem:s24+$0x9350];
	v1 =	vadd.f32 v39, v1  }
0x2c9: {  	v41 =	vshll.u32 v2, $0x10;
	v0 =	vadd.f32 v2, v0  }
0x2ca: {  	v2 =	vld [tilespmem:s24+$0x9390];
	v1 =	vadd.f32 v41, v1  }
0x2cb: {  	v42 =	vshll.u32 v3, $0x10;
	v0 =	vadd.f32 v3, v0  }
0x2cc: {  	v3 =	vld [tilespmem:s24+$0x93D0];
	v1 =	vadd.f32 v42, v1  }
0x2cd: {  	v43 =	vshll.u32 v40, $0x10;
	v0 =	vadd.f32 v40, v0  }
0x2ce: {  	v1 =	vadd.f32 v43, v1  }
0x2cf: {  	v44 =	vshll.u32 v2, $0x10;
	v0 =	vadd.f32 v2, v0  }
0x2d0: {  	v1 =	vadd.f32 v44, v1  }
0x2d1: {  	v2 =	vshll.u32 v3, $0x10;
	v0 =	vadd.f32 v3, v0  }
0x2d2: {  	v1 =	vadd.f32 v2, v1  }
0x2d3: {  	v0 =	vmul.f32 $6.250000000e-02, v0  }
0x2d4: {  	v1 =	vmul.f32 $6.250000000e-02, v1  }
0x2d5: {  	[tilespmem:s25+$0xFFFFFFC0] =	vst v0  }
0x2d6: {  	[tilespmem:s25+$0xFFFFFFB0] =	vst v1  }
0x2d7: {  	v0 =	vld [tilespmem:s24+$0x9020]  }
0x2d8: {  	v1 =	vld [tilespmem:s24+$0x9060];
	_ =	sdelay $0x1  }
0x2d9: {  	v2 =	vld [tilespmem:s24+$0x90A0];
	_ =	sdelay $0x1  }
0x2da: {  	v3 =	vld [tilespmem:s24+$0x90E0]  }
0x2db: {  	v45 =	vshll.u32 v0, $0x10;
	v46 =	vshll.u32 v1, $0x10;
	v0 =	vadd.f32 v1, v0  }
0x2dc: {  	v47 =	vld [tilespmem:s24+$0x9120];
	v1 =	vadd.f32 v46, v45  }
0x2dd: {  	v48 =	vshll.u32 v2, $0x10;
	v0 =	vadd.f32 v2, v0  }
0x2de: {  	v2 =	vld [tilespmem:s24+$0x9160];
	v1 =	vadd.f32 v48, v1  }
0x2df: {  	v49 =	vshll.u32 v3, $0x10;
	v0 =	vadd.f32 v3, v0  }
0x2e0: {  	v3 =	vld [tilespmem:s24+$0x91A0];
	v1 =	vadd.f32 v49, v1  }
0x2e1: {  	v50 =	vshll.u32 v47, $0x10;
	v0 =	vadd.f32 v47, v0  }
0x2e2: {  	v51 =	vld [tilespmem:s24+$0x91E0];
	v1 =	vadd.f32 v50, v1  }
0x2e3: {  	v52 =	vshll.u32 v2, $0x10;
	v0 =	vadd.f32 v2, v0  }
0x2e4: {  	v2 =	vld [tilespmem:s24+$0x9220];
	v1 =	vadd.f32 v52, v1  }
0x2e5: {  	v53 =	vshll.u32 v3, $0x10;
	v0 =	vadd.f32 v3, v0  }
0x2e6: {  	v3 =	vld [tilespmem:s24+$0x9260];
	v1 =	vadd.f32 v53, v1  }
0x2e7: {  	v54 =	vshll.u32 v51, $0x10;
	v0 =	vadd.f32 v51, v0  }
0x2e8: {  	v55 =	vld [tilespmem:s24+$0x92A0];
	v1 =	vadd.f32 v54, v1  }
0x2e9: {  	v56 =	vshll.u32 v2, $0x10;
	v0 =	vadd.f32 v2, v0  }
0x2ea: {  	v2 =	vld [tilespmem:s24+$0x92E0];
	v1 =	vadd.f32 v56, v1  }
0x2eb: {  	v57 =	vshll.u32 v3, $0x10;
	v0 =	vadd.f32 v3, v0  }
0x2ec: {  	v3 =	vld [tilespmem:s24+$0x9320];
	v1 =	vadd.f32 v57, v1  }
0x2ed: {  	v58 =	vshll.u32 v55, $0x10;
	v0 =	vadd.f32 v55, v0  }
0x2ee: {  	v59 =	vld [tilespmem:s24+$0x9360];
	v1 =	vadd.f32 v58, v1  }
0x2ef: {  	v60 =	vshll.u32 v2, $0x10;
	v0 =	vadd.f32 v2, v0  }
0x2f0: {  	v2 =	vld [tilespmem:s24+$0x93A0];
	v1 =	vadd.f32 v60, v1  }
0x2f1: {  	v61 =	vshll.u32 v3, $0x10;
	v0 =	vadd.f32 v3, v0  }
0x2f2: {  	v3 =	vld [tilespmem:s24+$0x93E0];
	v1 =	vadd.f32 v61, v1  }
0x2f3: {  	v62 =	vshll.u32 v59, $0x10;
	v0 =	vadd.f32 v59, v0  }
0x2f4: {  	v1 =	vadd.f32 v62, v1  }
0x2f5: {  	v63 =	vshll.u32 v2, $0x10;
	v0 =	vadd.f32 v2, v0  }
0x2f6: {  	v1 =	vadd.f32 v63, v1  }
0x2f7: {  	v2 =	vshll.u32 v3, $0x10;
	v0 =	vadd.f32 v3, v0  }
0x2f8: {  	v1 =	vadd.f32 v2, v1  }
0x2f9: {  	v0 =	vmul.f32 $6.250000000e-02, v0  }
0x2fa: {  	v1 =	vmul.f32 $6.250000000e-02, v1  }
0x2fb: {  	[tilespmem:s25+$0xFFFFFFE0] =	vst v0  }
0x2fc: {  	[tilespmem:s25+$0xFFFFFFD0] =	vst v1  }
0x2fd: {  	v0 =	vld [tilespmem:s24+$0x9030]  }
0x2fe: {  	s28 =	simm.s32 $0x1000;
	s26 =	simm.s32 $0xD870;
	v1 =	vld [tilespmem:s24+$0x9070]  }
.LBB2_7:
0x2ff: {  	p1 =	sne.s32 s28, $0x7000  }
0x300: {  	v2 =	vld [tilespmem:s24+$0x90B0];
	s25 =	sadd.s32 $0x80, s25;
	s29 =	smov.u32 s28;
	s28 =	sadd.s32 $0x1000, s28  }
0x301: {  	v3 =	vld [tilespmem:s24+$0x90F0]  }
0x302: {  	v4 =	vld [tilespmem:s24+$0x9130]  }
0x303: {  	v5 =	vshll.u32 v0, $0x10;
	v6 =	vld [tilespmem:s24+$0x9170]  }
0x304: {  	s29 =	sshra.s32 s29, $0x2;
	v7 =	vshll.u32 v1, $0x10;
	v0 =	vadd.f32 v1, v0;
	v1 =	vld [tilespmem:s24+$0x91B0]  }
0x305: {  	v5 =	vadd.f32 v7, v5;
	v7 =	vshll.u32 v2, $0x10;
	v8 =	vld [tilespmem:s24+$0x91F0]  }
0x306: {  	v0 =	vadd.f32 v2, v0;
	v2 =	vld [tilespmem:s24+$0x9230]  }
0x307: {  	v5 =	vadd.f32 v7, v5;
	v7 =	vshll.u32 v3, $0x10;
	v9 =	vld [tilespmem:s24+$0x9270]  }
0x308: {  	v0 =	vadd.f32 v3, v0;
	v3 =	vld [tilespmem:s24+$0x92B0]  }
0x309: {  	v5 =	vadd.f32 v7, v5;
	v7 =	vshll.u32 v4, $0x10;
	v10 =	vld [tilespmem:s24+$0x92F0]  }
0x30a: {  	v0 =	vadd.f32 v4, v0;
	v4 =	vld [tilespmem:s24+$0x9330]  }
0x30b: {  	v5 =	vadd.f32 v7, v5;
	v7 =	vshll.u32 v6, $0x10;
	v11 =	vld [tilespmem:s24+$0x9370]  }
0x30c: {  	v0 =	vadd.f32 v6, v0;
	v6 =	vld [tilespmem:s24+$0x93B0]  }
0x30d: {  	v5 =	vadd.f32 v7, v5;
	v7 =	vshll.u32 v1, $0x10;
	v12 =	vld [tilespmem:s24+$0x93F0];
	s24 =	smov.u32 s29  }
0x30e: {  	v0 =	vadd.f32 v1, v0  }
0x30f: {  	v1 =	vadd.f32 v7, v5;
	v5 =	vshll.u32 v8, $0x10  }
0x310: {  	v0 =	vadd.f32 v8, v0  }
0x311: {  	v1 =	vadd.f32 v5, v1;
	v5 =	vshll.u32 v2, $0x10  }
0x312: {  	v0 =	vadd.f32 v2, v0  }
0x313: {  	v2 =	vshll.u32 v9, $0x10;
	v1 =	vadd.f32 v5, v1  }
0x314: {  	v0 =	vadd.f32 v9, v0  }
0x315: {  	v1 =	vadd.f32 v2, v1;
	v2 =	vshll.u32 v3, $0x10  }
0x316: {  	v0 =	vadd.f32 v3, v0  }
0x317: {  	v1 =	vadd.f32 v2, v1;
	v2 =	vshll.u32 v10, $0x10  }
0x318: {  	v0 =	vadd.f32 v10, v0  }
0x319: {  	v1 =	vadd.f32 v2, v1;
	v2 =	vshll.u32 v4, $0x10  }
0x31a: {  	v0 =	vadd.f32 v4, v0  }
0x31b: {  	v1 =	vadd.f32 v2, v1;
	v2 =	vshll.u32 v11, $0x10  }
0x31c: {  	v0 =	vadd.f32 v11, v0  }
0x31d: {  	v1 =	vadd.f32 v2, v1;
	v2 =	vshll.u32 v6, $0x10  }
0x31e: {  	v0 =	vadd.f32 v6, v0  }
0x31f: {  	v1 =	vadd.f32 v2, v1;
	v2 =	vshll.u32 v12, $0x10  }
0x320: {  	v0 =	vadd.f32 v12, v0  }
0x321: {  	v1 =	vadd.f32 v2, v1  }
0x322: {  	v0 =	vmul.f32 $6.250000000e-02, v0  }
0x323: {  	v1 =	vmul.f32 $6.250000000e-02, v1  }
0x324: {  	[tilespmem:s26+$0x0] =	vst v0  }
0x325: {  	[tilespmem:s26+$0xFFFFFFF0] =	vst v1;
	s26 =	smov.u32 s25  }
0x326: {  	v0 =	vld [tilespmem:s24+$0x9000]  }
0x327: {  	v1 =	vld [tilespmem:s24+$0x9040];
	_ =	sdelay $0x1  }
0x328: {  	v2 =	vld [tilespmem:s24+$0x9080];
	_ =	sdelay $0x1  }
0x329: {  	v3 =	vld [tilespmem:s24+$0x90C0]  }
0x32a: {  	v4 =	vshll.u32 v0, $0x10;
	v5 =	vshll.u32 v1, $0x10;
	v0 =	vadd.f32 v1, v0  }
0x32b: {  	v1 =	vadd.f32 v5, v4;
	v4 =	vld [tilespmem:s24+$0x9100]  }
0x32c: {  	v5 =	vshll.u32 v2, $0x10;
	v0 =	vadd.f32 v2, v0  }
0x32d: {  	v1 =	vadd.f32 v5, v1;
	v2 =	vld [tilespmem:s24+$0x9140]  }
0x32e: {  	v5 =	vshll.u32 v3, $0x10;
	v0 =	vadd.f32 v3, v0  }
0x32f: {  	v1 =	vadd.f32 v5, v1;
	v3 =	vld [tilespmem:s24+$0x9180]  }
0x330: {  	v5 =	vshll.u32 v4, $0x10;
	v0 =	vadd.f32 v4, v0  }
0x331: {  	v1 =	vadd.f32 v5, v1;
	v4 =	vld [tilespmem:s24+$0x91C0]  }
0x332: {  	v5 =	vshll.u32 v2, $0x10;
	v0 =	vadd.f32 v2, v0  }
0x333: {  	v1 =	vadd.f32 v5, v1;
	v2 =	vld [tilespmem:s24+$0x9200]  }
0x334: {  	v5 =	vshll.u32 v3, $0x10;
	v0 =	vadd.f32 v3, v0  }
0x335: {  	v1 =	vadd.f32 v5, v1;
	v3 =	vld [tilespmem:s24+$0x9240]  }
0x336: {  	v5 =	vshll.u32 v4, $0x10;
	v0 =	vadd.f32 v4, v0  }
0x337: {  	v1 =	vadd.f32 v5, v1;
	v4 =	vld [tilespmem:s24+$0x9280]  }
0x338: {  	v5 =	vshll.u32 v2, $0x10;
	v0 =	vadd.f32 v2, v0  }
0x339: {  	v1 =	vadd.f32 v5, v1;
	v2 =	vld [tilespmem:s24+$0x92C0]  }
0x33a: {  	v5 =	vshll.u32 v3, $0x10;
	v0 =	vadd.f32 v3, v0  }
0x33b: {  	v1 =	vadd.f32 v5, v1;
	v3 =	vld [tilespmem:s24+$0x9300]  }
0x33c: {  	v5 =	vshll.u32 v4, $0x10;
	v0 =	vadd.f32 v4, v0  }
0x33d: {  	v1 =	vadd.f32 v5, v1;
	v4 =	vld [tilespmem:s24+$0x9340]  }
0x33e: {  	v5 =	vshll.u32 v2, $0x10;
	v0 =	vadd.f32 v2, v0  }
0x33f: {  	v1 =	vadd.f32 v5, v1;
	v2 =	vld [tilespmem:s24+$0x9380]  }
0x340: {  	v5 =	vshll.u32 v3, $0x10;
	v0 =	vadd.f32 v3, v0  }
0x341: {  	v1 =	vadd.f32 v5, v1;
	v3 =	vld [tilespmem:s24+$0x93C0]  }
0x342: {  	v5 =	vshll.u32 v4, $0x10;
	v0 =	vadd.f32 v4, v0  }
0x343: {  	v1 =	vadd.f32 v5, v1  }
0x344: {  	v4 =	vshll.u32 v2, $0x10;
	v0 =	vadd.f32 v2, v0  }
0x345: {  	v1 =	vadd.f32 v4, v1  }
0x346: {  	v2 =	vshll.u32 v3, $0x10;
	v0 =	vadd.f32 v3, v0  }
0x347: {  	v1 =	vadd.f32 v2, v1  }
0x348: {  	v0 =	vmul.f32 $6.250000000e-02, v0  }
0x349: {  	v1 =	vmul.f32 $6.250000000e-02, v1  }
0x34a: {  	[tilespmem:s25+$0xFFFFFFA0] =	vst v0  }
0x34b: {  	[tilespmem:s25+$0xFFFFFF90] =	vst v1  }
0x34c: {  	v0 =	vld [tilespmem:s24+$0x9010]  }
0x34d: {  	v1 =	vld [tilespmem:s24+$0x9050];
	_ =	sdelay $0x1  }
0x34e: {  	v2 =	vld [tilespmem:s24+$0x9090];
	_ =	sdelay $0x1  }
0x34f: {  	v3 =	vld [tilespmem:s24+$0x90D0]  }
0x350: {  	v4 =	vshll.u32 v0, $0x10;
	v5 =	vshll.u32 v1, $0x10;
	v0 =	vadd.f32 v1, v0  }
0x351: {  	v1 =	vadd.f32 v5, v4;
	v4 =	vld [tilespmem:s24+$0x9110]  }
0x352: {  	v5 =	vshll.u32 v2, $0x10;
	v0 =	vadd.f32 v2, v0  }
0x353: {  	v1 =	vadd.f32 v5, v1;
	v2 =	vld [tilespmem:s24+$0x9150]  }
0x354: {  	v5 =	vshll.u32 v3, $0x10;
	v0 =	vadd.f32 v3, v0  }
0x355: {  	v1 =	vadd.f32 v5, v1;
	v3 =	vld [tilespmem:s24+$0x9190]  }
0x356: {  	v5 =	vshll.u32 v4, $0x10;
	v0 =	vadd.f32 v4, v0  }
0x357: {  	v1 =	vadd.f32 v5, v1;
	v4 =	vld [tilespmem:s24+$0x91D0]  }
0x358: {  	v5 =	vshll.u32 v2, $0x10;
	v0 =	vadd.f32 v2, v0  }
0x359: {  	v1 =	vadd.f32 v5, v1;
	v2 =	vld [tilespmem:s24+$0x9210]  }
0x35a: {  	v5 =	vshll.u32 v3, $0x10;
	v0 =	vadd.f32 v3, v0  }
0x35b: {  	v1 =	vadd.f32 v5, v1;
	v3 =	vld [tilespmem:s24+$0x9250]  }
0x35c: {  	v5 =	vshll.u32 v4, $0x10;
	v0 =	vadd.f32 v4, v0  }
0x35d: {  	v1 =	vadd.f32 v5, v1;
	v4 =	vld [tilespmem:s24+$0x9290]  }
0x35e: {  	v5 =	vshll.u32 v2, $0x10;
	v0 =	vadd.f32 v2, v0  }
0x35f: {  	v1 =	vadd.f32 v5, v1;
	v2 =	vld [tilespmem:s24+$0x92D0]  }
0x360: {  	v5 =	vshll.u32 v3, $0x10;
	v0 =	vadd.f32 v3, v0  }
0x361: {  	v1 =	vadd.f32 v5, v1;
	v3 =	vld [tilespmem:s24+$0x9310]  }
0x362: {  	v5 =	vshll.u32 v4, $0x10;
	v0 =	vadd.f32 v4, v0  }
0x363: {  	v1 =	vadd.f32 v5, v1;
	v4 =	vld [tilespmem:s24+$0x9350]  }
0x364: {  	v5 =	vshll.u32 v2, $0x10;
	v0 =	vadd.f32 v2, v0  }
0x365: {  	v1 =	vadd.f32 v5, v1;
	v2 =	vld [tilespmem:s24+$0x9390]  }
0x366: {  	v5 =	vshll.u32 v3, $0x10;
	v0 =	vadd.f32 v3, v0  }
0x367: {  	v1 =	vadd.f32 v5, v1;
	v3 =	vld [tilespmem:s24+$0x93D0]  }
0x368: {  	v5 =	vshll.u32 v4, $0x10;
	v0 =	vadd.f32 v4, v0  }
0x369: {  	v1 =	vadd.f32 v5, v1  }
0x36a: {  	v4 =	vshll.u32 v2, $0x10;
	v0 =	vadd.f32 v2, v0  }
0x36b: {  	v1 =	vadd.f32 v4, v1  }
0x36c: {  	v2 =	vshll.u32 v3, $0x10;
	v0 =	vadd.f32 v3, v0  }
0x36d: {  	v1 =	vadd.f32 v2, v1  }
0x36e: {  	v0 =	vmul.f32 $6.250000000e-02, v0  }
0x36f: {  	v1 =	vmul.f32 $6.250000000e-02, v1  }
0x370: {  	[tilespmem:s25+$0xFFFFFFC0] =	vst v0  }
0x371: {  	[tilespmem:s25+$0xFFFFFFB0] =	vst v1  }
0x372: {  	v0 =	vld [tilespmem:s24+$0x9020]  }
0x373: {  	v1 =	vld [tilespmem:s24+$0x9060];
	_ =	sdelay $0x1  }
0x374: {  	v2 =	vld [tilespmem:s24+$0x90A0];
	_ =	sdelay $0x1  }
0x375: {  	v3 =	vshll.u32 v0, $0x10;
	v4 =	vld [tilespmem:s24+$0x90E0]  }
0x376: {  	v5 =	vshll.u32 v1, $0x10;
	v0 =	vadd.f32 v1, v0  }
0x377: {  	v1 =	vadd.f32 v5, v3;
	v3 =	vld [tilespmem:s24+$0x9120]  }
0x378: {  	v5 =	vshll.u32 v2, $0x10;
	v0 =	vadd.f32 v2, v0  }
0x379: {  	v1 =	vadd.f32 v5, v1;
	v2 =	vld [tilespmem:s24+$0x9160]  }
0x37a: {  	v5 =	vshll.u32 v4, $0x10;
	v0 =	vadd.f32 v4, v0  }
0x37b: {  	v1 =	vadd.f32 v5, v1;
	v4 =	vld [tilespmem:s24+$0x91A0]  }
0x37c: {  	v5 =	vshll.u32 v3, $0x10;
	v0 =	vadd.f32 v3, v0  }
0x37d: {  	v1 =	vadd.f32 v5, v1;
	v3 =	vld [tilespmem:s24+$0x91E0]  }
0x37e: {  	v5 =	vshll.u32 v2, $0x10;
	v0 =	vadd.f32 v2, v0  }
0x37f: {  	v1 =	vadd.f32 v5, v1;
	v2 =	vld [tilespmem:s24+$0x9220]  }
0x380: {  	v5 =	vshll.u32 v4, $0x10;
	v0 =	vadd.f32 v4, v0  }
0x381: {  	v1 =	vadd.f32 v5, v1;
	v4 =	vld [tilespmem:s24+$0x9260]  }
0x382: {  	v5 =	vshll.u32 v3, $0x10;
	v0 =	vadd.f32 v3, v0  }
0x383: {  	v1 =	vadd.f32 v5, v1;
	v3 =	vld [tilespmem:s24+$0x92A0]  }
0x384: {  	v5 =	vshll.u32 v2, $0x10;
	v0 =	vadd.f32 v2, v0  }
0x385: {  	v1 =	vadd.f32 v5, v1;
	v2 =	vld [tilespmem:s24+$0x92E0]  }
0x386: {  	v5 =	vshll.u32 v4, $0x10;
	v0 =	vadd.f32 v4, v0  }
0x387: {  	v1 =	vadd.f32 v5, v1;
	v4 =	vld [tilespmem:s24+$0x9320]  }
0x388: {  	v5 =	vshll.u32 v3, $0x10;
	v0 =	vadd.f32 v3, v0  }
0x389: {  	v1 =	vadd.f32 v5, v1;
	v3 =	vld [tilespmem:s24+$0x9360]  }
0x38a: {  	v5 =	vshll.u32 v2, $0x10;
	v0 =	vadd.f32 v2, v0  }
0x38b: {  	v1 =	vadd.f32 v5, v1;
	v2 =	vld [tilespmem:s24+$0x93A0]  }
0x38c: {  	v5 =	vshll.u32 v4, $0x10;
	v0 =	vadd.f32 v4, v0  }
0x38d: {  	v1 =	vadd.f32 v5, v1;
	v4 =	vld [tilespmem:s24+$0x93E0]  }
0x38e: {  	v5 =	vshll.u32 v3, $0x10;
	v0 =	vadd.f32 v3, v0  }
0x38f: {  	v1 =	vadd.f32 v5, v1  }
0x390: {  	v3 =	vshll.u32 v2, $0x10;
	v0 =	vadd.f32 v2, v0  }
0x391: {  	v1 =	vadd.f32 v3, v1  }
0x392: {  	v2 =	vshll.u32 v4, $0x10;
	v0 =	vadd.f32 v4, v0  }
0x393: {  	v1 =	vadd.f32 v2, v1  }
0x394: {  	v0 =	vmul.f32 $6.250000000e-02, v0  }
.Ltmp2:
0x395: {  	v1 =	vmul.f32 $6.250000000e-02, v1;
	(pc) =	sbr.rel @p1 .LBB2_7-.Ltmp2, $4  }
0x396: {  	[tilespmem:s25+$0xFFFFFFE0] =	vst v0  }
0x397: {  	[tilespmem:s25+$0xFFFFFFD0] =	vst v1  }
0x398: {  	v0 =	vld [tilespmem:s24+$0x9030]  }
0x399: {  	v1 =	vld [tilespmem:s24+$0x9070]  }
0x39a: {  	_ = 	snop  }
0x39b: {  	v2 =	vld [tilespmem:s24+$0x90B0];
	_ =	sdelay $0x1  }
0x39c: {  	v3 =	vld [tilespmem:s24+$0x90F0]  }
0x39d: {  	v4 =	vshll.u32 v0, $0x10;
	v5 =	vshll.u32 v1, $0x10;
	v0 =	vadd.f32 v1, v0  }
0x39e: {  	v1 =	vld [tilespmem:s24+$0x9130];
	v4 =	vadd.f32 v5, v4  }
0x39f: {  	v50 =	vshll.u32 v2, $0x10;
	v0 =	vadd.f32 v2, v0  }
0x3a0: {  	v2 =	vld [tilespmem:s24+$0x9170];
	v4 =	vadd.f32 v50, v4  }
0x3a1: {  	v51 =	vshll.u32 v3, $0x10;
	v0 =	vadd.f32 v3, v0  }
0x3a2: {  	v3 =	vld [tilespmem:s24+$0x91B0];
	v4 =	vadd.f32 v51, v4  }
0x3a3: {  	v52 =	vshll.u32 v1, $0x10;
	v0 =	vadd.f32 v1, v0  }
0x3a4: {  	v1 =	vld [tilespmem:s24+$0x91F0];
	v4 =	vadd.f32 v52, v4  }
0x3a5: {  	v53 =	vshll.u32 v2, $0x10;
	v0 =	vadd.f32 v2, v0  }
0x3a6: {  	v2 =	vld [tilespmem:s24+$0x9230];
	v4 =	vadd.f32 v53, v4  }
0x3a7: {  	v54 =	vshll.u32 v3, $0x10;
	v0 =	vadd.f32 v3, v0  }
0x3a8: {  	v3 =	vld [tilespmem:s24+$0x9270];
	v4 =	vadd.f32 v54, v4  }
0x3a9: {  	v55 =	vshll.u32 v1, $0x10;
	v0 =	vadd.f32 v1, v0  }
0x3aa: {  	v1 =	vld [tilespmem:s24+$0x92B0];
	v4 =	vadd.f32 v55, v4  }
0x3ab: {  	v56 =	vshll.u32 v2, $0x10;
	v0 =	vadd.f32 v2, v0  }
0x3ac: {  	v2 =	vld [tilespmem:s24+$0x92F0];
	v4 =	vadd.f32 v56, v4  }
0x3ad: {  	v57 =	vshll.u32 v3, $0x10;
	v0 =	vadd.f32 v3, v0  }
0x3ae: {  	v3 =	vld [tilespmem:s24+$0x9330];
	v4 =	vadd.f32 v57, v4  }
0x3af: {  	v58 =	vshll.u32 v1, $0x10;
	v0 =	vadd.f32 v1, v0  }
0x3b0: {  	v1 =	vld [tilespmem:s24+$0x9370];
	v4 =	vadd.f32 v58, v4  }
0x3b1: {  	v59 =	vshll.u32 v2, $0x10;
	v0 =	vadd.f32 v2, v0  }
0x3b2: {  	v2 =	vld [tilespmem:s24+$0x93B0];
	v4 =	vadd.f32 v59, v4  }
0x3b3: {  	v60 =	vshll.u32 v3, $0x10;
	v0 =	vadd.f32 v3, v0  }
0x3b4: {  	v3 =	vld [tilespmem:s24+$0x93F0];
	v4 =	vadd.f32 v60, v4  }
0x3b5: {  	v61 =	vshll.u32 v1, $0x10;
	v0 =	vadd.f32 v1, v0  }
0x3b6: {  	v1 =	vadd.f32 v61, v4  }
0x3b7: {  	v62 =	vshll.u32 v2, $0x10;
	v0 =	vadd.f32 v2, v0  }
0x3b8: {  	v1 =	vadd.f32 v62, v1  }
0x3b9: {  	v2 =	vshll.u32 v3, $0x10;
	v0 =	vadd.f32 v3, v0  }
0x3ba: {  	v1 =	vadd.f32 v2, v1  }
0x3bb: {  	v0 =	vmul.f32 $6.250000000e-02, v0  }
0x3bc: {  	v1 =	vmul.f32 $6.250000000e-02, v1  }
0x3bd: {  	[tilespmem:s26+$0x0] =	vst v0  }
0x3be: {  	s25 =	simm.s32 @!p0 $0x80;
	s24 =	sadd.s32 @!p0 $0x300, s23;
	[tilespmem:s26+$0xFFFFFFF0] =	vst v1;
	s26 =	simm.s32 @!p0 $0x9000  }
0x3bf: {  	[tilespmem:s26], [sflag:$0x3] =	stream.indirect.gather @!p0 [hbm4b:s5+s25], $0x40, s24, s25, $0xb8;
	[tilespmem:$0xE000] =	vst v63  }
0x3c0: {  	_ =	swait.ge [sflag:s19], $0x2000  }
0x3c1: {  	[sflag:s19] =	ssyncset.done $0x0  }
0x3c2: {  	s24 =	simm.s32 $0x0;
	[sflag:s19] =	ssyncadd.s32 $0xFFFFE000  }
0x3c3: {  	v0 =	vld [tilespmem:s24+$0xB000]  }
0x3c4: {  	v1 =	vld [tilespmem:s24+$0xB040];
	_ =	sdelay $0x1  }
0x3c5: {  	v2 =	vld [tilespmem:s24+$0xB080];
	_ =	sdelay $0x1  }
0x3c6: {  	v3 =	vld [tilespmem:s24+$0xB0C0]  }
0x3c7: {  	v63 =	vshll.u32 v0, $0x10;
	v8 =	vshll.u32 v1, $0x10;
	v0 =	vadd.f32 v1, v0  }
0x3c8: {  	v9 =	vld [tilespmem:s24+$0xB100];
	v1 =	vadd.f32 v8, v63  }
0x3c9: {  	v10 =	vshll.u32 v2, $0x10;
	v0 =	vadd.f32 v2, v0  }
0x3ca: {  	v2 =	vld [tilespmem:s24+$0xB140];
	v1 =	vadd.f32 v10, v1  }
0x3cb: {  	v11 =	vshll.u32 v3, $0x10;
	v0 =	vadd.f32 v3, v0  }
0x3cc: {  	v3 =	vld [tilespmem:s24+$0xB180];
	v1 =	vadd.f32 v11, v1  }
0x3cd: {  	v12 =	vshll.u32 v9, $0x10;
	v0 =	vadd.f32 v9, v0  }
0x3ce: {  	v13 =	vld [tilespmem:s24+$0xB1C0];
	v1 =	vadd.f32 v12, v1  }
0x3cf: {  	v14 =	vshll.u32 v2, $0x10;
	v0 =	vadd.f32 v2, v0  }
0x3d0: {  	v2 =	vld [tilespmem:s24+$0xB200];
	v1 =	vadd.f32 v14, v1  }
0x3d1: {  	v15 =	vshll.u32 v3, $0x10;
	v0 =	vadd.f32 v3, v0  }
0x3d2: {  	v3 =	vld [tilespmem:s24+$0xB240];
	v1 =	vadd.f32 v15, v1  }
0x3d3: {  	v16 =	vshll.u32 v13, $0x10;
	v0 =	vadd.f32 v13, v0  }
0x3d4: {  	v17 =	vld [tilespmem:s24+$0xB280];
	v1 =	vadd.f32 v16, v1  }
0x3d5: {  	v18 =	vshll.u32 v2, $0x10;
	v0 =	vadd.f32 v2, v0  }
0x3d6: {  	v2 =	vld [tilespmem:s24+$0xB2C0];
	v1 =	vadd.f32 v18, v1  }
0x3d7: {  	v19 =	vshll.u32 v3, $0x10;
	v0 =	vadd.f32 v3, v0  }
0x3d8: {  	v3 =	vld [tilespmem:s24+$0xB300];
	v1 =	vadd.f32 v19, v1  }
0x3d9: {  	v20 =	vshll.u32 v17, $0x10;
	v0 =	vadd.f32 v17, v0  }
0x3da: {  	v21 =	vld [tilespmem:s24+$0xB340];
	v1 =	vadd.f32 v20, v1  }
0x3db: {  	v22 =	vshll.u32 v2, $0x10;
	v0 =	vadd.f32 v2, v0  }
0x3dc: {  	v2 =	vld [tilespmem:s24+$0xB380];
	v1 =	vadd.f32 v22, v1  }
0x3dd: {  	v23 =	vshll.u32 v3, $0x10;
	v0 =	vadd.f32 v3, v0  }
0x3de: {  	v3 =	vld [tilespmem:s24+$0xB3C0];
	v1 =	vadd.f32 v23, v1  }
0x3df: {  	v24 =	vshll.u32 v21, $0x10;
	v0 =	vadd.f32 v21, v0  }
0x3e0: {  	v1 =	vadd.f32 v24, v1  }
0x3e1: {  	v25 =	vshll.u32 v2, $0x10;
	v0 =	vadd.f32 v2, v0  }
0x3e2: {  	v1 =	vadd.f32 v25, v1  }
0x3e3: {  	v2 =	vshll.u32 v3, $0x10;
	v0 =	vadd.f32 v3, v0  }
0x3e4: {  	v1 =	vadd.f32 v2, v1  }
0x3e5: {  	v0 =	vmul.f32 $6.250000000e-02, v0  }
0x3e6: {  	s25 =	simm.s32 $0xDC70;
	v1 =	vmul.f32 $6.250000000e-02, v1  }
0x3e7: {  	[tilespmem:s25+$0xFFFFFFA0] =	vst v0  }
0x3e8: {  	[tilespmem:s25+$0xFFFFFF90] =	vst v1  }
0x3e9: {  	v0 =	vld [tilespmem:s24+$0xB010]  }
0x3ea: {  	v1 =	vld [tilespmem:s24+$0xB050];
	_ =	sdelay $0x1  }
0x3eb: {  	v2 =	vld [tilespmem:s24+$0xB090];
	_ =	sdelay $0x1  }
0x3ec: {  	v3 =	vld [tilespmem:s24+$0xB0D0]  }
0x3ed: {  	v26 =	vshll.u32 v0, $0x10;
	v27 =	vshll.u32 v1, $0x10;
	v0 =	vadd.f32 v1, v0  }
0x3ee: {  	v28 =	vld [tilespmem:s24+$0xB110];
	v1 =	vadd.f32 v27, v26  }
0x3ef: {  	v29 =	vshll.u32 v2, $0x10;
	v0 =	vadd.f32 v2, v0  }
0x3f0: {  	v2 =	vld [tilespmem:s24+$0xB150];
	v1 =	vadd.f32 v29, v1  }
0x3f1: {  	v30 =	vshll.u32 v3, $0x10;
	v0 =	vadd.f32 v3, v0  }
0x3f2: {  	v3 =	vld [tilespmem:s24+$0xB190];
	v1 =	vadd.f32 v30, v1  }
0x3f3: {  	v31 =	vshll.u32 v28, $0x10;
	v0 =	vadd.f32 v28, v0  }
0x3f4: {  	v32 =	vld [tilespmem:s24+$0xB1D0];
	v1 =	vadd.f32 v31, v1  }
0x3f5: {  	v33 =	vshll.u32 v2, $0x10;
	v0 =	vadd.f32 v2, v0  }
0x3f6: {  	v2 =	vld [tilespmem:s24+$0xB210];
	v1 =	vadd.f32 v33, v1  }
0x3f7: {  	v34 =	vshll.u32 v3, $0x10;
	v0 =	vadd.f32 v3, v0  }
0x3f8: {  	v3 =	vld [tilespmem:s24+$0xB250];
	v1 =	vadd.f32 v34, v1  }
0x3f9: {  	v35 =	vshll.u32 v32, $0x10;
	v0 =	vadd.f32 v32, v0  }
0x3fa: {  	v36 =	vld [tilespmem:s24+$0xB290];
	v1 =	vadd.f32 v35, v1  }
0x3fb: {  	v37 =	vshll.u32 v2, $0x10;
	v0 =	vadd.f32 v2, v0  }
0x3fc: {  	v2 =	vld [tilespmem:s24+$0xB2D0];
	v1 =	vadd.f32 v37, v1  }
0x3fd: {  	v38 =	vshll.u32 v3, $0x10;
	v0 =	vadd.f32 v3, v0  }
0x3fe: {  	v3 =	vld [tilespmem:s24+$0xB310];
	v1 =	vadd.f32 v38, v1  }
0x3ff: {  	v39 =	vshll.u32 v36, $0x10;
	v0 =	vadd.f32 v36, v0  }
0x400: {  	v40 =	vld [tilespmem:s24+$0xB350];
	v1 =	vadd.f32 v39, v1  }
0x401: {  	v41 =	vshll.u32 v2, $0x10;
	v0 =	vadd.f32 v2, v0  }
0x402: {  	v2 =	vld [tilespmem:s24+$0xB390];
	v1 =	vadd.f32 v41, v1  }
0x403: {  	v42 =	vshll.u32 v3, $0x10;
	v0 =	vadd.f32 v3, v0  }
0x404: {  	v3 =	vld [tilespmem:s24+$0xB3D0];
	v1 =	vadd.f32 v42, v1  }
0x405: {  	v43 =	vshll.u32 v40, $0x10;
	v0 =	vadd.f32 v40, v0  }
0x406: {  	v1 =	vadd.f32 v43, v1  }
0x407: {  	v44 =	vshll.u32 v2, $0x10;
	v0 =	vadd.f32 v2, v0  }
0x408: {  	v1 =	vadd.f32 v44, v1  }
0x409: {  	v2 =	vshll.u32 v3, $0x10;
	v0 =	vadd.f32 v3, v0  }
0x40a: {  	v1 =	vadd.f32 v2, v1  }
0x40b: {  	v0 =	vmul.f32 $6.250000000e-02, v0  }
0x40c: {  	v1 =	vmul.f32 $6.250000000e-02, v1  }
0x40d: {  	[tilespmem:s25+$0xFFFFFFC0] =	vst v0  }
0x40e: {  	[tilespmem:s25+$0xFFFFFFB0] =	vst v1  }
0x40f: {  	v0 =	vld [tilespmem:s24+$0xB020]  }
0x410: {  	v1 =	vld [tilespmem:s24+$0xB060];
	_ =	sdelay $0x1  }
0x411: {  	v2 =	vld [tilespmem:s24+$0xB0A0];
	_ =	sdelay $0x1  }
0x412: {  	v3 =	vld [tilespmem:s24+$0xB0E0]  }
0x413: {  	v45 =	vshll.u32 v0, $0x10;
	v46 =	vshll.u32 v1, $0x10;
	v0 =	vadd.f32 v1, v0  }
0x414: {  	v47 =	vld [tilespmem:s24+$0xB120];
	v1 =	vadd.f32 v46, v45  }
0x415: {  	v48 =	vshll.u32 v2, $0x10;
	v0 =	vadd.f32 v2, v0  }
0x416: {  	v2 =	vld [tilespmem:s24+$0xB160];
	v1 =	vadd.f32 v48, v1  }
0x417: {  	v49 =	vshll.u32 v3, $0x10;
	v0 =	vadd.f32 v3, v0  }
0x418: {  	v3 =	vld [tilespmem:s24+$0xB1A0];
	v1 =	vadd.f32 v49, v1  }
0x419: {  	v50 =	vshll.u32 v47, $0x10;
	v0 =	vadd.f32 v47, v0  }
0x41a: {  	v51 =	vld [tilespmem:s24+$0xB1E0];
	v1 =	vadd.f32 v50, v1  }
0x41b: {  	v52 =	vshll.u32 v2, $0x10;
	v0 =	vadd.f32 v2, v0  }
0x41c: {  	v2 =	vld [tilespmem:s24+$0xB220];
	v1 =	vadd.f32 v52, v1  }
0x41d: {  	v53 =	vshll.u32 v3, $0x10;
	v0 =	vadd.f32 v3, v0  }
0x41e: {  	v3 =	vld [tilespmem:s24+$0xB260];
	v1 =	vadd.f32 v53, v1  }
0x41f: {  	v54 =	vshll.u32 v51, $0x10;
	v0 =	vadd.f32 v51, v0  }
0x420: {  	v55 =	vld [tilespmem:s24+$0xB2A0];
	v1 =	vadd.f32 v54, v1  }
0x421: {  	v56 =	vshll.u32 v2, $0x10;
	v0 =	vadd.f32 v2, v0  }
0x422: {  	v2 =	vld [tilespmem:s24+$0xB2E0];
	v1 =	vadd.f32 v56, v1  }
0x423: {  	v57 =	vshll.u32 v3, $0x10;
	v0 =	vadd.f32 v3, v0  }
0x424: {  	v3 =	vld [tilespmem:s24+$0xB320];
	v1 =	vadd.f32 v57, v1  }
0x425: {  	v58 =	vshll.u32 v55, $0x10;
	v0 =	vadd.f32 v55, v0  }
0x426: {  	v59 =	vld [tilespmem:s24+$0xB360];
	v1 =	vadd.f32 v58, v1  }
0x427: {  	v60 =	vshll.u32 v2, $0x10;
	v0 =	vadd.f32 v2, v0  }
0x428: {  	v2 =	vld [tilespmem:s24+$0xB3A0];
	v1 =	vadd.f32 v60, v1  }
0x429: {  	v61 =	vshll.u32 v3, $0x10;
	v0 =	vadd.f32 v3, v0  }
0x42a: {  	v3 =	vld [tilespmem:s24+$0xB3E0];
	v1 =	vadd.f32 v61, v1  }
0x42b: {  	v62 =	vshll.u32 v59, $0x10;
	v0 =	vadd.f32 v59, v0  }
0x42c: {  	v1 =	vadd.f32 v62, v1  }
0x42d: {  	v63 =	vshll.u32 v2, $0x10;
	v0 =	vadd.f32 v2, v0  }
0x42e: {  	v1 =	vadd.f32 v63, v1  }
0x42f: {  	v2 =	vshll.u32 v3, $0x10;
	v0 =	vadd.f32 v3, v0  }
0x430: {  	v1 =	vadd.f32 v2, v1  }
0x431: {  	v0 =	vmul.f32 $6.250000000e-02, v0  }
0x432: {  	v1 =	vmul.f32 $6.250000000e-02, v1  }
0x433: {  	[tilespmem:s25+$0xFFFFFFE0] =	vst v0  }
0x434: {  	[tilespmem:s25+$0xFFFFFFD0] =	vst v1  }
0x435: {  	v0 =	vld [tilespmem:s24+$0xB030]  }
0x436: {  	s28 =	simm.s32 $0x1000;
	s26 =	simm.s32 $0xDC70;
	v1 =	vld [tilespmem:s24+$0xB070]  }
.LBB2_9:
0x437: {  	p1 =	sne.s32 s28, $0x7000  }
0x438: {  	v2 =	vld [tilespmem:s24+$0xB0B0];
	s25 =	sadd.s32 $0x80, s25;
	s29 =	smov.u32 s28;
	s28 =	sadd.s32 $0x1000, s28  }
0x439: {  	v3 =	vld [tilespmem:s24+$0xB0F0]  }
0x43a: {  	v4 =	vld [tilespmem:s24+$0xB130]  }
0x43b: {  	v5 =	vshll.u32 v0, $0x10;
	v6 =	vld [tilespmem:s24+$0xB170]  }
0x43c: {  	s29 =	sshra.s32 s29, $0x2;
	v7 =	vshll.u32 v1, $0x10;
	v0 =	vadd.f32 v1, v0;
	v1 =	vld [tilespmem:s24+$0xB1B0]  }
0x43d: {  	v5 =	vadd.f32 v7, v5;
	v7 =	vshll.u32 v2, $0x10;
	v8 =	vld [tilespmem:s24+$0xB1F0]  }
0x43e: {  	v0 =	vadd.f32 v2, v0;
	v2 =	vld [tilespmem:s24+$0xB230]  }
0x43f: {  	v5 =	vadd.f32 v7, v5;
	v7 =	vshll.u32 v3, $0x10;
	v9 =	vld [tilespmem:s24+$0xB270]  }
0x440: {  	v0 =	vadd.f32 v3, v0;
	v3 =	vld [tilespmem:s24+$0xB2B0]  }
0x441: {  	v5 =	vadd.f32 v7, v5;
	v7 =	vshll.u32 v4, $0x10;
	v10 =	vld [tilespmem:s24+$0xB2F0]  }
0x442: {  	v0 =	vadd.f32 v4, v0;
	v4 =	vld [tilespmem:s24+$0xB330]  }
0x443: {  	v5 =	vadd.f32 v7, v5;
	v7 =	vshll.u32 v6, $0x10;
	v11 =	vld [tilespmem:s24+$0xB370]  }
0x444: {  	v0 =	vadd.f32 v6, v0;
	v6 =	vld [tilespmem:s24+$0xB3B0]  }
0x445: {  	v5 =	vadd.f32 v7, v5;
	v7 =	vshll.u32 v1, $0x10;
	v12 =	vld [tilespmem:s24+$0xB3F0];
	s24 =	smov.u32 s29  }
0x446: {  	v0 =	vadd.f32 v1, v0  }
0x447: {  	v1 =	vadd.f32 v7, v5;
	v5 =	vshll.u32 v8, $0x10  }
0x448: {  	v0 =	vadd.f32 v8, v0  }
0x449: {  	v1 =	vadd.f32 v5, v1;
	v5 =	vshll.u32 v2, $0x10  }
0x44a: {  	v0 =	vadd.f32 v2, v0  }
0x44b: {  	v2 =	vshll.u32 v9, $0x10;
	v1 =	vadd.f32 v5, v1  }
0x44c: {  	v0 =	vadd.f32 v9, v0  }
0x44d: {  	v1 =	vadd.f32 v2, v1;
	v2 =	vshll.u32 v3, $0x10  }
0x44e: {  	v0 =	vadd.f32 v3, v0  }
0x44f: {  	v1 =	vadd.f32 v2, v1;
	v2 =	vshll.u32 v10, $0x10  }
0x450: {  	v0 =	vadd.f32 v10, v0  }
0x451: {  	v1 =	vadd.f32 v2, v1;
	v2 =	vshll.u32 v4, $0x10  }
0x452: {  	v0 =	vadd.f32 v4, v0  }
0x453: {  	v1 =	vadd.f32 v2, v1;
	v2 =	vshll.u32 v11, $0x10  }
0x454: {  	v0 =	vadd.f32 v11, v0  }
0x455: {  	v1 =	vadd.f32 v2, v1;
	v2 =	vshll.u32 v6, $0x10  }
0x456: {  	v0 =	vadd.f32 v6, v0  }
0x457: {  	v1 =	vadd.f32 v2, v1;
	v2 =	vshll.u32 v12, $0x10  }
0x458: {  	v0 =	vadd.f32 v12, v0  }
0x459: {  	v1 =	vadd.f32 v2, v1  }
0x45a: {  	v0 =	vmul.f32 $6.250000000e-02, v0  }
0x45b: {  	v1 =	vmul.f32 $6.250000000e-02, v1  }
0x45c: {  	[tilespmem:s26+$0x0] =	vst v0  }
0x45d: {  	[tilespmem:s26+$0xFFFFFFF0] =	vst v1;
	s26 =	smov.u32 s25  }
0x45e: {  	v0 =	vld [tilespmem:s24+$0xB000]  }
0x45f: {  	v1 =	vld [tilespmem:s24+$0xB040];
	_ =	sdelay $0x1  }
0x460: {  	v2 =	vld [tilespmem:s24+$0xB080];
	_ =	sdelay $0x1  }
0x461: {  	v3 =	vld [tilespmem:s24+$0xB0C0]  }
0x462: {  	v4 =	vshll.u32 v0, $0x10;
	v5 =	vshll.u32 v1, $0x10;
	v0 =	vadd.f32 v1, v0  }
0x463: {  	v1 =	vadd.f32 v5, v4;
	v4 =	vld [tilespmem:s24+$0xB100]  }
0x464: {  	v5 =	vshll.u32 v2, $0x10;
	v0 =	vadd.f32 v2, v0  }
0x465: {  	v1 =	vadd.f32 v5, v1;
	v2 =	vld [tilespmem:s24+$0xB140]  }
0x466: {  	v5 =	vshll.u32 v3, $0x10;
	v0 =	vadd.f32 v3, v0  }
0x467: {  	v1 =	vadd.f32 v5, v1;
	v3 =	vld [tilespmem:s24+$0xB180]  }
0x468: {  	v5 =	vshll.u32 v4, $0x10;
	v0 =	vadd.f32 v4, v0  }
0x469: {  	v1 =	vadd.f32 v5, v1;
	v4 =	vld [tilespmem:s24+$0xB1C0]  }
0x46a: {  	v5 =	vshll.u32 v2, $0x10;
	v0 =	vadd.f32 v2, v0  }
0x46b: {  	v1 =	vadd.f32 v5, v1;
	v2 =	vld [tilespmem:s24+$0xB200]  }
0x46c: {  	v5 =	vshll.u32 v3, $0x10;
	v0 =	vadd.f32 v3, v0  }
0x46d: {  	v1 =	vadd.f32 v5, v1;
	v3 =	vld [tilespmem:s24+$0xB240]  }
0x46e: {  	v5 =	vshll.u32 v4, $0x10;
	v0 =	vadd.f32 v4, v0  }
0x46f: {  	v1 =	vadd.f32 v5, v1;
	v4 =	vld [tilespmem:s24+$0xB280]  }
0x470: {  	v5 =	vshll.u32 v2, $0x10;
	v0 =	vadd.f32 v2, v0  }
0x471: {  	v1 =	vadd.f32 v5, v1;
	v2 =	vld [tilespmem:s24+$0xB2C0]  }
0x472: {  	v5 =	vshll.u32 v3, $0x10;
	v0 =	vadd.f32 v3, v0  }
0x473: {  	v1 =	vadd.f32 v5, v1;
	v3 =	vld [tilespmem:s24+$0xB300]  }
0x474: {  	v5 =	vshll.u32 v4, $0x10;
	v0 =	vadd.f32 v4, v0  }
0x475: {  	v1 =	vadd.f32 v5, v1;
	v4 =	vld [tilespmem:s24+$0xB340]  }
0x476: {  	v5 =	vshll.u32 v2, $0x10;
	v0 =	vadd.f32 v2, v0  }
0x477: {  	v1 =	vadd.f32 v5, v1;
	v2 =	vld [tilespmem:s24+$0xB380]  }
0x478: {  	v5 =	vshll.u32 v3, $0x10;
	v0 =	vadd.f32 v3, v0  }
0x479: {  	v1 =	vadd.f32 v5, v1;
	v3 =	vld [tilespmem:s24+$0xB3C0]  }
0x47a: {  	v5 =	vshll.u32 v4, $0x10;
	v0 =	vadd.f32 v4, v0  }
0x47b: {  	v1 =	vadd.f32 v5, v1  }
0x47c: {  	v4 =	vshll.u32 v2, $0x10;
	v0 =	vadd.f32 v2, v0  }
0x47d: {  	v1 =	vadd.f32 v4, v1  }
0x47e: {  	v2 =	vshll.u32 v3, $0x10;
	v0 =	vadd.f32 v3, v0  }
0x47f: {  	v1 =	vadd.f32 v2, v1  }
0x480: {  	v0 =	vmul.f32 $6.250000000e-02, v0  }
0x481: {  	v1 =	vmul.f32 $6.250000000e-02, v1  }
0x482: {  	[tilespmem:s25+$0xFFFFFFA0] =	vst v0  }
0x483: {  	[tilespmem:s25+$0xFFFFFF90] =	vst v1  }
0x484: {  	v0 =	vld [tilespmem:s24+$0xB010]  }
0x485: {  	v1 =	vld [tilespmem:s24+$0xB050];
	_ =	sdelay $0x1  }
0x486: {  	v2 =	vld [tilespmem:s24+$0xB090];
	_ =	sdelay $0x1  }
0x487: {  	v3 =	vld [tilespmem:s24+$0xB0D0]  }
0x488: {  	v4 =	vshll.u32 v0, $0x10;
	v5 =	vshll.u32 v1, $0x10;
	v0 =	vadd.f32 v1, v0  }
0x489: {  	v1 =	vadd.f32 v5, v4;
	v4 =	vld [tilespmem:s24+$0xB110]  }
0x48a: {  	v5 =	vshll.u32 v2, $0x10;
	v0 =	vadd.f32 v2, v0  }
0x48b: {  	v1 =	vadd.f32 v5, v1;
	v2 =	vld [tilespmem:s24+$0xB150]  }
0x48c: {  	v5 =	vshll.u32 v3, $0x10;
	v0 =	vadd.f32 v3, v0  }
0x48d: {  	v1 =	vadd.f32 v5, v1;
	v3 =	vld [tilespmem:s24+$0xB190]  }
0x48e: {  	v5 =	vshll.u32 v4, $0x10;
	v0 =	vadd.f32 v4, v0  }
0x48f: {  	v1 =	vadd.f32 v5, v1;
	v4 =	vld [tilespmem:s24+$0xB1D0]  }
0x490: {  	v5 =	vshll.u32 v2, $0x10;
	v0 =	vadd.f32 v2, v0  }
0x491: {  	v1 =	vadd.f32 v5, v1;
	v2 =	vld [tilespmem:s24+$0xB210]  }
0x492: {  	v5 =	vshll.u32 v3, $0x10;
	v0 =	vadd.f32 v3, v0  }
0x493: {  	v1 =	vadd.f32 v5, v1;
	v3 =	vld [tilespmem:s24+$0xB250]  }
0x494: {  	v5 =	vshll.u32 v4, $0x10;
	v0 =	vadd.f32 v4, v0  }
0x495: {  	v1 =	vadd.f32 v5, v1;
	v4 =	vld [tilespmem:s24+$0xB290]  }
0x496: {  	v5 =	vshll.u32 v2, $0x10;
	v0 =	vadd.f32 v2, v0  }
0x497: {  	v1 =	vadd.f32 v5, v1;
	v2 =	vld [tilespmem:s24+$0xB2D0]  }
0x498: {  	v5 =	vshll.u32 v3, $0x10;
	v0 =	vadd.f32 v3, v0  }
0x499: {  	v1 =	vadd.f32 v5, v1;
	v3 =	vld [tilespmem:s24+$0xB310]  }
0x49a: {  	v5 =	vshll.u32 v4, $0x10;
	v0 =	vadd.f32 v4, v0  }
0x49b: {  	v1 =	vadd.f32 v5, v1;
	v4 =	vld [tilespmem:s24+$0xB350]  }
0x49c: {  	v5 =	vshll.u32 v2, $0x10;
	v0 =	vadd.f32 v2, v0  }
0x49d: {  	v1 =	vadd.f32 v5, v1;
	v2 =	vld [tilespmem:s24+$0xB390]  }
0x49e: {  	v5 =	vshll.u32 v3, $0x10;
	v0 =	vadd.f32 v3, v0  }
0x49f: {  	v1 =	vadd.f32 v5, v1;
	v3 =	vld [tilespmem:s24+$0xB3D0]  }
0x4a0: {  	v5 =	vshll.u32 v4, $0x10;
	v0 =	vadd.f32 v4, v0  }
0x4a1: {  	v1 =	vadd.f32 v5, v1  }
0x4a2: {  	v4 =	vshll.u32 v2, $0x10;
	v0 =	vadd.f32 v2, v0  }
0x4a3: {  	v1 =	vadd.f32 v4, v1  }
0x4a4: {  	v2 =	vshll.u32 v3, $0x10;
	v0 =	vadd.f32 v3, v0  }
0x4a5: {  	v1 =	vadd.f32 v2, v1  }
0x4a6: {  	v0 =	vmul.f32 $6.250000000e-02, v0  }
0x4a7: {  	v1 =	vmul.f32 $6.250000000e-02, v1  }
0x4a8: {  	[tilespmem:s25+$0xFFFFFFC0] =	vst v0  }
0x4a9: {  	[tilespmem:s25+$0xFFFFFFB0] =	vst v1  }
0x4aa: {  	v0 =	vld [tilespmem:s24+$0xB020]  }
0x4ab: {  	v1 =	vld [tilespmem:s24+$0xB060];
	_ =	sdelay $0x1  }
0x4ac: {  	v2 =	vld [tilespmem:s24+$0xB0A0];
	_ =	sdelay $0x1  }
0x4ad: {  	v3 =	vshll.u32 v0, $0x10;
	v4 =	vld [tilespmem:s24+$0xB0E0]  }
0x4ae: {  	v5 =	vshll.u32 v1, $0x10;
	v0 =	vadd.f32 v1, v0  }
0x4af: {  	v1 =	vadd.f32 v5, v3;
	v3 =	vld [tilespmem:s24+$0xB120]  }
0x4b0: {  	v5 =	vshll.u32 v2, $0x10;
	v0 =	vadd.f32 v2, v0  }
0x4b1: {  	v1 =	vadd.f32 v5, v1;
	v2 =	vld [tilespmem:s24+$0xB160]  }
0x4b2: {  	v5 =	vshll.u32 v4, $0x10;
	v0 =	vadd.f32 v4, v0  }
0x4b3: {  	v1 =	vadd.f32 v5, v1;
	v4 =	vld [tilespmem:s24+$0xB1A0]  }
0x4b4: {  	v5 =	vshll.u32 v3, $0x10;
	v0 =	vadd.f32 v3, v0  }
0x4b5: {  	v1 =	vadd.f32 v5, v1;
	v3 =	vld [tilespmem:s24+$0xB1E0]  }
0x4b6: {  	v5 =	vshll.u32 v2, $0x10;
	v0 =	vadd.f32 v2, v0  }
0x4b7: {  	v1 =	vadd.f32 v5, v1;
	v2 =	vld [tilespmem:s24+$0xB220]  }
0x4b8: {  	v5 =	vshll.u32 v4, $0x10;
	v0 =	vadd.f32 v4, v0  }
0x4b9: {  	v1 =	vadd.f32 v5, v1;
	v4 =	vld [tilespmem:s24+$0xB260]  }
0x4ba: {  	v5 =	vshll.u32 v3, $0x10;
	v0 =	vadd.f32 v3, v0  }
0x4bb: {  	v1 =	vadd.f32 v5, v1;
	v3 =	vld [tilespmem:s24+$0xB2A0]  }
0x4bc: {  	v5 =	vshll.u32 v2, $0x10;
	v0 =	vadd.f32 v2, v0  }
0x4bd: {  	v1 =	vadd.f32 v5, v1;
	v2 =	vld [tilespmem:s24+$0xB2E0]  }
0x4be: {  	v5 =	vshll.u32 v4, $0x10;
	v0 =	vadd.f32 v4, v0  }
0x4bf: {  	v1 =	vadd.f32 v5, v1;
	v4 =	vld [tilespmem:s24+$0xB320]  }
0x4c0: {  	v5 =	vshll.u32 v3, $0x10;
	v0 =	vadd.f32 v3, v0  }
0x4c1: {  	v1 =	vadd.f32 v5, v1;
	v3 =	vld [tilespmem:s24+$0xB360]  }
0x4c2: {  	v5 =	vshll.u32 v2, $0x10;
	v0 =	vadd.f32 v2, v0  }
0x4c3: {  	v1 =	vadd.f32 v5, v1;
	v2 =	vld [tilespmem:s24+$0xB3A0]  }
0x4c4: {  	v5 =	vshll.u32 v4, $0x10;
	v0 =	vadd.f32 v4, v0  }
0x4c5: {  	v1 =	vadd.f32 v5, v1;
	v4 =	vld [tilespmem:s24+$0xB3E0]  }
0x4c6: {  	v5 =	vshll.u32 v3, $0x10;
	v0 =	vadd.f32 v3, v0  }
0x4c7: {  	v1 =	vadd.f32 v5, v1  }
0x4c8: {  	v3 =	vshll.u32 v2, $0x10;
	v0 =	vadd.f32 v2, v0  }
0x4c9: {  	v1 =	vadd.f32 v3, v1  }
0x4ca: {  	v2 =	vshll.u32 v4, $0x10;
	v0 =	vadd.f32 v4, v0  }
0x4cb: {  	v1 =	vadd.f32 v2, v1  }
0x4cc: {  	v0 =	vmul.f32 $6.250000000e-02, v0  }
.Ltmp3:
0x4cd: {  	v1 =	vmul.f32 $6.250000000e-02, v1;
	(pc) =	sbr.rel @p1 .LBB2_9-.Ltmp3, $4  }
0x4ce: {  	[tilespmem:s25+$0xFFFFFFE0] =	vst v0  }
0x4cf: {  	[tilespmem:s25+$0xFFFFFFD0] =	vst v1  }
0x4d0: {  	v0 =	vld [tilespmem:s24+$0xB030]  }
0x4d1: {  	v1 =	vld [tilespmem:s24+$0xB070]  }
0x4d2: {  	_ = 	snop  }
0x4d3: {  	v2 =	vld [tilespmem:s24+$0xB0B0];
	_ =	sdelay $0x1  }
0x4d4: {  	v3 =	vld [tilespmem:s24+$0xB0F0]  }
0x4d5: {  	v4 =	vshll.u32 v0, $0x10;
	v5 =	vshll.u32 v1, $0x10;
	v36 =	vadd.f32 v1, v0  }
0x4d6: {  	v37 =	vld [tilespmem:s24+$0xB130];
	v4 =	vadd.f32 v5, v4  }
0x4d7: {  	v38 =	vshll.u32 v2, $0x10;
	v0 =	vadd.f32 v2, v36  }
0x4d8: {  	v39 =	vld [tilespmem:s24+$0xB170];
	v4 =	vadd.f32 v38, v4  }
0x4d9: {  	v40 =	vshll.u32 v3, $0x10;
	v0 =	vadd.f32 v3, v0  }
0x4da: {  	v41 =	vld [tilespmem:s24+$0xB1B0];
	v4 =	vadd.f32 v40, v4  }
0x4db: {  	v42 =	vshll.u32 v37, $0x10;
	v0 =	vadd.f32 v37, v0  }
0x4dc: {  	v43 =	vld [tilespmem:s24+$0xB1F0];
	v4 =	vadd.f32 v42, v4  }
0x4dd: {  	v44 =	vshll.u32 v39, $0x10;
	v0 =	vadd.f32 v39, v0  }
0x4de: {  	v45 =	vld [tilespmem:s24+$0xB230];
	v4 =	vadd.f32 v44, v4  }
0x4df: {  	v46 =	vshll.u32 v41, $0x10;
	v0 =	vadd.f32 v41, v0  }
0x4e0: {  	v47 =	vld [tilespmem:s24+$0xB270];
	v4 =	vadd.f32 v46, v4  }
0x4e1: {  	v48 =	vshll.u32 v43, $0x10;
	v0 =	vadd.f32 v43, v0  }
0x4e2: {  	v49 =	vld [tilespmem:s24+$0xB2B0];
	v4 =	vadd.f32 v48, v4  }
0x4e3: {  	v50 =	vshll.u32 v45, $0x10;
	v0 =	vadd.f32 v45, v0  }
0x4e4: {  	v51 =	vld [tilespmem:s24+$0xB2F0];
	v4 =	vadd.f32 v50, v4  }
0x4e5: {  	v52 =	vshll.u32 v47, $0x10;
	v0 =	vadd.f32 v47, v0  }
0x4e6: {  	v53 =	vld [tilespmem:s24+$0xB330];
	v4 =	vadd.f32 v52, v4  }
0x4e7: {  	v54 =	vshll.u32 v49, $0x10;
	v0 =	vadd.f32 v49, v0  }
0x4e8: {  	v55 =	vld [tilespmem:s24+$0xB370];
	v4 =	vadd.f32 v54, v4  }
0x4e9: {  	v56 =	vshll.u32 v51, $0x10;
	v0 =	vadd.f32 v51, v0  }
0x4ea: {  	v57 =	vld [tilespmem:s24+$0xB3B0];
	v4 =	vadd.f32 v56, v4  }
0x4eb: {  	v58 =	vshll.u32 v53, $0x10;
	v0 =	vadd.f32 v53, v0  }
0x4ec: {  	v59 =	vld [tilespmem:s24+$0xB3F0];
	v4 =	vadd.f32 v58, v4  }
0x4ed: {  	v60 =	vshll.u32 v55, $0x10;
	v0 =	vadd.f32 v55, v0  }
0x4ee: {  	v61 =	vadd.f32 v60, v4  }
0x4ef: {  	v62 =	vshll.u32 v57, $0x10;
	v0 =	vadd.f32 v57, v0  }
0x4f0: {  	v1 =	vadd.f32 v62, v61  }
0x4f1: {  	v63 =	vshll.u32 v59, $0x10;
	v0 =	vadd.f32 v59, v0  }
0x4f2: {  	v1 =	vadd.f32 v63, v1  }
0x4f3: {  	v0 =	vmul.f32 $6.250000000e-02, v0  }
0x4f4: {  	v1 =	vmul.f32 $6.250000000e-02, v1  }
0x4f5: {  	s23 =	sadd.s32 @!p0 $0x380, s23;
	[tilespmem:s26+$0x0] =	vst v0  }
0x4f6: {  	s24 =	simm.s32 @!p0 $0x80;
	s25 =	simm.s32 @!p0 $0xB000;
	s31 =	sshll.u32 s22, $0xC;
	[tilespmem:s26+$0xFFFFFFF0] =	vst v1  }
0x4f7: {  	[tilespmem:s25], [sflag:$0x4] =	stream.indirect.gather @!p0 [hbm4b:s5+s24], $0x40, s23, s24, $0xb8;
	[tilespmem:$0xE000] =	vst v63  }
0x4f8: {  	s22 =	sadd.s32 $0x1, s22;
	s23 =	sadd.s32 s6, s31  }
0x4f9: {  	p0 =	sne.s32 s22, $0x28;
	s23 =	sshrl.u32 s23, $0x3  }
.Ltmp4:
0x4fa: {  	s23 =	sadd.s32 s3, s23;
	(pc) =	sbr.rel @p0 .LBB2_2-.Ltmp4, $4  }
0x4fb: {  	[hbm4b:s23+s2] =	stream.linear.scatter [tilespmem:s20], [sflag:$0x5], $0x1000, $0x38;
	[tilespmem:$0xE000] =	vst v63  }
0x4fc: {  	_ =	swait.ge [sflag:s8], $0x1000  }
0x4fd: {  	[sflag:s8] =	ssyncset.done $0x0  }
0x4fe: {  	[sflag:s8] =	ssyncadd.s32 $0xFFFFF000  }
0x4ff: {  	s21 =	sadd.s32 $0x1, s21  }
0x500: {  	p0 =	sne.s32 s21, s7  }
.Ltmp5:
0x501: {  	_ = 	snop;
	(pc) =	sbr.rel @p0 .LBB2_1-.Ltmp5, $1  }
0x502: {  	_ =	sdelay $0x3  }
0x503: {  	_ =	sfence.sel $0x180000  }
0x504: {  	[bflag:$0x0] =	sbarrier.arrive $0xFFFF  }
0x505: {  	p0 =	sne.s32 s1, $0x0;
	_ =	strace $0x90000047  }
0x506: {  	s0 =	sadd.s32 @!p0 $0x100000, s0;
	[bflag:$0x2] =	sbarrier.arrive $0xFFFF  }
0x507: {  	[sflag:s0] =	ssyncadd.tile.s32 @!p0 $0x1;
	_ =	shalt  }
.Lfunc_end2:
_tile_overlayer_lowered:
.L_overlay_start_2:
0x508: {  	(tag) =	ssettag $0x2  }
0x509: {  	s0 =	rddreg [dreg:$0x0];
	s2 =	stileid.u32  }
0x50a: {  	s1 =	rddreg [dreg:$0x1];
	p0 =	sne.s32 s2, $0x0  }
0x50b: {  	s3 =	rddreg [dreg:$0x2];
	[bflag:$0x3] =	sbarrier.arrive $0xFFFF;
	s2 =	simm.s32 @!p0 $0x1C05  }
0x50c: {  	[timem:s3], [sflag:s2] =	dma.local @!p0 [hbm:s0], s1  }
0x50d: {  	s0 =	simm.s32 @!p0 $0x5  }
0x50e: {  	_ =	swait.ge @!p0 [sflag:s0], s1  }
0x50f: {  	s1 =	ssub.s32 @!p0 $0x0, s1;
	[sflag:s0] =	ssyncset.done @!p0 $0x0  }
0x510: {  	[sflag:s0] =	ssyncadd.s32 @!p0 s1  }
0x511: {  	[bflag:$0x3] =	sbarrier.arrive $0xFFFF  }
0x512: {  	_ =	shalt  }

</sc_bundles>
